<compile_context>
chip_gen: v7x
topology: tpu7x:2x2x1
jax: 0.10.2.dev20260603
libtpu: 0.0.44.dev20260713+nightly
codegen_flags: <defaults>
</compile_context>

<pallas_src>
import functools

import numpy as np
import jax
import jax.numpy as jnp
from jax import lax
from jax.experimental import pallas as pl
from jax.experimental.pallas import tpu as pltpu
from jax.experimental.pallas import tpu_sc as plsc

_VOCAB = 100000
_D = 128
_SEQ = 200
_BATCH = 1024
_NW = 32
_CHUNK = 100
_SPW = _BATCH // _NW
_NCH = _SPW * 2
_NBUF = 3
_SCALE = float(np.sqrt(float(_D)))


def _pos_table() -> np.ndarray:
    d = np.arange(_D)
    even = (d % 2 == 0).astype(np.float64)
    odd = (d % 2 == 1).astype(np.float64)
    rate = 1.0 / (10000.0 ** (d[np.newaxis, :] / _D))
    rads = np.arange(_SEQ)[:, np.newaxis] * rate
    return (np.sin(rads) * even + np.cos(rads) * odd).astype(np.float32)


def _pos_packed() -> np.ndarray:
    import ml_dtypes
    u = (_pos_table().astype(ml_dtypes.bfloat16)
         .view(np.uint16).astype(np.uint32))
    out = np.empty((_SEQ, _D // 2), np.uint32)
    for j2 in range(_D // 32):
        a = u[:, 32 * j2:32 * j2 + 16]
        b = u[:, 32 * j2 + 16:32 * j2 + 32]
        out[:, 16 * j2:16 * (j2 + 1)] = a | (b << 16)
    return out.view(np.int32)


_POS_PACKED = _pos_packed()

_mesh = plsc.VectorSubcoreMesh(core_axis_name="c", subcore_axis_name="s")


@functools.partial(
    pl.kernel,
    mesh=_mesh,
    out_type=jax.ShapeDtypeStruct((_BATCH, _SEQ, _D), jnp.float32),
    scratch_types=[
        pltpu.VMEM((_NCH, _CHUNK), jnp.int32),
        pltpu.VMEM((_SEQ, _D // 2), jnp.int32),
        pltpu.VMEM((_NBUF, _SEQ, _D), jnp.float32),
        pltpu.SemaphoreType.DMA,
        pltpu.SemaphoreType.DMA,
        pltpu.SemaphoreType.DMA,
        pltpu.SemaphoreType.DMA,
        pltpu.SemaphoreType.DMA,
        pltpu.SemaphoreType.DMA,
    ],
)
def _emb_lookup(idx_hbm, tab_hbm, pos_hbm, out_hbm, idx_v, pos_v, buf,
                gs0, gs1, gs2, ss0, ss1, ss2):
    gsems = (gs0, gs1, gs2)
    ssems = (ss0, ss1, ss2)
    wid = lax.axis_index("s") * 2 + lax.axis_index("c")
    b_base = wid * _SPW
    pltpu.sync_copy(pos_hbm, pos_v)
    pltpu.sync_copy(idx_hbm.at[wid], idx_v)

    def issue_gather(q, s):
        pltpu.async_copy(tab_hbm.at[idx_v.at[2 * q]],
                         buf.at[s, pl.ds(0, _CHUNK)], gsems[s])
        pltpu.async_copy(tab_hbm.at[idx_v.at[2 * q + 1]],
                         buf.at[s, pl.ds(_CHUNK, _CHUNK)], gsems[s])

    def wait_gather(s):
        pltpu.make_async_copy(out_hbm.at[0], buf.at[s], gsems[s]).wait()

    def issue_store(q, s):
        pltpu.async_copy(buf.at[s], out_hbm.at[b_base + q], ssems[s])

    def wait_store(s):
        pltpu.make_async_copy(buf.at[s], out_hbm.at[0], ssems[s]).wait()

    def compute(s):
        def row_body(r2, c):
            for u in range(2):
                r = 2 * r2 + u
                for j2 in range(_D // 32):
                    w = pos_v[r, pl.ds(16 * j2, 16)]
                    pa = lax.bitcast_convert_type(w << 16, jnp.float32)
                    pb = lax.bitcast_convert_type(w & jnp.int32(-65536),
                                                  jnp.float32)
                    sl0 = pl.ds(32 * j2, 16)
                    sl1 = pl.ds(32 * j2 + 16, 16)
                    buf[s, r, sl0] = buf[s, r, sl0] * _SCALE + pa
                    buf[s, r, sl1] = buf[s, r, sl1] * _SCALE + pb
            return c

        lax.fori_loop(0, _SEQ // 2, row_body, 0)

    for q in range(_NBUF - 1):
        issue_gather(q, q)

    wait_gather(0)
    compute(0)
    issue_gather(2, 2)
    issue_store(0, 0)
    for q in range(1, _NBUF):
        s = q % _NBUF
        wait_gather(s)
        compute(s)
        wait_store((q - 1) % _NBUF)
        issue_gather(q + 2, (q + 2) % _NBUF)
        issue_store(q, s)

    def block_body(it, carry):
        q0 = it * _NBUF
        for b in range(_NBUF):
            q = q0 + b
            wait_gather(b)
            compute(b)
            wait_store((b - 1) % _NBUF)
            issue_gather(q + 2, (b + 2) % _NBUF)
            issue_store(q, b)
        return carry

    lax.fori_loop(1, _SPW // _NBUF, block_body, 0)

    for q in (_SPW - 2, _SPW - 1):
        s = q % _NBUF
        wait_gather(s)
        compute(s)
        wait_store((q - 1) % _NBUF)
        issue_store(q, s)
    wait_store((_SPW - 1) % _NBUF)


def kernel(x, embedding_table):
    idx = x.reshape(_NW, _NCH, _CHUNK).astype(jnp.int32)
    pos = jnp.asarray(_POS_PACKED)
    return _emb_lookup(idx, embedding_table, pos)

# --- scband reference (transcript-rebuilt; emitter-appended) ---
"""Pipeline reference for scband-positional-embedding-3195455668537 (READ-ONLY COPY).

The authoritative reference and input builder live on the scoring server;
editing this copy changes nothing except your own understanding.
"""

import jax, jax.numpy as jnp
import numpy as np

VOCAB = 100000
EMBED_DIM = 128
POS_SEQ_LEN = 2048
N_BASE = 10000
BATCH = 1024
SEQ = 200


def get_positional_encoding_values(seq_length, embed_dim, n=10000):
    dimensions = np.arange(embed_dim)
    even_mask = dimensions % 2 == 0
    odd_mask = dimensions % 2 == 1
    dims = dimensions[np.newaxis, :] / embed_dim
    positions = np.arange(seq_length)[:, np.newaxis]
    rate = 1.0 / (n ** dims)
    rads = positions * rate
    pe = np.sin(rads) * even_mask + np.cos(rads) * odd_mask
    return jnp.asarray(pe, dtype=jnp.float32)


_POS_ENC = get_positional_encoding_values(POS_SEQ_LEN, EMBED_DIM, N_BASE)


def setup_inputs(seed: int = 0):
    key = jax.random.key(seed)
    k1, k2 = jax.random.split(key)
    x = jax.random.randint(k1, (BATCH, SEQ), 0, VOCAB, dtype=jnp.int64 if jax.config.jax_enable_x64 else jnp.int32)
    embedding_table = jax.random.normal(k2, (VOCAB, EMBED_DIM), dtype=jnp.float32) * 0.05
    return {"x": x, "embedding_table": embedding_table}


def reference(x, embedding_table):
    seq_length = x.shape[1]
    emb = jnp.take(embedding_table, x, axis=0)
    emb = emb * jnp.sqrt(jnp.asarray(EMBED_DIM, dtype=jnp.float32))
    pos_encoding = _POS_ENC[jnp.newaxis, :seq_length, :]
    return emb + pos_encoding

if __name__ == "__main__":
    import jax
    _d = setup_inputs()
    print(jax.jit(kernel)(*tuple(_d.values())))

</pallas_src>

<mosaic_0001>
#map = affine_map<(d0, d1) -> (0, 0, 0)>
#map1 = affine_map<(d0, d1) -> (0, 0)>
module attributes {stable_mosaic.version = 14 : i64} {
  func.func @_emb_lookup(%arg0: i32, %arg1: i32, %arg2: memref<32x64x100xi32, #tpu.memory_space<hbm>>, %arg3: memref<100000x128xf32, #tpu.memory_space<hbm>>, %arg4: memref<200x64xi32, #tpu.memory_space<hbm>>, %arg5: memref<1024x200x128xf32, #tpu.memory_space<hbm>>, %arg6: memref<64x100xi32, #tpu.memory_space<vmem>>, %arg7: memref<200x64xi32, #tpu.memory_space<vmem>>, %arg8: memref<3x200x128xf32, #tpu.memory_space<vmem>>, %arg9: memref<!tpu.dma_semaphore, #tpu.memory_space<semaphore_mem>>, %arg10: memref<!tpu.dma_semaphore, #tpu.memory_space<semaphore_mem>>, %arg11: memref<!tpu.dma_semaphore, #tpu.memory_space<semaphore_mem>>, %arg12: memref<!tpu.dma_semaphore, #tpu.memory_space<semaphore_mem>>, %arg13: memref<!tpu.dma_semaphore, #tpu.memory_space<semaphore_mem>>, %arg14: memref<!tpu.dma_semaphore, #tpu.memory_space<semaphore_mem>>) attributes {dimension_semantics = [#tpu.dimension_semantics<core_parallel>, #tpu.dimension_semantics<subcore_parallel>], iteration_bounds = array<i64: 2, 16>, scalar_prefetch = 0 : i64, scratch_operands = 9 : i64, tpu.core_type = #tpu.core_type<sc_vector_subcore>, window_params = [{transform_indices = #map}, {transform_indices = #map1}, {transform_indices = #map1}, {transform_indices = #map}]} {
    %mul3A = arith.constant 2 : i32
    %mul3A_0 = arith.muli %arg1, %mul3A : i32
    %add3A = arith.addi %mul3A_0, %arg0 : i32
    %mul3A_1 = arith.constant 32 : i32
    %mul3A_2 = arith.muli %add3A, %mul3A_1 : i32
    "tpu.region"() ({
      %run_scoped3A = tpu.sem_alloc : memref<!tpu.dma_semaphore, #tpu.memory_space<semaphore_mem>>
      tpu.enqueue_dma source(%arg4 : memref<200x64xi32, #tpu.memory_space<hbm>>) target(%arg7 : memref<200x64xi32, #tpu.memory_space<vmem>>) target_semaphore(%run_scoped3A : memref<!tpu.dma_semaphore, #tpu.memory_space<semaphore_mem>>)
      tpu.wait_dma2 semaphore(%run_scoped3A : memref<!tpu.dma_semaphore, #tpu.memory_space<semaphore_mem>>) src(%arg4 : memref<200x64xi32, #tpu.memory_space<hbm>>) dst(%arg7 : memref<200x64xi32, #tpu.memory_space<vmem>>)
      tpu.yield
    }) : () -> ()
    "tpu.region"() ({
      %run_scoped3A = tpu.sem_alloc : memref<!tpu.dma_semaphore, #tpu.memory_space<semaphore_mem>>
      %dma_start3A_431 = arith.constant 0 : i32
      %dma_start3A_432 = arith.constant 0 : i32
      %dma_start3A_433 = tpu.memref_slice %arg2[%add3A, %dma_start3A_431, %dma_start3A_432] : memref<32x64x100xi32, #tpu.memory_space<hbm>> -> memref<1x64x100xi32, #tpu.memory_space<hbm>>
      %dma_start3A_434 = tpu.memref_squeeze %dma_start3A_433 : memref<1x64x100xi32, #tpu.memory_space<hbm>> -> memref<64x100xi32, #tpu.memory_space<hbm>>
      %dma_start3A_435 = arith.constant 0 : i32
      %dma_start3A_436 = arith.constant 0 : i32
      %dma_start3A_437 = tpu.memref_slice %arg2[%add3A, %dma_start3A_435, %dma_start3A_436] : memref<32x64x100xi32, #tpu.memory_space<hbm>> -> memref<1x64x100xi32, #tpu.memory_space<hbm>>
      %dma_start3A_438 = tpu.memref_squeeze %dma_start3A_437 : memref<1x64x100xi32, #tpu.memory_space<hbm>> -> memref<64x100xi32, #tpu.memory_space<hbm>>
      tpu.enqueue_dma source(%dma_start3A_438 : memref<64x100xi32, #tpu.memory_space<hbm>>) target(%arg6 : memref<64x100xi32, #tpu.memory_space<vmem>>) target_semaphore(%run_scoped3A : memref<!tpu.dma_semaphore, #tpu.memory_space<semaphore_mem>>)
      %dma_wait3A_439 = arith.constant 0 : i32
      %dma_wait3A_440 = arith.constant 0 : i32
      %dma_wait3A_441 = tpu.memref_slice %arg2[%add3A, %dma_wait3A_439, %dma_wait3A_440] : memref<32x64x100xi32, #tpu.memory_space<hbm>> -> memref<1x64x100xi32, #tpu.memory_space<hbm>>
      %dma_wait3A_442 = tpu.memref_squeeze %dma_wait3A_441 : memref<1x64x100xi32, #tpu.memory_space<hbm>> -> memref<64x100xi32, #tpu.memory_space<hbm>>
      %dma_wait3A_443 = arith.constant 0 : i32
      %dma_wait3A_444 = arith.constant 0 : i32
      %dma_wait3A_445 = tpu.memref_slice %arg2[%add3A, %dma_wait3A_443, %dma_wait3A_444] : memref<32x64x100xi32, #tpu.memory_space<hbm>> -> memref<1x64x100xi32, #tpu.memory_space<hbm>>
      %dma_wait3A_446 = tpu.memref_squeeze %dma_wait3A_445 : memref<1x64x100xi32, #tpu.memory_space<hbm>> -> memref<64x100xi32, #tpu.memory_space<hbm>>
      tpu.wait_dma2 semaphore(%run_scoped3A : memref<!tpu.dma_semaphore, #tpu.memory_space<semaphore_mem>>) src(%dma_wait3A_446 : memref<64x100xi32, #tpu.memory_space<hbm>>) dst(%arg6 : memref<64x100xi32, #tpu.memory_space<vmem>>)
      tpu.yield
    }) : () -> ()
    %dma_start3A = arith.constant 0 : i32
    %dma_start3A_3 = arith.constant 0 : i32
    %dma_start3A_4 = arith.constant 0 : i32
    %dma_start3A_5 = arith.constant 0 : i32
    %dma_start3A_6 = tpu.memref_slice %arg8[%dma_start3A_3, %dma_start3A_4, %dma_start3A_5] : memref<3x200x128xf32, #tpu.memory_space<vmem>> -> memref<1x100x128xf32, #tpu.memory_space<vmem>>
    %dma_start3A_7 = tpu.memref_squeeze %dma_start3A_6 : memref<1x100x128xf32, #tpu.memory_space<vmem>> -> memref<100x128xf32, #tpu.memory_space<vmem>>
    %dma_start3A_8 = arith.constant 0 : i32
    %dma_start3A_9 = tpu.memref_slice %arg6[%dma_start3A, %dma_start3A_8] : memref<64x100xi32, #tpu.memory_space<vmem>> -> memref<1x100xi32, #tpu.memory_space<vmem>>
    %dma_start3A_10 = tpu.memref_squeeze %dma_start3A_9 : memref<1x100xi32, #tpu.memory_space<vmem>> -> memref<100xi32, #tpu.memory_space<vmem>>
    %dma_start3A_11 = arith.constant 0 : i32
    %dma_start3A_12 = arith.constant 0 : i32
    %dma_start3A_13 = tpu.memref_slice %arg3[%dma_start3A_11, %dma_start3A_12] : memref<100000x128xf32, #tpu.memory_space<hbm>> -> memref<100000x128xf32, #tpu.memory_space<hbm>>
    tpu.enqueue_indirect_dma source(%dma_start3A_13 : memref<100000x128xf32, #tpu.memory_space<hbm>>) target(%dma_start3A_7 : memref<100x128xf32, #tpu.memory_space<vmem>>) offsets(%dma_start3A_10 : memref<100xi32, #tpu.memory_space<vmem>>) semaphore(%arg9 : memref<!tpu.dma_semaphore, #tpu.memory_space<semaphore_mem>>)
    %dma_start3A_14 = arith.constant 1 : i32
    %dma_start3A_15 = arith.constant 0 : i32
    %dma_start3A_16 = arith.constant 100 : i32
    %dma_start3A_17 = arith.constant 0 : i32
    %dma_start3A_18 = tpu.memref_slice %arg8[%dma_start3A_15, %dma_start3A_16, %dma_start3A_17] : memref<3x200x128xf32, #tpu.memory_space<vmem>> -> memref<1x100x128xf32, #tpu.memory_space<vmem>>
    %dma_start3A_19 = tpu.memref_squeeze %dma_start3A_18 : memref<1x100x128xf32, #tpu.memory_space<vmem>> -> memref<100x128xf32, #tpu.memory_space<vmem>>
    %dma_start3A_20 = arith.constant 0 : i32
    %dma_start3A_21 = tpu.memref_slice %arg6[%dma_start3A_14, %dma_start3A_20] : memref<64x100xi32, #tpu.memory_space<vmem>> -> memref<1x100xi32, #tpu.memory_space<vmem>>
    %dma_start3A_22 = tpu.memref_squeeze %dma_start3A_21 : memref<1x100xi32, #tpu.memory_space<vmem>> -> memref<100xi32, #tpu.memory_space<vmem>>
    %dma_start3A_23 = arith.constant 0 : i32
    %dma_start3A_24 = arith.constant 0 : i32
    %dma_start3A_25 = tpu.memref_slice %arg3[%dma_start3A_23, %dma_start3A_24] : memref<100000x128xf32, #tpu.memory_space<hbm>> -> memref<100000x128xf32, #tpu.memory_space<hbm>>
    tpu.enqueue_indirect_dma source(%dma_start3A_25 : memref<100000x128xf32, #tpu.memory_space<hbm>>) target(%dma_start3A_19 : memref<100x128xf32, #tpu.memory_space<vmem>>) offsets(%dma_start3A_22 : memref<100xi32, #tpu.memory_space<vmem>>) semaphore(%arg9 : memref<!tpu.dma_semaphore, #tpu.memory_space<semaphore_mem>>)
    %dma_start3A_26 = arith.constant 2 : i32
    %dma_start3A_27 = arith.constant 1 : i32
    %dma_start3A_28 = arith.constant 0 : i32
    %dma_start3A_29 = arith.constant 0 : i32
    %dma_start3A_30 = tpu.memref_slice %arg8[%dma_start3A_27, %dma_start3A_28, %dma_start3A_29] : memref<3x200x128xf32, #tpu.memory_space<vmem>> -> memref<1x100x128xf32, #tpu.memory_space<vmem>>
    %dma_start3A_31 = tpu.memref_squeeze %dma_start3A_30 : memref<1x100x128xf32, #tpu.memory_space<vmem>> -> memref<100x128xf32, #tpu.memory_space<vmem>>
    %dma_start3A_32 = arith.constant 0 : i32
    %dma_start3A_33 = tpu.memref_slice %arg6[%dma_start3A_26, %dma_start3A_32] : memref<64x100xi32, #tpu.memory_space<vmem>> -> memref<1x100xi32, #tpu.memory_space<vmem>>
    %dma_start3A_34 = tpu.memref_squeeze %dma_start3A_33 : memref<1x100xi32, #tpu.memory_space<vmem>> -> memref<100xi32, #tpu.memory_space<vmem>>
    %dma_start3A_35 = arith.constant 0 : i32
    %dma_start3A_36 = arith.constant 0 : i32
    %dma_start3A_37 = tpu.memref_slice %arg3[%dma_start3A_35, %dma_start3A_36] : memref<100000x128xf32, #tpu.memory_space<hbm>> -> memref<100000x128xf32, #tpu.memory_space<hbm>>
    tpu.enqueue_indirect_dma source(%dma_start3A_37 : memref<100000x128xf32, #tpu.memory_space<hbm>>) target(%dma_start3A_31 : memref<100x128xf32, #tpu.memory_space<vmem>>) offsets(%dma_start3A_34 : memref<100xi32, #tpu.memory_space<vmem>>) semaphore(%arg10 : memref<!tpu.dma_semaphore, #tpu.memory_space<semaphore_mem>>)
    %dma_start3A_38 = arith.constant 3 : i32
    %dma_start3A_39 = arith.constant 1 : i32
    %dma_start3A_40 = arith.constant 100 : i32
    %dma_start3A_41 = arith.constant 0 : i32
    %dma_start3A_42 = tpu.memref_slice %arg8[%dma_start3A_39, %dma_start3A_40, %dma_start3A_41] : memref<3x200x128xf32, #tpu.memory_space<vmem>> -> memref<1x100x128xf32, #tpu.memory_space<vmem>>
    %dma_start3A_43 = tpu.memref_squeeze %dma_start3A_42 : memref<1x100x128xf32, #tpu.memory_space<vmem>> -> memref<100x128xf32, #tpu.memory_space<vmem>>
    %dma_start3A_44 = arith.constant 0 : i32
    %dma_start3A_45 = tpu.memref_slice %arg6[%dma_start3A_38, %dma_start3A_44] : memref<64x100xi32, #tpu.memory_space<vmem>> -> memref<1x100xi32, #tpu.memory_space<vmem>>
    %dma_start3A_46 = tpu.memref_squeeze %dma_start3A_45 : memref<1x100xi32, #tpu.memory_space<vmem>> -> memref<100xi32, #tpu.memory_space<vmem>>
    %dma_start3A_47 = arith.constant 0 : i32
    %dma_start3A_48 = arith.constant 0 : i32
    %dma_start3A_49 = tpu.memref_slice %arg3[%dma_start3A_47, %dma_start3A_48] : memref<100000x128xf32, #tpu.memory_space<hbm>> -> memref<100000x128xf32, #tpu.memory_space<hbm>>
    tpu.enqueue_indirect_dma source(%dma_start3A_49 : memref<100000x128xf32, #tpu.memory_space<hbm>>) target(%dma_start3A_43 : memref<100x128xf32, #tpu.memory_space<vmem>>) offsets(%dma_start3A_46 : memref<100xi32, #tpu.memory_space<vmem>>) semaphore(%arg10 : memref<!tpu.dma_semaphore, #tpu.memory_space<semaphore_mem>>)
    %dma_wait3A = arith.constant 0 : i32
    %dma_wait3A_50 = arith.constant 0 : i32
    %dma_wait3A_51 = arith.constant 0 : i32
    %dma_wait3A_52 = arith.constant 0 : i32
    %dma_wait3A_53 = tpu.memref_slice %arg8[%dma_wait3A_50, %dma_wait3A_51, %dma_wait3A_52] : memref<3x200x128xf32, #tpu.memory_space<vmem>> -> memref<1x200x128xf32, #tpu.memory_space<vmem>>
    %dma_wait3A_54 = tpu.memref_squeeze %dma_wait3A_53 : memref<1x200x128xf32, #tpu.memory_space<vmem>> -> memref<200x128xf32, #tpu.memory_space<vmem>>
    %dma_wait3A_55 = arith.constant 0 : i32
    %dma_wait3A_56 = arith.constant 0 : i32
    %dma_wait3A_57 = tpu.memref_slice %arg5[%dma_wait3A, %dma_wait3A_55, %dma_wait3A_56] : memref<1024x200x128xf32, #tpu.memory_space<hbm>> -> memref<1x200x128xf32, #tpu.memory_space<hbm>>
    %dma_wait3A_58 = tpu.memref_squeeze %dma_wait3A_57 : memref<1x200x128xf32, #tpu.memory_space<hbm>> -> memref<200x128xf32, #tpu.memory_space<hbm>>
    %dma_wait3A_59 = arith.constant 0 : i32
    %dma_wait3A_60 = arith.constant 0 : i32
    %dma_wait3A_61 = tpu.memref_slice %arg8[%dma_wait3A_50, %dma_wait3A_59, %dma_wait3A_60] : memref<3x200x128xf32, #tpu.memory_space<vmem>> -> memref<1x200x128xf32, #tpu.memory_space<vmem>>
    %dma_wait3A_62 = tpu.memref_squeeze %dma_wait3A_61 : memref<1x200x128xf32, #tpu.memory_space<vmem>> -> memref<200x128xf32, #tpu.memory_space<vmem>>
    %dma_wait3A_63 = arith.constant 0 : i32
    %dma_wait3A_64 = arith.constant 0 : i32
    %dma_wait3A_65 = tpu.memref_slice %arg5[%dma_wait3A, %dma_wait3A_63, %dma_wait3A_64] : memref<1024x200x128xf32, #tpu.memory_space<hbm>> -> memref<1x200x128xf32, #tpu.memory_space<hbm>>
    %dma_wait3A_66 = tpu.memref_squeeze %dma_wait3A_65 : memref<1x200x128xf32, #tpu.memory_space<hbm>> -> memref<200x128xf32, #tpu.memory_space<hbm>>
    tpu.wait_dma2 semaphore(%arg9 : memref<!tpu.dma_semaphore, #tpu.memory_space<semaphore_mem>>) src(%dma_wait3A_66 : memref<200x128xf32, #tpu.memory_space<hbm>>) dst(%dma_wait3A_62 : memref<200x128xf32, #tpu.memory_space<vmem>>)
    %scan3A = arith.constant 0 : i32
    %scan3A_67 = arith.constant 0 : i32
    %scan3A_68 = arith.constant 100 : i32
    %scan3A_69 = arith.addi %scan3A_67, %scan3A_68 : i32
    %scan3A_70 = arith.constant 1 : i32
    scf.for %scan3A_431 = %scan3A_67 to %scan3A_69 step %scan3A_70  : i32 {
      %mul3A_432 = arith.constant 2 : i32
      %mul3A_433 = arith.muli %mul3A_432, %scan3A_431 : i32
      %add3A_434 = arith.constant 0 : i32
      %add3A_435 = arith.addi %mul3A_433, %add3A_434 : i32
      %get3A = arith.index_cast %add3A_435 : i32 to index
      %get3A_436 = arith.constant 0 : index
      %get3A_437 = tpu.vector_load %arg7[%get3A, %get3A_436] {strides = array<i32>} : memref<200x64xi32, #tpu.memory_space<vmem>>, vector<1x16xi32>,
      %get3A_438 = vector.shape_cast %get3A_437 : vector<1x16xi32> to vector<16xi32>
      %shift_left3A = arith.constant 16 : i32
      %shift_left3A_439 = vector.broadcast %shift_left3A : i32 to vector<16xi32>
      %shift_left3A_440 = arith.shli %get3A_438, %shift_left3A_439 : vector<16xi32>
      %bitcast_convert_type3A = tpu.bitcast %shift_left3A_440 : vector<16xi32> -> vector<16xf32>
      %and3A = arith.constant -65536 : i32
      %and3A_441 = vector.broadcast %and3A : i32 to vector<16xi32>
      %and3A_442 = arith.andi %get3A_438, %and3A_441 : vector<16xi32>
      %bitcast_convert_type3A_443 = tpu.bitcast %and3A_442 : vector<16xi32> -> vector<16xf32>
      %get3A_444 = arith.constant 0 : i32
      %get3A_445 = arith.index_cast %get3A_444 : i32 to index
      %get3A_446 = arith.index_cast %add3A_435 : i32 to index
      %get3A_447 = arith.constant 0 : index
      %get3A_448 = tpu.vector_load %arg8[%get3A_445, %get3A_446, %get3A_447] {strides = array<i32>} : memref<3x200x128xf32, #tpu.memory_space<vmem>>, vector<1x1x16xf32>,
      %get3A_449 = vector.shape_cast %get3A_448 : vector<1x1x16xf32> to vector<16xf32>
      %mul3A_450 = arith.constant 11.3137083 : f32
      %mul3A_451 = vector.broadcast %mul3A_450 : f32 to vector<16xf32>
      %mul3A_452 = arith.mulf %get3A_449, %mul3A_451 : vector<16xf32>
      %add3A_453 = arith.addf %mul3A_452, %bitcast_convert_type3A : vector<16xf32>
      %swap3A = arith.constant 0 : i32
      %swap3A_454 = arith.index_cast %swap3A : i32 to index
      %swap3A_455 = arith.index_cast %add3A_435 : i32 to index
      %swap3A_456 = arith.constant 0 : index
      %swap3A_457 = tpu.vector_load %arg8[%swap3A_454, %swap3A_455, %swap3A_456] {strides = array<i32>} : memref<3x200x128xf32, #tpu.memory_space<vmem>>, vector<1x1x16xf32>,
      %swap3A_458 = vector.shape_cast %swap3A_457 : vector<1x1x16xf32> to vector<16xf32>
      %swap3A_459 = vector.shape_cast %add3A_453 : vector<16xf32> to vector<1x1x16xf32>
      tpu.vector_store %arg8[%swap3A_454, %swap3A_455, %swap3A_456], %swap3A_459 {strides = array<i32>} : memref<3x200x128xf32, #tpu.memory_space<vmem>>, vector<1x1x16xf32>,
      %get3A_460 = arith.constant 0 : i32
      %get3A_461 = arith.index_cast %get3A_460 : i32 to index
      %get3A_462 = arith.index_cast %add3A_435 : i32 to index
      %get3A_463 = arith.constant 16 : index
      %get3A_464 = tpu.vector_load %arg8[%get3A_461, %get3A_462, %get3A_463] {strides = array<i32>} : memref<3x200x128xf32, #tpu.memory_space<vmem>>, vector<1x1x16xf32>,
      %get3A_465 = vector.shape_cast %get3A_464 : vector<1x1x16xf32> to vector<16xf32>
      %mul3A_466 = arith.constant 11.3137083 : f32
      %mul3A_467 = vector.broadcast %mul3A_466 : f32 to vector<16xf32>
      %mul3A_468 = arith.mulf %get3A_465, %mul3A_467 : vector<16xf32>
      %add3A_469 = arith.addf %mul3A_468, %bitcast_convert_type3A_443 : vector<16xf32>
      %swap3A_470 = arith.constant 0 : i32
      %swap3A_471 = arith.index_cast %swap3A_470 : i32 to index
      %swap3A_472 = arith.index_cast %add3A_435 : i32 to index
      %swap3A_473 = arith.constant 16 : index
      %swap3A_474 = tpu.vector_load %arg8[%swap3A_471, %swap3A_472, %swap3A_473] {strides = array<i32>} : memref<3x200x128xf32, #tpu.memory_space<vmem>>, vector<1x1x16xf32>,
      %swap3A_475 = vector.shape_cast %swap3A_474 : vector<1x1x16xf32> to vector<16xf32>
      %swap3A_476 = vector.shape_cast %add3A_469 : vector<16xf32> to vector<1x1x16xf32>
      tpu.vector_store %arg8[%swap3A_471, %swap3A_472, %swap3A_473], %swap3A_476 {strides = array<i32>} : memref<3x200x128xf32, #tpu.memory_space<vmem>>, vector<1x1x16xf32>,
      %get3A_477 = arith.index_cast %add3A_435 : i32 to index
      %get3A_478 = arith.constant 16 : index
      %get3A_479 = tpu.vector_load %arg7[%get3A_477, %get3A_478] {strides = array<i32>} : memref<200x64xi32, #tpu.memory_space<vmem>>, vector<1x16xi32>,
      %get3A_480 = vector.shape_cast %get3A_479 : vector<1x16xi32> to vector<16xi32>
      %shift_left3A_481 = arith.constant 16 : i32
      %shift_left3A_482 = vector.broadcast %shift_left3A_481 : i32 to vector<16xi32>
      %shift_left3A_483 = arith.shli %get3A_480, %shift_left3A_482 : vector<16xi32>
      %bitcast_convert_type3A_484 = tpu.bitcast %shift_left3A_483 : vector<16xi32> -> vector<16xf32>
      %and3A_485 = arith.constant -65536 : i32
      %and3A_486 = vector.broadcast %and3A_485 : i32 to vector<16xi32>
      %and3A_487 = arith.andi %get3A_480, %and3A_486 : vector<16xi32>
      %bitcast_convert_type3A_488 = tpu.bitcast %and3A_487 : vector<16xi32> -> vector<16xf32>
      %get3A_489 = arith.constant 0 : i32
      %get3A_490 = arith.index_cast %get3A_489 : i32 to index
      %get3A_491 = arith.index_cast %add3A_435 : i32 to index
      %get3A_492 = arith.constant 32 : index
      %get3A_493 = tpu.vector_load %arg8[%get3A_490, %get3A_491, %get3A_492] {strides = array<i32>} : memref<3x200x128xf32, #tpu.memory_space<vmem>>, vector<1x1x16xf32>,
      %get3A_494 = vector.shape_cast %get3A_493 : vector<1x1x16xf32> to vector<16xf32>
      %mul3A_495 = arith.constant 11.3137083 : f32
      %mul3A_496 = vector.broadcast %mul3A_495 : f32 to vector<16xf32>
      %mul3A_497 = arith.mulf %get3A_494, %mul3A_496 : vector<16xf32>
      %add3A_498 = arith.addf %mul3A_497, %bitcast_convert_type3A_484 : vector<16xf32>
      %swap3A_499 = arith.constant 0 : i32
      %swap3A_500 = arith.index_cast %swap3A_499 : i32 to index
      %swap3A_501 = arith.index_cast %add3A_435 : i32 to index
      %swap3A_502 = arith.constant 32 : index
      %swap3A_503 = tpu.vector_load %arg8[%swap3A_500, %swap3A_501, %swap3A_502] {strides = array<i32>} : memref<3x200x128xf32, #tpu.memory_space<vmem>>, vector<1x1x16xf32>,
      %swap3A_504 = vector.shape_cast %swap3A_503 : vector<1x1x16xf32> to vector<16xf32>
      %swap3A_505 = vector.shape_cast %add3A_498 : vector<16xf32> to vector<1x1x16xf32>
      tpu.vector_store %arg8[%swap3A_500, %swap3A_501, %swap3A_502], %swap3A_505 {strides = array<i32>} : memref<3x200x128xf32, #tpu.memory_space<vmem>>, vector<1x1x16xf32>,
      %get3A_506 = arith.constant 0 : i32
      %get3A_507 = arith.index_cast %get3A_506 : i32 to index
      %get3A_508 = arith.index_cast %add3A_435 : i32 to index
      %get3A_509 = arith.constant 48 : index
      %get3A_510 = tpu.vector_load %arg8[%get3A_507, %get3A_508, %get3A_509] {strides = array<i32>} : memref<3x200x128xf32, #tpu.memory_space<vmem>>, vector<1x1x16xf32>,
      %get3A_511 = vector.shape_cast %get3A_510 : vector<1x1x16xf32> to vector<16xf32>
      %mul3A_512 = arith.constant 11.3137083 : f32
      %mul3A_513 = vector.broadcast %mul3A_512 : f32 to vector<16xf32>
      %mul3A_514 = arith.mulf %get3A_511, %mul3A_513 : vector<16xf32>
      %add3A_515 = arith.addf %mul3A_514, %bitcast_convert_type3A_488 : vector<16xf32>
      %swap3A_516 = arith.constant 0 : i32
      %swap3A_517 = arith.index_cast %swap3A_516 : i32 to index
      %swap3A_518 = arith.index_cast %add3A_435 : i32 to index
      %swap3A_519 = arith.constant 48 : index
      %swap3A_520 = tpu.vector_load %arg8[%swap3A_517, %swap3A_518, %swap3A_519] {strides = array<i32>} : memref<3x200x128xf32, #tpu.memory_space<vmem>>, vector<1x1x16xf32>,
      %swap3A_521 = vector.shape_cast %swap3A_520 : vector<1x1x16xf32> to vector<16xf32>
      %swap3A_522 = vector.shape_cast %add3A_515 : vector<16xf32> to vector<1x1x16xf32>
      tpu.vector_store %arg8[%swap3A_517, %swap3A_518, %swap3A_519], %swap3A_522 {strides = array<i32>} : memref<3x200x128xf32, #tpu.memory_space<vmem>>, vector<1x1x16xf32>,
      %get3A_523 = arith.index_cast %add3A_435 : i32 to index
      %get3A_524 = arith.constant 32 : index
      %get3A_525 = tpu.vector_load %arg7[%get3A_523, %get3A_524] {strides = array<i32>} : memref<200x64xi32, #tpu.memory_space<vmem>>, vector<1x16xi32>,
      %get3A_526 = vector.shape_cast %get3A_525 : vector<1x16xi32> to vector<16xi32>
      %shift_left3A_527 = arith.constant 16 : i32
      %shift_left3A_528 = vector.broadcast %shift_left3A_527 : i32 to vector<16xi32>
      %shift_left3A_529 = arith.shli %get3A_526, %shift_left3A_528 : vector<16xi32>
      %bitcast_convert_type3A_530 = tpu.bitcast %shift_left3A_529 : vector<16xi32> -> vector<16xf32>
      %and3A_531 = arith.constant -65536 : i32
      %and3A_532 = vector.broadcast %and3A_531 : i32 to vector<16xi32>
      %and3A_533 = arith.andi %get3A_526, %and3A_532 : vector<16xi32>
      %bitcast_convert_type3A_534 = tpu.bitcast %and3A_533 : vector<16xi32> -> vector<16xf32>
      %get3A_535 = arith.constant 0 : i32
      %get3A_536 = arith.index_cast %get3A_535 : i32 to index
      %get3A_537 = arith.index_cast %add3A_435 : i32 to index
      %get3A_538 = arith.constant 64 : index
      %get3A_539 = tpu.vector_load %arg8[%get3A_536, %get3A_537, %get3A_538] {strides = array<i32>} : memref<3x200x128xf32, #tpu.memory_space<vmem>>, vector<1x1x16xf32>,
      %get3A_540 = vector.shape_cast %get3A_539 : vector<1x1x16xf32> to vector<16xf32>
      %mul3A_541 = arith.constant 11.3137083 : f32
      %mul3A_542 = vector.broadcast %mul3A_541 : f32 to vector<16xf32>
      %mul3A_543 = arith.mulf %get3A_540, %mul3A_542 : vector<16xf32>
      %add3A_544 = arith.addf %mul3A_543, %bitcast_convert_type3A_530 : vector<16xf32>
      %swap3A_545 = arith.constant 0 : i32
      %swap3A_546 = arith.index_cast %swap3A_545 : i32 to index
      %swap3A_547 = arith.index_cast %add3A_435 : i32 to index
      %swap3A_548 = arith.constant 64 : index
      %swap3A_549 = tpu.vector_load %arg8[%swap3A_546, %swap3A_547, %swap3A_548] {strides = array<i32>} : memref<3x200x128xf32, #tpu.memory_space<vmem>>, vector<1x1x16xf32>,
      %swap3A_550 = vector.shape_cast %swap3A_549 : vector<1x1x16xf32> to vector<16xf32>
      %swap3A_551 = vector.shape_cast %add3A_544 : vector<16xf32> to vector<1x1x16xf32>
      tpu.vector_store %arg8[%swap3A_546, %swap3A_547, %swap3A_548], %swap3A_551 {strides = array<i32>} : memref<3x200x128xf32, #tpu.memory_space<vmem>>, vector<1x1x16xf32>,
      %get3A_552 = arith.constant 0 : i32
      %get3A_553 = arith.index_cast %get3A_552 : i32 to index
      %get3A_554 = arith.index_cast %add3A_435 : i32 to index
      %get3A_555 = arith.constant 80 : index
      %get3A_556 = tpu.vector_load %arg8[%get3A_553, %get3A_554, %get3A_555] {strides = array<i32>} : memref<3x200x128xf32, #tpu.memory_space<vmem>>, vector<1x1x16xf32>,
      %get3A_557 = vector.shape_cast %get3A_556 : vector<1x1x16xf32> to vector<16xf32>
      %mul3A_558 = arith.constant 11.3137083 : f32
      %mul3A_559 = vector.broadcast %mul3A_558 : f32 to vector<16xf32>
      %mul3A_560 = arith.mulf %get3A_557, %mul3A_559 : vector<16xf32>
      %add3A_561 = arith.addf %mul3A_560, %bitcast_convert_type3A_534 : vector<16xf32>
      %swap3A_562 = arith.constant 0 : i32
      %swap3A_563 = arith.index_cast %swap3A_562 : i32 to index
      %swap3A_564 = arith.index_cast %add3A_435 : i32 to index
      %swap3A_565 = arith.constant 80 : index
      %swap3A_566 = tpu.vector_load %arg8[%swap3A_563, %swap3A_564, %swap3A_565] {strides = array<i32>} : memref<3x200x128xf32, #tpu.memory_space<vmem>>, vector<1x1x16xf32>,
      %swap3A_567 = vector.shape_cast %swap3A_566 : vector<1x1x16xf32> to vector<16xf32>
      %swap3A_568 = vector.shape_cast %add3A_561 : vector<16xf32> to vector<1x1x16xf32>
      tpu.vector_store %arg8[%swap3A_563, %swap3A_564, %swap3A_565], %swap3A_568 {strides = array<i32>} : memref<3x200x128xf32, #tpu.memory_space<vmem>>, vector<1x1x16xf32>,
      %get3A_569 = arith.index_cast %add3A_435 : i32 to index
      %get3A_570 = arith.constant 48 : index
      %get3A_571 = tpu.vector_load %arg7[%get3A_569, %get3A_570] {strides = array<i32>} : memref<200x64xi32, #tpu.memory_space<vmem>>, vector<1x16xi32>,
      %get3A_572 = vector.shape_cast %get3A_571 : vector<1x16xi32> to vector<16xi32>
      %shift_left3A_573 = arith.constant 16 : i32
      %shift_left3A_574 = vector.broadcast %shift_left3A_573 : i32 to vector<16xi32>
      %shift_left3A_575 = arith.shli %get3A_572, %shift_left3A_574 : vector<16xi32>
      %bitcast_convert_type3A_576 = tpu.bitcast %shift_left3A_575 : vector<16xi32> -> vector<16xf32>
      %and3A_577 = arith.constant -65536 : i32
      %and3A_578 = vector.broadcast %and3A_577 : i32 to vector<16xi32>
      %and3A_579 = arith.andi %get3A_572, %and3A_578 : vector<16xi32>
      %bitcast_convert_type3A_580 = tpu.bitcast %and3A_579 : vector<16xi32> -> vector<16xf32>
      %get3A_581 = arith.constant 0 : i32
      %get3A_582 = arith.index_cast %get3A_581 : i32 to index
      %get3A_583 = arith.index_cast %add3A_435 : i32 to index
      %get3A_584 = arith.constant 96 : index
      %get3A_585 = tpu.vector_load %arg8[%get3A_582, %get3A_583, %get3A_584] {strides = array<i32>} : memref<3x200x128xf32, #tpu.memory_space<vmem>>, vector<1x1x16xf32>,
      %get3A_586 = vector.shape_cast %get3A_585 : vector<1x1x16xf32> to vector<16xf32>
      %mul3A_587 = arith.constant 11.3137083 : f32
      %mul3A_588 = vector.broadcast %mul3A_587 : f32 to vector<16xf32>
      %mul3A_589 = arith.mulf %get3A_586, %mul3A_588 : vector<16xf32>
      %add3A_590 = arith.addf %mul3A_589, %bitcast_convert_type3A_576 : vector<16xf32>
      %swap3A_591 = arith.constant 0 : i32
      %swap3A_592 = arith.index_cast %swap3A_591 : i32 to index
      %swap3A_593 = arith.index_cast %add3A_435 : i32 to index
      %swap3A_594 = arith.constant 96 : index
      %swap3A_595 = tpu.vector_load %arg8[%swap3A_592, %swap3A_593, %swap3A_594] {strides = array<i32>} : memref<3x200x128xf32, #tpu.memory_space<vmem>>, vector<1x1x16xf32>,
      %swap3A_596 = vector.shape_cast %swap3A_595 : vector<1x1x16xf32> to vector<16xf32>
      %swap3A_597 = vector.shape_cast %add3A_590 : vector<16xf32> to vector<1x1x16xf32>
      tpu.vector_store %arg8[%swap3A_592, %swap3A_593, %swap3A_594], %swap3A_597 {strides = array<i32>} : memref<3x200x128xf32, #tpu.memory_space<vmem>>, vector<1x1x16xf32>,
      %get3A_598 = arith.constant 0 : i32
      %get3A_599 = arith.index_cast %get3A_598 : i32 to index
      %get3A_600 = arith.index_cast %add3A_435 : i32 to index
      %get3A_601 = arith.constant 112 : index
      %get3A_602 = tpu.vector_load %arg8[%get3A_599, %get3A_600, %get3A_601] {strides = array<i32>} : memref<3x200x128xf32, #tpu.memory_space<vmem>>, vector<1x1x16xf32>,
      %get3A_603 = vector.shape_cast %get3A_602 : vector<1x1x16xf32> to vector<16xf32>
      %mul3A_604 = arith.constant 11.3137083 : f32
      %mul3A_605 = vector.broadcast %mul3A_604 : f32 to vector<16xf32>
      %mul3A_606 = arith.mulf %get3A_603, %mul3A_605 : vector<16xf32>
      %add3A_607 = arith.addf %mul3A_606, %bitcast_convert_type3A_580 : vector<16xf32>
      %swap3A_608 = arith.constant 0 : i32
      %swap3A_609 = arith.index_cast %swap3A_608 : i32 to index
      %swap3A_610 = arith.index_cast %add3A_435 : i32 to index
      %swap3A_611 = arith.constant 112 : index
      %swap3A_612 = tpu.vector_load %arg8[%swap3A_609, %swap3A_610, %swap3A_611] {strides = array<i32>} : memref<3x200x128xf32, #tpu.memory_space<vmem>>, vector<1x1x16xf32>,
      %swap3A_613 = vector.shape_cast %swap3A_612 : vector<1x1x16xf32> to vector<16xf32>
      %swap3A_614 = vector.shape_cast %add3A_607 : vector<16xf32> to vector<1x1x16xf32>
      tpu.vector_store %arg8[%swap3A_609, %swap3A_610, %swap3A_611], %swap3A_614 {strides = array<i32>} : memref<3x200x128xf32, #tpu.memory_space<vmem>>, vector<1x1x16xf32>,
      %mul3A_615 = arith.constant 2 : i32
      %mul3A_616 = arith.muli %mul3A_615, %scan3A_431 : i32
      %add3A_617 = arith.constant 1 : i32
      %add3A_618 = arith.addi %mul3A_616, %add3A_617 : i32
      %get3A_619 = arith.index_cast %add3A_618 : i32 to index
      %get3A_620 = arith.constant 0 : index
      %get3A_621 = tpu.vector_load %arg7[%get3A_619, %get3A_620] {strides = array<i32>} : memref<200x64xi32, #tpu.memory_space<vmem>>, vector<1x16xi32>,
      %get3A_622 = vector.shape_cast %get3A_621 : vector<1x16xi32> to vector<16xi32>
      %shift_left3A_623 = arith.constant 16 : i32
      %shift_left3A_624 = vector.broadcast %shift_left3A_623 : i32 to vector<16xi32>
      %shift_left3A_625 = arith.shli %get3A_622, %shift_left3A_624 : vector<16xi32>
      %bitcast_convert_type3A_626 = tpu.bitcast %shift_left3A_625 : vector<16xi32> -> vector<16xf32>
      %and3A_627 = arith.constant -65536 : i32
      %and3A_628 = vector.broadcast %and3A_627 : i32 to vector<16xi32>
      %and3A_629 = arith.andi %get3A_622, %and3A_628 : vector<16xi32>
      %bitcast_convert_type3A_630 = tpu.bitcast %and3A_629 : vector<16xi32> -> vector<16xf32>
      %get3A_631 = arith.constant 0 : i32
      %get3A_632 = arith.index_cast %get3A_631 : i32 to index
      %get3A_633 = arith.index_cast %add3A_618 : i32 to index
      %get3A_634 = arith.constant 0 : index
      %get3A_635 = tpu.vector_load %arg8[%get3A_632, %get3A_633, %get3A_634] {strides = array<i32>} : memref<3x200x128xf32, #tpu.memory_space<vmem>>, vector<1x1x16xf32>,
      %get3A_636 = vector.shape_cast %get3A_635 : vector<1x1x16xf32> to vector<16xf32>
      %mul3A_637 = arith.constant 11.3137083 : f32
      %mul3A_638 = vector.broadcast %mul3A_637 : f32 to vector<16xf32>
      %mul3A_639 = arith.mulf %get3A_636, %mul3A_638 : vector<16xf32>
      %add3A_640 = arith.addf %mul3A_639, %bitcast_convert_type3A_626 : vector<16xf32>
      %swap3A_641 = arith.constant 0 : i32
      %swap3A_642 = arith.index_cast %swap3A_641 : i32 to index
      %swap3A_643 = arith.index_cast %add3A_618 : i32 to index
      %swap3A_644 = arith.constant 0 : index
      %swap3A_645 = tpu.vector_load %arg8[%swap3A_642, %swap3A_643, %swap3A_644] {strides = array<i32>} : memref<3x200x128xf32, #tpu.memory_space<vmem>>, vector<1x1x16xf32>,
      %swap3A_646 = vector.shape_cast %swap3A_645 : vector<1x1x16xf32> to vector<16xf32>
      %swap3A_647 = vector.shape_cast %add3A_640 : vector<16xf32> to vector<1x1x16xf32>
      tpu.vector_store %arg8[%swap3A_642, %swap3A_643, %swap3A_644], %swap3A_647 {strides = array<i32>} : memref<3x200x128xf32, #tpu.memory_space<vmem>>, vector<1x1x16xf32>,
      %get3A_648 = arith.constant 0 : i32
      %get3A_649 = arith.index_cast %get3A_648 : i32 to index
      %get3A_650 = arith.index_cast %add3A_618 : i32 to index
      %get3A_651 = arith.constant 16 : index
      %get3A_652 = tpu.vector_load %arg8[%get3A_649, %get3A_650, %get3A_651] {strides = array<i32>} : memref<3x200x128xf32, #tpu.memory_space<vmem>>, vector<1x1x16xf32>,
      %get3A_653 = vector.shape_cast %get3A_652 : vector<1x1x16xf32> to vector<16xf32>
      %mul3A_654 = arith.constant 11.3137083 : f32
      %mul3A_655 = vector.broadcast %mul3A_654 : f32 to vector<16xf32>
      %mul3A_656 = arith.mulf %get3A_653, %mul3A_655 : vector<16xf32>
      %add3A_657 = arith.addf %mul3A_656, %bitcast_convert_type3A_630 : vector<16xf32>
      %swap3A_658 = arith.constant 0 : i32
      %swap3A_659 = arith.index_cast %swap3A_658 : i32 to index
      %swap3A_660 = arith.index_cast %add3A_618 : i32 to index
      %swap3A_661 = arith.constant 16 : index
      %swap3A_662 = tpu.vector_load %arg8[%swap3A_659, %swap3A_660, %swap3A_661] {strides = array<i32>} : memref<3x200x128xf32, #tpu.memory_space<vmem>>, vector<1x1x16xf32>,
      %swap3A_663 = vector.shape_cast %swap3A_662 : vector<1x1x16xf32> to vector<16xf32>
      %swap3A_664 = vector.shape_cast %add3A_657 : vector<16xf32> to vector<1x1x16xf32>
      tpu.vector_store %arg8[%swap3A_659, %swap3A_660, %swap3A_661], %swap3A_664 {strides = array<i32>} : memref<3x200x128xf32, #tpu.memory_space<vmem>>, vector<1x1x16xf32>,
      %get3A_665 = arith.index_cast %add3A_618 : i32 to index
      %get3A_666 = arith.constant 16 : index
      %get3A_667 = tpu.vector_load %arg7[%get3A_665, %get3A_666] {strides = array<i32>} : memref<200x64xi32, #tpu.memory_space<vmem>>, vector<1x16xi32>,
      %get3A_668 = vector.shape_cast %get3A_667 : vector<1x16xi32> to vector<16xi32>
      %shift_left3A_669 = arith.constant 16 : i32
      %shift_left3A_670 = vector.broadcast %shift_left3A_669 : i32 to vector<16xi32>
      %shift_left3A_671 = arith.shli %get3A_668, %shift_left3A_670 : vector<16xi32>
      %bitcast_convert_type3A_672 = tpu.bitcast %shift_left3A_671 : vector<16xi32> -> vector<16xf32>
      %and3A_673 = arith.constant -65536 : i32
      %and3A_674 = vector.broadcast %and3A_673 : i32 to vector<16xi32>
      %and3A_675 = arith.andi %get3A_668, %and3A_674 : vector<16xi32>
      %bitcast_convert_type3A_676 = tpu.bitcast %and3A_675 : vector<16xi32> -> vector<16xf32>
      %get3A_677 = arith.constant 0 : i32
      %get3A_678 = arith.index_cast %get3A_677 : i32 to index
      %get3A_679 = arith.index_cast %add3A_618 : i32 to index
      %get3A_680 = arith.constant 32 : index
      %get3A_681 = tpu.vector_load %arg8[%get3A_678, %get3A_679, %get3A_680] {strides = array<i32>} : memref<3x200x128xf32, #tpu.memory_space<vmem>>, vector<1x1x16xf32>,
      %get3A_682 = vector.shape_cast %get3A_681 : vector<1x1x16xf32> to vector<16xf32>
      %mul3A_683 = arith.constant 11.3137083 : f32
      %mul3A_684 = vector.broadcast %mul3A_683 : f32 to vector<16xf32>
      %mul3A_685 = arith.mulf %get3A_682, %mul3A_684 : vector<16xf32>
      %add3A_686 = arith.addf %mul3A_685, %bitcast_convert_type3A_672 : vector<16xf32>
      %swap3A_687 = arith.constant 0 : i32
      %swap3A_688 = arith.index_cast %swap3A_687 : i32 to index
      %swap3A_689 = arith.index_cast %add3A_618 : i32 to index
      %swap3A_690 = arith.constant 32 : index
      %swap3A_691 = tpu.vector_load %arg8[%swap3A_688, %swap3A_689, %swap3A_690] {strides = array<i32>} : memref<3x200x128xf32, #tpu.memory_space<vmem>>, vector<1x1x16xf32>,
      %swap3A_692 = vector.shape_cast %swap3A_691 : vector<1x1x16xf32> to vector<16xf32>
      %swap3A_693 = vector.shape_cast %add3A_686 : vector<16xf32> to vector<1x1x16xf32>
      tpu.vector_store %arg8[%swap3A_688, %swap3A_689, %swap3A_690], %swap3A_693 {strides = array<i32>} : memref<3x200x128xf32, #tpu.memory_space<vmem>>, vector<1x1x16xf32>,
      %get3A_694 = arith.constant 0 : i32
      %get3A_695 = arith.index_cast %get3A_694 : i32 to index
      %get3A_696 = arith.index_cast %add3A_618 : i32 to index
      %get3A_697 = arith.constant 48 : index
      %get3A_698 = tpu.vector_load %arg8[%get3A_695, %get3A_696, %get3A_697] {strides = array<i32>} : memref<3x200x128xf32, #tpu.memory_space<vmem>>, vector<1x1x16xf32>,
      %get3A_699 = vector.shape_cast %get3A_698 : vector<1x1x16xf32> to vector<16xf32>
      %mul3A_700 = arith.constant 11.3137083 : f32
      %mul3A_701 = vector.broadcast %mul3A_700 : f32 to vector<16xf32>
      %mul3A_702 = arith.mulf %get3A_699, %mul3A_701 : vector<16xf32>
      %add3A_703 = arith.addf %mul3A_702, %bitcast_convert_type3A_676 : vector<16xf32>
      %swap3A_704 = arith.constant 0 : i32
      %swap3A_705 = arith.index_cast %swap3A_704 : i32 to index
      %swap3A_706 = arith.index_cast %add3A_618 : i32 to index
      %swap3A_707 = arith.constant 48 : index
      %swap3A_708 = tpu.vector_load %arg8[%swap3A_705, %swap3A_706, %swap3A_707] {strides = array<i32>} : memref<3x200x128xf32, #tpu.memory_space<vmem>>, vector<1x1x16xf32>,
      %swap3A_709 = vector.shape_cast %swap3A_708 : vector<1x1x16xf32> to vector<16xf32>
      %swap3A_710 = vector.shape_cast %add3A_703 : vector<16xf32> to vector<1x1x16xf32>
      tpu.vector_store %arg8[%swap3A_705, %swap3A_706, %swap3A_707], %swap3A_710 {strides = array<i32>} : memref<3x200x128xf32, #tpu.memory_space<vmem>>, vector<1x1x16xf32>,
      %get3A_711 = arith.index_cast %add3A_618 : i32 to index
      %get3A_712 = arith.constant 32 : index
      %get3A_713 = tpu.vector_load %arg7[%get3A_711, %get3A_712] {strides = array<i32>} : memref<200x64xi32, #tpu.memory_space<vmem>>, vector<1x16xi32>,
      %get3A_714 = vector.shape_cast %get3A_713 : vector<1x16xi32> to vector<16xi32>
      %shift_left3A_715 = arith.constant 16 : i32
      %shift_left3A_716 = vector.broadcast %shift_left3A_715 : i32 to vector<16xi32>
      %shift_left3A_717 = arith.shli %get3A_714, %shift_left3A_716 : vector<16xi32>
      %bitcast_convert_type3A_718 = tpu.bitcast %shift_left3A_717 : vector<16xi32> -> vector<16xf32>
      %and3A_719 = arith.constant -65536 : i32
      %and3A_720 = vector.broadcast %and3A_719 : i32 to vector<16xi32>
      %and3A_721 = arith.andi %get3A_714, %and3A_720 : vector<16xi32>
      %bitcast_convert_type3A_722 = tpu.bitcast %and3A_721 : vector<16xi32> -> vector<16xf32>
      %get3A_723 = arith.constant 0 : i32
      %get3A_724 = arith.index_cast %get3A_723 : i32 to index
      %get3A_725 = arith.index_cast %add3A_618 : i32 to index
      %get3A_726 = arith.constant 64 : index
      %get3A_727 = tpu.vector_load %arg8[%get3A_724, %get3A_725, %get3A_726] {strides = array<i32>} : memref<3x200x128xf32, #tpu.memory_space<vmem>>, vector<1x1x16xf32>,
      %get3A_728 = vector.shape_cast %get3A_727 : vector<1x1x16xf32> to vector<16xf32>
      %mul3A_729 = arith.constant 11.3137083 : f32
      %mul3A_730 = vector.broadcast %mul3A_729 : f32 to vector<16xf32>
      %mul3A_731 = arith.mulf %get3A_728, %mul3A_730 : vector<16xf32>
      %add3A_732 = arith.addf %mul3A_731, %bitcast_convert_type3A_718 : vector<16xf32>
      %swap3A_733 = arith.constant 0 : i32
      %swap3A_734 = arith.index_cast %swap3A_733 : i32 to index
      %swap3A_735 = arith.index_cast %add3A_618 : i32 to index
      %swap3A_736 = arith.constant 64 : index
      %swap3A_737 = tpu.vector_load %arg8[%swap3A_734, %swap3A_735, %swap3A_736] {strides = array<i32>} : memref<3x200x128xf32, #tpu.memory_space<vmem>>, vector<1x1x16xf32>,
      %swap3A_738 = vector.shape_cast %swap3A_737 : vector<1x1x16xf32> to vector<16xf32>
      %swap3A_739 = vector.shape_cast %add3A_732 : vector<16xf32> to vector<1x1x16xf32>
      tpu.vector_store %arg8[%swap3A_734, %swap3A_735, %swap3A_736], %swap3A_739 {strides = array<i32>} : memref<3x200x128xf32, #tpu.memory_space<vmem>>, vector<1x1x16xf32>,
      %get3A_740 = arith.constant 0 : i32
      %get3A_741 = arith.index_cast %get3A_740 : i32 to index
      %get3A_742 = arith.index_cast %add3A_618 : i32 to index
      %get3A_743 = arith.constant 80 : index
      %get3A_744 = tpu.vector_load %arg8[%get3A_741, %get3A_742, %get3A_743] {strides = array<i32>} : memref<3x200x128xf32, #tpu.memory_space<vmem>>, vector<1x1x16xf32>,
      %get3A_745 = vector.shape_cast %get3A_744 : vector<1x1x16xf32> to vector<16xf32>
      %mul3A_746 = arith.constant 11.3137083 : f32
      %mul3A_747 = vector.broadcast %mul3A_746 : f32 to vector<16xf32>
      %mul3A_748 = arith.mulf %get3A_745, %mul3A_747 : vector<16xf32>
      %add3A_749 = arith.addf %mul3A_748, %bitcast_convert_type3A_722 : vector<16xf32>
      %swap3A_750 = arith.constant 0 : i32
      %swap3A_751 = arith.index_cast %swap3A_750 : i32 to index
      %swap3A_752 = arith.index_cast %add3A_618 : i32 to index
      %swap3A_753 = arith.constant 80 : index
      %swap3A_754 = tpu.vector_load %arg8[%swap3A_751, %swap3A_752, %swap3A_753] {strides = array<i32>} : memref<3x200x128xf32, #tpu.memory_space<vmem>>, vector<1x1x16xf32>,
      %swap3A_755 = vector.shape_cast %swap3A_754 : vector<1x1x16xf32> to vector<16xf32>
      %swap3A_756 = vector.shape_cast %add3A_749 : vector<16xf32> to vector<1x1x16xf32>
      tpu.vector_store %arg8[%swap3A_751, %swap3A_752, %swap3A_753], %swap3A_756 {strides = array<i32>} : memref<3x200x128xf32, #tpu.memory_space<vmem>>, vector<1x1x16xf32>,
      %get3A_757 = arith.index_cast %add3A_618 : i32 to index
      %get3A_758 = arith.constant 48 : index
      %get3A_759 = tpu.vector_load %arg7[%get3A_757, %get3A_758] {strides = array<i32>} : memref<200x64xi32, #tpu.memory_space<vmem>>, vector<1x16xi32>,
      %get3A_760 = vector.shape_cast %get3A_759 : vector<1x16xi32> to vector<16xi32>
      %shift_left3A_761 = arith.constant 16 : i32
      %shift_left3A_762 = vector.broadcast %shift_left3A_761 : i32 to vector<16xi32>
      %shift_left3A_763 = arith.shli %get3A_760, %shift_left3A_762 : vector<16xi32>
      %bitcast_convert_type3A_764 = tpu.bitcast %shift_left3A_763 : vector<16xi32> -> vector<16xf32>
      %and3A_765 = arith.constant -65536 : i32
      %and3A_766 = vector.broadcast %and3A_765 : i32 to vector<16xi32>
      %and3A_767 = arith.andi %get3A_760, %and3A_766 : vector<16xi32>
      %bitcast_convert_type3A_768 = tpu.bitcast %and3A_767 : vector<16xi32> -> vector<16xf32>
      %get3A_769 = arith.constant 0 : i32
      %get3A_770 = arith.index_cast %get3A_769 : i32 to index
      %get3A_771 = arith.index_cast %add3A_618 : i32 to index
      %get3A_772 = arith.constant 96 : index
      %get3A_773 = tpu.vector_load %arg8[%get3A_770, %get3A_771, %get3A_772] {strides = array<i32>} : memref<3x200x128xf32, #tpu.memory_space<vmem>>, vector<1x1x16xf32>,
      %get3A_774 = vector.shape_cast %get3A_773 : vector<1x1x16xf32> to vector<16xf32>
      %mul3A_775 = arith.constant 11.3137083 : f32
      %mul3A_776 = vector.broadcast %mul3A_775 : f32 to vector<16xf32>
      %mul3A_777 = arith.mulf %get3A_774, %mul3A_776 : vector<16xf32>
      %add3A_778 = arith.addf %mul3A_777, %bitcast_convert_type3A_764 : vector<16xf32>
      %swap3A_779 = arith.constant 0 : i32
      %swap3A_780 = arith.index_cast %swap3A_779 : i32 to index
      %swap3A_781 = arith.index_cast %add3A_618 : i32 to index
      %swap3A_782 = arith.constant 96 : index
      %swap3A_783 = tpu.vector_load %arg8[%swap3A_780, %swap3A_781, %swap3A_782] {strides = array<i32>} : memref<3x200x128xf32, #tpu.memory_space<vmem>>, vector<1x1x16xf32>,
      %swap3A_784 = vector.shape_cast %swap3A_783 : vector<1x1x16xf32> to vector<16xf32>
      %swap3A_785 = vector.shape_cast %add3A_778 : vector<16xf32> to vector<1x1x16xf32>
      tpu.vector_store %arg8[%swap3A_780, %swap3A_781, %swap3A_782], %swap3A_785 {strides = array<i32>} : memref<3x200x128xf32, #tpu.memory_space<vmem>>, vector<1x1x16xf32>,
      %get3A_786 = arith.constant 0 : i32
      %get3A_787 = arith.index_cast %get3A_786 : i32 to index
      %get3A_788 = arith.index_cast %add3A_618 : i32 to index
      %get3A_789 = arith.constant 112 : index
      %get3A_790 = tpu.vector_load %arg8[%get3A_787, %get3A_788, %get3A_789] {strides = array<i32>} : memref<3x200x128xf32, #tpu.memory_space<vmem>>, vector<1x1x16xf32>,
      %get3A_791 = vector.shape_cast %get3A_790 : vector<1x1x16xf32> to vector<16xf32>
      %mul3A_792 = arith.constant 11.3137083 : f32
      %mul3A_793 = vector.broadcast %mul3A_792 : f32 to vector<16xf32>
      %mul3A_794 = arith.mulf %get3A_791, %mul3A_793 : vector<16xf32>
      %add3A_795 = arith.addf %mul3A_794, %bitcast_convert_type3A_768 : vector<16xf32>
      %swap3A_796 = arith.constant 0 : i32
      %swap3A_797 = arith.index_cast %swap3A_796 : i32 to index
      %swap3A_798 = arith.index_cast %add3A_618 : i32 to index
      %swap3A_799 = arith.constant 112 : index
      %swap3A_800 = tpu.vector_load %arg8[%swap3A_797, %swap3A_798, %swap3A_799] {strides = array<i32>} : memref<3x200x128xf32, #tpu.memory_space<vmem>>, vector<1x1x16xf32>,
      %swap3A_801 = vector.shape_cast %swap3A_800 : vector<1x1x16xf32> to vector<16xf32>
      %swap3A_802 = vector.shape_cast %add3A_795 : vector<16xf32> to vector<1x1x16xf32>
      tpu.vector_store %arg8[%swap3A_797, %swap3A_798, %swap3A_799], %swap3A_802 {strides = array<i32>} : memref<3x200x128xf32, #tpu.memory_space<vmem>>, vector<1x1x16xf32>,
    }
    %scan3A_71 = arith.constant 100 : i32
    %dma_start3A_72 = arith.constant 4 : i32
    %dma_start3A_73 = arith.constant 2 : i32
    %dma_start3A_74 = arith.constant 0 : i32
    %dma_start3A_75 = arith.constant 0 : i32
    %dma_start3A_76 = tpu.memref_slice %arg8[%dma_start3A_73, %dma_start3A_74, %dma_start3A_75] : memref<3x200x128xf32, #tpu.memory_space<vmem>> -> memref<1x100x128xf32, #tpu.memory_space<vmem>>
    %dma_start3A_77 = tpu.memref_squeeze %dma_start3A_76 : memref<1x100x128xf32, #tpu.memory_space<vmem>> -> memref<100x128xf32, #tpu.memory_space<vmem>>
    %dma_start3A_78 = arith.constant 0 : i32
    %dma_start3A_79 = tpu.memref_slice %arg6[%dma_start3A_72, %dma_start3A_78] : memref<64x100xi32, #tpu.memory_space<vmem>> -> memref<1x100xi32, #tpu.memory_space<vmem>>
    %dma_start3A_80 = tpu.memref_squeeze %dma_start3A_79 : memref<1x100xi32, #tpu.memory_space<vmem>> -> memref<100xi32, #tpu.memory_space<vmem>>
    %dma_start3A_81 = arith.constant 0 : i32
    %dma_start3A_82 = arith.constant 0 : i32
    %dma_start3A_83 = tpu.memref_slice %arg3[%dma_start3A_81, %dma_start3A_82] : memref<100000x128xf32, #tpu.memory_space<hbm>> -> memref<100000x128xf32, #tpu.memory_space<hbm>>
    tpu.enqueue_indirect_dma source(%dma_start3A_83 : memref<100000x128xf32, #tpu.memory_space<hbm>>) target(%dma_start3A_77 : memref<100x128xf32, #tpu.memory_space<vmem>>) offsets(%dma_start3A_80 : memref<100xi32, #tpu.memory_space<vmem>>) semaphore(%arg11 : memref<!tpu.dma_semaphore, #tpu.memory_space<semaphore_mem>>)
    %dma_start3A_84 = arith.constant 5 : i32
    %dma_start3A_85 = arith.constant 2 : i32
    %dma_start3A_86 = arith.constant 100 : i32
    %dma_start3A_87 = arith.constant 0 : i32
    %dma_start3A_88 = tpu.memref_slice %arg8[%dma_start3A_85, %dma_start3A_86, %dma_start3A_87] : memref<3x200x128xf32, #tpu.memory_space<vmem>> -> memref<1x100x128xf32, #tpu.memory_space<vmem>>
    %dma_start3A_89 = tpu.memref_squeeze %dma_start3A_88 : memref<1x100x128xf32, #tpu.memory_space<vmem>> -> memref<100x128xf32, #tpu.memory_space<vmem>>
    %dma_start3A_90 = arith.constant 0 : i32
    %dma_start3A_91 = tpu.memref_slice %arg6[%dma_start3A_84, %dma_start3A_90] : memref<64x100xi32, #tpu.memory_space<vmem>> -> memref<1x100xi32, #tpu.memory_space<vmem>>
    %dma_start3A_92 = tpu.memref_squeeze %dma_start3A_91 : memref<1x100xi32, #tpu.memory_space<vmem>> -> memref<100xi32, #tpu.memory_space<vmem>>
    %dma_start3A_93 = arith.constant 0 : i32
    %dma_start3A_94 = arith.constant 0 : i32
    %dma_start3A_95 = tpu.memref_slice %arg3[%dma_start3A_93, %dma_start3A_94] : memref<100000x128xf32, #tpu.memory_space<hbm>> -> memref<100000x128xf32, #tpu.memory_space<hbm>>
    tpu.enqueue_indirect_dma source(%dma_start3A_95 : memref<100000x128xf32, #tpu.memory_space<hbm>>) target(%dma_start3A_89 : memref<100x128xf32, #tpu.memory_space<vmem>>) offsets(%dma_start3A_92 : memref<100xi32, #tpu.memory_space<vmem>>) semaphore(%arg11 : memref<!tpu.dma_semaphore, #tpu.memory_space<semaphore_mem>>)
    %add3A_96 = arith.constant 0 : i32
    %add3A_97 = arith.addi %mul3A_2, %add3A_96 : i32
    %dma_start3A_98 = arith.constant 0 : i32
    %dma_start3A_99 = arith.constant 0 : i32
    %dma_start3A_100 = arith.constant 0 : i32
    %dma_start3A_101 = tpu.memref_slice %arg8[%dma_start3A_98, %dma_start3A_99, %dma_start3A_100] : memref<3x200x128xf32, #tpu.memory_space<vmem>> -> memref<1x200x128xf32, #tpu.memory_space<vmem>>
    %dma_start3A_102 = tpu.memref_squeeze %dma_start3A_101 : memref<1x200x128xf32, #tpu.memory_space<vmem>> -> memref<200x128xf32, #tpu.memory_space<vmem>>
    %dma_start3A_103 = arith.constant 0 : i32
    %dma_start3A_104 = arith.constant 0 : i32
    %dma_start3A_105 = tpu.memref_slice %arg5[%add3A_97, %dma_start3A_103, %dma_start3A_104] : memref<1024x200x128xf32, #tpu.memory_space<hbm>> -> memref<1x200x128xf32, #tpu.memory_space<hbm>>
    %dma_start3A_106 = tpu.memref_squeeze %dma_start3A_105 : memref<1x200x128xf32, #tpu.memory_space<hbm>> -> memref<200x128xf32, #tpu.memory_space<hbm>>
    %dma_start3A_107 = arith.constant 0 : i32
    %dma_start3A_108 = arith.constant 0 : i32
    %dma_start3A_109 = tpu.memref_slice %arg5[%add3A_97, %dma_start3A_107, %dma_start3A_108] : memref<1024x200x128xf32, #tpu.memory_space<hbm>> -> memref<1x200x128xf32, #tpu.memory_space<hbm>>
    %dma_start3A_110 = tpu.memref_squeeze %dma_start3A_109 : memref<1x200x128xf32, #tpu.memory_space<hbm>> -> memref<200x128xf32, #tpu.memory_space<hbm>>
    %dma_start3A_111 = arith.constant 0 : i32
    %dma_start3A_112 = arith.constant 0 : i32
    %dma_start3A_113 = tpu.memref_slice %arg8[%dma_start3A_98, %dma_start3A_111, %dma_start3A_112] : memref<3x200x128xf32, #tpu.memory_space<vmem>> -> memref<1x200x128xf32, #tpu.memory_space<vmem>>
    %dma_start3A_114 = tpu.memref_squeeze %dma_start3A_113 : memref<1x200x128xf32, #tpu.memory_space<vmem>> -> memref<200x128xf32, #tpu.memory_space<vmem>>
    tpu.enqueue_dma source(%dma_start3A_114 : memref<200x128xf32, #tpu.memory_space<vmem>>) target(%dma_start3A_110 : memref<200x128xf32, #tpu.memory_space<hbm>>) target_semaphore(%arg12 : memref<!tpu.dma_semaphore, #tpu.memory_space<semaphore_mem>>)
    %dma_wait3A_115 = arith.constant 0 : i32
    %dma_wait3A_116 = arith.constant 1 : i32
    %dma_wait3A_117 = arith.constant 0 : i32
    %dma_wait3A_118 = arith.constant 0 : i32
    %dma_wait3A_119 = tpu.memref_slice %arg8[%dma_wait3A_116, %dma_wait3A_117, %dma_wait3A_118] : memref<3x200x128xf32, #tpu.memory_space<vmem>> -> memref<1x200x128xf32, #tpu.memory_space<vmem>>
    %dma_wait3A_120 = tpu.memref_squeeze %dma_wait3A_119 : memref<1x200x128xf32, #tpu.memory_space<vmem>> -> memref<200x128xf32, #tpu.memory_space<vmem>>
    %dma_wait3A_121 = arith.constant 0 : i32
    %dma_wait3A_122 = arith.constant 0 : i32
    %dma_wait3A_123 = tpu.memref_slice %arg5[%dma_wait3A_115, %dma_wait3A_121, %dma_wait3A_122] : memref<1024x200x128xf32, #tpu.memory_space<hbm>> -> memref<1x200x128xf32, #tpu.memory_space<hbm>>
    %dma_wait3A_124 = tpu.memref_squeeze %dma_wait3A_123 : memref<1x200x128xf32, #tpu.memory_space<hbm>> -> memref<200x128xf32, #tpu.memory_space<hbm>>
    %dma_wait3A_125 = arith.constant 0 : i32
    %dma_wait3A_126 = arith.constant 0 : i32
    %dma_wait3A_127 = tpu.memref_slice %arg8[%dma_wait3A_116, %dma_wait3A_125, %dma_wait3A_126] : memref<3x200x128xf32, #tpu.memory_space<vmem>> -> memref<1x200x128xf32, #tpu.memory_space<vmem>>
    %dma_wait3A_128 = tpu.memref_squeeze %dma_wait3A_127 : memref<1x200x128xf32, #tpu.memory_space<vmem>> -> memref<200x128xf32, #tpu.memory_space<vmem>>
    %dma_wait3A_129 = arith.constant 0 : i32
    %dma_wait3A_130 = arith.constant 0 : i32
    %dma_wait3A_131 = tpu.memref_slice %arg5[%dma_wait3A_115, %dma_wait3A_129, %dma_wait3A_130] : memref<1024x200x128xf32, #tpu.memory_space<hbm>> -> memref<1x200x128xf32, #tpu.memory_space<hbm>>
    %dma_wait3A_132 = tpu.memref_squeeze %dma_wait3A_131 : memref<1x200x128xf32, #tpu.memory_space<hbm>> -> memref<200x128xf32, #tpu.memory_space<hbm>>
    tpu.wait_dma2 semaphore(%arg10 : memref<!tpu.dma_semaphore, #tpu.memory_space<semaphore_mem>>) src(%dma_wait3A_132 : memref<200x128xf32, #tpu.memory_space<hbm>>) dst(%dma_wait3A_128 : memref<200x128xf32, #tpu.memory_space<vmem>>)
    %scan3A_133 = arith.constant 0 : i32
    %scan3A_134 = arith.constant 0 : i32
    %scan3A_135 = arith.constant 100 : i32
    %scan3A_136 = arith.addi %scan3A_134, %scan3A_135 : i32
    %scan3A_137 = arith.constant 1 : i32
    scf.for %scan3A_431 = %scan3A_134 to %scan3A_136 step %scan3A_137  : i32 {
      %mul3A_432 = arith.constant 2 : i32
      %mul3A_433 = arith.muli %mul3A_432, %scan3A_431 : i32
      %add3A_434 = arith.constant 0 : i32
      %add3A_435 = arith.addi %mul3A_433, %add3A_434 : i32
      %get3A = arith.index_cast %add3A_435 : i32 to index
      %get3A_436 = arith.constant 0 : index
      %get3A_437 = tpu.vector_load %arg7[%get3A, %get3A_436] {strides = array<i32>} : memref<200x64xi32, #tpu.memory_space<vmem>>, vector<1x16xi32>,
      %get3A_438 = vector.shape_cast %get3A_437 : vector<1x16xi32> to vector<16xi32>
      %shift_left3A = arith.constant 16 : i32
      %shift_left3A_439 = vector.broadcast %shift_left3A : i32 to vector<16xi32>
      %shift_left3A_440 = arith.shli %get3A_438, %shift_left3A_439 : vector<16xi32>
      %bitcast_convert_type3A = tpu.bitcast %shift_left3A_440 : vector<16xi32> -> vector<16xf32>
      %and3A = arith.constant -65536 : i32
      %and3A_441 = vector.broadcast %and3A : i32 to vector<16xi32>
      %and3A_442 = arith.andi %get3A_438, %and3A_441 : vector<16xi32>
      %bitcast_convert_type3A_443 = tpu.bitcast %and3A_442 : vector<16xi32> -> vector<16xf32>
      %get3A_444 = arith.constant 1 : i32
      %get3A_445 = arith.index_cast %get3A_444 : i32 to index
      %get3A_446 = arith.index_cast %add3A_435 : i32 to index
      %get3A_447 = arith.constant 0 : index
      %get3A_448 = tpu.vector_load %arg8[%get3A_445, %get3A_446, %get3A_447] {strides = array<i32>} : memref<3x200x128xf32, #tpu.memory_space<vmem>>, vector<1x1x16xf32>,
      %get3A_449 = vector.shape_cast %get3A_448 : vector<1x1x16xf32> to vector<16xf32>
      %mul3A_450 = arith.constant 11.3137083 : f32
      %mul3A_451 = vector.broadcast %mul3A_450 : f32 to vector<16xf32>
      %mul3A_452 = arith.mulf %get3A_449, %mul3A_451 : vector<16xf32>
      %add3A_453 = arith.addf %mul3A_452, %bitcast_convert_type3A : vector<16xf32>
      %swap3A = arith.constant 1 : i32
      %swap3A_454 = arith.index_cast %swap3A : i32 to index
      %swap3A_455 = arith.index_cast %add3A_435 : i32 to index
      %swap3A_456 = arith.constant 0 : index
      %swap3A_457 = tpu.vector_load %arg8[%swap3A_454, %swap3A_455, %swap3A_456] {strides = array<i32>} : memref<3x200x128xf32, #tpu.memory_space<vmem>>, vector<1x1x16xf32>,
      %swap3A_458 = vector.shape_cast %swap3A_457 : vector<1x1x16xf32> to vector<16xf32>
      %swap3A_459 = vector.shape_cast %add3A_453 : vector<16xf32> to vector<1x1x16xf32>
      tpu.vector_store %arg8[%swap3A_454, %swap3A_455, %swap3A_456], %swap3A_459 {strides = array<i32>} : memref<3x200x128xf32, #tpu.memory_space<vmem>>, vector<1x1x16xf32>,
      %get3A_460 = arith.constant 1 : i32
      %get3A_461 = arith.index_cast %get3A_460 : i32 to index
      %get3A_462 = arith.index_cast %add3A_435 : i32 to index
      %get3A_463 = arith.constant 16 : index
      %get3A_464 = tpu.vector_load %arg8[%get3A_461, %get3A_462, %get3A_463] {strides = array<i32>} : memref<3x200x128xf32, #tpu.memory_space<vmem>>, vector<1x1x16xf32>,
      %get3A_465 = vector.shape_cast %get3A_464 : vector<1x1x16xf32> to vector<16xf32>
      %mul3A_466 = arith.constant 11.3137083 : f32
      %mul3A_467 = vector.broadcast %mul3A_466 : f32 to vector<16xf32>
      %mul3A_468 = arith.mulf %get3A_465, %mul3A_467 : vector<16xf32>
      %add3A_469 = arith.addf %mul3A_468, %bitcast_convert_type3A_443 : vector<16xf32>
      %swap3A_470 = arith.constant 1 : i32
      %swap3A_471 = arith.index_cast %swap3A_470 : i32 to index
      %swap3A_472 = arith.index_cast %add3A_435 : i32 to index
      %swap3A_473 = arith.constant 16 : index
      %swap3A_474 = tpu.vector_load %arg8[%swap3A_471, %swap3A_472, %swap3A_473] {strides = array<i32>} : memref<3x200x128xf32, #tpu.memory_space<vmem>>, vector<1x1x16xf32>,
      %swap3A_475 = vector.shape_cast %swap3A_474 : vector<1x1x16xf32> to vector<16xf32>
      %swap3A_476 = vector.shape_cast %add3A_469 : vector<16xf32> to vector<1x1x16xf32>
      tpu.vector_store %arg8[%swap3A_471, %swap3A_472, %swap3A_473], %swap3A_476 {strides = array<i32>} : memref<3x200x128xf32, #tpu.memory_space<vmem>>, vector<1x1x16xf32>,
      %get3A_477 = arith.index_cast %add3A_435 : i32 to index
      %get3A_478 = arith.constant 16 : index
      %get3A_479 = tpu.vector_load %arg7[%get3A_477, %get3A_478] {strides = array<i32>} : memref<200x64xi32, #tpu.memory_space<vmem>>, vector<1x16xi32>,
      %get3A_480 = vector.shape_cast %get3A_479 : vector<1x16xi32> to vector<16xi32>
      %shift_left3A_481 = arith.constant 16 : i32
      %shift_left3A_482 = vector.broadcast %shift_left3A_481 : i32 to vector<16xi32>
      %shift_left3A_483 = arith.shli %get3A_480, %shift_left3A_482 : vector<16xi32>
      %bitcast_convert_type3A_484 = tpu.bitcast %shift_left3A_483 : vector<16xi32> -> vector<16xf32>
      %and3A_485 = arith.constant -65536 : i32
      %and3A_486 = vector.broadcast %and3A_485 : i32 to vector<16xi32>
      %and3A_487 = arith.andi %get3A_480, %and3A_486 : vector<16xi32>
      %bitcast_convert_type3A_488 = tpu.bitcast %and3A_487 : vector<16xi32> -> vector<16xf32>
      %get3A_489 = arith.constant 1 : i32
      %get3A_490 = arith.index_cast %get3A_489 : i32 to index
      %get3A_491 = arith.index_cast %add3A_435 : i32 to index
      %get3A_492 = arith.constant 32 : index
      %get3A_493 = tpu.vector_load %arg8[%get3A_490, %get3A_491, %get3A_492] {strides = array<i32>} : memref<3x200x128xf32, #tpu.memory_space<vmem>>, vector<1x1x16xf32>,
      %get3A_494 = vector.shape_cast %get3A_493 : vector<1x1x16xf32> to vector<16xf32>
      %mul3A_495 = arith.constant 11.3137083 : f32
      %mul3A_496 = vector.broadcast %mul3A_495 : f32 to vector<16xf32>
      %mul3A_497 = arith.mulf %get3A_494, %mul3A_496 : vector<16xf32>
      %add3A_498 = arith.addf %mul3A_497, %bitcast_convert_type3A_484 : vector<16xf32>
      %swap3A_499 = arith.constant 1 : i32
      %swap3A_500 = arith.index_cast %swap3A_499 : i32 to index
      %swap3A_501 = arith.index_cast %add3A_435 : i32 to index
      %swap3A_502 = arith.constant 32 : index
      %swap3A_503 = tpu.vector_load %arg8[%swap3A_500, %swap3A_501, %swap3A_502] {strides = array<i32>} : memref<3x200x128xf32, #tpu.memory_space<vmem>>, vector<1x1x16xf32>,
      %swap3A_504 = vector.shape_cast %swap3A_503 : vector<1x1x16xf32> to vector<16xf32>
      %swap3A_505 = vector.shape_cast %add3A_498 : vector<16xf32> to vector<1x1x16xf32>
      tpu.vector_store %arg8[%swap3A_500, %swap3A_501, %swap3A_502], %swap3A_505 {strides = array<i32>} : memref<3x200x128xf32, #tpu.memory_space<vmem>>, vector<1x1x16xf32>,
      %get3A_506 = arith.constant 1 : i32
      %get3A_507 = arith.index_cast %get3A_506 : i32 to index
      %get3A_508 = arith.index_cast %add3A_435 : i32 to index
      %get3A_509 = arith.constant 48 : index
      %get3A_510 = tpu.vector_load %arg8[%get3A_507, %get3A_508, %get3A_509] {strides = array<i32>} : memref<3x200x128xf32, #tpu.memory_space<vmem>>, vector<1x1x16xf32>,
      %get3A_511 = vector.shape_cast %get3A_510 : vector<1x1x16xf32> to vector<16xf32>
      %mul3A_512 = arith.constant 11.3137083 : f32
      %mul3A_513 = vector.broadcast %mul3A_512 : f32 to vector<16xf32>
      %mul3A_514 = arith.mulf %get3A_511, %mul3A_513 : vector<16xf32>
      %add3A_515 = arith.addf %mul3A_514, %bitcast_convert_type3A_488 : vector<16xf32>
      %swap3A_516 = arith.constant 1 : i32
      %swap3A_517 = arith.index_cast %swap3A_516 : i32 to index
      %swap3A_518 = arith.index_cast %add3A_435 : i32 to index
      %swap3A_519 = arith.constant 48 : index
      %swap3A_520 = tpu.vector_load %arg8[%swap3A_517, %swap3A_518, %swap3A_519] {strides = array<i32>} : memref<3x200x128xf32, #tpu.memory_space<vmem>>, vector<1x1x16xf32>,
      %swap3A_521 = vector.shape_cast %swap3A_520 : vector<1x1x16xf32> to vector<16xf32>
      %swap3A_522 = vector.shape_cast %add3A_515 : vector<16xf32> to vector<1x1x16xf32>
      tpu.vector_store %arg8[%swap3A_517, %swap3A_518, %swap3A_519], %swap3A_522 {strides = array<i32>} : memref<3x200x128xf32, #tpu.memory_space<vmem>>, vector<1x1x16xf32>,
      %get3A_523 = arith.index_cast %add3A_435 : i32 to index
      %get3A_524 = arith.constant 32 : index
      %get3A_525 = tpu.vector_load %arg7[%get3A_523, %get3A_524] {strides = array<i32>} : memref<200x64xi32, #tpu.memory_space<vmem>>, vector<1x16xi32>,
      %get3A_526 = vector.shape_cast %get3A_525 : vector<1x16xi32> to vector<16xi32>
      %shift_left3A_527 = arith.constant 16 : i32
      %shift_left3A_528 = vector.broadcast %shift_left3A_527 : i32 to vector<16xi32>
      %shift_left3A_529 = arith.shli %get3A_526, %shift_left3A_528 : vector<16xi32>
      %bitcast_convert_type3A_530 = tpu.bitcast %shift_left3A_529 : vector<16xi32> -> vector<16xf32>
      %and3A_531 = arith.constant -65536 : i32
      %and3A_532 = vector.broadcast %and3A_531 : i32 to vector<16xi32>
      %and3A_533 = arith.andi %get3A_526, %and3A_532 : vector<16xi32>
      %bitcast_convert_type3A_534 = tpu.bitcast %and3A_533 : vector<16xi32> -> vector<16xf32>
      %get3A_535 = arith.constant 1 : i32
      %get3A_536 = arith.index_cast %get3A_535 : i32 to index
      %get3A_537 = arith.index_cast %add3A_435 : i32 to index
      %get3A_538 = arith.constant 64 : index
      %get3A_539 = tpu.vector_load %arg8[%get3A_536, %get3A_537, %get3A_538] {strides = array<i32>} : memref<3x200x128xf32, #tpu.memory_space<vmem>>, vector<1x1x16xf32>,
      %get3A_540 = vector.shape_cast %get3A_539 : vector<1x1x16xf32> to vector<16xf32>
      %mul3A_541 = arith.constant 11.3137083 : f32
      %mul3A_542 = vector.broadcast %mul3A_541 : f32 to vector<16xf32>
      %mul3A_543 = arith.mulf %get3A_540, %mul3A_542 : vector<16xf32>
      %add3A_544 = arith.addf %mul3A_543, %bitcast_convert_type3A_530 : vector<16xf32>
      %swap3A_545 = arith.constant 1 : i32
      %swap3A_546 = arith.index_cast %swap3A_545 : i32 to index
      %swap3A_547 = arith.index_cast %add3A_435 : i32 to index
      %swap3A_548 = arith.constant 64 : index
      %swap3A_549 = tpu.vector_load %arg8[%swap3A_546, %swap3A_547, %swap3A_548] {strides = array<i32>} : memref<3x200x128xf32, #tpu.memory_space<vmem>>, vector<1x1x16xf32>,
      %swap3A_550 = vector.shape_cast %swap3A_549 : vector<1x1x16xf32> to vector<16xf32>
      %swap3A_551 = vector.shape_cast %add3A_544 : vector<16xf32> to vector<1x1x16xf32>
      tpu.vector_store %arg8[%swap3A_546, %swap3A_547, %swap3A_548], %swap3A_551 {strides = array<i32>} : memref<3x200x128xf32, #tpu.memory_space<vmem>>, vector<1x1x16xf32>,
      %get3A_552 = arith.constant 1 : i32
      %get3A_553 = arith.index_cast %get3A_552 : i32 to index
      %get3A_554 = arith.index_cast %add3A_435 : i32 to index
      %get3A_555 = arith.constant 80 : index
      %get3A_556 = tpu.vector_load %arg8[%get3A_553, %get3A_554, %get3A_555] {strides = array<i32>} : memref<3x200x128xf32, #tpu.memory_space<vmem>>, vector<1x1x16xf32>,
      %get3A_557 = vector.shape_cast %get3A_556 : vector<1x1x16xf32> to vector<16xf32>
      %mul3A_558 = arith.constant 11.3137083 : f32
      %mul3A_559 = vector.broadcast %mul3A_558 : f32 to vector<16xf32>
      %mul3A_560 = arith.mulf %get3A_557, %mul3A_559 : vector<16xf32>
      %add3A_561 = arith.addf %mul3A_560, %bitcast_convert_type3A_534 : vector<16xf32>
      %swap3A_562 = arith.constant 1 : i32
      %swap3A_563 = arith.index_cast %swap3A_562 : i32 to index
      %swap3A_564 = arith.index_cast %add3A_435 : i32 to index
      %swap3A_565 = arith.constant 80 : index
      %swap3A_566 = tpu.vector_load %arg8[%swap3A_563, %swap3A_564, %swap3A_565] {strides = array<i32>} : memref<3x200x128xf32, #tpu.memory_space<vmem>>, vector<1x1x16xf32>,
      %swap3A_567 = vector.shape_cast %swap3A_566 : vector<1x1x16xf32> to vector<16xf32>
      %swap3A_568 = vector.shape_cast %add3A_561 : vector<16xf32> to vector<1x1x16xf32>
      tpu.vector_store %arg8[%swap3A_563, %swap3A_564, %swap3A_565], %swap3A_568 {strides = array<i32>} : memref<3x200x128xf32, #tpu.memory_space<vmem>>, vector<1x1x16xf32>,
      %get3A_569 = arith.index_cast %add3A_435 : i32 to index
      %get3A_570 = arith.constant 48 : index
      %get3A_571 = tpu.vector_load %arg7[%get3A_569, %get3A_570] {strides = array<i32>} : memref<200x64xi32, #tpu.memory_space<vmem>>, vector<1x16xi32>,
      %get3A_572 = vector.shape_cast %get3A_571 : vector<1x16xi32> to vector<16xi32>
      %shift_left3A_573 = arith.constant 16 : i32
      %shift_left3A_574 = vector.broadcast %shift_left3A_573 : i32 to vector<16xi32>
      %shift_left3A_575 = arith.shli %get3A_572, %shift_left3A_574 : vector<16xi32>
      %bitcast_convert_type3A_576 = tpu.bitcast %shift_left3A_575 : vector<16xi32> -> vector<16xf32>
      %and3A_577 = arith.constant -65536 : i32
      %and3A_578 = vector.broadcast %and3A_577 : i32 to vector<16xi32>
      %and3A_579 = arith.andi %get3A_572, %and3A_578 : vector<16xi32>
      %bitcast_convert_type3A_580 = tpu.bitcast %and3A_579 : vector<16xi32> -> vector<16xf32>
      %get3A_581 = arith.constant 1 : i32
      %get3A_582 = arith.index_cast %get3A_581 : i32 to index
      %get3A_583 = arith.index_cast %add3A_435 : i32 to index
      %get3A_584 = arith.constant 96 : index
      %get3A_585 = tpu.vector_load %arg8[%get3A_582, %get3A_583, %get3A_584] {strides = array<i32>} : memref<3x200x128xf32, #tpu.memory_space<vmem>>, vector<1x1x16xf32>,
      %get3A_586 = vector.shape_cast %get3A_585 : vector<1x1x16xf32> to vector<16xf32>
      %mul3A_587 = arith.constant 11.3137083 : f32
      %mul3A_588 = vector.broadcast %mul3A_587 : f32 to vector<16xf32>
      %mul3A_589 = arith.mulf %get3A_586, %mul3A_588 : vector<16xf32>
      %add3A_590 = arith.addf %mul3A_589, %bitcast_convert_type3A_576 : vector<16xf32>
      %swap3A_591 = arith.constant 1 : i32
      %swap3A_592 = arith.index_cast %swap3A_591 : i32 to index
      %swap3A_593 = arith.index_cast %add3A_435 : i32 to index
      %swap3A_594 = arith.constant 96 : index
      %swap3A_595 = tpu.vector_load %arg8[%swap3A_592, %swap3A_593, %swap3A_594] {strides = array<i32>} : memref<3x200x128xf32, #tpu.memory_space<vmem>>, vector<1x1x16xf32>,
      %swap3A_596 = vector.shape_cast %swap3A_595 : vector<1x1x16xf32> to vector<16xf32>
      %swap3A_597 = vector.shape_cast %add3A_590 : vector<16xf32> to vector<1x1x16xf32>
      tpu.vector_store %arg8[%swap3A_592, %swap3A_593, %swap3A_594], %swap3A_597 {strides = array<i32>} : memref<3x200x128xf32, #tpu.memory_space<vmem>>, vector<1x1x16xf32>,
      %get3A_598 = arith.constant 1 : i32
      %get3A_599 = arith.index_cast %get3A_598 : i32 to index
      %get3A_600 = arith.index_cast %add3A_435 : i32 to index
      %get3A_601 = arith.constant 112 : index
      %get3A_602 = tpu.vector_load %arg8[%get3A_599, %get3A_600, %get3A_601] {strides = array<i32>} : memref<3x200x128xf32, #tpu.memory_space<vmem>>, vector<1x1x16xf32>,
      %get3A_603 = vector.shape_cast %get3A_602 : vector<1x1x16xf32> to vector<16xf32>
      %mul3A_604 = arith.constant 11.3137083 : f32
      %mul3A_605 = vector.broadcast %mul3A_604 : f32 to vector<16xf32>
      %mul3A_606 = arith.mulf %get3A_603, %mul3A_605 : vector<16xf32>
      %add3A_607 = arith.addf %mul3A_606, %bitcast_convert_type3A_580 : vector<16xf32>
      %swap3A_608 = arith.constant 1 : i32
      %swap3A_609 = arith.index_cast %swap3A_608 : i32 to index
      %swap3A_610 = arith.index_cast %add3A_435 : i32 to index
      %swap3A_611 = arith.constant 112 : index
      %swap3A_612 = tpu.vector_load %arg8[%swap3A_609, %swap3A_610, %swap3A_611] {strides = array<i32>} : memref<3x200x128xf32, #tpu.memory_space<vmem>>, vector<1x1x16xf32>,
      %swap3A_613 = vector.shape_cast %swap3A_612 : vector<1x1x16xf32> to vector<16xf32>
      %swap3A_614 = vector.shape_cast %add3A_607 : vector<16xf32> to vector<1x1x16xf32>
      tpu.vector_store %arg8[%swap3A_609, %swap3A_610, %swap3A_611], %swap3A_614 {strides = array<i32>} : memref<3x200x128xf32, #tpu.memory_space<vmem>>, vector<1x1x16xf32>,
      %mul3A_615 = arith.constant 2 : i32
      %mul3A_616 = arith.muli %mul3A_615, %scan3A_431 : i32
      %add3A_617 = arith.constant 1 : i32
      %add3A_618 = arith.addi %mul3A_616, %add3A_617 : i32
      %get3A_619 = arith.index_cast %add3A_618 : i32 to index
      %get3A_620 = arith.constant 0 : index
      %get3A_621 = tpu.vector_load %arg7[%get3A_619, %get3A_620] {strides = array<i32>} : memref<200x64xi32, #tpu.memory_space<vmem>>, vector<1x16xi32>,
      %get3A_622 = vector.shape_cast %get3A_621 : vector<1x16xi32> to vector<16xi32>
      %shift_left3A_623 = arith.constant 16 : i32
      %shift_left3A_624 = vector.broadcast %shift_left3A_623 : i32 to vector<16xi32>
      %shift_left3A_625 = arith.shli %get3A_622, %shift_left3A_624 : vector<16xi32>
      %bitcast_convert_type3A_626 = tpu.bitcast %shift_left3A_625 : vector<16xi32> -> vector<16xf32>
      %and3A_627 = arith.constant -65536 : i32
      %and3A_628 = vector.broadcast %and3A_627 : i32 to vector<16xi32>
      %and3A_629 = arith.andi %get3A_622, %and3A_628 : vector<16xi32>
      %bitcast_convert_type3A_630 = tpu.bitcast %and3A_629 : vector<16xi32> -> vector<16xf32>
      %get3A_631 = arith.constant 1 : i32
      %get3A_632 = arith.index_cast %get3A_631 : i32 to index
      %get3A_633 = arith.index_cast %add3A_618 : i32 to index
      %get3A_634 = arith.constant 0 : index
      %get3A_635 = tpu.vector_load %arg8[%get3A_632, %get3A_633, %get3A_634] {strides = array<i32>} : memref<3x200x128xf32, #tpu.memory_space<vmem>>, vector<1x1x16xf32>,
      %get3A_636 = vector.shape_cast %get3A_635 : vector<1x1x16xf32> to vector<16xf32>
      %mul3A_637 = arith.constant 11.3137083 : f32
      %mul3A_638 = vector.broadcast %mul3A_637 : f32 to vector<16xf32>
      %mul3A_639 = arith.mulf %get3A_636, %mul3A_638 : vector<16xf32>
      %add3A_640 = arith.addf %mul3A_639, %bitcast_convert_type3A_626 : vector<16xf32>
      %swap3A_641 = arith.constant 1 : i32
      %swap3A_642 = arith.index_cast %swap3A_641 : i32 to index
      %swap3A_643 = arith.index_cast %add3A_618 : i32 to index
      %swap3A_644 = arith.constant 0 : index
      %swap3A_645 = tpu.vector_load %arg8[%swap3A_642, %swap3A_643, %swap3A_644] {strides = array<i32>} : memref<3x200x128xf32, #tpu.memory_space<vmem>>, vector<1x1x16xf32>,
      %swap3A_646 = vector.shape_cast %swap3A_645 : vector<1x1x16xf32> to vector<16xf32>
      %swap3A_647 = vector.shape_cast %add3A_640 : vector<16xf32> to vector<1x1x16xf32>
      tpu.vector_store %arg8[%swap3A_642, %swap3A_643, %swap3A_644], %swap3A_647 {strides = array<i32>} : memref<3x200x128xf32, #tpu.memory_space<vmem>>, vector<1x1x16xf32>,
      %get3A_648 = arith.constant 1 : i32
      %get3A_649 = arith.index_cast %get3A_648 : i32 to index
      %get3A_650 = arith.index_cast %add3A_618 : i32 to index
      %get3A_651 = arith.constant 16 : index
      %get3A_652 = tpu.vector_load %arg8[%get3A_649, %get3A_650, %get3A_651] {strides = array<i32>} : memref<3x200x128xf32, #tpu.memory_space<vmem>>, vector<1x1x16xf32>,
      %get3A_653 = vector.shape_cast %get3A_652 : vector<1x1x16xf32> to vector<16xf32>
      %mul3A_654 = arith.constant 11.3137083 : f32
      %mul3A_655 = vector.broadcast %mul3A_654 : f32 to vector<16xf32>
      %mul3A_656 = arith.mulf %get3A_653, %mul3A_655 : vector<16xf32>
      %add3A_657 = arith.addf %mul3A_656, %bitcast_convert_type3A_630 : vector<16xf32>
      %swap3A_658 = arith.constant 1 : i32
      %swap3A_659 = arith.index_cast %swap3A_658 : i32 to index
      %swap3A_660 = arith.index_cast %add3A_618 : i32 to index
      %swap3A_661 = arith.constant 16 : index
      %swap3A_662 = tpu.vector_load %arg8[%swap3A_659, %swap3A_660, %swap3A_661] {strides = array<i32>} : memref<3x200x128xf32, #tpu.memory_space<vmem>>, vector<1x1x16xf32>,
      %swap3A_663 = vector.shape_cast %swap3A_662 : vector<1x1x16xf32> to vector<16xf32>
      %swap3A_664 = vector.shape_cast %add3A_657 : vector<16xf32> to vector<1x1x16xf32>
      tpu.vector_store %arg8[%swap3A_659, %swap3A_660, %swap3A_661], %swap3A_664 {strides = array<i32>} : memref<3x200x128xf32, #tpu.memory_space<vmem>>, vector<1x1x16xf32>,
      %get3A_665 = arith.index_cast %add3A_618 : i32 to index
      %get3A_666 = arith.constant 16 : index
      %get3A_667 = tpu.vector_load %arg7[%get3A_665, %get3A_666] {strides = array<i32>} : memref<200x64xi32, #tpu.memory_space<vmem>>, vector<1x16xi32>,
      %get3A_668 = vector.shape_cast %get3A_667 : vector<1x16xi32> to vector<16xi32>
      %shift_left3A_669 = arith.constant 16 : i32
      %shift_left3A_670 = vector.broadcast %shift_left3A_669 : i32 to vector<16xi32>
      %shift_left3A_671 = arith.shli %get3A_668, %shift_left3A_670 : vector<16xi32>
      %bitcast_convert_type3A_672 = tpu.bitcast %shift_left3A_671 : vector<16xi32> -> vector<16xf32>
      %and3A_673 = arith.constant -65536 : i32
      %and3A_674 = vector.broadcast %and3A_673 : i32 to vector<16xi32>
      %and3A_675 = arith.andi %get3A_668, %and3A_674 : vector<16xi32>
      %bitcast_convert_type3A_676 = tpu.bitcast %and3A_675 : vector<16xi32> -> vector<16xf32>
      %get3A_677 = arith.constant 1 : i32
      %get3A_678 = arith.index_cast %get3A_677 : i32 to index
      %get3A_679 = arith.index_cast %add3A_618 : i32 to index
      %get3A_680 = arith.constant 32 : index
      %get3A_681 = tpu.vector_load %arg8[%get3A_678, %get3A_679, %get3A_680] {strides = array<i32>} : memref<3x200x128xf32, #tpu.memory_space<vmem>>, vector<1x1x16xf32>,
      %get3A_682 = vector.shape_cast %get3A_681 : vector<1x1x16xf32> to vector<16xf32>
      %mul3A_683 = arith.constant 11.3137083 : f32
      %mul3A_684 = vector.broadcast %mul3A_683 : f32 to vector<16xf32>
      %mul3A_685 = arith.mulf %get3A_682, %mul3A_684 : vector<16xf32>
      %add3A_686 = arith.addf %mul3A_685, %bitcast_convert_type3A_672 : vector<16xf32>
      %swap3A_687 = arith.constant 1 : i32
      %swap3A_688 = arith.index_cast %swap3A_687 : i32 to index
      %swap3A_689 = arith.index_cast %add3A_618 : i32 to index
      %swap3A_690 = arith.constant 32 : index
      %swap3A_691 = tpu.vector_load %arg8[%swap3A_688, %swap3A_689, %swap3A_690] {strides = array<i32>} : memref<3x200x128xf32, #tpu.memory_space<vmem>>, vector<1x1x16xf32>,
      %swap3A_692 = vector.shape_cast %swap3A_691 : vector<1x1x16xf32> to vector<16xf32>
      %swap3A_693 = vector.shape_cast %add3A_686 : vector<16xf32> to vector<1x1x16xf32>
      tpu.vector_store %arg8[%swap3A_688, %swap3A_689, %swap3A_690], %swap3A_693 {strides = array<i32>} : memref<3x200x128xf32, #tpu.memory_space<vmem>>, vector<1x1x16xf32>,
      %get3A_694 = arith.constant 1 : i32
      %get3A_695 = arith.index_cast %get3A_694 : i32 to index
      %get3A_696 = arith.index_cast %add3A_618 : i32 to index
      %get3A_697 = arith.constant 48 : index
      %get3A_698 = tpu.vector_load %arg8[%get3A_695, %get3A_696, %get3A_697] {strides = array<i32>} : memref<3x200x128xf32, #tpu.memory_space<vmem>>, vector<1x1x16xf32>,
      %get3A_699 = vector.shape_cast %get3A_698 : vector<1x1x16xf32> to vector<16xf32>
      %mul3A_700 = arith.constant 11.3137083 : f32
      %mul3A_701 = vector.broadcast %mul3A_700 : f32 to vector<16xf32>
      %mul3A_702 = arith.mulf %get3A_699, %mul3A_701 : vector<16xf32>
      %add3A_703 = arith.addf %mul3A_702, %bitcast_convert_type3A_676 : vector<16xf32>
      %swap3A_704 = arith.constant 1 : i32
      %swap3A_705 = arith.index_cast %swap3A_704 : i32 to index
      %swap3A_706 = arith.index_cast %add3A_618 : i32 to index
      %swap3A_707 = arith.constant 48 : index
      %swap3A_708 = tpu.vector_load %arg8[%swap3A_705, %swap3A_706, %swap3A_707] {strides = array<i32>} : memref<3x200x128xf32, #tpu.memory_space<vmem>>, vector<1x1x16xf32>,
      %swap3A_709 = vector.shape_cast %swap3A_708 : vector<1x1x16xf32> to vector<16xf32>
      %swap3A_710 = vector.shape_cast %add3A_703 : vector<16xf32> to vector<1x1x16xf32>
      tpu.vector_store %arg8[%swap3A_705, %swap3A_706, %swap3A_707], %swap3A_710 {strides = array<i32>} : memref<3x200x128xf32, #tpu.memory_space<vmem>>, vector<1x1x16xf32>,
      %get3A_711 = arith.index_cast %add3A_618 : i32 to index
      %get3A_712 = arith.constant 32 : index
      %get3A_713 = tpu.vector_load %arg7[%get3A_711, %get3A_712] {strides = array<i32>} : memref<200x64xi32, #tpu.memory_space<vmem>>, vector<1x16xi32>,
      %get3A_714 = vector.shape_cast %get3A_713 : vector<1x16xi32> to vector<16xi32>
      %shift_left3A_715 = arith.constant 16 : i32
      %shift_left3A_716 = vector.broadcast %shift_left3A_715 : i32 to vector<16xi32>
      %shift_left3A_717 = arith.shli %get3A_714, %shift_left3A_716 : vector<16xi32>
      %bitcast_convert_type3A_718 = tpu.bitcast %shift_left3A_717 : vector<16xi32> -> vector<16xf32>
      %and3A_719 = arith.constant -65536 : i32
      %and3A_720 = vector.broadcast %and3A_719 : i32 to vector<16xi32>
      %and3A_721 = arith.andi %get3A_714, %and3A_720 : vector<16xi32>
      %bitcast_convert_type3A_722 = tpu.bitcast %and3A_721 : vector<16xi32> -> vector<16xf32>
      %get3A_723 = arith.constant 1 : i32
      %get3A_724 = arith.index_cast %get3A_723 : i32 to index
      %get3A_725 = arith.index_cast %add3A_618 : i32 to index
      %get3A_726 = arith.constant 64 : index
      %get3A_727 = tpu.vector_load %arg8[%get3A_724, %get3A_725, %get3A_726] {strides = array<i32>} : memref<3x200x128xf32, #tpu.memory_space<vmem>>, vector<1x1x16xf32>,
      %get3A_728 = vector.shape_cast %get3A_727 : vector<1x1x16xf32> to vector<16xf32>
      %mul3A_729 = arith.constant 11.3137083 : f32
      %mul3A_730 = vector.broadcast %mul3A_729 : f32 to vector<16xf32>
      %mul3A_731 = arith.mulf %get3A_728, %mul3A_730 : vector<16xf32>
      %add3A_732 = arith.addf %mul3A_731, %bitcast_convert_type3A_718 : vector<16xf32>
      %swap3A_733 = arith.constant 1 : i32
      %swap3A_734 = arith.index_cast %swap3A_733 : i32 to index
      %swap3A_735 = arith.index_cast %add3A_618 : i32 to index
      %swap3A_736 = arith.constant 64 : index
      %swap3A_737 = tpu.vector_load %arg8[%swap3A_734, %swap3A_735, %swap3A_736] {strides = array<i32>} : memref<3x200x128xf32, #tpu.memory_space<vmem>>, vector<1x1x16xf32>,
      %swap3A_738 = vector.shape_cast %swap3A_737 : vector<1x1x16xf32> to vector<16xf32>
      %swap3A_739 = vector.shape_cast %add3A_732 : vector<16xf32> to vector<1x1x16xf32>
      tpu.vector_store %arg8[%swap3A_734, %swap3A_735, %swap3A_736], %swap3A_739 {strides = array<i32>} : memref<3x200x128xf32, #tpu.memory_space<vmem>>, vector<1x1x16xf32>,
      %get3A_740 = arith.constant 1 : i32
      %get3A_741 = arith.index_cast %get3A_740 : i32 to index
      %get3A_742 = arith.index_cast %add3A_618 : i32 to index
      %get3A_743 = arith.constant 80 : index
      %get3A_744 = tpu.vector_load %arg8[%get3A_741, %get3A_742, %get3A_743] {strides = array<i32>} : memref<3x200x128xf32, #tpu.memory_space<vmem>>, vector<1x1x16xf32>,
      %get3A_745 = vector.shape_cast %get3A_744 : vector<1x1x16xf32> to vector<16xf32>
      %mul3A_746 = arith.constant 11.3137083 : f32
      %mul3A_747 = vector.broadcast %mul3A_746 : f32 to vector<16xf32>
      %mul3A_748 = arith.mulf %get3A_745, %mul3A_747 : vector<16xf32>
      %add3A_749 = arith.addf %mul3A_748, %bitcast_convert_type3A_722 : vector<16xf32>
      %swap3A_750 = arith.constant 1 : i32
      %swap3A_751 = arith.index_cast %swap3A_750 : i32 to index
      %swap3A_752 = arith.index_cast %add3A_618 : i32 to index
      %swap3A_753 = arith.constant 80 : index
      %swap3A_754 = tpu.vector_load %arg8[%swap3A_751, %swap3A_752, %swap3A_753] {strides = array<i32>} : memref<3x200x128xf32, #tpu.memory_space<vmem>>, vector<1x1x16xf32>,
      %swap3A_755 = vector.shape_cast %swap3A_754 : vector<1x1x16xf32> to vector<16xf32>
      %swap3A_756 = vector.shape_cast %add3A_749 : vector<16xf32> to vector<1x1x16xf32>
      tpu.vector_store %arg8[%swap3A_751, %swap3A_752, %swap3A_753], %swap3A_756 {strides = array<i32>} : memref<3x200x128xf32, #tpu.memory_space<vmem>>, vector<1x1x16xf32>,
      %get3A_757 = arith.index_cast %add3A_618 : i32 to index
      %get3A_758 = arith.constant 48 : index
      %get3A_759 = tpu.vector_load %arg7[%get3A_757, %get3A_758] {strides = array<i32>} : memref<200x64xi32, #tpu.memory_space<vmem>>, vector<1x16xi32>,
      %get3A_760 = vector.shape_cast %get3A_759 : vector<1x16xi32> to vector<16xi32>
      %shift_left3A_761 = arith.constant 16 : i32
      %shift_left3A_762 = vector.broadcast %shift_left3A_761 : i32 to vector<16xi32>
      %shift_left3A_763 = arith.shli %get3A_760, %shift_left3A_762 : vector<16xi32>
      %bitcast_convert_type3A_764 = tpu.bitcast %shift_left3A_763 : vector<16xi32> -> vector<16xf32>
      %and3A_765 = arith.constant -65536 : i32
      %and3A_766 = vector.broadcast %and3A_765 : i32 to vector<16xi32>
      %and3A_767 = arith.andi %get3A_760, %and3A_766 : vector<16xi32>
      %bitcast_convert_type3A_768 = tpu.bitcast %and3A_767 : vector<16xi32> -> vector<16xf32>
      %get3A_769 = arith.constant 1 : i32
      %get3A_770 = arith.index_cast %get3A_769 : i32 to index
      %get3A_771 = arith.index_cast %add3A_618 : i32 to index
      %get3A_772 = arith.constant 96 : index
      %get3A_773 = tpu.vector_load %arg8[%get3A_770, %get3A_771, %get3A_772] {strides = array<i32>} : memref<3x200x128xf32, #tpu.memory_space<vmem>>, vector<1x1x16xf32>,
      %get3A_774 = vector.shape_cast %get3A_773 : vector<1x1x16xf32> to vector<16xf32>
      %mul3A_775 = arith.constant 11.3137083 : f32
      %mul3A_776 = vector.broadcast %mul3A_775 : f32 to vector<16xf32>
      %mul3A_777 = arith.mulf %get3A_774, %mul3A_776 : vector<16xf32>
      %add3A_778 = arith.addf %mul3A_777, %bitcast_convert_type3A_764 : vector<16xf32>
      %swap3A_779 = arith.constant 1 : i32
      %swap3A_780 = arith.index_cast %swap3A_779 : i32 to index
      %swap3A_781 = arith.index_cast %add3A_618 : i32 to index
      %swap3A_782 = arith.constant 96 : index
      %swap3A_783 = tpu.vector_load %arg8[%swap3A_780, %swap3A_781, %swap3A_782] {strides = array<i32>} : memref<3x200x128xf32, #tpu.memory_space<vmem>>, vector<1x1x16xf32>,
      %swap3A_784 = vector.shape_cast %swap3A_783 : vector<1x1x16xf32> to vector<16xf32>
      %swap3A_785 = vector.shape_cast %add3A_778 : vector<16xf32> to vector<1x1x16xf32>
      tpu.vector_store %arg8[%swap3A_780, %swap3A_781, %swap3A_782], %swap3A_785 {strides = array<i32>} : memref<3x200x128xf32, #tpu.memory_space<vmem>>, vector<1x1x16xf32>,
      %get3A_786 = arith.constant 1 : i32
      %get3A_787 = arith.index_cast %get3A_786 : i32 to index
      %get3A_788 = arith.index_cast %add3A_618 : i32 to index
      %get3A_789 = arith.constant 112 : index
      %get3A_790 = tpu.vector_load %arg8[%get3A_787, %get3A_788, %get3A_789] {strides = array<i32>} : memref<3x200x128xf32, #tpu.memory_space<vmem>>, vector<1x1x16xf32>,
      %get3A_791 = vector.shape_cast %get3A_790 : vector<1x1x16xf32> to vector<16xf32>
      %mul3A_792 = arith.constant 11.3137083 : f32
      %mul3A_793 = vector.broadcast %mul3A_792 : f32 to vector<16xf32>
      %mul3A_794 = arith.mulf %get3A_791, %mul3A_793 : vector<16xf32>
      %add3A_795 = arith.addf %mul3A_794, %bitcast_convert_type3A_768 : vector<16xf32>
      %swap3A_796 = arith.constant 1 : i32
      %swap3A_797 = arith.index_cast %swap3A_796 : i32 to index
      %swap3A_798 = arith.index_cast %add3A_618 : i32 to index
      %swap3A_799 = arith.constant 112 : index
      %swap3A_800 = tpu.vector_load %arg8[%swap3A_797, %swap3A_798, %swap3A_799] {strides = array<i32>} : memref<3x200x128xf32, #tpu.memory_space<vmem>>, vector<1x1x16xf32>,
      %swap3A_801 = vector.shape_cast %swap3A_800 : vector<1x1x16xf32> to vector<16xf32>
      %swap3A_802 = vector.shape_cast %add3A_795 : vector<16xf32> to vector<1x1x16xf32>
      tpu.vector_store %arg8[%swap3A_797, %swap3A_798, %swap3A_799], %swap3A_802 {strides = array<i32>} : memref<3x200x128xf32, #tpu.memory_space<vmem>>, vector<1x1x16xf32>,
    }
    %scan3A_138 = arith.constant 100 : i32
    %dma_wait3A_139 = arith.constant 0 : i32
    %dma_wait3A_140 = arith.constant 0 : i32
    %dma_wait3A_141 = arith.constant 0 : i32
    %dma_wait3A_142 = arith.constant 0 : i32
    %dma_wait3A_143 = tpu.memref_slice %arg8[%dma_wait3A_139, %dma_wait3A_141, %dma_wait3A_142] : memref<3x200x128xf32, #tpu.memory_space<vmem>> -> memref<1x200x128xf32, #tpu.memory_space<vmem>>
    %dma_wait3A_144 = tpu.memref_squeeze %dma_wait3A_143 : memref<1x200x128xf32, #tpu.memory_space<vmem>> -> memref<200x128xf32, #tpu.memory_space<vmem>>
    %dma_wait3A_145 = arith.constant 0 : i32
    %dma_wait3A_146 = arith.constant 0 : i32
    %dma_wait3A_147 = tpu.memref_slice %arg5[%dma_wait3A_140, %dma_wait3A_145, %dma_wait3A_146] : memref<1024x200x128xf32, #tpu.memory_space<hbm>> -> memref<1x200x128xf32, #tpu.memory_space<hbm>>
    %dma_wait3A_148 = tpu.memref_squeeze %dma_wait3A_147 : memref<1x200x128xf32, #tpu.memory_space<hbm>> -> memref<200x128xf32, #tpu.memory_space<hbm>>
    %dma_wait3A_149 = arith.constant 0 : i32
    %dma_wait3A_150 = arith.constant 0 : i32
    %dma_wait3A_151 = tpu.memref_slice %arg5[%dma_wait3A_140, %dma_wait3A_149, %dma_wait3A_150] : memref<1024x200x128xf32, #tpu.memory_space<hbm>> -> memref<1x200x128xf32, #tpu.memory_space<hbm>>
    %dma_wait3A_152 = tpu.memref_squeeze %dma_wait3A_151 : memref<1x200x128xf32, #tpu.memory_space<hbm>> -> memref<200x128xf32, #tpu.memory_space<hbm>>
    %dma_wait3A_153 = arith.constant 0 : i32
    %dma_wait3A_154 = arith.constant 0 : i32
    %dma_wait3A_155 = tpu.memref_slice %arg8[%dma_wait3A_139, %dma_wait3A_153, %dma_wait3A_154] : memref<3x200x128xf32, #tpu.memory_space<vmem>> -> memref<1x200x128xf32, #tpu.memory_space<vmem>>
    %dma_wait3A_156 = tpu.memref_squeeze %dma_wait3A_155 : memref<1x200x128xf32, #tpu.memory_space<vmem>> -> memref<200x128xf32, #tpu.memory_space<vmem>>
    tpu.wait_dma2 semaphore(%arg12 : memref<!tpu.dma_semaphore, #tpu.memory_space<semaphore_mem>>) src(%dma_wait3A_156 : memref<200x128xf32, #tpu.memory_space<vmem>>) dst(%dma_wait3A_152 : memref<200x128xf32, #tpu.memory_space<hbm>>)
    %dma_start3A_157 = arith.constant 6 : i32
    %dma_start3A_158 = arith.constant 0 : i32
    %dma_start3A_159 = arith.constant 0 : i32
    %dma_start3A_160 = arith.constant 0 : i32
    %dma_start3A_161 = tpu.memref_slice %arg8[%dma_start3A_158, %dma_start3A_159, %dma_start3A_160] : memref<3x200x128xf32, #tpu.memory_space<vmem>> -> memref<1x100x128xf32, #tpu.memory_space<vmem>>
    %dma_start3A_162 = tpu.memref_squeeze %dma_start3A_161 : memref<1x100x128xf32, #tpu.memory_space<vmem>> -> memref<100x128xf32, #tpu.memory_space<vmem>>
    %dma_start3A_163 = arith.constant 0 : i32
    %dma_start3A_164 = tpu.memref_slice %arg6[%dma_start3A_157, %dma_start3A_163] : memref<64x100xi32, #tpu.memory_space<vmem>> -> memref<1x100xi32, #tpu.memory_space<vmem>>
    %dma_start3A_165 = tpu.memref_squeeze %dma_start3A_164 : memref<1x100xi32, #tpu.memory_space<vmem>> -> memref<100xi32, #tpu.memory_space<vmem>>
    %dma_start3A_166 = arith.constant 0 : i32
    %dma_start3A_167 = arith.constant 0 : i32
    %dma_start3A_168 = tpu.memref_slice %arg3[%dma_start3A_166, %dma_start3A_167] : memref<100000x128xf32, #tpu.memory_space<hbm>> -> memref<100000x128xf32, #tpu.memory_space<hbm>>
    tpu.enqueue_indirect_dma source(%dma_start3A_168 : memref<100000x128xf32, #tpu.memory_space<hbm>>) target(%dma_start3A_162 : memref<100x128xf32, #tpu.memory_space<vmem>>) offsets(%dma_start3A_165 : memref<100xi32, #tpu.memory_space<vmem>>) semaphore(%arg9 : memref<!tpu.dma_semaphore, #tpu.memory_space<semaphore_mem>>)
    %dma_start3A_169 = arith.constant 7 : i32
    %dma_start3A_170 = arith.constant 0 : i32
    %dma_start3A_171 = arith.constant 100 : i32
    %dma_start3A_172 = arith.constant 0 : i32
    %dma_start3A_173 = tpu.memref_slice %arg8[%dma_start3A_170, %dma_start3A_171, %dma_start3A_172] : memref<3x200x128xf32, #tpu.memory_space<vmem>> -> memref<1x100x128xf32, #tpu.memory_space<vmem>>
    %dma_start3A_174 = tpu.memref_squeeze %dma_start3A_173 : memref<1x100x128xf32, #tpu.memory_space<vmem>> -> memref<100x128xf32, #tpu.memory_space<vmem>>
    %dma_start3A_175 = arith.constant 0 : i32
    %dma_start3A_176 = tpu.memref_slice %arg6[%dma_start3A_169, %dma_start3A_175] : memref<64x100xi32, #tpu.memory_space<vmem>> -> memref<1x100xi32, #tpu.memory_space<vmem>>
    %dma_start3A_177 = tpu.memref_squeeze %dma_start3A_176 : memref<1x100xi32, #tpu.memory_space<vmem>> -> memref<100xi32, #tpu.memory_space<vmem>>
    %dma_start3A_178 = arith.constant 0 : i32
    %dma_start3A_179 = arith.constant 0 : i32
    %dma_start3A_180 = tpu.memref_slice %arg3[%dma_start3A_178, %dma_start3A_179] : memref<100000x128xf32, #tpu.memory_space<hbm>> -> memref<100000x128xf32, #tpu.memory_space<hbm>>
    tpu.enqueue_indirect_dma source(%dma_start3A_180 : memref<100000x128xf32, #tpu.memory_space<hbm>>) target(%dma_start3A_174 : memref<100x128xf32, #tpu.memory_space<vmem>>) offsets(%dma_start3A_177 : memref<100xi32, #tpu.memory_space<vmem>>) semaphore(%arg9 : memref<!tpu.dma_semaphore, #tpu.memory_space<semaphore_mem>>)
    %add3A_181 = arith.constant 1 : i32
    %add3A_182 = arith.addi %mul3A_2, %add3A_181 : i32
    %dma_start3A_183 = arith.constant 1 : i32
    %dma_start3A_184 = arith.constant 0 : i32
    %dma_start3A_185 = arith.constant 0 : i32
    %dma_start3A_186 = tpu.memref_slice %arg8[%dma_start3A_183, %dma_start3A_184, %dma_start3A_185] : memref<3x200x128xf32, #tpu.memory_space<vmem>> -> memref<1x200x128xf32, #tpu.memory_space<vmem>>
    %dma_start3A_187 = tpu.memref_squeeze %dma_start3A_186 : memref<1x200x128xf32, #tpu.memory_space<vmem>> -> memref<200x128xf32, #tpu.memory_space<vmem>>
    %dma_start3A_188 = arith.constant 0 : i32
    %dma_start3A_189 = arith.constant 0 : i32
    %dma_start3A_190 = tpu.memref_slice %arg5[%add3A_182, %dma_start3A_188, %dma_start3A_189] : memref<1024x200x128xf32, #tpu.memory_space<hbm>> -> memref<1x200x128xf32, #tpu.memory_space<hbm>>
    %dma_start3A_191 = tpu.memref_squeeze %dma_start3A_190 : memref<1x200x128xf32, #tpu.memory_space<hbm>> -> memref<200x128xf32, #tpu.memory_space<hbm>>
    %dma_start3A_192 = arith.constant 0 : i32
    %dma_start3A_193 = arith.constant 0 : i32
    %dma_start3A_194 = tpu.memref_slice %arg5[%add3A_182, %dma_start3A_192, %dma_start3A_193] : memref<1024x200x128xf32, #tpu.memory_space<hbm>> -> memref<1x200x128xf32, #tpu.memory_space<hbm>>
    %dma_start3A_195 = tpu.memref_squeeze %dma_start3A_194 : memref<1x200x128xf32, #tpu.memory_space<hbm>> -> memref<200x128xf32, #tpu.memory_space<hbm>>
    %dma_start3A_196 = arith.constant 0 : i32
    %dma_start3A_197 = arith.constant 0 : i32
    %dma_start3A_198 = tpu.memref_slice %arg8[%dma_start3A_183, %dma_start3A_196, %dma_start3A_197] : memref<3x200x128xf32, #tpu.memory_space<vmem>> -> memref<1x200x128xf32, #tpu.memory_space<vmem>>
    %dma_start3A_199 = tpu.memref_squeeze %dma_start3A_198 : memref<1x200x128xf32, #tpu.memory_space<vmem>> -> memref<200x128xf32, #tpu.memory_space<vmem>>
    tpu.enqueue_dma source(%dma_start3A_199 : memref<200x128xf32, #tpu.memory_space<vmem>>) target(%dma_start3A_195 : memref<200x128xf32, #tpu.memory_space<hbm>>) target_semaphore(%arg13 : memref<!tpu.dma_semaphore, #tpu.memory_space<semaphore_mem>>)
    %dma_wait3A_200 = arith.constant 0 : i32
    %dma_wait3A_201 = arith.constant 2 : i32
    %dma_wait3A_202 = arith.constant 0 : i32
    %dma_wait3A_203 = arith.constant 0 : i32
    %dma_wait3A_204 = tpu.memref_slice %arg8[%dma_wait3A_201, %dma_wait3A_202, %dma_wait3A_203] : memref<3x200x128xf32, #tpu.memory_space<vmem>> -> memref<1x200x128xf32, #tpu.memory_space<vmem>>
    %dma_wait3A_205 = tpu.memref_squeeze %dma_wait3A_204 : memref<1x200x128xf32, #tpu.memory_space<vmem>> -> memref<200x128xf32, #tpu.memory_space<vmem>>
    %dma_wait3A_206 = arith.constant 0 : i32
    %dma_wait3A_207 = arith.constant 0 : i32
    %dma_wait3A_208 = tpu.memref_slice %arg5[%dma_wait3A_200, %dma_wait3A_206, %dma_wait3A_207] : memref<1024x200x128xf32, #tpu.memory_space<hbm>> -> memref<1x200x128xf32, #tpu.memory_space<hbm>>
    %dma_wait3A_209 = tpu.memref_squeeze %dma_wait3A_208 : memref<1x200x128xf32, #tpu.memory_space<hbm>> -> memref<200x128xf32, #tpu.memory_space<hbm>>
    %dma_wait3A_210 = arith.constant 0 : i32
    %dma_wait3A_211 = arith.constant 0 : i32
    %dma_wait3A_212 = tpu.memref_slice %arg8[%dma_wait3A_201, %dma_wait3A_210, %dma_wait3A_211] : memref<3x200x128xf32, #tpu.memory_space<vmem>> -> memref<1x200x128xf32, #tpu.memory_space<vmem>>
    %dma_wait3A_213 = tpu.memref_squeeze %dma_wait3A_212 : memref<1x200x128xf32, #tpu.memory_space<vmem>> -> memref<200x128xf32, #tpu.memory_space<vmem>>
    %dma_wait3A_214 = arith.constant 0 : i32
    %dma_wait3A_215 = arith.constant 0 : i32
    %dma_wait3A_216 = tpu.memref_slice %arg5[%dma_wait3A_200, %dma_wait3A_214, %dma_wait3A_215] : memref<1024x200x128xf32, #tpu.memory_space<hbm>> -> memref<1x200x128xf32, #tpu.memory_space<hbm>>
    %dma_wait3A_217 = tpu.memref_squeeze %dma_wait3A_216 : memref<1x200x128xf32, #tpu.memory_space<hbm>> -> memref<200x128xf32, #tpu.memory_space<hbm>>
    tpu.wait_dma2 semaphore(%arg11 : memref<!tpu.dma_semaphore, #tpu.memory_space<semaphore_mem>>) src(%dma_wait3A_217 : memref<200x128xf32, #tpu.memory_space<hbm>>) dst(%dma_wait3A_213 : memref<200x128xf32, #tpu.memory_space<vmem>>)
    %scan3A_218 = arith.constant 0 : i32
    %scan3A_219 = arith.constant 0 : i32
    %scan3A_220 = arith.constant 100 : i32
    %scan3A_221 = arith.addi %scan3A_219, %scan3A_220 : i32
    %scan3A_222 = arith.constant 1 : i32
    scf.for %scan3A_431 = %scan3A_219 to %scan3A_221 step %scan3A_222  : i32 {
      %mul3A_432 = arith.constant 2 : i32
      %mul3A_433 = arith.muli %mul3A_432, %scan3A_431 : i32
      %add3A_434 = arith.constant 0 : i32
      %add3A_435 = arith.addi %mul3A_433, %add3A_434 : i32
      %get3A = arith.index_cast %add3A_435 : i32 to index
      %get3A_436 = arith.constant 0 : index
      %get3A_437 = tpu.vector_load %arg7[%get3A, %get3A_436] {strides = array<i32>} : memref<200x64xi32, #tpu.memory_space<vmem>>, vector<1x16xi32>,
      %get3A_438 = vector.shape_cast %get3A_437 : vector<1x16xi32> to vector<16xi32>
      %shift_left3A = arith.constant 16 : i32
      %shift_left3A_439 = vector.broadcast %shift_left3A : i32 to vector<16xi32>
      %shift_left3A_440 = arith.shli %get3A_438, %shift_left3A_439 : vector<16xi32>
      %bitcast_convert_type3A = tpu.bitcast %shift_left3A_440 : vector<16xi32> -> vector<16xf32>
      %and3A = arith.constant -65536 : i32
      %and3A_441 = vector.broadcast %and3A : i32 to vector<16xi32>
      %and3A_442 = arith.andi %get3A_438, %and3A_441 : vector<16xi32>
      %bitcast_convert_type3A_443 = tpu.bitcast %and3A_442 : vector<16xi32> -> vector<16xf32>
      %get3A_444 = arith.constant 2 : i32
      %get3A_445 = arith.index_cast %get3A_444 : i32 to index
      %get3A_446 = arith.index_cast %add3A_435 : i32 to index
      %get3A_447 = arith.constant 0 : index
      %get3A_448 = tpu.vector_load %arg8[%get3A_445, %get3A_446, %get3A_447] {strides = array<i32>} : memref<3x200x128xf32, #tpu.memory_space<vmem>>, vector<1x1x16xf32>,
      %get3A_449 = vector.shape_cast %get3A_448 : vector<1x1x16xf32> to vector<16xf32>
      %mul3A_450 = arith.constant 11.3137083 : f32
      %mul3A_451 = vector.broadcast %mul3A_450 : f32 to vector<16xf32>
      %mul3A_452 = arith.mulf %get3A_449, %mul3A_451 : vector<16xf32>
      %add3A_453 = arith.addf %mul3A_452, %bitcast_convert_type3A : vector<16xf32>
      %swap3A = arith.constant 2 : i32
      %swap3A_454 = arith.index_cast %swap3A : i32 to index
      %swap3A_455 = arith.index_cast %add3A_435 : i32 to index
      %swap3A_456 = arith.constant 0 : index
      %swap3A_457 = tpu.vector_load %arg8[%swap3A_454, %swap3A_455, %swap3A_456] {strides = array<i32>} : memref<3x200x128xf32, #tpu.memory_space<vmem>>, vector<1x1x16xf32>,
      %swap3A_458 = vector.shape_cast %swap3A_457 : vector<1x1x16xf32> to vector<16xf32>
      %swap3A_459 = vector.shape_cast %add3A_453 : vector<16xf32> to vector<1x1x16xf32>
      tpu.vector_store %arg8[%swap3A_454, %swap3A_455, %swap3A_456], %swap3A_459 {strides = array<i32>} : memref<3x200x128xf32, #tpu.memory_space<vmem>>, vector<1x1x16xf32>,
      %get3A_460 = arith.constant 2 : i32
      %get3A_461 = arith.index_cast %get3A_460 : i32 to index
      %get3A_462 = arith.index_cast %add3A_435 : i32 to index
      %get3A_463 = arith.constant 16 : index
      %get3A_464 = tpu.vector_load %arg8[%get3A_461, %get3A_462, %get3A_463] {strides = array<i32>} : memref<3x200x128xf32, #tpu.memory_space<vmem>>, vector<1x1x16xf32>,
      %get3A_465 = vector.shape_cast %get3A_464 : vector<1x1x16xf32> to vector<16xf32>
      %mul3A_466 = arith.constant 11.3137083 : f32
      %mul3A_467 = vector.broadcast %mul3A_466 : f32 to vector<16xf32>
      %mul3A_468 = arith.mulf %get3A_465, %mul3A_467 : vector<16xf32>
      %add3A_469 = arith.addf %mul3A_468, %bitcast_convert_type3A_443 : vector<16xf32>
      %swap3A_470 = arith.constant 2 : i32
      %swap3A_471 = arith.index_cast %swap3A_470 : i32 to index
      %swap3A_472 = arith.index_cast %add3A_435 : i32 to index
      %swap3A_473 = arith.constant 16 : index
      %swap3A_474 = tpu.vector_load %arg8[%swap3A_471, %swap3A_472, %swap3A_473] {strides = array<i32>} : memref<3x200x128xf32, #tpu.memory_space<vmem>>, vector<1x1x16xf32>,
      %swap3A_475 = vector.shape_cast %swap3A_474 : vector<1x1x16xf32> to vector<16xf32>
      %swap3A_476 = vector.shape_cast %add3A_469 : vector<16xf32> to vector<1x1x16xf32>
      tpu.vector_store %arg8[%swap3A_471, %swap3A_472, %swap3A_473], %swap3A_476 {strides = array<i32>} : memref<3x200x128xf32, #tpu.memory_space<vmem>>, vector<1x1x16xf32>,
      %get3A_477 = arith.index_cast %add3A_435 : i32 to index
      %get3A_478 = arith.constant 16 : index
      %get3A_479 = tpu.vector_load %arg7[%get3A_477, %get3A_478] {strides = array<i32>} : memref<200x64xi32, #tpu.memory_space<vmem>>, vector<1x16xi32>,
      %get3A_480 = vector.shape_cast %get3A_479 : vector<1x16xi32> to vector<16xi32>
      %shift_left3A_481 = arith.constant 16 : i32
      %shift_left3A_482 = vector.broadcast %shift_left3A_481 : i32 to vector<16xi32>
      %shift_left3A_483 = arith.shli %get3A_480, %shift_left3A_482 : vector<16xi32>
      %bitcast_convert_type3A_484 = tpu.bitcast %shift_left3A_483 : vector<16xi32> -> vector<16xf32>
      %and3A_485 = arith.constant -65536 : i32
      %and3A_486 = vector.broadcast %and3A_485 : i32 to vector<16xi32>
      %and3A_487 = arith.andi %get3A_480, %and3A_486 : vector<16xi32>
      %bitcast_convert_type3A_488 = tpu.bitcast %and3A_487 : vector<16xi32> -> vector<16xf32>
      %get3A_489 = arith.constant 2 : i32
      %get3A_490 = arith.index_cast %get3A_489 : i32 to index
      %get3A_491 = arith.index_cast %add3A_435 : i32 to index
      %get3A_492 = arith.constant 32 : index
      %get3A_493 = tpu.vector_load %arg8[%get3A_490, %get3A_491, %get3A_492] {strides = array<i32>} : memref<3x200x128xf32, #tpu.memory_space<vmem>>, vector<1x1x16xf32>,
      %get3A_494 = vector.shape_cast %get3A_493 : vector<1x1x16xf32> to vector<16xf32>
      %mul3A_495 = arith.constant 11.3137083 : f32
      %mul3A_496 = vector.broadcast %mul3A_495 : f32 to vector<16xf32>
      %mul3A_497 = arith.mulf %get3A_494, %mul3A_496 : vector<16xf32>
      %add3A_498 = arith.addf %mul3A_497, %bitcast_convert_type3A_484 : vector<16xf32>
      %swap3A_499 = arith.constant 2 : i32
      %swap3A_500 = arith.index_cast %swap3A_499 : i32 to index
      %swap3A_501 = arith.index_cast %add3A_435 : i32 to index
      %swap3A_502 = arith.constant 32 : index
      %swap3A_503 = tpu.vector_load %arg8[%swap3A_500, %swap3A_501, %swap3A_502] {strides = array<i32>} : memref<3x200x128xf32, #tpu.memory_space<vmem>>, vector<1x1x16xf32>,
      %swap3A_504 = vector.shape_cast %swap3A_503 : vector<1x1x16xf32> to vector<16xf32>
      %swap3A_505 = vector.shape_cast %add3A_498 : vector<16xf32> to vector<1x1x16xf32>
      tpu.vector_store %arg8[%swap3A_500, %swap3A_501, %swap3A_502], %swap3A_505 {strides = array<i32>} : memref<3x200x128xf32, #tpu.memory_space<vmem>>, vector<1x1x16xf32>,
      %get3A_506 = arith.constant 2 : i32
      %get3A_507 = arith.index_cast %get3A_506 : i32 to index
      %get3A_508 = arith.index_cast %add3A_435 : i32 to index
      %get3A_509 = arith.constant 48 : index
      %get3A_510 = tpu.vector_load %arg8[%get3A_507, %get3A_508, %get3A_509] {strides = array<i32>} : memref<3x200x128xf32, #tpu.memory_space<vmem>>, vector<1x1x16xf32>,
      %get3A_511 = vector.shape_cast %get3A_510 : vector<1x1x16xf32> to vector<16xf32>
      %mul3A_512 = arith.constant 11.3137083 : f32
      %mul3A_513 = vector.broadcast %mul3A_512 : f32 to vector<16xf32>
      %mul3A_514 = arith.mulf %get3A_511, %mul3A_513 : vector<16xf32>
      %add3A_515 = arith.addf %mul3A_514, %bitcast_convert_type3A_488 : vector<16xf32>
      %swap3A_516 = arith.constant 2 : i32
      %swap3A_517 = arith.index_cast %swap3A_516 : i32 to index
      %swap3A_518 = arith.index_cast %add3A_435 : i32 to index
      %swap3A_519 = arith.constant 48 : index
      %swap3A_520 = tpu.vector_load %arg8[%swap3A_517, %swap3A_518, %swap3A_519] {strides = array<i32>} : memref<3x200x128xf32, #tpu.memory_space<vmem>>, vector<1x1x16xf32>,
      %swap3A_521 = vector.shape_cast %swap3A_520 : vector<1x1x16xf32> to vector<16xf32>
      %swap3A_522 = vector.shape_cast %add3A_515 : vector<16xf32> to vector<1x1x16xf32>
      tpu.vector_store %arg8[%swap3A_517, %swap3A_518, %swap3A_519], %swap3A_522 {strides = array<i32>} : memref<3x200x128xf32, #tpu.memory_space<vmem>>, vector<1x1x16xf32>,
      %get3A_523 = arith.index_cast %add3A_435 : i32 to index
      %get3A_524 = arith.constant 32 : index
      %get3A_525 = tpu.vector_load %arg7[%get3A_523, %get3A_524] {strides = array<i32>} : memref<200x64xi32, #tpu.memory_space<vmem>>, vector<1x16xi32>,
      %get3A_526 = vector.shape_cast %get3A_525 : vector<1x16xi32> to vector<16xi32>
      %shift_left3A_527 = arith.constant 16 : i32
      %shift_left3A_528 = vector.broadcast %shift_left3A_527 : i32 to vector<16xi32>
      %shift_left3A_529 = arith.shli %get3A_526, %shift_left3A_528 : vector<16xi32>
      %bitcast_convert_type3A_530 = tpu.bitcast %shift_left3A_529 : vector<16xi32> -> vector<16xf32>
      %and3A_531 = arith.constant -65536 : i32
      %and3A_532 = vector.broadcast %and3A_531 : i32 to vector<16xi32>
      %and3A_533 = arith.andi %get3A_526, %and3A_532 : vector<16xi32>
      %bitcast_convert_type3A_534 = tpu.bitcast %and3A_533 : vector<16xi32> -> vector<16xf32>
      %get3A_535 = arith.constant 2 : i32
      %get3A_536 = arith.index_cast %get3A_535 : i32 to index
      %get3A_537 = arith.index_cast %add3A_435 : i32 to index
      %get3A_538 = arith.constant 64 : index
      %get3A_539 = tpu.vector_load %arg8[%get3A_536, %get3A_537, %get3A_538] {strides = array<i32>} : memref<3x200x128xf32, #tpu.memory_space<vmem>>, vector<1x1x16xf32>,
      %get3A_540 = vector.shape_cast %get3A_539 : vector<1x1x16xf32> to vector<16xf32>
      %mul3A_541 = arith.constant 11.3137083 : f32
      %mul3A_542 = vector.broadcast %mul3A_541 : f32 to vector<16xf32>
      %mul3A_543 = arith.mulf %get3A_540, %mul3A_542 : vector<16xf32>
      %add3A_544 = arith.addf %mul3A_543, %bitcast_convert_type3A_530 : vector<16xf32>
      %swap3A_545 = arith.constant 2 : i32
      %swap3A_546 = arith.index_cast %swap3A_545 : i32 to index
      %swap3A_547 = arith.index_cast %add3A_435 : i32 to index
      %swap3A_548 = arith.constant 64 : index
      %swap3A_549 = tpu.vector_load %arg8[%swap3A_546, %swap3A_547, %swap3A_548] {strides = array<i32>} : memref<3x200x128xf32, #tpu.memory_space<vmem>>, vector<1x1x16xf32>,
      %swap3A_550 = vector.shape_cast %swap3A_549 : vector<1x1x16xf32> to vector<16xf32>
      %swap3A_551 = vector.shape_cast %add3A_544 : vector<16xf32> to vector<1x1x16xf32>
      tpu.vector_store %arg8[%swap3A_546, %swap3A_547, %swap3A_548], %swap3A_551 {strides = array<i32>} : memref<3x200x128xf32, #tpu.memory_space<vmem>>, vector<1x1x16xf32>,
      %get3A_552 = arith.constant 2 : i32
      %get3A_553 = arith.index_cast %get3A_552 : i32 to index
      %get3A_554 = arith.index_cast %add3A_435 : i32 to index
      %get3A_555 = arith.constant 80 : index
      %get3A_556 = tpu.vector_load %arg8[%get3A_553, %get3A_554, %get3A_555] {strides = array<i32>} : memref<3x200x128xf32, #tpu.memory_space<vmem>>, vector<1x1x16xf32>,
      %get3A_557 = vector.shape_cast %get3A_556 : vector<1x1x16xf32> to vector<16xf32>
      %mul3A_558 = arith.constant 11.3137083 : f32
      %mul3A_559 = vector.broadcast %mul3A_558 : f32 to vector<16xf32>
      %mul3A_560 = arith.mulf %get3A_557, %mul3A_559 : vector<16xf32>
      %add3A_561 = arith.addf %mul3A_560, %bitcast_convert_type3A_534 : vector<16xf32>
      %swap3A_562 = arith.constant 2 : i32
      %swap3A_563 = arith.index_cast %swap3A_562 : i32 to index
      %swap3A_564 = arith.index_cast %add3A_435 : i32 to index
      %swap3A_565 = arith.constant 80 : index
      %swap3A_566 = tpu.vector_load %arg8[%swap3A_563, %swap3A_564, %swap3A_565] {strides = array<i32>} : memref<3x200x128xf32, #tpu.memory_space<vmem>>, vector<1x1x16xf32>,
      %swap3A_567 = vector.shape_cast %swap3A_566 : vector<1x1x16xf32> to vector<16xf32>
      %swap3A_568 = vector.shape_cast %add3A_561 : vector<16xf32> to vector<1x1x16xf32>
      tpu.vector_store %arg8[%swap3A_563, %swap3A_564, %swap3A_565], %swap3A_568 {strides = array<i32>} : memref<3x200x128xf32, #tpu.memory_space<vmem>>, vector<1x1x16xf32>,
      %get3A_569 = arith.index_cast %add3A_435 : i32 to index
      %get3A_570 = arith.constant 48 : index
      %get3A_571 = tpu.vector_load %arg7[%get3A_569, %get3A_570] {strides = array<i32>} : memref<200x64xi32, #tpu.memory_space<vmem>>, vector<1x16xi32>,
      %get3A_572 = vector.shape_cast %get3A_571 : vector<1x16xi32> to vector<16xi32>
      %shift_left3A_573 = arith.constant 16 : i32
      %shift_left3A_574 = vector.broadcast %shift_left3A_573 : i32 to vector<16xi32>
      %shift_left3A_575 = arith.shli %get3A_572, %shift_left3A_574 : vector<16xi32>
      %bitcast_convert_type3A_576 = tpu.bitcast %shift_left3A_575 : vector<16xi32> -> vector<16xf32>
      %and3A_577 = arith.constant -65536 : i32
      %and3A_578 = vector.broadcast %and3A_577 : i32 to vector<16xi32>
      %and3A_579 = arith.andi %get3A_572, %and3A_578 : vector<16xi32>
      %bitcast_convert_type3A_580 = tpu.bitcast %and3A_579 : vector<16xi32> -> vector<16xf32>
      %get3A_581 = arith.constant 2 : i32
      %get3A_582 = arith.index_cast %get3A_581 : i32 to index
      %get3A_583 = arith.index_cast %add3A_435 : i32 to index
      %get3A_584 = arith.constant 96 : index
      %get3A_585 = tpu.vector_load %arg8[%get3A_582, %get3A_583, %get3A_584] {strides = array<i32>} : memref<3x200x128xf32, #tpu.memory_space<vmem>>, vector<1x1x16xf32>,
      %get3A_586 = vector.shape_cast %get3A_585 : vector<1x1x16xf32> to vector<16xf32>
      %mul3A_587 = arith.constant 11.3137083 : f32
      %mul3A_588 = vector.broadcast %mul3A_587 : f32 to vector<16xf32>
      %mul3A_589 = arith.mulf %get3A_586, %mul3A_588 : vector<16xf32>
      %add3A_590 = arith.addf %mul3A_589, %bitcast_convert_type3A_576 : vector<16xf32>
      %swap3A_591 = arith.constant 2 : i32
      %swap3A_592 = arith.index_cast %swap3A_591 : i32 to index
      %swap3A_593 = arith.index_cast %add3A_435 : i32 to index
      %swap3A_594 = arith.constant 96 : index
      %swap3A_595 = tpu.vector_load %arg8[%swap3A_592, %swap3A_593, %swap3A_594] {strides = array<i32>} : memref<3x200x128xf32, #tpu.memory_space<vmem>>, vector<1x1x16xf32>,
      %swap3A_596 = vector.shape_cast %swap3A_595 : vector<1x1x16xf32> to vector<16xf32>
      %swap3A_597 = vector.shape_cast %add3A_590 : vector<16xf32> to vector<1x1x16xf32>
      tpu.vector_store %arg8[%swap3A_592, %swap3A_593, %swap3A_594], %swap3A_597 {strides = array<i32>} : memref<3x200x128xf32, #tpu.memory_space<vmem>>, vector<1x1x16xf32>,
      %get3A_598 = arith.constant 2 : i32
      %get3A_599 = arith.index_cast %get3A_598 : i32 to index
      %get3A_600 = arith.index_cast %add3A_435 : i32 to index
      %get3A_601 = arith.constant 112 : index
      %get3A_602 = tpu.vector_load %arg8[%get3A_599, %get3A_600, %get3A_601] {strides = array<i32>} : memref<3x200x128xf32, #tpu.memory_space<vmem>>, vector<1x1x16xf32>,
      %get3A_603 = vector.shape_cast %get3A_602 : vector<1x1x16xf32> to vector<16xf32>
      %mul3A_604 = arith.constant 11.3137083 : f32
      %mul3A_605 = vector.broadcast %mul3A_604 : f32 to vector<16xf32>
      %mul3A_606 = arith.mulf %get3A_603, %mul3A_605 : vector<16xf32>
      %add3A_607 = arith.addf %mul3A_606, %bitcast_convert_type3A_580 : vector<16xf32>
      %swap3A_608 = arith.constant 2 : i32
      %swap3A_609 = arith.index_cast %swap3A_608 : i32 to index
      %swap3A_610 = arith.index_cast %add3A_435 : i32 to index
      %swap3A_611 = arith.constant 112 : index
      %swap3A_612 = tpu.vector_load %arg8[%swap3A_609, %swap3A_610, %swap3A_611] {strides = array<i32>} : memref<3x200x128xf32, #tpu.memory_space<vmem>>, vector<1x1x16xf32>,
      %swap3A_613 = vector.shape_cast %swap3A_612 : vector<1x1x16xf32> to vector<16xf32>
      %swap3A_614 = vector.shape_cast %add3A_607 : vector<16xf32> to vector<1x1x16xf32>
      tpu.vector_store %arg8[%swap3A_609, %swap3A_610, %swap3A_611], %swap3A_614 {strides = array<i32>} : memref<3x200x128xf32, #tpu.memory_space<vmem>>, vector<1x1x16xf32>,
      %mul3A_615 = arith.constant 2 : i32
      %mul3A_616 = arith.muli %mul3A_615, %scan3A_431 : i32
      %add3A_617 = arith.constant 1 : i32
      %add3A_618 = arith.addi %mul3A_616, %add3A_617 : i32
      %get3A_619 = arith.index_cast %add3A_618 : i32 to index
      %get3A_620 = arith.constant 0 : index
      %get3A_621 = tpu.vector_load %arg7[%get3A_619, %get3A_620] {strides = array<i32>} : memref<200x64xi32, #tpu.memory_space<vmem>>, vector<1x16xi32>,
      %get3A_622 = vector.shape_cast %get3A_621 : vector<1x16xi32> to vector<16xi32>
      %shift_left3A_623 = arith.constant 16 : i32
      %shift_left3A_624 = vector.broadcast %shift_left3A_623 : i32 to vector<16xi32>
      %shift_left3A_625 = arith.shli %get3A_622, %shift_left3A_624 : vector<16xi32>
      %bitcast_convert_type3A_626 = tpu.bitcast %shift_left3A_625 : vector<16xi32> -> vector<16xf32>
      %and3A_627 = arith.constant -65536 : i32
      %and3A_628 = vector.broadcast %and3A_627 : i32 to vector<16xi32>
      %and3A_629 = arith.andi %get3A_622, %and3A_628 : vector<16xi32>
      %bitcast_convert_type3A_630 = tpu.bitcast %and3A_629 : vector<16xi32> -> vector<16xf32>
      %get3A_631 = arith.constant 2 : i32
      %get3A_632 = arith.index_cast %get3A_631 : i32 to index
      %get3A_633 = arith.index_cast %add3A_618 : i32 to index
      %get3A_634 = arith.constant 0 : index
      %get3A_635 = tpu.vector_load %arg8[%get3A_632, %get3A_633, %get3A_634] {strides = array<i32>} : memref<3x200x128xf32, #tpu.memory_space<vmem>>, vector<1x1x16xf32>,
      %get3A_636 = vector.shape_cast %get3A_635 : vector<1x1x16xf32> to vector<16xf32>
      %mul3A_637 = arith.constant 11.3137083 : f32
      %mul3A_638 = vector.broadcast %mul3A_637 : f32 to vector<16xf32>
      %mul3A_639 = arith.mulf %get3A_636, %mul3A_638 : vector<16xf32>
      %add3A_640 = arith.addf %mul3A_639, %bitcast_convert_type3A_626 : vector<16xf32>
      %swap3A_641 = arith.constant 2 : i32
      %swap3A_642 = arith.index_cast %swap3A_641 : i32 to index
      %swap3A_643 = arith.index_cast %add3A_618 : i32 to index
      %swap3A_644 = arith.constant 0 : index
      %swap3A_645 = tpu.vector_load %arg8[%swap3A_642, %swap3A_643, %swap3A_644] {strides = array<i32>} : memref<3x200x128xf32, #tpu.memory_space<vmem>>, vector<1x1x16xf32>,
      %swap3A_646 = vector.shape_cast %swap3A_645 : vector<1x1x16xf32> to vector<16xf32>
      %swap3A_647 = vector.shape_cast %add3A_640 : vector<16xf32> to vector<1x1x16xf32>
      tpu.vector_store %arg8[%swap3A_642, %swap3A_643, %swap3A_644], %swap3A_647 {strides = array<i32>} : memref<3x200x128xf32, #tpu.memory_space<vmem>>, vector<1x1x16xf32>,
      %get3A_648 = arith.constant 2 : i32
      %get3A_649 = arith.index_cast %get3A_648 : i32 to index
      %get3A_650 = arith.index_cast %add3A_618 : i32 to index
      %get3A_651 = arith.constant 16 : index
      %get3A_652 = tpu.vector_load %arg8[%get3A_649, %get3A_650, %get3A_651] {strides = array<i32>} : memref<3x200x128xf32, #tpu.memory_space<vmem>>, vector<1x1x16xf32>,
      %get3A_653 = vector.shape_cast %get3A_652 : vector<1x1x16xf32> to vector<16xf32>
      %mul3A_654 = arith.constant 11.3137083 : f32
      %mul3A_655 = vector.broadcast %mul3A_654 : f32 to vector<16xf32>
      %mul3A_656 = arith.mulf %get3A_653, %mul3A_655 : vector<16xf32>
      %add3A_657 = arith.addf %mul3A_656, %bitcast_convert_type3A_630 : vector<16xf32>
      %swap3A_658 = arith.constant 2 : i32
      %swap3A_659 = arith.index_cast %swap3A_658 : i32 to index
      %swap3A_660 = arith.index_cast %add3A_618 : i32 to index
      %swap3A_661 = arith.constant 16 : index
      %swap3A_662 = tpu.vector_load %arg8[%swap3A_659, %swap3A_660, %swap3A_661] {strides = array<i32>} : memref<3x200x128xf32, #tpu.memory_space<vmem>>, vector<1x1x16xf32>,
      %swap3A_663 = vector.shape_cast %swap3A_662 : vector<1x1x16xf32> to vector<16xf32>
      %swap3A_664 = vector.shape_cast %add3A_657 : vector<16xf32> to vector<1x1x16xf32>
      tpu.vector_store %arg8[%swap3A_659, %swap3A_660, %swap3A_661], %swap3A_664 {strides = array<i32>} : memref<3x200x128xf32, #tpu.memory_space<vmem>>, vector<1x1x16xf32>,
      %get3A_665 = arith.index_cast %add3A_618 : i32 to index
      %get3A_666 = arith.constant 16 : index
      %get3A_667 = tpu.vector_load %arg7[%get3A_665, %get3A_666] {strides = array<i32>} : memref<200x64xi32, #tpu.memory_space<vmem>>, vector<1x16xi32>,
      %get3A_668 = vector.shape_cast %get3A_667 : vector<1x16xi32> to vector<16xi32>
      %shift_left3A_669 = arith.constant 16 : i32
      %shift_left3A_670 = vector.broadcast %shift_left3A_669 : i32 to vector<16xi32>
      %shift_left3A_671 = arith.shli %get3A_668, %shift_left3A_670 : vector<16xi32>
      %bitcast_convert_type3A_672 = tpu.bitcast %shift_left3A_671 : vector<16xi32> -> vector<16xf32>
      %and3A_673 = arith.constant -65536 : i32
      %and3A_674 = vector.broadcast %and3A_673 : i32 to vector<16xi32>
      %and3A_675 = arith.andi %get3A_668, %and3A_674 : vector<16xi32>
      %bitcast_convert_type3A_676 = tpu.bitcast %and3A_675 : vector<16xi32> -> vector<16xf32>
      %get3A_677 = arith.constant 2 : i32
      %get3A_678 = arith.index_cast %get3A_677 : i32 to index
      %get3A_679 = arith.index_cast %add3A_618 : i32 to index
      %get3A_680 = arith.constant 32 : index
      %get3A_681 = tpu.vector_load %arg8[%get3A_678, %get3A_679, %get3A_680] {strides = array<i32>} : memref<3x200x128xf32, #tpu.memory_space<vmem>>, vector<1x1x16xf32>,
      %get3A_682 = vector.shape_cast %get3A_681 : vector<1x1x16xf32> to vector<16xf32>
      %mul3A_683 = arith.constant 11.3137083 : f32
      %mul3A_684 = vector.broadcast %mul3A_683 : f32 to vector<16xf32>
      %mul3A_685 = arith.mulf %get3A_682, %mul3A_684 : vector<16xf32>
      %add3A_686 = arith.addf %mul3A_685, %bitcast_convert_type3A_672 : vector<16xf32>
      %swap3A_687 = arith.constant 2 : i32
      %swap3A_688 = arith.index_cast %swap3A_687 : i32 to index
      %swap3A_689 = arith.index_cast %add3A_618 : i32 to index
      %swap3A_690 = arith.constant 32 : index
      %swap3A_691 = tpu.vector_load %arg8[%swap3A_688, %swap3A_689, %swap3A_690] {strides = array<i32>} : memref<3x200x128xf32, #tpu.memory_space<vmem>>, vector<1x1x16xf32>,
      %swap3A_692 = vector.shape_cast %swap3A_691 : vector<1x1x16xf32> to vector<16xf32>
      %swap3A_693 = vector.shape_cast %add3A_686 : vector<16xf32> to vector<1x1x16xf32>
      tpu.vector_store %arg8[%swap3A_688, %swap3A_689, %swap3A_690], %swap3A_693 {strides = array<i32>} : memref<3x200x128xf32, #tpu.memory_space<vmem>>, vector<1x1x16xf32>,
      %get3A_694 = arith.constant 2 : i32
      %get3A_695 = arith.index_cast %get3A_694 : i32 to index
      %get3A_696 = arith.index_cast %add3A_618 : i32 to index
      %get3A_697 = arith.constant 48 : index
      %get3A_698 = tpu.vector_load %arg8[%get3A_695, %get3A_696, %get3A_697] {strides = array<i32>} : memref<3x200x128xf32, #tpu.memory_space<vmem>>, vector<1x1x16xf32>,
      %get3A_699 = vector.shape_cast %get3A_698 : vector<1x1x16xf32> to vector<16xf32>
      %mul3A_700 = arith.constant 11.3137083 : f32
      %mul3A_701 = vector.broadcast %mul3A_700 : f32 to vector<16xf32>
      %mul3A_702 = arith.mulf %get3A_699, %mul3A_701 : vector<16xf32>
      %add3A_703 = arith.addf %mul3A_702, %bitcast_convert_type3A_676 : vector<16xf32>
      %swap3A_704 = arith.constant 2 : i32
      %swap3A_705 = arith.index_cast %swap3A_704 : i32 to index
      %swap3A_706 = arith.index_cast %add3A_618 : i32 to index
      %swap3A_707 = arith.constant 48 : index
      %swap3A_708 = tpu.vector_load %arg8[%swap3A_705, %swap3A_706, %swap3A_707] {strides = array<i32>} : memref<3x200x128xf32, #tpu.memory_space<vmem>>, vector<1x1x16xf32>,
      %swap3A_709 = vector.shape_cast %swap3A_708 : vector<1x1x16xf32> to vector<16xf32>
      %swap3A_710 = vector.shape_cast %add3A_703 : vector<16xf32> to vector<1x1x16xf32>
      tpu.vector_store %arg8[%swap3A_705, %swap3A_706, %swap3A_707], %swap3A_710 {strides = array<i32>} : memref<3x200x128xf32, #tpu.memory_space<vmem>>, vector<1x1x16xf32>,
      %get3A_711 = arith.index_cast %add3A_618 : i32 to index
      %get3A_712 = arith.constant 32 : index
      %get3A_713 = tpu.vector_load %arg7[%get3A_711, %get3A_712] {strides = array<i32>} : memref<200x64xi32, #tpu.memory_space<vmem>>, vector<1x16xi32>,
      %get3A_714 = vector.shape_cast %get3A_713 : vector<1x16xi32> to vector<16xi32>
      %shift_left3A_715 = arith.constant 16 : i32
      %shift_left3A_716 = vector.broadcast %shift_left3A_715 : i32 to vector<16xi32>
      %shift_left3A_717 = arith.shli %get3A_714, %shift_left3A_716 : vector<16xi32>
      %bitcast_convert_type3A_718 = tpu.bitcast %shift_left3A_717 : vector<16xi32> -> vector<16xf32>
      %and3A_719 = arith.constant -65536 : i32
      %and3A_720 = vector.broadcast %and3A_719 : i32 to vector<16xi32>
      %and3A_721 = arith.andi %get3A_714, %and3A_720 : vector<16xi32>
      %bitcast_convert_type3A_722 = tpu.bitcast %and3A_721 : vector<16xi32> -> vector<16xf32>
      %get3A_723 = arith.constant 2 : i32
      %get3A_724 = arith.index_cast %get3A_723 : i32 to index
      %get3A_725 = arith.index_cast %add3A_618 : i32 to index
      %get3A_726 = arith.constant 64 : index
      %get3A_727 = tpu.vector_load %arg8[%get3A_724, %get3A_725, %get3A_726] {strides = array<i32>} : memref<3x200x128xf32, #tpu.memory_space<vmem>>, vector<1x1x16xf32>,
      %get3A_728 = vector.shape_cast %get3A_727 : vector<1x1x16xf32> to vector<16xf32>
      %mul3A_729 = arith.constant 11.3137083 : f32
      %mul3A_730 = vector.broadcast %mul3A_729 : f32 to vector<16xf32>
      %mul3A_731 = arith.mulf %get3A_728, %mul3A_730 : vector<16xf32>
      %add3A_732 = arith.addf %mul3A_731, %bitcast_convert_type3A_718 : vector<16xf32>
      %swap3A_733 = arith.constant 2 : i32
      %swap3A_734 = arith.index_cast %swap3A_733 : i32 to index
      %swap3A_735 = arith.index_cast %add3A_618 : i32 to index
      %swap3A_736 = arith.constant 64 : index
      %swap3A_737 = tpu.vector_load %arg8[%swap3A_734, %swap3A_735, %swap3A_736] {strides = array<i32>} : memref<3x200x128xf32, #tpu.memory_space<vmem>>, vector<1x1x16xf32>,
      %swap3A_738 = vector.shape_cast %swap3A_737 : vector<1x1x16xf32> to vector<16xf32>
      %swap3A_739 = vector.shape_cast %add3A_732 : vector<16xf32> to vector<1x1x16xf32>
      tpu.vector_store %arg8[%swap3A_734, %swap3A_735, %swap3A_736], %swap3A_739 {strides = array<i32>} : memref<3x200x128xf32, #tpu.memory_space<vmem>>, vector<1x1x16xf32>,
      %get3A_740 = arith.constant 2 : i32
      %get3A_741 = arith.index_cast %get3A_740 : i32 to index
      %get3A_742 = arith.index_cast %add3A_618 : i32 to index
      %get3A_743 = arith.constant 80 : index
      %get3A_744 = tpu.vector_load %arg8[%get3A_741, %get3A_742, %get3A_743] {strides = array<i32>} : memref<3x200x128xf32, #tpu.memory_space<vmem>>, vector<1x1x16xf32>,
      %get3A_745 = vector.shape_cast %get3A_744 : vector<1x1x16xf32> to vector<16xf32>
      %mul3A_746 = arith.constant 11.3137083 : f32
      %mul3A_747 = vector.broadcast %mul3A_746 : f32 to vector<16xf32>
      %mul3A_748 = arith.mulf %get3A_745, %mul3A_747 : vector<16xf32>
      %add3A_749 = arith.addf %mul3A_748, %bitcast_convert_type3A_722 : vector<16xf32>
      %swap3A_750 = arith.constant 2 : i32
      %swap3A_751 = arith.index_cast %swap3A_750 : i32 to index
      %swap3A_752 = arith.index_cast %add3A_618 : i32 to index
      %swap3A_753 = arith.constant 80 : index
      %swap3A_754 = tpu.vector_load %arg8[%swap3A_751, %swap3A_752, %swap3A_753] {strides = array<i32>} : memref<3x200x128xf32, #tpu.memory_space<vmem>>, vector<1x1x16xf32>,
      %swap3A_755 = vector.shape_cast %swap3A_754 : vector<1x1x16xf32> to vector<16xf32>
      %swap3A_756 = vector.shape_cast %add3A_749 : vector<16xf32> to vector<1x1x16xf32>
      tpu.vector_store %arg8[%swap3A_751, %swap3A_752, %swap3A_753], %swap3A_756 {strides = array<i32>} : memref<3x200x128xf32, #tpu.memory_space<vmem>>, vector<1x1x16xf32>,
      %get3A_757 = arith.index_cast %add3A_618 : i32 to index
      %get3A_758 = arith.constant 48 : index
      %get3A_759 = tpu.vector_load %arg7[%get3A_757, %get3A_758] {strides = array<i32>} : memref<200x64xi32, #tpu.memory_space<vmem>>, vector<1x16xi32>,
      %get3A_760 = vector.shape_cast %get3A_759 : vector<1x16xi32> to vector<16xi32>
      %shift_left3A_761 = arith.constant 16 : i32
      %shift_left3A_762 = vector.broadcast %shift_left3A_761 : i32 to vector<16xi32>
      %shift_left3A_763 = arith.shli %get3A_760, %shift_left3A_762 : vector<16xi32>
      %bitcast_convert_type3A_764 = tpu.bitcast %shift_left3A_763 : vector<16xi32> -> vector<16xf32>
      %and3A_765 = arith.constant -65536 : i32
      %and3A_766 = vector.broadcast %and3A_765 : i32 to vector<16xi32>
      %and3A_767 = arith.andi %get3A_760, %and3A_766 : vector<16xi32>
      %bitcast_convert_type3A_768 = tpu.bitcast %and3A_767 : vector<16xi32> -> vector<16xf32>
      %get3A_769 = arith.constant 2 : i32
      %get3A_770 = arith.index_cast %get3A_769 : i32 to index
      %get3A_771 = arith.index_cast %add3A_618 : i32 to index
      %get3A_772 = arith.constant 96 : index
      %get3A_773 = tpu.vector_load %arg8[%get3A_770, %get3A_771, %get3A_772] {strides = array<i32>} : memref<3x200x128xf32, #tpu.memory_space<vmem>>, vector<1x1x16xf32>,
      %get3A_774 = vector.shape_cast %get3A_773 : vector<1x1x16xf32> to vector<16xf32>
      %mul3A_775 = arith.constant 11.3137083 : f32
      %mul3A_776 = vector.broadcast %mul3A_775 : f32 to vector<16xf32>
      %mul3A_777 = arith.mulf %get3A_774, %mul3A_776 : vector<16xf32>
      %add3A_778 = arith.addf %mul3A_777, %bitcast_convert_type3A_764 : vector<16xf32>
      %swap3A_779 = arith.constant 2 : i32
      %swap3A_780 = arith.index_cast %swap3A_779 : i32 to index
      %swap3A_781 = arith.index_cast %add3A_618 : i32 to index
      %swap3A_782 = arith.constant 96 : index
      %swap3A_783 = tpu.vector_load %arg8[%swap3A_780, %swap3A_781, %swap3A_782] {strides = array<i32>} : memref<3x200x128xf32, #tpu.memory_space<vmem>>, vector<1x1x16xf32>,
      %swap3A_784 = vector.shape_cast %swap3A_783 : vector<1x1x16xf32> to vector<16xf32>
      %swap3A_785 = vector.shape_cast %add3A_778 : vector<16xf32> to vector<1x1x16xf32>
      tpu.vector_store %arg8[%swap3A_780, %swap3A_781, %swap3A_782], %swap3A_785 {strides = array<i32>} : memref<3x200x128xf32, #tpu.memory_space<vmem>>, vector<1x1x16xf32>,
      %get3A_786 = arith.constant 2 : i32
      %get3A_787 = arith.index_cast %get3A_786 : i32 to index
      %get3A_788 = arith.index_cast %add3A_618 : i32 to index
      %get3A_789 = arith.constant 112 : index
      %get3A_790 = tpu.vector_load %arg8[%get3A_787, %get3A_788, %get3A_789] {strides = array<i32>} : memref<3x200x128xf32, #tpu.memory_space<vmem>>, vector<1x1x16xf32>,
      %get3A_791 = vector.shape_cast %get3A_790 : vector<1x1x16xf32> to vector<16xf32>
      %mul3A_792 = arith.constant 11.3137083 : f32
      %mul3A_793 = vector.broadcast %mul3A_792 : f32 to vector<16xf32>
      %mul3A_794 = arith.mulf %get3A_791, %mul3A_793 : vector<16xf32>
      %add3A_795 = arith.addf %mul3A_794, %bitcast_convert_type3A_768 : vector<16xf32>
      %swap3A_796 = arith.constant 2 : i32
      %swap3A_797 = arith.index_cast %swap3A_796 : i32 to index
      %swap3A_798 = arith.index_cast %add3A_618 : i32 to index
      %swap3A_799 = arith.constant 112 : index
      %swap3A_800 = tpu.vector_load %arg8[%swap3A_797, %swap3A_798, %swap3A_799] {strides = array<i32>} : memref<3x200x128xf32, #tpu.memory_space<vmem>>, vector<1x1x16xf32>,
      %swap3A_801 = vector.shape_cast %swap3A_800 : vector<1x1x16xf32> to vector<16xf32>
      %swap3A_802 = vector.shape_cast %add3A_795 : vector<16xf32> to vector<1x1x16xf32>
      tpu.vector_store %arg8[%swap3A_797, %swap3A_798, %swap3A_799], %swap3A_802 {strides = array<i32>} : memref<3x200x128xf32, #tpu.memory_space<vmem>>, vector<1x1x16xf32>,
    }
    %scan3A_223 = arith.constant 100 : i32
    %dma_wait3A_224 = arith.constant 1 : i32
    %dma_wait3A_225 = arith.constant 0 : i32
    %dma_wait3A_226 = arith.constant 0 : i32
    %dma_wait3A_227 = arith.constant 0 : i32
    %dma_wait3A_228 = tpu.memref_slice %arg8[%dma_wait3A_224, %dma_wait3A_226, %dma_wait3A_227] : memref<3x200x128xf32, #tpu.memory_space<vmem>> -> memref<1x200x128xf32, #tpu.memory_space<vmem>>
    %dma_wait3A_229 = tpu.memref_squeeze %dma_wait3A_228 : memref<1x200x128xf32, #tpu.memory_space<vmem>> -> memref<200x128xf32, #tpu.memory_space<vmem>>
    %dma_wait3A_230 = arith.constant 0 : i32
    %dma_wait3A_231 = arith.constant 0 : i32
    %dma_wait3A_232 = tpu.memref_slice %arg5[%dma_wait3A_225, %dma_wait3A_230, %dma_wait3A_231] : memref<1024x200x128xf32, #tpu.memory_space<hbm>> -> memref<1x200x128xf32, #tpu.memory_space<hbm>>
    %dma_wait3A_233 = tpu.memref_squeeze %dma_wait3A_232 : memref<1x200x128xf32, #tpu.memory_space<hbm>> -> memref<200x128xf32, #tpu.memory_space<hbm>>
    %dma_wait3A_234 = arith.constant 0 : i32
    %dma_wait3A_235 = arith.constant 0 : i32
    %dma_wait3A_236 = tpu.memref_slice %arg5[%dma_wait3A_225, %dma_wait3A_234, %dma_wait3A_235] : memref<1024x200x128xf32, #tpu.memory_space<hbm>> -> memref<1x200x128xf32, #tpu.memory_space<hbm>>
    %dma_wait3A_237 = tpu.memref_squeeze %dma_wait3A_236 : memref<1x200x128xf32, #tpu.memory_space<hbm>> -> memref<200x128xf32, #tpu.memory_space<hbm>>
    %dma_wait3A_238 = arith.constant 0 : i32
    %dma_wait3A_239 = arith.constant 0 : i32
    %dma_wait3A_240 = tpu.memref_slice %arg8[%dma_wait3A_224, %dma_wait3A_238, %dma_wait3A_239] : memref<3x200x128xf32, #tpu.memory_space<vmem>> -> memref<1x200x128xf32, #tpu.memory_space<vmem>>
    %dma_wait3A_241 = tpu.memref_squeeze %dma_wait3A_240 : memref<1x200x128xf32, #tpu.memory_space<vmem>> -> memref<200x128xf32, #tpu.memory_space<vmem>>
    tpu.wait_dma2 semaphore(%arg13 : memref<!tpu.dma_semaphore, #tpu.memory_space<semaphore_mem>>) src(%dma_wait3A_241 : memref<200x128xf32, #tpu.memory_space<vmem>>) dst(%dma_wait3A_237 : memref<200x128xf32, #tpu.memory_space<hbm>>)
    %dma_start3A_242 = arith.constant 8 : i32
    %dma_start3A_243 = arith.constant 1 : i32
    %dma_start3A_244 = arith.constant 0 : i32
    %dma_start3A_245 = arith.constant 0 : i32
    %dma_start3A_246 = tpu.memref_slice %arg8[%dma_start3A_243, %dma_start3A_244, %dma_start3A_245] : memref<3x200x128xf32, #tpu.memory_space<vmem>> -> memref<1x100x128xf32, #tpu.memory_space<vmem>>
    %dma_start3A_247 = tpu.memref_squeeze %dma_start3A_246 : memref<1x100x128xf32, #tpu.memory_space<vmem>> -> memref<100x128xf32, #tpu.memory_space<vmem>>
    %dma_start3A_248 = arith.constant 0 : i32
    %dma_start3A_249 = tpu.memref_slice %arg6[%dma_start3A_242, %dma_start3A_248] : memref<64x100xi32, #tpu.memory_space<vmem>> -> memref<1x100xi32, #tpu.memory_space<vmem>>
    %dma_start3A_250 = tpu.memref_squeeze %dma_start3A_249 : memref<1x100xi32, #tpu.memory_space<vmem>> -> memref<100xi32, #tpu.memory_space<vmem>>
    %dma_start3A_251 = arith.constant 0 : i32
    %dma_start3A_252 = arith.constant 0 : i32
    %dma_start3A_253 = tpu.memref_slice %arg3[%dma_start3A_251, %dma_start3A_252] : memref<100000x128xf32, #tpu.memory_space<hbm>> -> memref<100000x128xf32, #tpu.memory_space<hbm>>
    tpu.enqueue_indirect_dma source(%dma_start3A_253 : memref<100000x128xf32, #tpu.memory_space<hbm>>) target(%dma_start3A_247 : memref<100x128xf32, #tpu.memory_space<vmem>>) offsets(%dma_start3A_250 : memref<100xi32, #tpu.memory_space<vmem>>) semaphore(%arg10 : memref<!tpu.dma_semaphore, #tpu.memory_space<semaphore_mem>>)
    %dma_start3A_254 = arith.constant 9 : i32
    %dma_start3A_255 = arith.constant 1 : i32
    %dma_start3A_256 = arith.constant 100 : i32
    %dma_start3A_257 = arith.constant 0 : i32
    %dma_start3A_258 = tpu.memref_slice %arg8[%dma_start3A_255, %dma_start3A_256, %dma_start3A_257] : memref<3x200x128xf32, #tpu.memory_space<vmem>> -> memref<1x100x128xf32, #tpu.memory_space<vmem>>
    %dma_start3A_259 = tpu.memref_squeeze %dma_start3A_258 : memref<1x100x128xf32, #tpu.memory_space<vmem>> -> memref<100x128xf32, #tpu.memory_space<vmem>>
    %dma_start3A_260 = arith.constant 0 : i32
    %dma_start3A_261 = tpu.memref_slice %arg6[%dma_start3A_254, %dma_start3A_260] : memref<64x100xi32, #tpu.memory_space<vmem>> -> memref<1x100xi32, #tpu.memory_space<vmem>>
    %dma_start3A_262 = tpu.memref_squeeze %dma_start3A_261 : memref<1x100xi32, #tpu.memory_space<vmem>> -> memref<100xi32, #tpu.memory_space<vmem>>
    %dma_start3A_263 = arith.constant 0 : i32
    %dma_start3A_264 = arith.constant 0 : i32
    %dma_start3A_265 = tpu.memref_slice %arg3[%dma_start3A_263, %dma_start3A_264] : memref<100000x128xf32, #tpu.memory_space<hbm>> -> memref<100000x128xf32, #tpu.memory_space<hbm>>
    tpu.enqueue_indirect_dma source(%dma_start3A_265 : memref<100000x128xf32, #tpu.memory_space<hbm>>) target(%dma_start3A_259 : memref<100x128xf32, #tpu.memory_space<vmem>>) offsets(%dma_start3A_262 : memref<100xi32, #tpu.memory_space<vmem>>) semaphore(%arg10 : memref<!tpu.dma_semaphore, #tpu.memory_space<semaphore_mem>>)
    %add3A_266 = arith.constant 2 : i32
    %add3A_267 = arith.addi %mul3A_2, %add3A_266 : i32
    %dma_start3A_268 = arith.constant 2 : i32
    %dma_start3A_269 = arith.constant 0 : i32
    %dma_start3A_270 = arith.constant 0 : i32
    %dma_start3A_271 = tpu.memref_slice %arg8[%dma_start3A_268, %dma_start3A_269, %dma_start3A_270] : memref<3x200x128xf32, #tpu.memory_space<vmem>> -> memref<1x200x128xf32, #tpu.memory_space<vmem>>
    %dma_start3A_272 = tpu.memref_squeeze %dma_start3A_271 : memref<1x200x128xf32, #tpu.memory_space<vmem>> -> memref<200x128xf32, #tpu.memory_space<vmem>>
    %dma_start3A_273 = arith.constant 0 : i32
    %dma_start3A_274 = arith.constant 0 : i32
    %dma_start3A_275 = tpu.memref_slice %arg5[%add3A_267, %dma_start3A_273, %dma_start3A_274] : memref<1024x200x128xf32, #tpu.memory_space<hbm>> -> memref<1x200x128xf32, #tpu.memory_space<hbm>>
    %dma_start3A_276 = tpu.memref_squeeze %dma_start3A_275 : memref<1x200x128xf32, #tpu.memory_space<hbm>> -> memref<200x128xf32, #tpu.memory_space<hbm>>
    %dma_start3A_277 = arith.constant 0 : i32
    %dma_start3A_278 = arith.constant 0 : i32
    %dma_start3A_279 = tpu.memref_slice %arg5[%add3A_267, %dma_start3A_277, %dma_start3A_278] : memref<1024x200x128xf32, #tpu.memory_space<hbm>> -> memref<1x200x128xf32, #tpu.memory_space<hbm>>
    %dma_start3A_280 = tpu.memref_squeeze %dma_start3A_279 : memref<1x200x128xf32, #tpu.memory_space<hbm>> -> memref<200x128xf32, #tpu.memory_space<hbm>>
    %dma_start3A_281 = arith.constant 0 : i32
    %dma_start3A_282 = arith.constant 0 : i32
    %dma_start3A_283 = tpu.memref_slice %arg8[%dma_start3A_268, %dma_start3A_281, %dma_start3A_282] : memref<3x200x128xf32, #tpu.memory_space<vmem>> -> memref<1x200x128xf32, #tpu.memory_space<vmem>>
    %dma_start3A_284 = tpu.memref_squeeze %dma_start3A_283 : memref<1x200x128xf32, #tpu.memory_space<vmem>> -> memref<200x128xf32, #tpu.memory_space<vmem>>
    tpu.enqueue_dma source(%dma_start3A_284 : memref<200x128xf32, #tpu.memory_space<vmem>>) target(%dma_start3A_280 : memref<200x128xf32, #tpu.memory_space<hbm>>) target_semaphore(%arg14 : memref<!tpu.dma_semaphore, #tpu.memory_space<semaphore_mem>>)
    %scan3A_285 = arith.constant 0 : i32
    %scan3A_286 = arith.constant 1 : i32
    %scan3A_287 = arith.constant 9 : i32
    %scan3A_288 = arith.addi %scan3A_286, %scan3A_287 : i32
    %scan3A_289 = arith.constant 1 : i32
    scf.for %scan3A_431 = %scan3A_286 to %scan3A_288 step %scan3A_289  : i32 {
      %mul3A_432 = arith.constant 3 : i32
      %mul3A_433 = arith.muli %scan3A_431, %mul3A_432 : i32
      %add3A_434 = arith.constant 0 : i32
      %add3A_435 = arith.addi %mul3A_433, %add3A_434 : i32
      %dma_wait3A_436 = arith.constant 0 : i32
      %dma_wait3A_437 = arith.constant 0 : i32
      %dma_wait3A_438 = arith.constant 0 : i32
      %dma_wait3A_439 = arith.constant 0 : i32
      %dma_wait3A_440 = tpu.memref_slice %arg8[%dma_wait3A_437, %dma_wait3A_438, %dma_wait3A_439] : memref<3x200x128xf32, #tpu.memory_space<vmem>> -> memref<1x200x128xf32, #tpu.memory_space<vmem>>
      %dma_wait3A_441 = tpu.memref_squeeze %dma_wait3A_440 : memref<1x200x128xf32, #tpu.memory_space<vmem>> -> memref<200x128xf32, #tpu.memory_space<vmem>>
      %dma_wait3A_442 = arith.constant 0 : i32
      %dma_wait3A_443 = arith.constant 0 : i32
      %dma_wait3A_444 = tpu.memref_slice %arg5[%dma_wait3A_436, %dma_wait3A_442, %dma_wait3A_443] : memref<1024x200x128xf32, #tpu.memory_space<hbm>> -> memref<1x200x128xf32, #tpu.memory_space<hbm>>
      %dma_wait3A_445 = tpu.memref_squeeze %dma_wait3A_444 : memref<1x200x128xf32, #tpu.memory_space<hbm>> -> memref<200x128xf32, #tpu.memory_space<hbm>>
      %dma_wait3A_446 = arith.constant 0 : i32
      %dma_wait3A_447 = arith.constant 0 : i32
      %dma_wait3A_448 = tpu.memref_slice %arg8[%dma_wait3A_437, %dma_wait3A_446, %dma_wait3A_447] : memref<3x200x128xf32, #tpu.memory_space<vmem>> -> memref<1x200x128xf32, #tpu.memory_space<vmem>>
      %dma_wait3A_449 = tpu.memref_squeeze %dma_wait3A_448 : memref<1x200x128xf32, #tpu.memory_space<vmem>> -> memref<200x128xf32, #tpu.memory_space<vmem>>
      %dma_wait3A_450 = arith.constant 0 : i32
      %dma_wait3A_451 = arith.constant 0 : i32
      %dma_wait3A_452 = tpu.memref_slice %arg5[%dma_wait3A_436, %dma_wait3A_450, %dma_wait3A_451] : memref<1024x200x128xf32, #tpu.memory_space<hbm>> -> memref<1x200x128xf32, #tpu.memory_space<hbm>>
      %dma_wait3A_453 = tpu.memref_squeeze %dma_wait3A_452 : memref<1x200x128xf32, #tpu.memory_space<hbm>> -> memref<200x128xf32, #tpu.memory_space<hbm>>
      tpu.wait_dma2 semaphore(%arg9 : memref<!tpu.dma_semaphore, #tpu.memory_space<semaphore_mem>>) src(%dma_wait3A_453 : memref<200x128xf32, #tpu.memory_space<hbm>>) dst(%dma_wait3A_449 : memref<200x128xf32, #tpu.memory_space<vmem>>)
      %scan3A_454 = arith.constant 0 : i32
      %scan3A_455 = arith.constant 0 : i32
      %scan3A_456 = arith.constant 100 : i32
      %scan3A_457 = arith.addi %scan3A_455, %scan3A_456 : i32
      %scan3A_458 = arith.constant 1 : i32
      scf.for %scan3A_710 = %scan3A_455 to %scan3A_457 step %scan3A_458  : i32 {
        %mul3A_711 = arith.constant 2 : i32
        %mul3A_712 = arith.muli %mul3A_711, %scan3A_710 : i32
        %add3A_713 = arith.constant 0 : i32
        %add3A_714 = arith.addi %mul3A_712, %add3A_713 : i32
        %get3A = arith.index_cast %add3A_714 : i32 to index
        %get3A_715 = arith.constant 0 : index
        %get3A_716 = tpu.vector_load %arg7[%get3A, %get3A_715] {strides = array<i32>} : memref<200x64xi32, #tpu.memory_space<vmem>>, vector<1x16xi32>,
        %get3A_717 = vector.shape_cast %get3A_716 : vector<1x16xi32> to vector<16xi32>
        %shift_left3A = arith.constant 16 : i32
        %shift_left3A_718 = vector.broadcast %shift_left3A : i32 to vector<16xi32>
        %shift_left3A_719 = arith.shli %get3A_717, %shift_left3A_718 : vector<16xi32>
        %bitcast_convert_type3A = tpu.bitcast %shift_left3A_719 : vector<16xi32> -> vector<16xf32>
        %and3A = arith.constant -65536 : i32
        %and3A_720 = vector.broadcast %and3A : i32 to vector<16xi32>
        %and3A_721 = arith.andi %get3A_717, %and3A_720 : vector<16xi32>
        %bitcast_convert_type3A_722 = tpu.bitcast %and3A_721 : vector<16xi32> -> vector<16xf32>
        %get3A_723 = arith.constant 0 : i32
        %get3A_724 = arith.index_cast %get3A_723 : i32 to index
        %get3A_725 = arith.index_cast %add3A_714 : i32 to index
        %get3A_726 = arith.constant 0 : index
        %get3A_727 = tpu.vector_load %arg8[%get3A_724, %get3A_725, %get3A_726] {strides = array<i32>} : memref<3x200x128xf32, #tpu.memory_space<vmem>>, vector<1x1x16xf32>,
        %get3A_728 = vector.shape_cast %get3A_727 : vector<1x1x16xf32> to vector<16xf32>
        %mul3A_729 = arith.constant 11.3137083 : f32
        %mul3A_730 = vector.broadcast %mul3A_729 : f32 to vector<16xf32>
        %mul3A_731 = arith.mulf %get3A_728, %mul3A_730 : vector<16xf32>
        %add3A_732 = arith.addf %mul3A_731, %bitcast_convert_type3A : vector<16xf32>
        %swap3A = arith.constant 0 : i32
        %swap3A_733 = arith.index_cast %swap3A : i32 to index
        %swap3A_734 = arith.index_cast %add3A_714 : i32 to index
        %swap3A_735 = arith.constant 0 : index
        %swap3A_736 = tpu.vector_load %arg8[%swap3A_733, %swap3A_734, %swap3A_735] {strides = array<i32>} : memref<3x200x128xf32, #tpu.memory_space<vmem>>, vector<1x1x16xf32>,
        %swap3A_737 = vector.shape_cast %swap3A_736 : vector<1x1x16xf32> to vector<16xf32>
        %swap3A_738 = vector.shape_cast %add3A_732 : vector<16xf32> to vector<1x1x16xf32>
        tpu.vector_store %arg8[%swap3A_733, %swap3A_734, %swap3A_735], %swap3A_738 {strides = array<i32>} : memref<3x200x128xf32, #tpu.memory_space<vmem>>, vector<1x1x16xf32>,
        %get3A_739 = arith.constant 0 : i32
        %get3A_740 = arith.index_cast %get3A_739 : i32 to index
        %get3A_741 = arith.index_cast %add3A_714 : i32 to index
        %get3A_742 = arith.constant 16 : index
        %get3A_743 = tpu.vector_load %arg8[%get3A_740, %get3A_741, %get3A_742] {strides = array<i32>} : memref<3x200x128xf32, #tpu.memory_space<vmem>>, vector<1x1x16xf32>,
        %get3A_744 = vector.shape_cast %get3A_743 : vector<1x1x16xf32> to vector<16xf32>
        %mul3A_745 = arith.constant 11.3137083 : f32
        %mul3A_746 = vector.broadcast %mul3A_745 : f32 to vector<16xf32>
        %mul3A_747 = arith.mulf %get3A_744, %mul3A_746 : vector<16xf32>
        %add3A_748 = arith.addf %mul3A_747, %bitcast_convert_type3A_722 : vector<16xf32>
        %swap3A_749 = arith.constant 0 : i32
        %swap3A_750 = arith.index_cast %swap3A_749 : i32 to index
        %swap3A_751 = arith.index_cast %add3A_714 : i32 to index
        %swap3A_752 = arith.constant 16 : index
        %swap3A_753 = tpu.vector_load %arg8[%swap3A_750, %swap3A_751, %swap3A_752] {strides = array<i32>} : memref<3x200x128xf32, #tpu.memory_space<vmem>>, vector<1x1x16xf32>,
        %swap3A_754 = vector.shape_cast %swap3A_753 : vector<1x1x16xf32> to vector<16xf32>
        %swap3A_755 = vector.shape_cast %add3A_748 : vector<16xf32> to vector<1x1x16xf32>
        tpu.vector_store %arg8[%swap3A_750, %swap3A_751, %swap3A_752], %swap3A_755 {strides = array<i32>} : memref<3x200x128xf32, #tpu.memory_space<vmem>>, vector<1x1x16xf32>,
        %get3A_756 = arith.index_cast %add3A_714 : i32 to index
        %get3A_757 = arith.constant 16 : index
        %get3A_758 = tpu.vector_load %arg7[%get3A_756, %get3A_757] {strides = array<i32>} : memref<200x64xi32, #tpu.memory_space<vmem>>, vector<1x16xi32>,
        %get3A_759 = vector.shape_cast %get3A_758 : vector<1x16xi32> to vector<16xi32>
        %shift_left3A_760 = arith.constant 16 : i32
        %shift_left3A_761 = vector.broadcast %shift_left3A_760 : i32 to vector<16xi32>
        %shift_left3A_762 = arith.shli %get3A_759, %shift_left3A_761 : vector<16xi32>
        %bitcast_convert_type3A_763 = tpu.bitcast %shift_left3A_762 : vector<16xi32> -> vector<16xf32>
        %and3A_764 = arith.constant -65536 : i32
        %and3A_765 = vector.broadcast %and3A_764 : i32 to vector<16xi32>
        %and3A_766 = arith.andi %get3A_759, %and3A_765 : vector<16xi32>
        %bitcast_convert_type3A_767 = tpu.bitcast %and3A_766 : vector<16xi32> -> vector<16xf32>
        %get3A_768 = arith.constant 0 : i32
        %get3A_769 = arith.index_cast %get3A_768 : i32 to index
        %get3A_770 = arith.index_cast %add3A_714 : i32 to index
        %get3A_771 = arith.constant 32 : index
        %get3A_772 = tpu.vector_load %arg8[%get3A_769, %get3A_770, %get3A_771] {strides = array<i32>} : memref<3x200x128xf32, #tpu.memory_space<vmem>>, vector<1x1x16xf32>,
        %get3A_773 = vector.shape_cast %get3A_772 : vector<1x1x16xf32> to vector<16xf32>
        %mul3A_774 = arith.constant 11.3137083 : f32
        %mul3A_775 = vector.broadcast %mul3A_774 : f32 to vector<16xf32>
        %mul3A_776 = arith.mulf %get3A_773, %mul3A_775 : vector<16xf32>
        %add3A_777 = arith.addf %mul3A_776, %bitcast_convert_type3A_763 : vector<16xf32>
        %swap3A_778 = arith.constant 0 : i32
        %swap3A_779 = arith.index_cast %swap3A_778 : i32 to index
        %swap3A_780 = arith.index_cast %add3A_714 : i32 to index
        %swap3A_781 = arith.constant 32 : index
        %swap3A_782 = tpu.vector_load %arg8[%swap3A_779, %swap3A_780, %swap3A_781] {strides = array<i32>} : memref<3x200x128xf32, #tpu.memory_space<vmem>>, vector<1x1x16xf32>,
        %swap3A_783 = vector.shape_cast %swap3A_782 : vector<1x1x16xf32> to vector<16xf32>
        %swap3A_784 = vector.shape_cast %add3A_777 : vector<16xf32> to vector<1x1x16xf32>
        tpu.vector_store %arg8[%swap3A_779, %swap3A_780, %swap3A_781], %swap3A_784 {strides = array<i32>} : memref<3x200x128xf32, #tpu.memory_space<vmem>>, vector<1x1x16xf32>,
        %get3A_785 = arith.constant 0 : i32
        %get3A_786 = arith.index_cast %get3A_785 : i32 to index
        %get3A_787 = arith.index_cast %add3A_714 : i32 to index
        %get3A_788 = arith.constant 48 : index
        %get3A_789 = tpu.vector_load %arg8[%get3A_786, %get3A_787, %get3A_788] {strides = array<i32>} : memref<3x200x128xf32, #tpu.memory_space<vmem>>, vector<1x1x16xf32>,
        %get3A_790 = vector.shape_cast %get3A_789 : vector<1x1x16xf32> to vector<16xf32>
        %mul3A_791 = arith.constant 11.3137083 : f32
        %mul3A_792 = vector.broadcast %mul3A_791 : f32 to vector<16xf32>
        %mul3A_793 = arith.mulf %get3A_790, %mul3A_792 : vector<16xf32>
        %add3A_794 = arith.addf %mul3A_793, %bitcast_convert_type3A_767 : vector<16xf32>
        %swap3A_795 = arith.constant 0 : i32
        %swap3A_796 = arith.index_cast %swap3A_795 : i32 to index
        %swap3A_797 = arith.index_cast %add3A_714 : i32 to index
        %swap3A_798 = arith.constant 48 : index
        %swap3A_799 = tpu.vector_load %arg8[%swap3A_796, %swap3A_797, %swap3A_798] {strides = array<i32>} : memref<3x200x128xf32, #tpu.memory_space<vmem>>, vector<1x1x16xf32>,
        %swap3A_800 = vector.shape_cast %swap3A_799 : vector<1x1x16xf32> to vector<16xf32>
        %swap3A_801 = vector.shape_cast %add3A_794 : vector<16xf32> to vector<1x1x16xf32>
        tpu.vector_store %arg8[%swap3A_796, %swap3A_797, %swap3A_798], %swap3A_801 {strides = array<i32>} : memref<3x200x128xf32, #tpu.memory_space<vmem>>, vector<1x1x16xf32>,
        %get3A_802 = arith.index_cast %add3A_714 : i32 to index
        %get3A_803 = arith.constant 32 : index
        %get3A_804 = tpu.vector_load %arg7[%get3A_802, %get3A_803] {strides = array<i32>} : memref<200x64xi32, #tpu.memory_space<vmem>>, vector<1x16xi32>,
        %get3A_805 = vector.shape_cast %get3A_804 : vector<1x16xi32> to vector<16xi32>
        %shift_left3A_806 = arith.constant 16 : i32
        %shift_left3A_807 = vector.broadcast %shift_left3A_806 : i32 to vector<16xi32>
        %shift_left3A_808 = arith.shli %get3A_805, %shift_left3A_807 : vector<16xi32>
        %bitcast_convert_type3A_809 = tpu.bitcast %shift_left3A_808 : vector<16xi32> -> vector<16xf32>
        %and3A_810 = arith.constant -65536 : i32
        %and3A_811 = vector.broadcast %and3A_810 : i32 to vector<16xi32>
        %and3A_812 = arith.andi %get3A_805, %and3A_811 : vector<16xi32>
        %bitcast_convert_type3A_813 = tpu.bitcast %and3A_812 : vector<16xi32> -> vector<16xf32>
        %get3A_814 = arith.constant 0 : i32
        %get3A_815 = arith.index_cast %get3A_814 : i32 to index
        %get3A_816 = arith.index_cast %add3A_714 : i32 to index
        %get3A_817 = arith.constant 64 : index
        %get3A_818 = tpu.vector_load %arg8[%get3A_815, %get3A_816, %get3A_817] {strides = array<i32>} : memref<3x200x128xf32, #tpu.memory_space<vmem>>, vector<1x1x16xf32>,
        %get3A_819 = vector.shape_cast %get3A_818 : vector<1x1x16xf32> to vector<16xf32>
        %mul3A_820 = arith.constant 11.3137083 : f32
        %mul3A_821 = vector.broadcast %mul3A_820 : f32 to vector<16xf32>
        %mul3A_822 = arith.mulf %get3A_819, %mul3A_821 : vector<16xf32>
        %add3A_823 = arith.addf %mul3A_822, %bitcast_convert_type3A_809 : vector<16xf32>
        %swap3A_824 = arith.constant 0 : i32
        %swap3A_825 = arith.index_cast %swap3A_824 : i32 to index
        %swap3A_826 = arith.index_cast %add3A_714 : i32 to index
        %swap3A_827 = arith.constant 64 : index
        %swap3A_828 = tpu.vector_load %arg8[%swap3A_825, %swap3A_826, %swap3A_827] {strides = array<i32>} : memref<3x200x128xf32, #tpu.memory_space<vmem>>, vector<1x1x16xf32>,
        %swap3A_829 = vector.shape_cast %swap3A_828 : vector<1x1x16xf32> to vector<16xf32>
        %swap3A_830 = vector.shape_cast %add3A_823 : vector<16xf32> to vector<1x1x16xf32>
        tpu.vector_store %arg8[%swap3A_825, %swap3A_826, %swap3A_827], %swap3A_830 {strides = array<i32>} : memref<3x200x128xf32, #tpu.memory_space<vmem>>, vector<1x1x16xf32>,
        %get3A_831 = arith.constant 0 : i32
        %get3A_832 = arith.index_cast %get3A_831 : i32 to index
        %get3A_833 = arith.index_cast %add3A_714 : i32 to index
        %get3A_834 = arith.constant 80 : index
        %get3A_835 = tpu.vector_load %arg8[%get3A_832, %get3A_833, %get3A_834] {strides = array<i32>} : memref<3x200x128xf32, #tpu.memory_space<vmem>>, vector<1x1x16xf32>,
        %get3A_836 = vector.shape_cast %get3A_835 : vector<1x1x16xf32> to vector<16xf32>
        %mul3A_837 = arith.constant 11.3137083 : f32
        %mul3A_838 = vector.broadcast %mul3A_837 : f32 to vector<16xf32>
        %mul3A_839 = arith.mulf %get3A_836, %mul3A_838 : vector<16xf32>
        %add3A_840 = arith.addf %mul3A_839, %bitcast_convert_type3A_813 : vector<16xf32>
        %swap3A_841 = arith.constant 0 : i32
        %swap3A_842 = arith.index_cast %swap3A_841 : i32 to index
        %swap3A_843 = arith.index_cast %add3A_714 : i32 to index
        %swap3A_844 = arith.constant 80 : index
        %swap3A_845 = tpu.vector_load %arg8[%swap3A_842, %swap3A_843, %swap3A_844] {strides = array<i32>} : memref<3x200x128xf32, #tpu.memory_space<vmem>>, vector<1x1x16xf32>,
        %swap3A_846 = vector.shape_cast %swap3A_845 : vector<1x1x16xf32> to vector<16xf32>
        %swap3A_847 = vector.shape_cast %add3A_840 : vector<16xf32> to vector<1x1x16xf32>
        tpu.vector_store %arg8[%swap3A_842, %swap3A_843, %swap3A_844], %swap3A_847 {strides = array<i32>} : memref<3x200x128xf32, #tpu.memory_space<vmem>>, vector<1x1x16xf32>,
        %get3A_848 = arith.index_cast %add3A_714 : i32 to index
        %get3A_849 = arith.constant 48 : index
        %get3A_850 = tpu.vector_load %arg7[%get3A_848, %get3A_849] {strides = array<i32>} : memref<200x64xi32, #tpu.memory_space<vmem>>, vector<1x16xi32>,
        %get3A_851 = vector.shape_cast %get3A_850 : vector<1x16xi32> to vector<16xi32>
        %shift_left3A_852 = arith.constant 16 : i32
        %shift_left3A_853 = vector.broadcast %shift_left3A_852 : i32 to vector<16xi32>
        %shift_left3A_854 = arith.shli %get3A_851, %shift_left3A_853 : vector<16xi32>
        %bitcast_convert_type3A_855 = tpu.bitcast %shift_left3A_854 : vector<16xi32> -> vector<16xf32>
        %and3A_856 = arith.constant -65536 : i32
        %and3A_857 = vector.broadcast %and3A_856 : i32 to vector<16xi32>
        %and3A_858 = arith.andi %get3A_851, %and3A_857 : vector<16xi32>
        %bitcast_convert_type3A_859 = tpu.bitcast %and3A_858 : vector<16xi32> -> vector<16xf32>
        %get3A_860 = arith.constant 0 : i32
        %get3A_861 = arith.index_cast %get3A_860 : i32 to index
        %get3A_862 = arith.index_cast %add3A_714 : i32 to index
        %get3A_863 = arith.constant 96 : index
        %get3A_864 = tpu.vector_load %arg8[%get3A_861, %get3A_862, %get3A_863] {strides = array<i32>} : memref<3x200x128xf32, #tpu.memory_space<vmem>>, vector<1x1x16xf32>,
        %get3A_865 = vector.shape_cast %get3A_864 : vector<1x1x16xf32> to vector<16xf32>
        %mul3A_866 = arith.constant 11.3137083 : f32
        %mul3A_867 = vector.broadcast %mul3A_866 : f32 to vector<16xf32>
        %mul3A_868 = arith.mulf %get3A_865, %mul3A_867 : vector<16xf32>
        %add3A_869 = arith.addf %mul3A_868, %bitcast_convert_type3A_855 : vector<16xf32>
        %swap3A_870 = arith.constant 0 : i32
        %swap3A_871 = arith.index_cast %swap3A_870 : i32 to index
        %swap3A_872 = arith.index_cast %add3A_714 : i32 to index
        %swap3A_873 = arith.constant 96 : index
        %swap3A_874 = tpu.vector_load %arg8[%swap3A_871, %swap3A_872, %swap3A_873] {strides = array<i32>} : memref<3x200x128xf32, #tpu.memory_space<vmem>>, vector<1x1x16xf32>,
        %swap3A_875 = vector.shape_cast %swap3A_874 : vector<1x1x16xf32> to vector<16xf32>
        %swap3A_876 = vector.shape_cast %add3A_869 : vector<16xf32> to vector<1x1x16xf32>
        tpu.vector_store %arg8[%swap3A_871, %swap3A_872, %swap3A_873], %swap3A_876 {strides = array<i32>} : memref<3x200x128xf32, #tpu.memory_space<vmem>>, vector<1x1x16xf32>,
        %get3A_877 = arith.constant 0 : i32
        %get3A_878 = arith.index_cast %get3A_877 : i32 to index
        %get3A_879 = arith.index_cast %add3A_714 : i32 to index
        %get3A_880 = arith.constant 112 : index
        %get3A_881 = tpu.vector_load %arg8[%get3A_878, %get3A_879, %get3A_880] {strides = array<i32>} : memref<3x200x128xf32, #tpu.memory_space<vmem>>, vector<1x1x16xf32>,
        %get3A_882 = vector.shape_cast %get3A_881 : vector<1x1x16xf32> to vector<16xf32>
        %mul3A_883 = arith.constant 11.3137083 : f32
        %mul3A_884 = vector.broadcast %mul3A_883 : f32 to vector<16xf32>
        %mul3A_885 = arith.mulf %get3A_882, %mul3A_884 : vector<16xf32>
        %add3A_886 = arith.addf %mul3A_885, %bitcast_convert_type3A_859 : vector<16xf32>
        %swap3A_887 = arith.constant 0 : i32
        %swap3A_888 = arith.index_cast %swap3A_887 : i32 to index
        %swap3A_889 = arith.index_cast %add3A_714 : i32 to index
        %swap3A_890 = arith.constant 112 : index
        %swap3A_891 = tpu.vector_load %arg8[%swap3A_888, %swap3A_889, %swap3A_890] {strides = array<i32>} : memref<3x200x128xf32, #tpu.memory_space<vmem>>, vector<1x1x16xf32>,
        %swap3A_892 = vector.shape_cast %swap3A_891 : vector<1x1x16xf32> to vector<16xf32>
        %swap3A_893 = vector.shape_cast %add3A_886 : vector<16xf32> to vector<1x1x16xf32>
        tpu.vector_store %arg8[%swap3A_888, %swap3A_889, %swap3A_890], %swap3A_893 {strides = array<i32>} : memref<3x200x128xf32, #tpu.memory_space<vmem>>, vector<1x1x16xf32>,
        %mul3A_894 = arith.constant 2 : i32
        %mul3A_895 = arith.muli %mul3A_894, %scan3A_710 : i32
        %add3A_896 = arith.constant 1 : i32
        %add3A_897 = arith.addi %mul3A_895, %add3A_896 : i32
        %get3A_898 = arith.index_cast %add3A_897 : i32 to index
        %get3A_899 = arith.constant 0 : index
        %get3A_900 = tpu.vector_load %arg7[%get3A_898, %get3A_899] {strides = array<i32>} : memref<200x64xi32, #tpu.memory_space<vmem>>, vector<1x16xi32>,
        %get3A_901 = vector.shape_cast %get3A_900 : vector<1x16xi32> to vector<16xi32>
        %shift_left3A_902 = arith.constant 16 : i32
        %shift_left3A_903 = vector.broadcast %shift_left3A_902 : i32 to vector<16xi32>
        %shift_left3A_904 = arith.shli %get3A_901, %shift_left3A_903 : vector<16xi32>
        %bitcast_convert_type3A_905 = tpu.bitcast %shift_left3A_904 : vector<16xi32> -> vector<16xf32>
        %and3A_906 = arith.constant -65536 : i32
        %and3A_907 = vector.broadcast %and3A_906 : i32 to vector<16xi32>
        %and3A_908 = arith.andi %get3A_901, %and3A_907 : vector<16xi32>
        %bitcast_convert_type3A_909 = tpu.bitcast %and3A_908 : vector<16xi32> -> vector<16xf32>
        %get3A_910 = arith.constant 0 : i32
        %get3A_911 = arith.index_cast %get3A_910 : i32 to index
        %get3A_912 = arith.index_cast %add3A_897 : i32 to index
        %get3A_913 = arith.constant 0 : index
        %get3A_914 = tpu.vector_load %arg8[%get3A_911, %get3A_912, %get3A_913] {strides = array<i32>} : memref<3x200x128xf32, #tpu.memory_space<vmem>>, vector<1x1x16xf32>,
        %get3A_915 = vector.shape_cast %get3A_914 : vector<1x1x16xf32> to vector<16xf32>
        %mul3A_916 = arith.constant 11.3137083 : f32
        %mul3A_917 = vector.broadcast %mul3A_916 : f32 to vector<16xf32>
        %mul3A_918 = arith.mulf %get3A_915, %mul3A_917 : vector<16xf32>
        %add3A_919 = arith.addf %mul3A_918, %bitcast_convert_type3A_905 : vector<16xf32>
        %swap3A_920 = arith.constant 0 : i32
        %swap3A_921 = arith.index_cast %swap3A_920 : i32 to index
        %swap3A_922 = arith.index_cast %add3A_897 : i32 to index
        %swap3A_923 = arith.constant 0 : index
        %swap3A_924 = tpu.vector_load %arg8[%swap3A_921, %swap3A_922, %swap3A_923] {strides = array<i32>} : memref<3x200x128xf32, #tpu.memory_space<vmem>>, vector<1x1x16xf32>,
        %swap3A_925 = vector.shape_cast %swap3A_924 : vector<1x1x16xf32> to vector<16xf32>
        %swap3A_926 = vector.shape_cast %add3A_919 : vector<16xf32> to vector<1x1x16xf32>
        tpu.vector_store %arg8[%swap3A_921, %swap3A_922, %swap3A_923], %swap3A_926 {strides = array<i32>} : memref<3x200x128xf32, #tpu.memory_space<vmem>>, vector<1x1x16xf32>,
        %get3A_927 = arith.constant 0 : i32
        %get3A_928 = arith.index_cast %get3A_927 : i32 to index
        %get3A_929 = arith.index_cast %add3A_897 : i32 to index
        %get3A_930 = arith.constant 16 : index
        %get3A_931 = tpu.vector_load %arg8[%get3A_928, %get3A_929, %get3A_930] {strides = array<i32>} : memref<3x200x128xf32, #tpu.memory_space<vmem>>, vector<1x1x16xf32>,
        %get3A_932 = vector.shape_cast %get3A_931 : vector<1x1x16xf32> to vector<16xf32>
        %mul3A_933 = arith.constant 11.3137083 : f32
        %mul3A_934 = vector.broadcast %mul3A_933 : f32 to vector<16xf32>
        %mul3A_935 = arith.mulf %get3A_932, %mul3A_934 : vector<16xf32>
        %add3A_936 = arith.addf %mul3A_935, %bitcast_convert_type3A_909 : vector<16xf32>
        %swap3A_937 = arith.constant 0 : i32
        %swap3A_938 = arith.index_cast %swap3A_937 : i32 to index
        %swap3A_939 = arith.index_cast %add3A_897 : i32 to index
        %swap3A_940 = arith.constant 16 : index
        %swap3A_941 = tpu.vector_load %arg8[%swap3A_938, %swap3A_939, %swap3A_940] {strides = array<i32>} : memref<3x200x128xf32, #tpu.memory_space<vmem>>, vector<1x1x16xf32>,
        %swap3A_942 = vector.shape_cast %swap3A_941 : vector<1x1x16xf32> to vector<16xf32>
        %swap3A_943 = vector.shape_cast %add3A_936 : vector<16xf32> to vector<1x1x16xf32>
        tpu.vector_store %arg8[%swap3A_938, %swap3A_939, %swap3A_940], %swap3A_943 {strides = array<i32>} : memref<3x200x128xf32, #tpu.memory_space<vmem>>, vector<1x1x16xf32>,
        %get3A_944 = arith.index_cast %add3A_897 : i32 to index
        %get3A_945 = arith.constant 16 : index
        %get3A_946 = tpu.vector_load %arg7[%get3A_944, %get3A_945] {strides = array<i32>} : memref<200x64xi32, #tpu.memory_space<vmem>>, vector<1x16xi32>,
        %get3A_947 = vector.shape_cast %get3A_946 : vector<1x16xi32> to vector<16xi32>
        %shift_left3A_948 = arith.constant 16 : i32
        %shift_left3A_949 = vector.broadcast %shift_left3A_948 : i32 to vector<16xi32>
        %shift_left3A_950 = arith.shli %get3A_947, %shift_left3A_949 : vector<16xi32>
        %bitcast_convert_type3A_951 = tpu.bitcast %shift_left3A_950 : vector<16xi32> -> vector<16xf32>
        %and3A_952 = arith.constant -65536 : i32
        %and3A_953 = vector.broadcast %and3A_952 : i32 to vector<16xi32>
        %and3A_954 = arith.andi %get3A_947, %and3A_953 : vector<16xi32>
        %bitcast_convert_type3A_955 = tpu.bitcast %and3A_954 : vector<16xi32> -> vector<16xf32>
        %get3A_956 = arith.constant 0 : i32
        %get3A_957 = arith.index_cast %get3A_956 : i32 to index
        %get3A_958 = arith.index_cast %add3A_897 : i32 to index
        %get3A_959 = arith.constant 32 : index
        %get3A_960 = tpu.vector_load %arg8[%get3A_957, %get3A_958, %get3A_959] {strides = array<i32>} : memref<3x200x128xf32, #tpu.memory_space<vmem>>, vector<1x1x16xf32>,
        %get3A_961 = vector.shape_cast %get3A_960 : vector<1x1x16xf32> to vector<16xf32>
        %mul3A_962 = arith.constant 11.3137083 : f32
        %mul3A_963 = vector.broadcast %mul3A_962 : f32 to vector<16xf32>
        %mul3A_964 = arith.mulf %get3A_961, %mul3A_963 : vector<16xf32>
        %add3A_965 = arith.addf %mul3A_964, %bitcast_convert_type3A_951 : vector<16xf32>
        %swap3A_966 = arith.constant 0 : i32
        %swap3A_967 = arith.index_cast %swap3A_966 : i32 to index
        %swap3A_968 = arith.index_cast %add3A_897 : i32 to index
        %swap3A_969 = arith.constant 32 : index
        %swap3A_970 = tpu.vector_load %arg8[%swap3A_967, %swap3A_968, %swap3A_969] {strides = array<i32>} : memref<3x200x128xf32, #tpu.memory_space<vmem>>, vector<1x1x16xf32>,
        %swap3A_971 = vector.shape_cast %swap3A_970 : vector<1x1x16xf32> to vector<16xf32>
        %swap3A_972 = vector.shape_cast %add3A_965 : vector<16xf32> to vector<1x1x16xf32>
        tpu.vector_store %arg8[%swap3A_967, %swap3A_968, %swap3A_969], %swap3A_972 {strides = array<i32>} : memref<3x200x128xf32, #tpu.memory_space<vmem>>, vector<1x1x16xf32>,
        %get3A_973 = arith.constant 0 : i32
        %get3A_974 = arith.index_cast %get3A_973 : i32 to index
        %get3A_975 = arith.index_cast %add3A_897 : i32 to index
        %get3A_976 = arith.constant 48 : index
        %get3A_977 = tpu.vector_load %arg8[%get3A_974, %get3A_975, %get3A_976] {strides = array<i32>} : memref<3x200x128xf32, #tpu.memory_space<vmem>>, vector<1x1x16xf32>,
        %get3A_978 = vector.shape_cast %get3A_977 : vector<1x1x16xf32> to vector<16xf32>
        %mul3A_979 = arith.constant 11.3137083 : f32
        %mul3A_980 = vector.broadcast %mul3A_979 : f32 to vector<16xf32>
        %mul3A_981 = arith.mulf %get3A_978, %mul3A_980 : vector<16xf32>
        %add3A_982 = arith.addf %mul3A_981, %bitcast_convert_type3A_955 : vector<16xf32>
        %swap3A_983 = arith.constant 0 : i32
        %swap3A_984 = arith.index_cast %swap3A_983 : i32 to index
        %swap3A_985 = arith.index_cast %add3A_897 : i32 to index
        %swap3A_986 = arith.constant 48 : index
        %swap3A_987 = tpu.vector_load %arg8[%swap3A_984, %swap3A_985, %swap3A_986] {strides = array<i32>} : memref<3x200x128xf32, #tpu.memory_space<vmem>>, vector<1x1x16xf32>,
        %swap3A_988 = vector.shape_cast %swap3A_987 : vector<1x1x16xf32> to vector<16xf32>
        %swap3A_989 = vector.shape_cast %add3A_982 : vector<16xf32> to vector<1x1x16xf32>
        tpu.vector_store %arg8[%swap3A_984, %swap3A_985, %swap3A_986], %swap3A_989 {strides = array<i32>} : memref<3x200x128xf32, #tpu.memory_space<vmem>>, vector<1x1x16xf32>,
        %get3A_990 = arith.index_cast %add3A_897 : i32 to index
        %get3A_991 = arith.constant 32 : index
        %get3A_992 = tpu.vector_load %arg7[%get3A_990, %get3A_991] {strides = array<i32>} : memref<200x64xi32, #tpu.memory_space<vmem>>, vector<1x16xi32>,
        %get3A_993 = vector.shape_cast %get3A_992 : vector<1x16xi32> to vector<16xi32>
        %shift_left3A_994 = arith.constant 16 : i32
        %shift_left3A_995 = vector.broadcast %shift_left3A_994 : i32 to vector<16xi32>
        %shift_left3A_996 = arith.shli %get3A_993, %shift_left3A_995 : vector<16xi32>
        %bitcast_convert_type3A_997 = tpu.bitcast %shift_left3A_996 : vector<16xi32> -> vector<16xf32>
        %and3A_998 = arith.constant -65536 : i32
        %and3A_999 = vector.broadcast %and3A_998 : i32 to vector<16xi32>
        %and3A_1000 = arith.andi %get3A_993, %and3A_999 : vector<16xi32>
        %bitcast_convert_type3A_1001 = tpu.bitcast %and3A_1000 : vector<16xi32> -> vector<16xf32>
        %get3A_1002 = arith.constant 0 : i32
        %get3A_1003 = arith.index_cast %get3A_1002 : i32 to index
        %get3A_1004 = arith.index_cast %add3A_897 : i32 to index
        %get3A_1005 = arith.constant 64 : index
        %get3A_1006 = tpu.vector_load %arg8[%get3A_1003, %get3A_1004, %get3A_1005] {strides = array<i32>} : memref<3x200x128xf32, #tpu.memory_space<vmem>>, vector<1x1x16xf32>,
        %get3A_1007 = vector.shape_cast %get3A_1006 : vector<1x1x16xf32> to vector<16xf32>
        %mul3A_1008 = arith.constant 11.3137083 : f32
        %mul3A_1009 = vector.broadcast %mul3A_1008 : f32 to vector<16xf32>
        %mul3A_1010 = arith.mulf %get3A_1007, %mul3A_1009 : vector<16xf32>
        %add3A_1011 = arith.addf %mul3A_1010, %bitcast_convert_type3A_997 : vector<16xf32>
        %swap3A_1012 = arith.constant 0 : i32
        %swap3A_1013 = arith.index_cast %swap3A_1012 : i32 to index
        %swap3A_1014 = arith.index_cast %add3A_897 : i32 to index
        %swap3A_1015 = arith.constant 64 : index
        %swap3A_1016 = tpu.vector_load %arg8[%swap3A_1013, %swap3A_1014, %swap3A_1015] {strides = array<i32>} : memref<3x200x128xf32, #tpu.memory_space<vmem>>, vector<1x1x16xf32>,
        %swap3A_1017 = vector.shape_cast %swap3A_1016 : vector<1x1x16xf32> to vector<16xf32>
        %swap3A_1018 = vector.shape_cast %add3A_1011 : vector<16xf32> to vector<1x1x16xf32>
        tpu.vector_store %arg8[%swap3A_1013, %swap3A_1014, %swap3A_1015], %swap3A_1018 {strides = array<i32>} : memref<3x200x128xf32, #tpu.memory_space<vmem>>, vector<1x1x16xf32>,
        %get3A_1019 = arith.constant 0 : i32
        %get3A_1020 = arith.index_cast %get3A_1019 : i32 to index
        %get3A_1021 = arith.index_cast %add3A_897 : i32 to index
        %get3A_1022 = arith.constant 80 : index
        %get3A_1023 = tpu.vector_load %arg8[%get3A_1020, %get3A_1021, %get3A_1022] {strides = array<i32>} : memref<3x200x128xf32, #tpu.memory_space<vmem>>, vector<1x1x16xf32>,
        %get3A_1024 = vector.shape_cast %get3A_1023 : vector<1x1x16xf32> to vector<16xf32>
        %mul3A_1025 = arith.constant 11.3137083 : f32
        %mul3A_1026 = vector.broadcast %mul3A_1025 : f32 to vector<16xf32>
        %mul3A_1027 = arith.mulf %get3A_1024, %mul3A_1026 : vector<16xf32>
        %add3A_1028 = arith.addf %mul3A_1027, %bitcast_convert_type3A_1001 : vector<16xf32>
        %swap3A_1029 = arith.constant 0 : i32
        %swap3A_1030 = arith.index_cast %swap3A_1029 : i32 to index
        %swap3A_1031 = arith.index_cast %add3A_897 : i32 to index
        %swap3A_1032 = arith.constant 80 : index
        %swap3A_1033 = tpu.vector_load %arg8[%swap3A_1030, %swap3A_1031, %swap3A_1032] {strides = array<i32>} : memref<3x200x128xf32, #tpu.memory_space<vmem>>, vector<1x1x16xf32>,
        %swap3A_1034 = vector.shape_cast %swap3A_1033 : vector<1x1x16xf32> to vector<16xf32>
        %swap3A_1035 = vector.shape_cast %add3A_1028 : vector<16xf32> to vector<1x1x16xf32>
        tpu.vector_store %arg8[%swap3A_1030, %swap3A_1031, %swap3A_1032], %swap3A_1035 {strides = array<i32>} : memref<3x200x128xf32, #tpu.memory_space<vmem>>, vector<1x1x16xf32>,
        %get3A_1036 = arith.index_cast %add3A_897 : i32 to index
        %get3A_1037 = arith.constant 48 : index
        %get3A_1038 = tpu.vector_load %arg7[%get3A_1036, %get3A_1037] {strides = array<i32>} : memref<200x64xi32, #tpu.memory_space<vmem>>, vector<1x16xi32>,
        %get3A_1039 = vector.shape_cast %get3A_1038 : vector<1x16xi32> to vector<16xi32>
        %shift_left3A_1040 = arith.constant 16 : i32
        %shift_left3A_1041 = vector.broadcast %shift_left3A_1040 : i32 to vector<16xi32>
        %shift_left3A_1042 = arith.shli %get3A_1039, %shift_left3A_1041 : vector<16xi32>
        %bitcast_convert_type3A_1043 = tpu.bitcast %shift_left3A_1042 : vector<16xi32> -> vector<16xf32>
        %and3A_1044 = arith.constant -65536 : i32
        %and3A_1045 = vector.broadcast %and3A_1044 : i32 to vector<16xi32>
        %and3A_1046 = arith.andi %get3A_1039, %and3A_1045 : vector<16xi32>
        %bitcast_convert_type3A_1047 = tpu.bitcast %and3A_1046 : vector<16xi32> -> vector<16xf32>
        %get3A_1048 = arith.constant 0 : i32
        %get3A_1049 = arith.index_cast %get3A_1048 : i32 to index
        %get3A_1050 = arith.index_cast %add3A_897 : i32 to index
        %get3A_1051 = arith.constant 96 : index
        %get3A_1052 = tpu.vector_load %arg8[%get3A_1049, %get3A_1050, %get3A_1051] {strides = array<i32>} : memref<3x200x128xf32, #tpu.memory_space<vmem>>, vector<1x1x16xf32>,
        %get3A_1053 = vector.shape_cast %get3A_1052 : vector<1x1x16xf32> to vector<16xf32>
        %mul3A_1054 = arith.constant 11.3137083 : f32
        %mul3A_1055 = vector.broadcast %mul3A_1054 : f32 to vector<16xf32>
        %mul3A_1056 = arith.mulf %get3A_1053, %mul3A_1055 : vector<16xf32>
        %add3A_1057 = arith.addf %mul3A_1056, %bitcast_convert_type3A_1043 : vector<16xf32>
        %swap3A_1058 = arith.constant 0 : i32
        %swap3A_1059 = arith.index_cast %swap3A_1058 : i32 to index
        %swap3A_1060 = arith.index_cast %add3A_897 : i32 to index
        %swap3A_1061 = arith.constant 96 : index
        %swap3A_1062 = tpu.vector_load %arg8[%swap3A_1059, %swap3A_1060, %swap3A_1061] {strides = array<i32>} : memref<3x200x128xf32, #tpu.memory_space<vmem>>, vector<1x1x16xf32>,
        %swap3A_1063 = vector.shape_cast %swap3A_1062 : vector<1x1x16xf32> to vector<16xf32>
        %swap3A_1064 = vector.shape_cast %add3A_1057 : vector<16xf32> to vector<1x1x16xf32>
        tpu.vector_store %arg8[%swap3A_1059, %swap3A_1060, %swap3A_1061], %swap3A_1064 {strides = array<i32>} : memref<3x200x128xf32, #tpu.memory_space<vmem>>, vector<1x1x16xf32>,
        %get3A_1065 = arith.constant 0 : i32
        %get3A_1066 = arith.index_cast %get3A_1065 : i32 to index
        %get3A_1067 = arith.index_cast %add3A_897 : i32 to index
        %get3A_1068 = arith.constant 112 : index
        %get3A_1069 = tpu.vector_load %arg8[%get3A_1066, %get3A_1067, %get3A_1068] {strides = array<i32>} : memref<3x200x128xf32, #tpu.memory_space<vmem>>, vector<1x1x16xf32>,
        %get3A_1070 = vector.shape_cast %get3A_1069 : vector<1x1x16xf32> to vector<16xf32>
        %mul3A_1071 = arith.constant 11.3137083 : f32
        %mul3A_1072 = vector.broadcast %mul3A_1071 : f32 to vector<16xf32>
        %mul3A_1073 = arith.mulf %get3A_1070, %mul3A_1072 : vector<16xf32>
        %add3A_1074 = arith.addf %mul3A_1073, %bitcast_convert_type3A_1047 : vector<16xf32>
        %swap3A_1075 = arith.constant 0 : i32
        %swap3A_1076 = arith.index_cast %swap3A_1075 : i32 to index
        %swap3A_1077 = arith.index_cast %add3A_897 : i32 to index
        %swap3A_1078 = arith.constant 112 : index
        %swap3A_1079 = tpu.vector_load %arg8[%swap3A_1076, %swap3A_1077, %swap3A_1078] {strides = array<i32>} : memref<3x200x128xf32, #tpu.memory_space<vmem>>, vector<1x1x16xf32>,
        %swap3A_1080 = vector.shape_cast %swap3A_1079 : vector<1x1x16xf32> to vector<16xf32>
        %swap3A_1081 = vector.shape_cast %add3A_1074 : vector<16xf32> to vector<1x1x16xf32>
        tpu.vector_store %arg8[%swap3A_1076, %swap3A_1077, %swap3A_1078], %swap3A_1081 {strides = array<i32>} : memref<3x200x128xf32, #tpu.memory_space<vmem>>, vector<1x1x16xf32>,
      }
      %scan3A_459 = arith.constant 100 : i32
      %dma_wait3A_460 = arith.constant 2 : i32
      %dma_wait3A_461 = arith.constant 0 : i32
      %dma_wait3A_462 = arith.constant 0 : i32
      %dma_wait3A_463 = arith.constant 0 : i32
      %dma_wait3A_464 = tpu.memref_slice %arg8[%dma_wait3A_460, %dma_wait3A_462, %dma_wait3A_463] : memref<3x200x128xf32, #tpu.memory_space<vmem>> -> memref<1x200x128xf32, #tpu.memory_space<vmem>>
      %dma_wait3A_465 = tpu.memref_squeeze %dma_wait3A_464 : memref<1x200x128xf32, #tpu.memory_space<vmem>> -> memref<200x128xf32, #tpu.memory_space<vmem>>
      %dma_wait3A_466 = arith.constant 0 : i32
      %dma_wait3A_467 = arith.constant 0 : i32
      %dma_wait3A_468 = tpu.memref_slice %arg5[%dma_wait3A_461, %dma_wait3A_466, %dma_wait3A_467] : memref<1024x200x128xf32, #tpu.memory_space<hbm>> -> memref<1x200x128xf32, #tpu.memory_space<hbm>>
      %dma_wait3A_469 = tpu.memref_squeeze %dma_wait3A_468 : memref<1x200x128xf32, #tpu.memory_space<hbm>> -> memref<200x128xf32, #tpu.memory_space<hbm>>
      %dma_wait3A_470 = arith.constant 0 : i32
      %dma_wait3A_471 = arith.constant 0 : i32
      %dma_wait3A_472 = tpu.memref_slice %arg5[%dma_wait3A_461, %dma_wait3A_470, %dma_wait3A_471] : memref<1024x200x128xf32, #tpu.memory_space<hbm>> -> memref<1x200x128xf32, #tpu.memory_space<hbm>>
      %dma_wait3A_473 = tpu.memref_squeeze %dma_wait3A_472 : memref<1x200x128xf32, #tpu.memory_space<hbm>> -> memref<200x128xf32, #tpu.memory_space<hbm>>
      %dma_wait3A_474 = arith.constant 0 : i32
      %dma_wait3A_475 = arith.constant 0 : i32
      %dma_wait3A_476 = tpu.memref_slice %arg8[%dma_wait3A_460, %dma_wait3A_474, %dma_wait3A_475] : memref<3x200x128xf32, #tpu.memory_space<vmem>> -> memref<1x200x128xf32, #tpu.memory_space<vmem>>
      %dma_wait3A_477 = tpu.memref_squeeze %dma_wait3A_476 : memref<1x200x128xf32, #tpu.memory_space<vmem>> -> memref<200x128xf32, #tpu.memory_space<vmem>>
      tpu.wait_dma2 semaphore(%arg14 : memref<!tpu.dma_semaphore, #tpu.memory_space<semaphore_mem>>) src(%dma_wait3A_477 : memref<200x128xf32, #tpu.memory_space<vmem>>) dst(%dma_wait3A_473 : memref<200x128xf32, #tpu.memory_space<hbm>>)
      %add3A_478 = arith.constant 2 : i32
      %add3A_479 = arith.addi %add3A_435, %add3A_478 : i32
      %mul3A_480 = arith.constant 2 : i32
      %mul3A_481 = arith.muli %mul3A_480, %add3A_479 : i32
      %dma_start3A_482 = arith.constant 2 : i32
      %dma_start3A_483 = arith.constant 0 : i32
      %dma_start3A_484 = arith.constant 0 : i32
      %dma_start3A_485 = tpu.memref_slice %arg8[%dma_start3A_482, %dma_start3A_483, %dma_start3A_484] : memref<3x200x128xf32, #tpu.memory_space<vmem>> -> memref<1x100x128xf32, #tpu.memory_space<vmem>>
      %dma_start3A_486 = tpu.memref_squeeze %dma_start3A_485 : memref<1x100x128xf32, #tpu.memory_space<vmem>> -> memref<100x128xf32, #tpu.memory_space<vmem>>
      %dma_start3A_487 = arith.constant 0 : i32
      %dma_start3A_488 = tpu.memref_slice %arg6[%mul3A_481, %dma_start3A_487] : memref<64x100xi32, #tpu.memory_space<vmem>> -> memref<1x100xi32, #tpu.memory_space<vmem>>
      %dma_start3A_489 = tpu.memref_squeeze %dma_start3A_488 : memref<1x100xi32, #tpu.memory_space<vmem>> -> memref<100xi32, #tpu.memory_space<vmem>>
      %dma_start3A_490 = arith.constant 0 : i32
      %dma_start3A_491 = arith.constant 0 : i32
      %dma_start3A_492 = tpu.memref_slice %arg3[%dma_start3A_490, %dma_start3A_491] : memref<100000x128xf32, #tpu.memory_space<hbm>> -> memref<100000x128xf32, #tpu.memory_space<hbm>>
      tpu.enqueue_indirect_dma source(%dma_start3A_492 : memref<100000x128xf32, #tpu.memory_space<hbm>>) target(%dma_start3A_486 : memref<100x128xf32, #tpu.memory_space<vmem>>) offsets(%dma_start3A_489 : memref<100xi32, #tpu.memory_space<vmem>>) semaphore(%arg11 : memref<!tpu.dma_semaphore, #tpu.memory_space<semaphore_mem>>)
      %mul3A_493 = arith.constant 2 : i32
      %mul3A_494 = arith.muli %mul3A_493, %add3A_479 : i32
      %add3A_495 = arith.constant 1 : i32
      %add3A_496 = arith.addi %mul3A_494, %add3A_495 : i32
      %dma_start3A_497 = arith.constant 2 : i32
      %dma_start3A_498 = arith.constant 100 : i32
      %dma_start3A_499 = arith.constant 0 : i32
      %dma_start3A_500 = tpu.memref_slice %arg8[%dma_start3A_497, %dma_start3A_498, %dma_start3A_499] : memref<3x200x128xf32, #tpu.memory_space<vmem>> -> memref<1x100x128xf32, #tpu.memory_space<vmem>>
      %dma_start3A_501 = tpu.memref_squeeze %dma_start3A_500 : memref<1x100x128xf32, #tpu.memory_space<vmem>> -> memref<100x128xf32, #tpu.memory_space<vmem>>
      %dma_start3A_502 = arith.constant 0 : i32
      %dma_start3A_503 = tpu.memref_slice %arg6[%add3A_496, %dma_start3A_502] : memref<64x100xi32, #tpu.memory_space<vmem>> -> memref<1x100xi32, #tpu.memory_space<vmem>>
      %dma_start3A_504 = tpu.memref_squeeze %dma_start3A_503 : memref<1x100xi32, #tpu.memory_space<vmem>> -> memref<100xi32, #tpu.memory_space<vmem>>
      %dma_start3A_505 = arith.constant 0 : i32
      %dma_start3A_506 = arith.constant 0 : i32
      %dma_start3A_507 = tpu.memref_slice %arg3[%dma_start3A_505, %dma_start3A_506] : memref<100000x128xf32, #tpu.memory_space<hbm>> -> memref<100000x128xf32, #tpu.memory_space<hbm>>
      tpu.enqueue_indirect_dma source(%dma_start3A_507 : memref<100000x128xf32, #tpu.memory_space<hbm>>) target(%dma_start3A_501 : memref<100x128xf32, #tpu.memory_space<vmem>>) offsets(%dma_start3A_504 : memref<100xi32, #tpu.memory_space<vmem>>) semaphore(%arg11 : memref<!tpu.dma_semaphore, #tpu.memory_space<semaphore_mem>>)
      %add3A_508 = arith.addi %mul3A_2, %add3A_435 : i32
      %dma_start3A_509 = arith.constant 0 : i32
      %dma_start3A_510 = arith.constant 0 : i32
      %dma_start3A_511 = arith.constant 0 : i32
      %dma_start3A_512 = tpu.memref_slice %arg8[%dma_start3A_509, %dma_start3A_510, %dma_start3A_511] : memref<3x200x128xf32, #tpu.memory_space<vmem>> -> memref<1x200x128xf32, #tpu.memory_space<vmem>>
      %dma_start3A_513 = tpu.memref_squeeze %dma_start3A_512 : memref<1x200x128xf32, #tpu.memory_space<vmem>> -> memref<200x128xf32, #tpu.memory_space<vmem>>
      %dma_start3A_514 = arith.constant 0 : i32
      %dma_start3A_515 = arith.constant 0 : i32
      %dma_start3A_516 = tpu.memref_slice %arg5[%add3A_508, %dma_start3A_514, %dma_start3A_515] : memref<1024x200x128xf32, #tpu.memory_space<hbm>> -> memref<1x200x128xf32, #tpu.memory_space<hbm>>
      %dma_start3A_517 = tpu.memref_squeeze %dma_start3A_516 : memref<1x200x128xf32, #tpu.memory_space<hbm>> -> memref<200x128xf32, #tpu.memory_space<hbm>>
      %dma_start3A_518 = arith.constant 0 : i32
      %dma_start3A_519 = arith.constant 0 : i32
      %dma_start3A_520 = tpu.memref_slice %arg5[%add3A_508, %dma_start3A_518, %dma_start3A_519] : memref<1024x200x128xf32, #tpu.memory_space<hbm>> -> memref<1x200x128xf32, #tpu.memory_space<hbm>>
      %dma_start3A_521 = tpu.memref_squeeze %dma_start3A_520 : memref<1x200x128xf32, #tpu.memory_space<hbm>> -> memref<200x128xf32, #tpu.memory_space<hbm>>
      %dma_start3A_522 = arith.constant 0 : i32
      %dma_start3A_523 = arith.constant 0 : i32
      %dma_start3A_524 = tpu.memref_slice %arg8[%dma_start3A_509, %dma_start3A_522, %dma_start3A_523] : memref<3x200x128xf32, #tpu.memory_space<vmem>> -> memref<1x200x128xf32, #tpu.memory_space<vmem>>
      %dma_start3A_525 = tpu.memref_squeeze %dma_start3A_524 : memref<1x200x128xf32, #tpu.memory_space<vmem>> -> memref<200x128xf32, #tpu.memory_space<vmem>>
      tpu.enqueue_dma source(%dma_start3A_525 : memref<200x128xf32, #tpu.memory_space<vmem>>) target(%dma_start3A_521 : memref<200x128xf32, #tpu.memory_space<hbm>>) target_semaphore(%arg12 : memref<!tpu.dma_semaphore, #tpu.memory_space<semaphore_mem>>)
      %add3A_526 = arith.constant 1 : i32
      %add3A_527 = arith.addi %mul3A_433, %add3A_526 : i32
      %dma_wait3A_528 = arith.constant 0 : i32
      %dma_wait3A_529 = arith.constant 1 : i32
      %dma_wait3A_530 = arith.constant 0 : i32
      %dma_wait3A_531 = arith.constant 0 : i32
      %dma_wait3A_532 = tpu.memref_slice %arg8[%dma_wait3A_529, %dma_wait3A_530, %dma_wait3A_531] : memref<3x200x128xf32, #tpu.memory_space<vmem>> -> memref<1x200x128xf32, #tpu.memory_space<vmem>>
      %dma_wait3A_533 = tpu.memref_squeeze %dma_wait3A_532 : memref<1x200x128xf32, #tpu.memory_space<vmem>> -> memref<200x128xf32, #tpu.memory_space<vmem>>
      %dma_wait3A_534 = arith.constant 0 : i32
      %dma_wait3A_535 = arith.constant 0 : i32
      %dma_wait3A_536 = tpu.memref_slice %arg5[%dma_wait3A_528, %dma_wait3A_534, %dma_wait3A_535] : memref<1024x200x128xf32, #tpu.memory_space<hbm>> -> memref<1x200x128xf32, #tpu.memory_space<hbm>>
      %dma_wait3A_537 = tpu.memref_squeeze %dma_wait3A_536 : memref<1x200x128xf32, #tpu.memory_space<hbm>> -> memref<200x128xf32, #tpu.memory_space<hbm>>
      %dma_wait3A_538 = arith.constant 0 : i32
      %dma_wait3A_539 = arith.constant 0 : i32
      %dma_wait3A_540 = tpu.memref_slice %arg8[%dma_wait3A_529, %dma_wait3A_538, %dma_wait3A_539] : memref<3x200x128xf32, #tpu.memory_space<vmem>> -> memref<1x200x128xf32, #tpu.memory_space<vmem>>
      %dma_wait3A_541 = tpu.memref_squeeze %dma_wait3A_540 : memref<1x200x128xf32, #tpu.memory_space<vmem>> -> memref<200x128xf32, #tpu.memory_space<vmem>>
      %dma_wait3A_542 = arith.constant 0 : i32
      %dma_wait3A_543 = arith.constant 0 : i32
      %dma_wait3A_544 = tpu.memref_slice %arg5[%dma_wait3A_528, %dma_wait3A_542, %dma_wait3A_543] : memref<1024x200x128xf32, #tpu.memory_space<hbm>> -> memref<1x200x128xf32, #tpu.memory_space<hbm>>
      %dma_wait3A_545 = tpu.memref_squeeze %dma_wait3A_544 : memref<1x200x128xf32, #tpu.memory_space<hbm>> -> memref<200x128xf32, #tpu.memory_space<hbm>>
      tpu.wait_dma2 semaphore(%arg10 : memref<!tpu.dma_semaphore, #tpu.memory_space<semaphore_mem>>) src(%dma_wait3A_545 : memref<200x128xf32, #tpu.memory_space<hbm>>) dst(%dma_wait3A_541 : memref<200x128xf32, #tpu.memory_space<vmem>>)
      %scan3A_546 = arith.constant 0 : i32
      %scan3A_547 = arith.constant 0 : i32
      %scan3A_548 = arith.constant 100 : i32
      %scan3A_549 = arith.addi %scan3A_547, %scan3A_548 : i32
      %scan3A_550 = arith.constant 1 : i32
      scf.for %scan3A_710 = %scan3A_547 to %scan3A_549 step %scan3A_550  : i32 {
        %mul3A_711 = arith.constant 2 : i32
        %mul3A_712 = arith.muli %mul3A_711, %scan3A_710 : i32
        %add3A_713 = arith.constant 0 : i32
        %add3A_714 = arith.addi %mul3A_712, %add3A_713 : i32
        %get3A = arith.index_cast %add3A_714 : i32 to index
        %get3A_715 = arith.constant 0 : index
        %get3A_716 = tpu.vector_load %arg7[%get3A, %get3A_715] {strides = array<i32>} : memref<200x64xi32, #tpu.memory_space<vmem>>, vector<1x16xi32>,
        %get3A_717 = vector.shape_cast %get3A_716 : vector<1x16xi32> to vector<16xi32>
        %shift_left3A = arith.constant 16 : i32
        %shift_left3A_718 = vector.broadcast %shift_left3A : i32 to vector<16xi32>
        %shift_left3A_719 = arith.shli %get3A_717, %shift_left3A_718 : vector<16xi32>
        %bitcast_convert_type3A = tpu.bitcast %shift_left3A_719 : vector<16xi32> -> vector<16xf32>
        %and3A = arith.constant -65536 : i32
        %and3A_720 = vector.broadcast %and3A : i32 to vector<16xi32>
        %and3A_721 = arith.andi %get3A_717, %and3A_720 : vector<16xi32>
        %bitcast_convert_type3A_722 = tpu.bitcast %and3A_721 : vector<16xi32> -> vector<16xf32>
        %get3A_723 = arith.constant 1 : i32
        %get3A_724 = arith.index_cast %get3A_723 : i32 to index
        %get3A_725 = arith.index_cast %add3A_714 : i32 to index
        %get3A_726 = arith.constant 0 : index
        %get3A_727 = tpu.vector_load %arg8[%get3A_724, %get3A_725, %get3A_726] {strides = array<i32>} : memref<3x200x128xf32, #tpu.memory_space<vmem>>, vector<1x1x16xf32>,
        %get3A_728 = vector.shape_cast %get3A_727 : vector<1x1x16xf32> to vector<16xf32>
        %mul3A_729 = arith.constant 11.3137083 : f32
        %mul3A_730 = vector.broadcast %mul3A_729 : f32 to vector<16xf32>
        %mul3A_731 = arith.mulf %get3A_728, %mul3A_730 : vector<16xf32>
        %add3A_732 = arith.addf %mul3A_731, %bitcast_convert_type3A : vector<16xf32>
        %swap3A = arith.constant 1 : i32
        %swap3A_733 = arith.index_cast %swap3A : i32 to index
        %swap3A_734 = arith.index_cast %add3A_714 : i32 to index
        %swap3A_735 = arith.constant 0 : index
        %swap3A_736 = tpu.vector_load %arg8[%swap3A_733, %swap3A_734, %swap3A_735] {strides = array<i32>} : memref<3x200x128xf32, #tpu.memory_space<vmem>>, vector<1x1x16xf32>,
        %swap3A_737 = vector.shape_cast %swap3A_736 : vector<1x1x16xf32> to vector<16xf32>
        %swap3A_738 = vector.shape_cast %add3A_732 : vector<16xf32> to vector<1x1x16xf32>
        tpu.vector_store %arg8[%swap3A_733, %swap3A_734, %swap3A_735], %swap3A_738 {strides = array<i32>} : memref<3x200x128xf32, #tpu.memory_space<vmem>>, vector<1x1x16xf32>,
        %get3A_739 = arith.constant 1 : i32
        %get3A_740 = arith.index_cast %get3A_739 : i32 to index
        %get3A_741 = arith.index_cast %add3A_714 : i32 to index
        %get3A_742 = arith.constant 16 : index
        %get3A_743 = tpu.vector_load %arg8[%get3A_740, %get3A_741, %get3A_742] {strides = array<i32>} : memref<3x200x128xf32, #tpu.memory_space<vmem>>, vector<1x1x16xf32>,
        %get3A_744 = vector.shape_cast %get3A_743 : vector<1x1x16xf32> to vector<16xf32>
        %mul3A_745 = arith.constant 11.3137083 : f32
        %mul3A_746 = vector.broadcast %mul3A_745 : f32 to vector<16xf32>
        %mul3A_747 = arith.mulf %get3A_744, %mul3A_746 : vector<16xf32>
        %add3A_748 = arith.addf %mul3A_747, %bitcast_convert_type3A_722 : vector<16xf32>
        %swap3A_749 = arith.constant 1 : i32
        %swap3A_750 = arith.index_cast %swap3A_749 : i32 to index
        %swap3A_751 = arith.index_cast %add3A_714 : i32 to index
        %swap3A_752 = arith.constant 16 : index
        %swap3A_753 = tpu.vector_load %arg8[%swap3A_750, %swap3A_751, %swap3A_752] {strides = array<i32>} : memref<3x200x128xf32, #tpu.memory_space<vmem>>, vector<1x1x16xf32>,
        %swap3A_754 = vector.shape_cast %swap3A_753 : vector<1x1x16xf32> to vector<16xf32>
        %swap3A_755 = vector.shape_cast %add3A_748 : vector<16xf32> to vector<1x1x16xf32>
        tpu.vector_store %arg8[%swap3A_750, %swap3A_751, %swap3A_752], %swap3A_755 {strides = array<i32>} : memref<3x200x128xf32, #tpu.memory_space<vmem>>, vector<1x1x16xf32>,
        %get3A_756 = arith.index_cast %add3A_714 : i32 to index
        %get3A_757 = arith.constant 16 : index
        %get3A_758 = tpu.vector_load %arg7[%get3A_756, %get3A_757] {strides = array<i32>} : memref<200x64xi32, #tpu.memory_space<vmem>>, vector<1x16xi32>,
        %get3A_759 = vector.shape_cast %get3A_758 : vector<1x16xi32> to vector<16xi32>
        %shift_left3A_760 = arith.constant 16 : i32
        %shift_left3A_761 = vector.broadcast %shift_left3A_760 : i32 to vector<16xi32>
        %shift_left3A_762 = arith.shli %get3A_759, %shift_left3A_761 : vector<16xi32>
        %bitcast_convert_type3A_763 = tpu.bitcast %shift_left3A_762 : vector<16xi32> -> vector<16xf32>
        %and3A_764 = arith.constant -65536 : i32
        %and3A_765 = vector.broadcast %and3A_764 : i32 to vector<16xi32>
        %and3A_766 = arith.andi %get3A_759, %and3A_765 : vector<16xi32>
        %bitcast_convert_type3A_767 = tpu.bitcast %and3A_766 : vector<16xi32> -> vector<16xf32>
        %get3A_768 = arith.constant 1 : i32
        %get3A_769 = arith.index_cast %get3A_768 : i32 to index
        %get3A_770 = arith.index_cast %add3A_714 : i32 to index
        %get3A_771 = arith.constant 32 : index
        %get3A_772 = tpu.vector_load %arg8[%get3A_769, %get3A_770, %get3A_771] {strides = array<i32>} : memref<3x200x128xf32, #tpu.memory_space<vmem>>, vector<1x1x16xf32>,
        %get3A_773 = vector.shape_cast %get3A_772 : vector<1x1x16xf32> to vector<16xf32>
        %mul3A_774 = arith.constant 11.3137083 : f32
        %mul3A_775 = vector.broadcast %mul3A_774 : f32 to vector<16xf32>
        %mul3A_776 = arith.mulf %get3A_773, %mul3A_775 : vector<16xf32>
        %add3A_777 = arith.addf %mul3A_776, %bitcast_convert_type3A_763 : vector<16xf32>
        %swap3A_778 = arith.constant 1 : i32
        %swap3A_779 = arith.index_cast %swap3A_778 : i32 to index
        %swap3A_780 = arith.index_cast %add3A_714 : i32 to index
        %swap3A_781 = arith.constant 32 : index
        %swap3A_782 = tpu.vector_load %arg8[%swap3A_779, %swap3A_780, %swap3A_781] {strides = array<i32>} : memref<3x200x128xf32, #tpu.memory_space<vmem>>, vector<1x1x16xf32>,
        %swap3A_783 = vector.shape_cast %swap3A_782 : vector<1x1x16xf32> to vector<16xf32>
        %swap3A_784 = vector.shape_cast %add3A_777 : vector<16xf32> to vector<1x1x16xf32>
        tpu.vector_store %arg8[%swap3A_779, %swap3A_780, %swap3A_781], %swap3A_784 {strides = array<i32>} : memref<3x200x128xf32, #tpu.memory_space<vmem>>, vector<1x1x16xf32>,
        %get3A_785 = arith.constant 1 : i32
        %get3A_786 = arith.index_cast %get3A_785 : i32 to index
        %get3A_787 = arith.index_cast %add3A_714 : i32 to index
        %get3A_788 = arith.constant 48 : index
        %get3A_789 = tpu.vector_load %arg8[%get3A_786, %get3A_787, %get3A_788] {strides = array<i32>} : memref<3x200x128xf32, #tpu.memory_space<vmem>>, vector<1x1x16xf32>,
        %get3A_790 = vector.shape_cast %get3A_789 : vector<1x1x16xf32> to vector<16xf32>
        %mul3A_791 = arith.constant 11.3137083 : f32
        %mul3A_792 = vector.broadcast %mul3A_791 : f32 to vector<16xf32>
        %mul3A_793 = arith.mulf %get3A_790, %mul3A_792 : vector<16xf32>
        %add3A_794 = arith.addf %mul3A_793, %bitcast_convert_type3A_767 : vector<16xf32>
        %swap3A_795 = arith.constant 1 : i32
        %swap3A_796 = arith.index_cast %swap3A_795 : i32 to index
        %swap3A_797 = arith.index_cast %add3A_714 : i32 to index
        %swap3A_798 = arith.constant 48 : index
        %swap3A_799 = tpu.vector_load %arg8[%swap3A_796, %swap3A_797, %swap3A_798] {strides = array<i32>} : memref<3x200x128xf32, #tpu.memory_space<vmem>>, vector<1x1x16xf32>,
        %swap3A_800 = vector.shape_cast %swap3A_799 : vector<1x1x16xf32> to vector<16xf32>
        %swap3A_801 = vector.shape_cast %add3A_794 : vector<16xf32> to vector<1x1x16xf32>
        tpu.vector_store %arg8[%swap3A_796, %swap3A_797, %swap3A_798], %swap3A_801 {strides = array<i32>} : memref<3x200x128xf32, #tpu.memory_space<vmem>>, vector<1x1x16xf32>,
        %get3A_802 = arith.index_cast %add3A_714 : i32 to index
        %get3A_803 = arith.constant 32 : index
        %get3A_804 = tpu.vector_load %arg7[%get3A_802, %get3A_803] {strides = array<i32>} : memref<200x64xi32, #tpu.memory_space<vmem>>, vector<1x16xi32>,
        %get3A_805 = vector.shape_cast %get3A_804 : vector<1x16xi32> to vector<16xi32>
        %shift_left3A_806 = arith.constant 16 : i32
        %shift_left3A_807 = vector.broadcast %shift_left3A_806 : i32 to vector<16xi32>
        %shift_left3A_808 = arith.shli %get3A_805, %shift_left3A_807 : vector<16xi32>
        %bitcast_convert_type3A_809 = tpu.bitcast %shift_left3A_808 : vector<16xi32> -> vector<16xf32>
        %and3A_810 = arith.constant -65536 : i32
        %and3A_811 = vector.broadcast %and3A_810 : i32 to vector<16xi32>
        %and3A_812 = arith.andi %get3A_805, %and3A_811 : vector<16xi32>
        %bitcast_convert_type3A_813 = tpu.bitcast %and3A_812 : vector<16xi32> -> vector<16xf32>
        %get3A_814 = arith.constant 1 : i32
        %get3A_815 = arith.index_cast %get3A_814 : i32 to index
        %get3A_816 = arith.index_cast %add3A_714 : i32 to index
        %get3A_817 = arith.constant 64 : index
        %get3A_818 = tpu.vector_load %arg8[%get3A_815, %get3A_816, %get3A_817] {strides = array<i32>} : memref<3x200x128xf32, #tpu.memory_space<vmem>>, vector<1x1x16xf32>,
        %get3A_819 = vector.shape_cast %get3A_818 : vector<1x1x16xf32> to vector<16xf32>
        %mul3A_820 = arith.constant 11.3137083 : f32
        %mul3A_821 = vector.broadcast %mul3A_820 : f32 to vector<16xf32>
        %mul3A_822 = arith.mulf %get3A_819, %mul3A_821 : vector<16xf32>
        %add3A_823 = arith.addf %mul3A_822, %bitcast_convert_type3A_809 : vector<16xf32>
        %swap3A_824 = arith.constant 1 : i32
        %swap3A_825 = arith.index_cast %swap3A_824 : i32 to index
        %swap3A_826 = arith.index_cast %add3A_714 : i32 to index
        %swap3A_827 = arith.constant 64 : index
        %swap3A_828 = tpu.vector_load %arg8[%swap3A_825, %swap3A_826, %swap3A_827] {strides = array<i32>} : memref<3x200x128xf32, #tpu.memory_space<vmem>>, vector<1x1x16xf32>,
        %swap3A_829 = vector.shape_cast %swap3A_828 : vector<1x1x16xf32> to vector<16xf32>
        %swap3A_830 = vector.shape_cast %add3A_823 : vector<16xf32> to vector<1x1x16xf32>
        tpu.vector_store %arg8[%swap3A_825, %swap3A_826, %swap3A_827], %swap3A_830 {strides = array<i32>} : memref<3x200x128xf32, #tpu.memory_space<vmem>>, vector<1x1x16xf32>,
        %get3A_831 = arith.constant 1 : i32
        %get3A_832 = arith.index_cast %get3A_831 : i32 to index
        %get3A_833 = arith.index_cast %add3A_714 : i32 to index
        %get3A_834 = arith.constant 80 : index
        %get3A_835 = tpu.vector_load %arg8[%get3A_832, %get3A_833, %get3A_834] {strides = array<i32>} : memref<3x200x128xf32, #tpu.memory_space<vmem>>, vector<1x1x16xf32>,
        %get3A_836 = vector.shape_cast %get3A_835 : vector<1x1x16xf32> to vector<16xf32>
        %mul3A_837 = arith.constant 11.3137083 : f32
        %mul3A_838 = vector.broadcast %mul3A_837 : f32 to vector<16xf32>
        %mul3A_839 = arith.mulf %get3A_836, %mul3A_838 : vector<16xf32>
        %add3A_840 = arith.addf %mul3A_839, %bitcast_convert_type3A_813 : vector<16xf32>
        %swap3A_841 = arith.constant 1 : i32
        %swap3A_842 = arith.index_cast %swap3A_841 : i32 to index
        %swap3A_843 = arith.index_cast %add3A_714 : i32 to index
        %swap3A_844 = arith.constant 80 : index
        %swap3A_845 = tpu.vector_load %arg8[%swap3A_842, %swap3A_843, %swap3A_844] {strides = array<i32>} : memref<3x200x128xf32, #tpu.memory_space<vmem>>, vector<1x1x16xf32>,
        %swap3A_846 = vector.shape_cast %swap3A_845 : vector<1x1x16xf32> to vector<16xf32>
        %swap3A_847 = vector.shape_cast %add3A_840 : vector<16xf32> to vector<1x1x16xf32>
        tpu.vector_store %arg8[%swap3A_842, %swap3A_843, %swap3A_844], %swap3A_847 {strides = array<i32>} : memref<3x200x128xf32, #tpu.memory_space<vmem>>, vector<1x1x16xf32>,
        %get3A_848 = arith.index_cast %add3A_714 : i32 to index
        %get3A_849 = arith.constant 48 : index
        %get3A_850 = tpu.vector_load %arg7[%get3A_848, %get3A_849] {strides = array<i32>} : memref<200x64xi32, #tpu.memory_space<vmem>>, vector<1x16xi32>,
        %get3A_851 = vector.shape_cast %get3A_850 : vector<1x16xi32> to vector<16xi32>
        %shift_left3A_852 = arith.constant 16 : i32
        %shift_left3A_853 = vector.broadcast %shift_left3A_852 : i32 to vector<16xi32>
        %shift_left3A_854 = arith.shli %get3A_851, %shift_left3A_853 : vector<16xi32>
        %bitcast_convert_type3A_855 = tpu.bitcast %shift_left3A_854 : vector<16xi32> -> vector<16xf32>
        %and3A_856 = arith.constant -65536 : i32
        %and3A_857 = vector.broadcast %and3A_856 : i32 to vector<16xi32>
        %and3A_858 = arith.andi %get3A_851, %and3A_857 : vector<16xi32>
        %bitcast_convert_type3A_859 = tpu.bitcast %and3A_858 : vector<16xi32> -> vector<16xf32>
        %get3A_860 = arith.constant 1 : i32
        %get3A_861 = arith.index_cast %get3A_860 : i32 to index
        %get3A_862 = arith.index_cast %add3A_714 : i32 to index
        %get3A_863 = arith.constant 96 : index
        %get3A_864 = tpu.vector_load %arg8[%get3A_861, %get3A_862, %get3A_863] {strides = array<i32>} : memref<3x200x128xf32, #tpu.memory_space<vmem>>, vector<1x1x16xf32>,
        %get3A_865 = vector.shape_cast %get3A_864 : vector<1x1x16xf32> to vector<16xf32>
        %mul3A_866 = arith.constant 11.3137083 : f32
        %mul3A_867 = vector.broadcast %mul3A_866 : f32 to vector<16xf32>
        %mul3A_868 = arith.mulf %get3A_865, %mul3A_867 : vector<16xf32>
        %add3A_869 = arith.addf %mul3A_868, %bitcast_convert_type3A_855 : vector<16xf32>
        %swap3A_870 = arith.constant 1 : i32
        %swap3A_871 = arith.index_cast %swap3A_870 : i32 to index
        %swap3A_872 = arith.index_cast %add3A_714 : i32 to index
        %swap3A_873 = arith.constant 96 : index
        %swap3A_874 = tpu.vector_load %arg8[%swap3A_871, %swap3A_872, %swap3A_873] {strides = array<i32>} : memref<3x200x128xf32, #tpu.memory_space<vmem>>, vector<1x1x16xf32>,
        %swap3A_875 = vector.shape_cast %swap3A_874 : vector<1x1x16xf32> to vector<16xf32>
        %swap3A_876 = vector.shape_cast %add3A_869 : vector<16xf32> to vector<1x1x16xf32>
        tpu.vector_store %arg8[%swap3A_871, %swap3A_872, %swap3A_873], %swap3A_876 {strides = array<i32>} : memref<3x200x128xf32, #tpu.memory_space<vmem>>, vector<1x1x16xf32>,
        %get3A_877 = arith.constant 1 : i32
        %get3A_878 = arith.index_cast %get3A_877 : i32 to index
        %get3A_879 = arith.index_cast %add3A_714 : i32 to index
        %get3A_880 = arith.constant 112 : index
        %get3A_881 = tpu.vector_load %arg8[%get3A_878, %get3A_879, %get3A_880] {strides = array<i32>} : memref<3x200x128xf32, #tpu.memory_space<vmem>>, vector<1x1x16xf32>,
        %get3A_882 = vector.shape_cast %get3A_881 : vector<1x1x16xf32> to vector<16xf32>
        %mul3A_883 = arith.constant 11.3137083 : f32
        %mul3A_884 = vector.broadcast %mul3A_883 : f32 to vector<16xf32>
        %mul3A_885 = arith.mulf %get3A_882, %mul3A_884 : vector<16xf32>
        %add3A_886 = arith.addf %mul3A_885, %bitcast_convert_type3A_859 : vector<16xf32>
        %swap3A_887 = arith.constant 1 : i32
        %swap3A_888 = arith.index_cast %swap3A_887 : i32 to index
        %swap3A_889 = arith.index_cast %add3A_714 : i32 to index
        %swap3A_890 = arith.constant 112 : index
        %swap3A_891 = tpu.vector_load %arg8[%swap3A_888, %swap3A_889, %swap3A_890] {strides = array<i32>} : memref<3x200x128xf32, #tpu.memory_space<vmem>>, vector<1x1x16xf32>,
        %swap3A_892 = vector.shape_cast %swap3A_891 : vector<1x1x16xf32> to vector<16xf32>
        %swap3A_893 = vector.shape_cast %add3A_886 : vector<16xf32> to vector<1x1x16xf32>
        tpu.vector_store %arg8[%swap3A_888, %swap3A_889, %swap3A_890], %swap3A_893 {strides = array<i32>} : memref<3x200x128xf32, #tpu.memory_space<vmem>>, vector<1x1x16xf32>,
        %mul3A_894 = arith.constant 2 : i32
        %mul3A_895 = arith.muli %mul3A_894, %scan3A_710 : i32
        %add3A_896 = arith.constant 1 : i32
        %add3A_897 = arith.addi %mul3A_895, %add3A_896 : i32
        %get3A_898 = arith.index_cast %add3A_897 : i32 to index
        %get3A_899 = arith.constant 0 : index
        %get3A_900 = tpu.vector_load %arg7[%get3A_898, %get3A_899] {strides = array<i32>} : memref<200x64xi32, #tpu.memory_space<vmem>>, vector<1x16xi32>,
        %get3A_901 = vector.shape_cast %get3A_900 : vector<1x16xi32> to vector<16xi32>
        %shift_left3A_902 = arith.constant 16 : i32
        %shift_left3A_903 = vector.broadcast %shift_left3A_902 : i32 to vector<16xi32>
        %shift_left3A_904 = arith.shli %get3A_901, %shift_left3A_903 : vector<16xi32>
        %bitcast_convert_type3A_905 = tpu.bitcast %shift_left3A_904 : vector<16xi32> -> vector<16xf32>
        %and3A_906 = arith.constant -65536 : i32
        %and3A_907 = vector.broadcast %and3A_906 : i32 to vector<16xi32>
        %and3A_908 = arith.andi %get3A_901, %and3A_907 : vector<16xi32>
        %bitcast_convert_type3A_909 = tpu.bitcast %and3A_908 : vector<16xi32> -> vector<16xf32>
        %get3A_910 = arith.constant 1 : i32
        %get3A_911 = arith.index_cast %get3A_910 : i32 to index
        %get3A_912 = arith.index_cast %add3A_897 : i32 to index
        %get3A_913 = arith.constant 0 : index
        %get3A_914 = tpu.vector_load %arg8[%get3A_911, %get3A_912, %get3A_913] {strides = array<i32>} : memref<3x200x128xf32, #tpu.memory_space<vmem>>, vector<1x1x16xf32>,
        %get3A_915 = vector.shape_cast %get3A_914 : vector<1x1x16xf32> to vector<16xf32>
        %mul3A_916 = arith.constant 11.3137083 : f32
        %mul3A_917 = vector.broadcast %mul3A_916 : f32 to vector<16xf32>
        %mul3A_918 = arith.mulf %get3A_915, %mul3A_917 : vector<16xf32>
        %add3A_919 = arith.addf %mul3A_918, %bitcast_convert_type3A_905 : vector<16xf32>
        %swap3A_920 = arith.constant 1 : i32
        %swap3A_921 = arith.index_cast %swap3A_920 : i32 to index
        %swap3A_922 = arith.index_cast %add3A_897 : i32 to index
        %swap3A_923 = arith.constant 0 : index
        %swap3A_924 = tpu.vector_load %arg8[%swap3A_921, %swap3A_922, %swap3A_923] {strides = array<i32>} : memref<3x200x128xf32, #tpu.memory_space<vmem>>, vector<1x1x16xf32>,
        %swap3A_925 = vector.shape_cast %swap3A_924 : vector<1x1x16xf32> to vector<16xf32>
        %swap3A_926 = vector.shape_cast %add3A_919 : vector<16xf32> to vector<1x1x16xf32>
        tpu.vector_store %arg8[%swap3A_921, %swap3A_922, %swap3A_923], %swap3A_926 {strides = array<i32>} : memref<3x200x128xf32, #tpu.memory_space<vmem>>, vector<1x1x16xf32>,
        %get3A_927 = arith.constant 1 : i32
        %get3A_928 = arith.index_cast %get3A_927 : i32 to index
        %get3A_929 = arith.index_cast %add3A_897 : i32 to index
        %get3A_930 = arith.constant 16 : index
        %get3A_931 = tpu.vector_load %arg8[%get3A_928, %get3A_929, %get3A_930] {strides = array<i32>} : memref<3x200x128xf32, #tpu.memory_space<vmem>>, vector<1x1x16xf32>,
        %get3A_932 = vector.shape_cast %get3A_931 : vector<1x1x16xf32> to vector<16xf32>
        %mul3A_933 = arith.constant 11.3137083 : f32
        %mul3A_934 = vector.broadcast %mul3A_933 : f32 to vector<16xf32>
        %mul3A_935 = arith.mulf %get3A_932, %mul3A_934 : vector<16xf32>
        %add3A_936 = arith.addf %mul3A_935, %bitcast_convert_type3A_909 : vector<16xf32>
        %swap3A_937 = arith.constant 1 : i32
        %swap3A_938 = arith.index_cast %swap3A_937 : i32 to index
        %swap3A_939 = arith.index_cast %add3A_897 : i32 to index
        %swap3A_940 = arith.constant 16 : index
        %swap3A_941 = tpu.vector_load %arg8[%swap3A_938, %swap3A_939, %swap3A_940] {strides = array<i32>} : memref<3x200x128xf32, #tpu.memory_space<vmem>>, vector<1x1x16xf32>,
        %swap3A_942 = vector.shape_cast %swap3A_941 : vector<1x1x16xf32> to vector<16xf32>
        %swap3A_943 = vector.shape_cast %add3A_936 : vector<16xf32> to vector<1x1x16xf32>
        tpu.vector_store %arg8[%swap3A_938, %swap3A_939, %swap3A_940], %swap3A_943 {strides = array<i32>} : memref<3x200x128xf32, #tpu.memory_space<vmem>>, vector<1x1x16xf32>,
        %get3A_944 = arith.index_cast %add3A_897 : i32 to index
        %get3A_945 = arith.constant 16 : index
        %get3A_946 = tpu.vector_load %arg7[%get3A_944, %get3A_945] {strides = array<i32>} : memref<200x64xi32, #tpu.memory_space<vmem>>, vector<1x16xi32>,
        %get3A_947 = vector.shape_cast %get3A_946 : vector<1x16xi32> to vector<16xi32>
        %shift_left3A_948 = arith.constant 16 : i32
        %shift_left3A_949 = vector.broadcast %shift_left3A_948 : i32 to vector<16xi32>
        %shift_left3A_950 = arith.shli %get3A_947, %shift_left3A_949 : vector<16xi32>
        %bitcast_convert_type3A_951 = tpu.bitcast %shift_left3A_950 : vector<16xi32> -> vector<16xf32>
        %and3A_952 = arith.constant -65536 : i32
        %and3A_953 = vector.broadcast %and3A_952 : i32 to vector<16xi32>
        %and3A_954 = arith.andi %get3A_947, %and3A_953 : vector<16xi32>
        %bitcast_convert_type3A_955 = tpu.bitcast %and3A_954 : vector<16xi32> -> vector<16xf32>
        %get3A_956 = arith.constant 1 : i32
        %get3A_957 = arith.index_cast %get3A_956 : i32 to index
        %get3A_958 = arith.index_cast %add3A_897 : i32 to index
        %get3A_959 = arith.constant 32 : index
        %get3A_960 = tpu.vector_load %arg8[%get3A_957, %get3A_958, %get3A_959] {strides = array<i32>} : memref<3x200x128xf32, #tpu.memory_space<vmem>>, vector<1x1x16xf32>,
        %get3A_961 = vector.shape_cast %get3A_960 : vector<1x1x16xf32> to vector<16xf32>
        %mul3A_962 = arith.constant 11.3137083 : f32
        %mul3A_963 = vector.broadcast %mul3A_962 : f32 to vector<16xf32>
        %mul3A_964 = arith.mulf %get3A_961, %mul3A_963 : vector<16xf32>
        %add3A_965 = arith.addf %mul3A_964, %bitcast_convert_type3A_951 : vector<16xf32>
        %swap3A_966 = arith.constant 1 : i32
        %swap3A_967 = arith.index_cast %swap3A_966 : i32 to index
        %swap3A_968 = arith.index_cast %add3A_897 : i32 to index
        %swap3A_969 = arith.constant 32 : index
        %swap3A_970 = tpu.vector_load %arg8[%swap3A_967, %swap3A_968, %swap3A_969] {strides = array<i32>} : memref<3x200x128xf32, #tpu.memory_space<vmem>>, vector<1x1x16xf32>,
        %swap3A_971 = vector.shape_cast %swap3A_970 : vector<1x1x16xf32> to vector<16xf32>
        %swap3A_972 = vector.shape_cast %add3A_965 : vector<16xf32> to vector<1x1x16xf32>
        tpu.vector_store %arg8[%swap3A_967, %swap3A_968, %swap3A_969], %swap3A_972 {strides = array<i32>} : memref<3x200x128xf32, #tpu.memory_space<vmem>>, vector<1x1x16xf32>,
        %get3A_973 = arith.constant 1 : i32
        %get3A_974 = arith.index_cast %get3A_973 : i32 to index
        %get3A_975 = arith.index_cast %add3A_897 : i32 to index
        %get3A_976 = arith.constant 48 : index
        %get3A_977 = tpu.vector_load %arg8[%get3A_974, %get3A_975, %get3A_976] {strides = array<i32>} : memref<3x200x128xf32, #tpu.memory_space<vmem>>, vector<1x1x16xf32>,
        %get3A_978 = vector.shape_cast %get3A_977 : vector<1x1x16xf32> to vector<16xf32>
        %mul3A_979 = arith.constant 11.3137083 : f32
        %mul3A_980 = vector.broadcast %mul3A_979 : f32 to vector<16xf32>
        %mul3A_981 = arith.mulf %get3A_978, %mul3A_980 : vector<16xf32>
        %add3A_982 = arith.addf %mul3A_981, %bitcast_convert_type3A_955 : vector<16xf32>
        %swap3A_983 = arith.constant 1 : i32
        %swap3A_984 = arith.index_cast %swap3A_983 : i32 to index
        %swap3A_985 = arith.index_cast %add3A_897 : i32 to index
        %swap3A_986 = arith.constant 48 : index
        %swap3A_987 = tpu.vector_load %arg8[%swap3A_984, %swap3A_985, %swap3A_986] {strides = array<i32>} : memref<3x200x128xf32, #tpu.memory_space<vmem>>, vector<1x1x16xf32>,
        %swap3A_988 = vector.shape_cast %swap3A_987 : vector<1x1x16xf32> to vector<16xf32>
        %swap3A_989 = vector.shape_cast %add3A_982 : vector<16xf32> to vector<1x1x16xf32>
        tpu.vector_store %arg8[%swap3A_984, %swap3A_985, %swap3A_986], %swap3A_989 {strides = array<i32>} : memref<3x200x128xf32, #tpu.memory_space<vmem>>, vector<1x1x16xf32>,
        %get3A_990 = arith.index_cast %add3A_897 : i32 to index
        %get3A_991 = arith.constant 32 : index
        %get3A_992 = tpu.vector_load %arg7[%get3A_990, %get3A_991] {strides = array<i32>} : memref<200x64xi32, #tpu.memory_space<vmem>>, vector<1x16xi32>,
        %get3A_993 = vector.shape_cast %get3A_992 : vector<1x16xi32> to vector<16xi32>
        %shift_left3A_994 = arith.constant 16 : i32
        %shift_left3A_995 = vector.broadcast %shift_left3A_994 : i32 to vector<16xi32>
        %shift_left3A_996 = arith.shli %get3A_993, %shift_left3A_995 : vector<16xi32>
        %bitcast_convert_type3A_997 = tpu.bitcast %shift_left3A_996 : vector<16xi32> -> vector<16xf32>
        %and3A_998 = arith.constant -65536 : i32
        %and3A_999 = vector.broadcast %and3A_998 : i32 to vector<16xi32>
        %and3A_1000 = arith.andi %get3A_993, %and3A_999 : vector<16xi32>
        %bitcast_convert_type3A_1001 = tpu.bitcast %and3A_1000 : vector<16xi32> -> vector<16xf32>
        %get3A_1002 = arith.constant 1 : i32
        %get3A_1003 = arith.index_cast %get3A_1002 : i32 to index
        %get3A_1004 = arith.index_cast %add3A_897 : i32 to index
        %get3A_1005 = arith.constant 64 : index
        %get3A_1006 = tpu.vector_load %arg8[%get3A_1003, %get3A_1004, %get3A_1005] {strides = array<i32>} : memref<3x200x128xf32, #tpu.memory_space<vmem>>, vector<1x1x16xf32>,
        %get3A_1007 = vector.shape_cast %get3A_1006 : vector<1x1x16xf32> to vector<16xf32>
        %mul3A_1008 = arith.constant 11.3137083 : f32
        %mul3A_1009 = vector.broadcast %mul3A_1008 : f32 to vector<16xf32>
        %mul3A_1010 = arith.mulf %get3A_1007, %mul3A_1009 : vector<16xf32>
        %add3A_1011 = arith.addf %mul3A_1010, %bitcast_convert_type3A_997 : vector<16xf32>
        %swap3A_1012 = arith.constant 1 : i32
        %swap3A_1013 = arith.index_cast %swap3A_1012 : i32 to index
        %swap3A_1014 = arith.index_cast %add3A_897 : i32 to index
        %swap3A_1015 = arith.constant 64 : index
        %swap3A_1016 = tpu.vector_load %arg8[%swap3A_1013, %swap3A_1014, %swap3A_1015] {strides = array<i32>} : memref<3x200x128xf32, #tpu.memory_space<vmem>>, vector<1x1x16xf32>,
        %swap3A_1017 = vector.shape_cast %swap3A_1016 : vector<1x1x16xf32> to vector<16xf32>
        %swap3A_1018 = vector.shape_cast %add3A_1011 : vector<16xf32> to vector<1x1x16xf32>
        tpu.vector_store %arg8[%swap3A_1013, %swap3A_1014, %swap3A_1015], %swap3A_1018 {strides = array<i32>} : memref<3x200x128xf32, #tpu.memory_space<vmem>>, vector<1x1x16xf32>,
        %get3A_1019 = arith.constant 1 : i32
        %get3A_1020 = arith.index_cast %get3A_1019 : i32 to index
        %get3A_1021 = arith.index_cast %add3A_897 : i32 to index
        %get3A_1022 = arith.constant 80 : index
        %get3A_1023 = tpu.vector_load %arg8[%get3A_1020, %get3A_1021, %get3A_1022] {strides = array<i32>} : memref<3x200x128xf32, #tpu.memory_space<vmem>>, vector<1x1x16xf32>,
        %get3A_1024 = vector.shape_cast %get3A_1023 : vector<1x1x16xf32> to vector<16xf32>
        %mul3A_1025 = arith.constant 11.3137083 : f32
        %mul3A_1026 = vector.broadcast %mul3A_1025 : f32 to vector<16xf32>
        %mul3A_1027 = arith.mulf %get3A_1024, %mul3A_1026 : vector<16xf32>
        %add3A_1028 = arith.addf %mul3A_1027, %bitcast_convert_type3A_1001 : vector<16xf32>
        %swap3A_1029 = arith.constant 1 : i32
        %swap3A_1030 = arith.index_cast %swap3A_1029 : i32 to index
        %swap3A_1031 = arith.index_cast %add3A_897 : i32 to index
        %swap3A_1032 = arith.constant 80 : index
        %swap3A_1033 = tpu.vector_load %arg8[%swap3A_1030, %swap3A_1031, %swap3A_1032] {strides = array<i32>} : memref<3x200x128xf32, #tpu.memory_space<vmem>>, vector<1x1x16xf32>,
        %swap3A_1034 = vector.shape_cast %swap3A_1033 : vector<1x1x16xf32> to vector<16xf32>
        %swap3A_1035 = vector.shape_cast %add3A_1028 : vector<16xf32> to vector<1x1x16xf32>
        tpu.vector_store %arg8[%swap3A_1030, %swap3A_1031, %swap3A_1032], %swap3A_1035 {strides = array<i32>} : memref<3x200x128xf32, #tpu.memory_space<vmem>>, vector<1x1x16xf32>,
        %get3A_1036 = arith.index_cast %add3A_897 : i32 to index
        %get3A_1037 = arith.constant 48 : index
        %get3A_1038 = tpu.vector_load %arg7[%get3A_1036, %get3A_1037] {strides = array<i32>} : memref<200x64xi32, #tpu.memory_space<vmem>>, vector<1x16xi32>,
        %get3A_1039 = vector.shape_cast %get3A_1038 : vector<1x16xi32> to vector<16xi32>
        %shift_left3A_1040 = arith.constant 16 : i32
        %shift_left3A_1041 = vector.broadcast %shift_left3A_1040 : i32 to vector<16xi32>
        %shift_left3A_1042 = arith.shli %get3A_1039, %shift_left3A_1041 : vector<16xi32>
        %bitcast_convert_type3A_1043 = tpu.bitcast %shift_left3A_1042 : vector<16xi32> -> vector<16xf32>
        %and3A_1044 = arith.constant -65536 : i32
        %and3A_1045 = vector.broadcast %and3A_1044 : i32 to vector<16xi32>
        %and3A_1046 = arith.andi %get3A_1039, %and3A_1045 : vector<16xi32>
        %bitcast_convert_type3A_1047 = tpu.bitcast %and3A_1046 : vector<16xi32> -> vector<16xf32>
        %get3A_1048 = arith.constant 1 : i32
        %get3A_1049 = arith.index_cast %get3A_1048 : i32 to index
        %get3A_1050 = arith.index_cast %add3A_897 : i32 to index
        %get3A_1051 = arith.constant 96 : index
        %get3A_1052 = tpu.vector_load %arg8[%get3A_1049, %get3A_1050, %get3A_1051] {strides = array<i32>} : memref<3x200x128xf32, #tpu.memory_space<vmem>>, vector<1x1x16xf32>,
        %get3A_1053 = vector.shape_cast %get3A_1052 : vector<1x1x16xf32> to vector<16xf32>
        %mul3A_1054 = arith.constant 11.3137083 : f32
        %mul3A_1055 = vector.broadcast %mul3A_1054 : f32 to vector<16xf32>
        %mul3A_1056 = arith.mulf %get3A_1053, %mul3A_1055 : vector<16xf32>
        %add3A_1057 = arith.addf %mul3A_1056, %bitcast_convert_type3A_1043 : vector<16xf32>
        %swap3A_1058 = arith.constant 1 : i32
        %swap3A_1059 = arith.index_cast %swap3A_1058 : i32 to index
        %swap3A_1060 = arith.index_cast %add3A_897 : i32 to index
        %swap3A_1061 = arith.constant 96 : index
        %swap3A_1062 = tpu.vector_load %arg8[%swap3A_1059, %swap3A_1060, %swap3A_1061] {strides = array<i32>} : memref<3x200x128xf32, #tpu.memory_space<vmem>>, vector<1x1x16xf32>,
        %swap3A_1063 = vector.shape_cast %swap3A_1062 : vector<1x1x16xf32> to vector<16xf32>
        %swap3A_1064 = vector.shape_cast %add3A_1057 : vector<16xf32> to vector<1x1x16xf32>
        tpu.vector_store %arg8[%swap3A_1059, %swap3A_1060, %swap3A_1061], %swap3A_1064 {strides = array<i32>} : memref<3x200x128xf32, #tpu.memory_space<vmem>>, vector<1x1x16xf32>,
        %get3A_1065 = arith.constant 1 : i32
        %get3A_1066 = arith.index_cast %get3A_1065 : i32 to index
        %get3A_1067 = arith.index_cast %add3A_897 : i32 to index
        %get3A_1068 = arith.constant 112 : index
        %get3A_1069 = tpu.vector_load %arg8[%get3A_1066, %get3A_1067, %get3A_1068] {strides = array<i32>} : memref<3x200x128xf32, #tpu.memory_space<vmem>>, vector<1x1x16xf32>,
        %get3A_1070 = vector.shape_cast %get3A_1069 : vector<1x1x16xf32> to vector<16xf32>
        %mul3A_1071 = arith.constant 11.3137083 : f32
        %mul3A_1072 = vector.broadcast %mul3A_1071 : f32 to vector<16xf32>
        %mul3A_1073 = arith.mulf %get3A_1070, %mul3A_1072 : vector<16xf32>
        %add3A_1074 = arith.addf %mul3A_1073, %bitcast_convert_type3A_1047 : vector<16xf32>
        %swap3A_1075 = arith.constant 1 : i32
        %swap3A_1076 = arith.index_cast %swap3A_1075 : i32 to index
        %swap3A_1077 = arith.index_cast %add3A_897 : i32 to index
        %swap3A_1078 = arith.constant 112 : index
        %swap3A_1079 = tpu.vector_load %arg8[%swap3A_1076, %swap3A_1077, %swap3A_1078] {strides = array<i32>} : memref<3x200x128xf32, #tpu.memory_space<vmem>>, vector<1x1x16xf32>,
        %swap3A_1080 = vector.shape_cast %swap3A_1079 : vector<1x1x16xf32> to vector<16xf32>
        %swap3A_1081 = vector.shape_cast %add3A_1074 : vector<16xf32> to vector<1x1x16xf32>
        tpu.vector_store %arg8[%swap3A_1076, %swap3A_1077, %swap3A_1078], %swap3A_1081 {strides = array<i32>} : memref<3x200x128xf32, #tpu.memory_space<vmem>>, vector<1x1x16xf32>,
      }
      %scan3A_551 = arith.constant 100 : i32
      %dma_wait3A_552 = arith.constant 0 : i32
      %dma_wait3A_553 = arith.constant 0 : i32
      %dma_wait3A_554 = arith.constant 0 : i32
      %dma_wait3A_555 = arith.constant 0 : i32
      %dma_wait3A_556 = tpu.memref_slice %arg8[%dma_wait3A_552, %dma_wait3A_554, %dma_wait3A_555] : memref<3x200x128xf32, #tpu.memory_space<vmem>> -> memref<1x200x128xf32, #tpu.memory_space<vmem>>
      %dma_wait3A_557 = tpu.memref_squeeze %dma_wait3A_556 : memref<1x200x128xf32, #tpu.memory_space<vmem>> -> memref<200x128xf32, #tpu.memory_space<vmem>>
      %dma_wait3A_558 = arith.constant 0 : i32
      %dma_wait3A_559 = arith.constant 0 : i32
      %dma_wait3A_560 = tpu.memref_slice %arg5[%dma_wait3A_553, %dma_wait3A_558, %dma_wait3A_559] : memref<1024x200x128xf32, #tpu.memory_space<hbm>> -> memref<1x200x128xf32, #tpu.memory_space<hbm>>
      %dma_wait3A_561 = tpu.memref_squeeze %dma_wait3A_560 : memref<1x200x128xf32, #tpu.memory_space<hbm>> -> memref<200x128xf32, #tpu.memory_space<hbm>>
      %dma_wait3A_562 = arith.constant 0 : i32
      %dma_wait3A_563 = arith.constant 0 : i32
      %dma_wait3A_564 = tpu.memref_slice %arg5[%dma_wait3A_553, %dma_wait3A_562, %dma_wait3A_563] : memref<1024x200x128xf32, #tpu.memory_space<hbm>> -> memref<1x200x128xf32, #tpu.memory_space<hbm>>
      %dma_wait3A_565 = tpu.memref_squeeze %dma_wait3A_564 : memref<1x200x128xf32, #tpu.memory_space<hbm>> -> memref<200x128xf32, #tpu.memory_space<hbm>>
      %dma_wait3A_566 = arith.constant 0 : i32
      %dma_wait3A_567 = arith.constant 0 : i32
      %dma_wait3A_568 = tpu.memref_slice %arg8[%dma_wait3A_552, %dma_wait3A_566, %dma_wait3A_567] : memref<3x200x128xf32, #tpu.memory_space<vmem>> -> memref<1x200x128xf32, #tpu.memory_space<vmem>>
      %dma_wait3A_569 = tpu.memref_squeeze %dma_wait3A_568 : memref<1x200x128xf32, #tpu.memory_space<vmem>> -> memref<200x128xf32, #tpu.memory_space<vmem>>
      tpu.wait_dma2 semaphore(%arg12 : memref<!tpu.dma_semaphore, #tpu.memory_space<semaphore_mem>>) src(%dma_wait3A_569 : memref<200x128xf32, #tpu.memory_space<vmem>>) dst(%dma_wait3A_565 : memref<200x128xf32, #tpu.memory_space<hbm>>)
      %add3A_570 = arith.constant 2 : i32
      %add3A_571 = arith.addi %add3A_527, %add3A_570 : i32
      %mul3A_572 = arith.constant 2 : i32
      %mul3A_573 = arith.muli %mul3A_572, %add3A_571 : i32
      %dma_start3A_574 = arith.constant 0 : i32
      %dma_start3A_575 = arith.constant 0 : i32
      %dma_start3A_576 = arith.constant 0 : i32
      %dma_start3A_577 = tpu.memref_slice %arg8[%dma_start3A_574, %dma_start3A_575, %dma_start3A_576] : memref<3x200x128xf32, #tpu.memory_space<vmem>> -> memref<1x100x128xf32, #tpu.memory_space<vmem>>
      %dma_start3A_578 = tpu.memref_squeeze %dma_start3A_577 : memref<1x100x128xf32, #tpu.memory_space<vmem>> -> memref<100x128xf32, #tpu.memory_space<vmem>>
      %dma_start3A_579 = arith.constant 0 : i32
      %dma_start3A_580 = tpu.memref_slice %arg6[%mul3A_573, %dma_start3A_579] : memref<64x100xi32, #tpu.memory_space<vmem>> -> memref<1x100xi32, #tpu.memory_space<vmem>>
      %dma_start3A_581 = tpu.memref_squeeze %dma_start3A_580 : memref<1x100xi32, #tpu.memory_space<vmem>> -> memref<100xi32, #tpu.memory_space<vmem>>
      %dma_start3A_582 = arith.constant 0 : i32
      %dma_start3A_583 = arith.constant 0 : i32
      %dma_start3A_584 = tpu.memref_slice %arg3[%dma_start3A_582, %dma_start3A_583] : memref<100000x128xf32, #tpu.memory_space<hbm>> -> memref<100000x128xf32, #tpu.memory_space<hbm>>
      tpu.enqueue_indirect_dma source(%dma_start3A_584 : memref<100000x128xf32, #tpu.memory_space<hbm>>) target(%dma_start3A_578 : memref<100x128xf32, #tpu.memory_space<vmem>>) offsets(%dma_start3A_581 : memref<100xi32, #tpu.memory_space<vmem>>) semaphore(%arg9 : memref<!tpu.dma_semaphore, #tpu.memory_space<semaphore_mem>>)
      %mul3A_585 = arith.constant 2 : i32
      %mul3A_586 = arith.muli %mul3A_585, %add3A_571 : i32
      %add3A_587 = arith.constant 1 : i32
      %add3A_588 = arith.addi %mul3A_586, %add3A_587 : i32
      %dma_start3A_589 = arith.constant 0 : i32
      %dma_start3A_590 = arith.constant 100 : i32
      %dma_start3A_591 = arith.constant 0 : i32
      %dma_start3A_592 = tpu.memref_slice %arg8[%dma_start3A_589, %dma_start3A_590, %dma_start3A_591] : memref<3x200x128xf32, #tpu.memory_space<vmem>> -> memref<1x100x128xf32, #tpu.memory_space<vmem>>
      %dma_start3A_593 = tpu.memref_squeeze %dma_start3A_592 : memref<1x100x128xf32, #tpu.memory_space<vmem>> -> memref<100x128xf32, #tpu.memory_space<vmem>>
      %dma_start3A_594 = arith.constant 0 : i32
      %dma_start3A_595 = tpu.memref_slice %arg6[%add3A_588, %dma_start3A_594] : memref<64x100xi32, #tpu.memory_space<vmem>> -> memref<1x100xi32, #tpu.memory_space<vmem>>
      %dma_start3A_596 = tpu.memref_squeeze %dma_start3A_595 : memref<1x100xi32, #tpu.memory_space<vmem>> -> memref<100xi32, #tpu.memory_space<vmem>>
      %dma_start3A_597 = arith.constant 0 : i32
      %dma_start3A_598 = arith.constant 0 : i32
      %dma_start3A_599 = tpu.memref_slice %arg3[%dma_start3A_597, %dma_start3A_598] : memref<100000x128xf32, #tpu.memory_space<hbm>> -> memref<100000x128xf32, #tpu.memory_space<hbm>>
      tpu.enqueue_indirect_dma source(%dma_start3A_599 : memref<100000x128xf32, #tpu.memory_space<hbm>>) target(%dma_start3A_593 : memref<100x128xf32, #tpu.memory_space<vmem>>) offsets(%dma_start3A_596 : memref<100xi32, #tpu.memory_space<vmem>>) semaphore(%arg9 : memref<!tpu.dma_semaphore, #tpu.memory_space<semaphore_mem>>)
      %add3A_600 = arith.addi %mul3A_2, %add3A_527 : i32
      %dma_start3A_601 = arith.constant 1 : i32
      %dma_start3A_602 = arith.constant 0 : i32
      %dma_start3A_603 = arith.constant 0 : i32
      %dma_start3A_604 = tpu.memref_slice %arg8[%dma_start3A_601, %dma_start3A_602, %dma_start3A_603] : memref<3x200x128xf32, #tpu.memory_space<vmem>> -> memref<1x200x128xf32, #tpu.memory_space<vmem>>
      %dma_start3A_605 = tpu.memref_squeeze %dma_start3A_604 : memref<1x200x128xf32, #tpu.memory_space<vmem>> -> memref<200x128xf32, #tpu.memory_space<vmem>>
      %dma_start3A_606 = arith.constant 0 : i32
      %dma_start3A_607 = arith.constant 0 : i32
      %dma_start3A_608 = tpu.memref_slice %arg5[%add3A_600, %dma_start3A_606, %dma_start3A_607] : memref<1024x200x128xf32, #tpu.memory_space<hbm>> -> memref<1x200x128xf32, #tpu.memory_space<hbm>>
      %dma_start3A_609 = tpu.memref_squeeze %dma_start3A_608 : memref<1x200x128xf32, #tpu.memory_space<hbm>> -> memref<200x128xf32, #tpu.memory_space<hbm>>
      %dma_start3A_610 = arith.constant 0 : i32
      %dma_start3A_611 = arith.constant 0 : i32
      %dma_start3A_612 = tpu.memref_slice %arg5[%add3A_600, %dma_start3A_610, %dma_start3A_611] : memref<1024x200x128xf32, #tpu.memory_space<hbm>> -> memref<1x200x128xf32, #tpu.memory_space<hbm>>
      %dma_start3A_613 = tpu.memref_squeeze %dma_start3A_612 : memref<1x200x128xf32, #tpu.memory_space<hbm>> -> memref<200x128xf32, #tpu.memory_space<hbm>>
      %dma_start3A_614 = arith.constant 0 : i32
      %dma_start3A_615 = arith.constant 0 : i32
      %dma_start3A_616 = tpu.memref_slice %arg8[%dma_start3A_601, %dma_start3A_614, %dma_start3A_615] : memref<3x200x128xf32, #tpu.memory_space<vmem>> -> memref<1x200x128xf32, #tpu.memory_space<vmem>>
      %dma_start3A_617 = tpu.memref_squeeze %dma_start3A_616 : memref<1x200x128xf32, #tpu.memory_space<vmem>> -> memref<200x128xf32, #tpu.memory_space<vmem>>
      tpu.enqueue_dma source(%dma_start3A_617 : memref<200x128xf32, #tpu.memory_space<vmem>>) target(%dma_start3A_613 : memref<200x128xf32, #tpu.memory_space<hbm>>) target_semaphore(%arg13 : memref<!tpu.dma_semaphore, #tpu.memory_space<semaphore_mem>>)
      %add3A_618 = arith.constant 2 : i32
      %add3A_619 = arith.addi %mul3A_433, %add3A_618 : i32
      %dma_wait3A_620 = arith.constant 0 : i32
      %dma_wait3A_621 = arith.constant 2 : i32
      %dma_wait3A_622 = arith.constant 0 : i32
      %dma_wait3A_623 = arith.constant 0 : i32
      %dma_wait3A_624 = tpu.memref_slice %arg8[%dma_wait3A_621, %dma_wait3A_622, %dma_wait3A_623] : memref<3x200x128xf32, #tpu.memory_space<vmem>> -> memref<1x200x128xf32, #tpu.memory_space<vmem>>
      %dma_wait3A_625 = tpu.memref_squeeze %dma_wait3A_624 : memref<1x200x128xf32, #tpu.memory_space<vmem>> -> memref<200x128xf32, #tpu.memory_space<vmem>>
      %dma_wait3A_626 = arith.constant 0 : i32
      %dma_wait3A_627 = arith.constant 0 : i32
      %dma_wait3A_628 = tpu.memref_slice %arg5[%dma_wait3A_620, %dma_wait3A_626, %dma_wait3A_627] : memref<1024x200x128xf32, #tpu.memory_space<hbm>> -> memref<1x200x128xf32, #tpu.memory_space<hbm>>
      %dma_wait3A_629 = tpu.memref_squeeze %dma_wait3A_628 : memref<1x200x128xf32, #tpu.memory_space<hbm>> -> memref<200x128xf32, #tpu.memory_space<hbm>>
      %dma_wait3A_630 = arith.constant 0 : i32
      %dma_wait3A_631 = arith.constant 0 : i32
      %dma_wait3A_632 = tpu.memref_slice %arg8[%dma_wait3A_621, %dma_wait3A_630, %dma_wait3A_631] : memref<3x200x128xf32, #tpu.memory_space<vmem>> -> memref<1x200x128xf32, #tpu.memory_space<vmem>>
      %dma_wait3A_633 = tpu.memref_squeeze %dma_wait3A_632 : memref<1x200x128xf32, #tpu.memory_space<vmem>> -> memref<200x128xf32, #tpu.memory_space<vmem>>
      %dma_wait3A_634 = arith.constant 0 : i32
      %dma_wait3A_635 = arith.constant 0 : i32
      %dma_wait3A_636 = tpu.memref_slice %arg5[%dma_wait3A_620, %dma_wait3A_634, %dma_wait3A_635] : memref<1024x200x128xf32, #tpu.memory_space<hbm>> -> memref<1x200x128xf32, #tpu.memory_space<hbm>>
      %dma_wait3A_637 = tpu.memref_squeeze %dma_wait3A_636 : memref<1x200x128xf32, #tpu.memory_space<hbm>> -> memref<200x128xf32, #tpu.memory_space<hbm>>
      tpu.wait_dma2 semaphore(%arg11 : memref<!tpu.dma_semaphore, #tpu.memory_space<semaphore_mem>>) src(%dma_wait3A_637 : memref<200x128xf32, #tpu.memory_space<hbm>>) dst(%dma_wait3A_633 : memref<200x128xf32, #tpu.memory_space<vmem>>)
      %scan3A_638 = arith.constant 0 : i32
      %scan3A_639 = arith.constant 0 : i32
      %scan3A_640 = arith.constant 100 : i32
      %scan3A_641 = arith.addi %scan3A_639, %scan3A_640 : i32
      %scan3A_642 = arith.constant 1 : i32
      scf.for %scan3A_710 = %scan3A_639 to %scan3A_641 step %scan3A_642  : i32 {
        %mul3A_711 = arith.constant 2 : i32
        %mul3A_712 = arith.muli %mul3A_711, %scan3A_710 : i32
        %add3A_713 = arith.constant 0 : i32
        %add3A_714 = arith.addi %mul3A_712, %add3A_713 : i32
        %get3A = arith.index_cast %add3A_714 : i32 to index
        %get3A_715 = arith.constant 0 : index
        %get3A_716 = tpu.vector_load %arg7[%get3A, %get3A_715] {strides = array<i32>} : memref<200x64xi32, #tpu.memory_space<vmem>>, vector<1x16xi32>,
        %get3A_717 = vector.shape_cast %get3A_716 : vector<1x16xi32> to vector<16xi32>
        %shift_left3A = arith.constant 16 : i32
        %shift_left3A_718 = vector.broadcast %shift_left3A : i32 to vector<16xi32>
        %shift_left3A_719 = arith.shli %get3A_717, %shift_left3A_718 : vector<16xi32>
        %bitcast_convert_type3A = tpu.bitcast %shift_left3A_719 : vector<16xi32> -> vector<16xf32>
        %and3A = arith.constant -65536 : i32
        %and3A_720 = vector.broadcast %and3A : i32 to vector<16xi32>
        %and3A_721 = arith.andi %get3A_717, %and3A_720 : vector<16xi32>
        %bitcast_convert_type3A_722 = tpu.bitcast %and3A_721 : vector<16xi32> -> vector<16xf32>
        %get3A_723 = arith.constant 2 : i32
        %get3A_724 = arith.index_cast %get3A_723 : i32 to index
        %get3A_725 = arith.index_cast %add3A_714 : i32 to index
        %get3A_726 = arith.constant 0 : index
        %get3A_727 = tpu.vector_load %arg8[%get3A_724, %get3A_725, %get3A_726] {strides = array<i32>} : memref<3x200x128xf32, #tpu.memory_space<vmem>>, vector<1x1x16xf32>,
        %get3A_728 = vector.shape_cast %get3A_727 : vector<1x1x16xf32> to vector<16xf32>
        %mul3A_729 = arith.constant 11.3137083 : f32
        %mul3A_730 = vector.broadcast %mul3A_729 : f32 to vector<16xf32>
        %mul3A_731 = arith.mulf %get3A_728, %mul3A_730 : vector<16xf32>
        %add3A_732 = arith.addf %mul3A_731, %bitcast_convert_type3A : vector<16xf32>
        %swap3A = arith.constant 2 : i32
        %swap3A_733 = arith.index_cast %swap3A : i32 to index
        %swap3A_734 = arith.index_cast %add3A_714 : i32 to index
        %swap3A_735 = arith.constant 0 : index
        %swap3A_736 = tpu.vector_load %arg8[%swap3A_733, %swap3A_734, %swap3A_735] {strides = array<i32>} : memref<3x200x128xf32, #tpu.memory_space<vmem>>, vector<1x1x16xf32>,
        %swap3A_737 = vector.shape_cast %swap3A_736 : vector<1x1x16xf32> to vector<16xf32>
        %swap3A_738 = vector.shape_cast %add3A_732 : vector<16xf32> to vector<1x1x16xf32>
        tpu.vector_store %arg8[%swap3A_733, %swap3A_734, %swap3A_735], %swap3A_738 {strides = array<i32>} : memref<3x200x128xf32, #tpu.memory_space<vmem>>, vector<1x1x16xf32>,
        %get3A_739 = arith.constant 2 : i32
        %get3A_740 = arith.index_cast %get3A_739 : i32 to index
        %get3A_741 = arith.index_cast %add3A_714 : i32 to index
        %get3A_742 = arith.constant 16 : index
        %get3A_743 = tpu.vector_load %arg8[%get3A_740, %get3A_741, %get3A_742] {strides = array<i32>} : memref<3x200x128xf32, #tpu.memory_space<vmem>>, vector<1x1x16xf32>,
        %get3A_744 = vector.shape_cast %get3A_743 : vector<1x1x16xf32> to vector<16xf32>
        %mul3A_745 = arith.constant 11.3137083 : f32
        %mul3A_746 = vector.broadcast %mul3A_745 : f32 to vector<16xf32>
        %mul3A_747 = arith.mulf %get3A_744, %mul3A_746 : vector<16xf32>
        %add3A_748 = arith.addf %mul3A_747, %bitcast_convert_type3A_722 : vector<16xf32>
        %swap3A_749 = arith.constant 2 : i32
        %swap3A_750 = arith.index_cast %swap3A_749 : i32 to index
        %swap3A_751 = arith.index_cast %add3A_714 : i32 to index
        %swap3A_752 = arith.constant 16 : index
        %swap3A_753 = tpu.vector_load %arg8[%swap3A_750, %swap3A_751, %swap3A_752] {strides = array<i32>} : memref<3x200x128xf32, #tpu.memory_space<vmem>>, vector<1x1x16xf32>,
        %swap3A_754 = vector.shape_cast %swap3A_753 : vector<1x1x16xf32> to vector<16xf32>
        %swap3A_755 = vector.shape_cast %add3A_748 : vector<16xf32> to vector<1x1x16xf32>
        tpu.vector_store %arg8[%swap3A_750, %swap3A_751, %swap3A_752], %swap3A_755 {strides = array<i32>} : memref<3x200x128xf32, #tpu.memory_space<vmem>>, vector<1x1x16xf32>,
        %get3A_756 = arith.index_cast %add3A_714 : i32 to index
        %get3A_757 = arith.constant 16 : index
        %get3A_758 = tpu.vector_load %arg7[%get3A_756, %get3A_757] {strides = array<i32>} : memref<200x64xi32, #tpu.memory_space<vmem>>, vector<1x16xi32>,
        %get3A_759 = vector.shape_cast %get3A_758 : vector<1x16xi32> to vector<16xi32>
        %shift_left3A_760 = arith.constant 16 : i32
        %shift_left3A_761 = vector.broadcast %shift_left3A_760 : i32 to vector<16xi32>
        %shift_left3A_762 = arith.shli %get3A_759, %shift_left3A_761 : vector<16xi32>
        %bitcast_convert_type3A_763 = tpu.bitcast %shift_left3A_762 : vector<16xi32> -> vector<16xf32>
        %and3A_764 = arith.constant -65536 : i32
        %and3A_765 = vector.broadcast %and3A_764 : i32 to vector<16xi32>
        %and3A_766 = arith.andi %get3A_759, %and3A_765 : vector<16xi32>
        %bitcast_convert_type3A_767 = tpu.bitcast %and3A_766 : vector<16xi32> -> vector<16xf32>
        %get3A_768 = arith.constant 2 : i32
        %get3A_769 = arith.index_cast %get3A_768 : i32 to index
        %get3A_770 = arith.index_cast %add3A_714 : i32 to index
        %get3A_771 = arith.constant 32 : index
        %get3A_772 = tpu.vector_load %arg8[%get3A_769, %get3A_770, %get3A_771] {strides = array<i32>} : memref<3x200x128xf32, #tpu.memory_space<vmem>>, vector<1x1x16xf32>,
        %get3A_773 = vector.shape_cast %get3A_772 : vector<1x1x16xf32> to vector<16xf32>
        %mul3A_774 = arith.constant 11.3137083 : f32
        %mul3A_775 = vector.broadcast %mul3A_774 : f32 to vector<16xf32>
        %mul3A_776 = arith.mulf %get3A_773, %mul3A_775 : vector<16xf32>
        %add3A_777 = arith.addf %mul3A_776, %bitcast_convert_type3A_763 : vector<16xf32>
        %swap3A_778 = arith.constant 2 : i32
        %swap3A_779 = arith.index_cast %swap3A_778 : i32 to index
        %swap3A_780 = arith.index_cast %add3A_714 : i32 to index
        %swap3A_781 = arith.constant 32 : index
        %swap3A_782 = tpu.vector_load %arg8[%swap3A_779, %swap3A_780, %swap3A_781] {strides = array<i32>} : memref<3x200x128xf32, #tpu.memory_space<vmem>>, vector<1x1x16xf32>,
        %swap3A_783 = vector.shape_cast %swap3A_782 : vector<1x1x16xf32> to vector<16xf32>
        %swap3A_784 = vector.shape_cast %add3A_777 : vector<16xf32> to vector<1x1x16xf32>
        tpu.vector_store %arg8[%swap3A_779, %swap3A_780, %swap3A_781], %swap3A_784 {strides = array<i32>} : memref<3x200x128xf32, #tpu.memory_space<vmem>>, vector<1x1x16xf32>,
        %get3A_785 = arith.constant 2 : i32
        %get3A_786 = arith.index_cast %get3A_785 : i32 to index
        %get3A_787 = arith.index_cast %add3A_714 : i32 to index
        %get3A_788 = arith.constant 48 : index
        %get3A_789 = tpu.vector_load %arg8[%get3A_786, %get3A_787, %get3A_788] {strides = array<i32>} : memref<3x200x128xf32, #tpu.memory_space<vmem>>, vector<1x1x16xf32>,
        %get3A_790 = vector.shape_cast %get3A_789 : vector<1x1x16xf32> to vector<16xf32>
        %mul3A_791 = arith.constant 11.3137083 : f32
        %mul3A_792 = vector.broadcast %mul3A_791 : f32 to vector<16xf32>
        %mul3A_793 = arith.mulf %get3A_790, %mul3A_792 : vector<16xf32>
        %add3A_794 = arith.addf %mul3A_793, %bitcast_convert_type3A_767 : vector<16xf32>
        %swap3A_795 = arith.constant 2 : i32
        %swap3A_796 = arith.index_cast %swap3A_795 : i32 to index
        %swap3A_797 = arith.index_cast %add3A_714 : i32 to index
        %swap3A_798 = arith.constant 48 : index
        %swap3A_799 = tpu.vector_load %arg8[%swap3A_796, %swap3A_797, %swap3A_798] {strides = array<i32>} : memref<3x200x128xf32, #tpu.memory_space<vmem>>, vector<1x1x16xf32>,
        %swap3A_800 = vector.shape_cast %swap3A_799 : vector<1x1x16xf32> to vector<16xf32>
        %swap3A_801 = vector.shape_cast %add3A_794 : vector<16xf32> to vector<1x1x16xf32>
        tpu.vector_store %arg8[%swap3A_796, %swap3A_797, %swap3A_798], %swap3A_801 {strides = array<i32>} : memref<3x200x128xf32, #tpu.memory_space<vmem>>, vector<1x1x16xf32>,
        %get3A_802 = arith.index_cast %add3A_714 : i32 to index
        %get3A_803 = arith.constant 32 : index
        %get3A_804 = tpu.vector_load %arg7[%get3A_802, %get3A_803] {strides = array<i32>} : memref<200x64xi32, #tpu.memory_space<vmem>>, vector<1x16xi32>,
        %get3A_805 = vector.shape_cast %get3A_804 : vector<1x16xi32> to vector<16xi32>
        %shift_left3A_806 = arith.constant 16 : i32
        %shift_left3A_807 = vector.broadcast %shift_left3A_806 : i32 to vector<16xi32>
        %shift_left3A_808 = arith.shli %get3A_805, %shift_left3A_807 : vector<16xi32>
        %bitcast_convert_type3A_809 = tpu.bitcast %shift_left3A_808 : vector<16xi32> -> vector<16xf32>
        %and3A_810 = arith.constant -65536 : i32
        %and3A_811 = vector.broadcast %and3A_810 : i32 to vector<16xi32>
        %and3A_812 = arith.andi %get3A_805, %and3A_811 : vector<16xi32>
        %bitcast_convert_type3A_813 = tpu.bitcast %and3A_812 : vector<16xi32> -> vector<16xf32>
        %get3A_814 = arith.constant 2 : i32
        %get3A_815 = arith.index_cast %get3A_814 : i32 to index
        %get3A_816 = arith.index_cast %add3A_714 : i32 to index
        %get3A_817 = arith.constant 64 : index
        %get3A_818 = tpu.vector_load %arg8[%get3A_815, %get3A_816, %get3A_817] {strides = array<i32>} : memref<3x200x128xf32, #tpu.memory_space<vmem>>, vector<1x1x16xf32>,
        %get3A_819 = vector.shape_cast %get3A_818 : vector<1x1x16xf32> to vector<16xf32>
        %mul3A_820 = arith.constant 11.3137083 : f32
        %mul3A_821 = vector.broadcast %mul3A_820 : f32 to vector<16xf32>
        %mul3A_822 = arith.mulf %get3A_819, %mul3A_821 : vector<16xf32>
        %add3A_823 = arith.addf %mul3A_822, %bitcast_convert_type3A_809 : vector<16xf32>
        %swap3A_824 = arith.constant 2 : i32
        %swap3A_825 = arith.index_cast %swap3A_824 : i32 to index
        %swap3A_826 = arith.index_cast %add3A_714 : i32 to index
        %swap3A_827 = arith.constant 64 : index
        %swap3A_828 = tpu.vector_load %arg8[%swap3A_825, %swap3A_826, %swap3A_827] {strides = array<i32>} : memref<3x200x128xf32, #tpu.memory_space<vmem>>, vector<1x1x16xf32>,
        %swap3A_829 = vector.shape_cast %swap3A_828 : vector<1x1x16xf32> to vector<16xf32>
        %swap3A_830 = vector.shape_cast %add3A_823 : vector<16xf32> to vector<1x1x16xf32>
        tpu.vector_store %arg8[%swap3A_825, %swap3A_826, %swap3A_827], %swap3A_830 {strides = array<i32>} : memref<3x200x128xf32, #tpu.memory_space<vmem>>, vector<1x1x16xf32>,
        %get3A_831 = arith.constant 2 : i32
        %get3A_832 = arith.index_cast %get3A_831 : i32 to index
        %get3A_833 = arith.index_cast %add3A_714 : i32 to index
        %get3A_834 = arith.constant 80 : index
        %get3A_835 = tpu.vector_load %arg8[%get3A_832, %get3A_833, %get3A_834] {strides = array<i32>} : memref<3x200x128xf32, #tpu.memory_space<vmem>>, vector<1x1x16xf32>,
        %get3A_836 = vector.shape_cast %get3A_835 : vector<1x1x16xf32> to vector<16xf32>
        %mul3A_837 = arith.constant 11.3137083 : f32
        %mul3A_838 = vector.broadcast %mul3A_837 : f32 to vector<16xf32>
        %mul3A_839 = arith.mulf %get3A_836, %mul3A_838 : vector<16xf32>
        %add3A_840 = arith.addf %mul3A_839, %bitcast_convert_type3A_813 : vector<16xf32>
        %swap3A_841 = arith.constant 2 : i32
        %swap3A_842 = arith.index_cast %swap3A_841 : i32 to index
        %swap3A_843 = arith.index_cast %add3A_714 : i32 to index
        %swap3A_844 = arith.constant 80 : index
        %swap3A_845 = tpu.vector_load %arg8[%swap3A_842, %swap3A_843, %swap3A_844] {strides = array<i32>} : memref<3x200x128xf32, #tpu.memory_space<vmem>>, vector<1x1x16xf32>,
        %swap3A_846 = vector.shape_cast %swap3A_845 : vector<1x1x16xf32> to vector<16xf32>
        %swap3A_847 = vector.shape_cast %add3A_840 : vector<16xf32> to vector<1x1x16xf32>
        tpu.vector_store %arg8[%swap3A_842, %swap3A_843, %swap3A_844], %swap3A_847 {strides = array<i32>} : memref<3x200x128xf32, #tpu.memory_space<vmem>>, vector<1x1x16xf32>,
        %get3A_848 = arith.index_cast %add3A_714 : i32 to index
        %get3A_849 = arith.constant 48 : index
        %get3A_850 = tpu.vector_load %arg7[%get3A_848, %get3A_849] {strides = array<i32>} : memref<200x64xi32, #tpu.memory_space<vmem>>, vector<1x16xi32>,
        %get3A_851 = vector.shape_cast %get3A_850 : vector<1x16xi32> to vector<16xi32>
        %shift_left3A_852 = arith.constant 16 : i32
        %shift_left3A_853 = vector.broadcast %shift_left3A_852 : i32 to vector<16xi32>
        %shift_left3A_854 = arith.shli %get3A_851, %shift_left3A_853 : vector<16xi32>
        %bitcast_convert_type3A_855 = tpu.bitcast %shift_left3A_854 : vector<16xi32> -> vector<16xf32>
        %and3A_856 = arith.constant -65536 : i32
        %and3A_857 = vector.broadcast %and3A_856 : i32 to vector<16xi32>
        %and3A_858 = arith.andi %get3A_851, %and3A_857 : vector<16xi32>
        %bitcast_convert_type3A_859 = tpu.bitcast %and3A_858 : vector<16xi32> -> vector<16xf32>
        %get3A_860 = arith.constant 2 : i32
        %get3A_861 = arith.index_cast %get3A_860 : i32 to index
        %get3A_862 = arith.index_cast %add3A_714 : i32 to index
        %get3A_863 = arith.constant 96 : index
        %get3A_864 = tpu.vector_load %arg8[%get3A_861, %get3A_862, %get3A_863] {strides = array<i32>} : memref<3x200x128xf32, #tpu.memory_space<vmem>>, vector<1x1x16xf32>,
        %get3A_865 = vector.shape_cast %get3A_864 : vector<1x1x16xf32> to vector<16xf32>
        %mul3A_866 = arith.constant 11.3137083 : f32
        %mul3A_867 = vector.broadcast %mul3A_866 : f32 to vector<16xf32>
        %mul3A_868 = arith.mulf %get3A_865, %mul3A_867 : vector<16xf32>
        %add3A_869 = arith.addf %mul3A_868, %bitcast_convert_type3A_855 : vector<16xf32>
        %swap3A_870 = arith.constant 2 : i32
        %swap3A_871 = arith.index_cast %swap3A_870 : i32 to index
        %swap3A_872 = arith.index_cast %add3A_714 : i32 to index
        %swap3A_873 = arith.constant 96 : index
        %swap3A_874 = tpu.vector_load %arg8[%swap3A_871, %swap3A_872, %swap3A_873] {strides = array<i32>} : memref<3x200x128xf32, #tpu.memory_space<vmem>>, vector<1x1x16xf32>,
        %swap3A_875 = vector.shape_cast %swap3A_874 : vector<1x1x16xf32> to vector<16xf32>
        %swap3A_876 = vector.shape_cast %add3A_869 : vector<16xf32> to vector<1x1x16xf32>
        tpu.vector_store %arg8[%swap3A_871, %swap3A_872, %swap3A_873], %swap3A_876 {strides = array<i32>} : memref<3x200x128xf32, #tpu.memory_space<vmem>>, vector<1x1x16xf32>,
        %get3A_877 = arith.constant 2 : i32
        %get3A_878 = arith.index_cast %get3A_877 : i32 to index
        %get3A_879 = arith.index_cast %add3A_714 : i32 to index
        %get3A_880 = arith.constant 112 : index
        %get3A_881 = tpu.vector_load %arg8[%get3A_878, %get3A_879, %get3A_880] {strides = array<i32>} : memref<3x200x128xf32, #tpu.memory_space<vmem>>, vector<1x1x16xf32>,
        %get3A_882 = vector.shape_cast %get3A_881 : vector<1x1x16xf32> to vector<16xf32>
        %mul3A_883 = arith.constant 11.3137083 : f32
        %mul3A_884 = vector.broadcast %mul3A_883 : f32 to vector<16xf32>
        %mul3A_885 = arith.mulf %get3A_882, %mul3A_884 : vector<16xf32>
        %add3A_886 = arith.addf %mul3A_885, %bitcast_convert_type3A_859 : vector<16xf32>
        %swap3A_887 = arith.constant 2 : i32
        %swap3A_888 = arith.index_cast %swap3A_887 : i32 to index
        %swap3A_889 = arith.index_cast %add3A_714 : i32 to index
        %swap3A_890 = arith.constant 112 : index
        %swap3A_891 = tpu.vector_load %arg8[%swap3A_888, %swap3A_889, %swap3A_890] {strides = array<i32>} : memref<3x200x128xf32, #tpu.memory_space<vmem>>, vector<1x1x16xf32>,
        %swap3A_892 = vector.shape_cast %swap3A_891 : vector<1x1x16xf32> to vector<16xf32>
        %swap3A_893 = vector.shape_cast %add3A_886 : vector<16xf32> to vector<1x1x16xf32>
        tpu.vector_store %arg8[%swap3A_888, %swap3A_889, %swap3A_890], %swap3A_893 {strides = array<i32>} : memref<3x200x128xf32, #tpu.memory_space<vmem>>, vector<1x1x16xf32>,
        %mul3A_894 = arith.constant 2 : i32
        %mul3A_895 = arith.muli %mul3A_894, %scan3A_710 : i32
        %add3A_896 = arith.constant 1 : i32
        %add3A_897 = arith.addi %mul3A_895, %add3A_896 : i32
        %get3A_898 = arith.index_cast %add3A_897 : i32 to index
        %get3A_899 = arith.constant 0 : index
        %get3A_900 = tpu.vector_load %arg7[%get3A_898, %get3A_899] {strides = array<i32>} : memref<200x64xi32, #tpu.memory_space<vmem>>, vector<1x16xi32>,
        %get3A_901 = vector.shape_cast %get3A_900 : vector<1x16xi32> to vector<16xi32>
        %shift_left3A_902 = arith.constant 16 : i32
        %shift_left3A_903 = vector.broadcast %shift_left3A_902 : i32 to vector<16xi32>
        %shift_left3A_904 = arith.shli %get3A_901, %shift_left3A_903 : vector<16xi32>
        %bitcast_convert_type3A_905 = tpu.bitcast %shift_left3A_904 : vector<16xi32> -> vector<16xf32>
        %and3A_906 = arith.constant -65536 : i32
        %and3A_907 = vector.broadcast %and3A_906 : i32 to vector<16xi32>
        %and3A_908 = arith.andi %get3A_901, %and3A_907 : vector<16xi32>
        %bitcast_convert_type3A_909 = tpu.bitcast %and3A_908 : vector<16xi32> -> vector<16xf32>
        %get3A_910 = arith.constant 2 : i32
        %get3A_911 = arith.index_cast %get3A_910 : i32 to index
        %get3A_912 = arith.index_cast %add3A_897 : i32 to index
        %get3A_913 = arith.constant 0 : index
        %get3A_914 = tpu.vector_load %arg8[%get3A_911, %get3A_912, %get3A_913] {strides = array<i32>} : memref<3x200x128xf32, #tpu.memory_space<vmem>>, vector<1x1x16xf32>,
        %get3A_915 = vector.shape_cast %get3A_914 : vector<1x1x16xf32> to vector<16xf32>
        %mul3A_916 = arith.constant 11.3137083 : f32
        %mul3A_917 = vector.broadcast %mul3A_916 : f32 to vector<16xf32>
        %mul3A_918 = arith.mulf %get3A_915, %mul3A_917 : vector<16xf32>
        %add3A_919 = arith.addf %mul3A_918, %bitcast_convert_type3A_905 : vector<16xf32>
        %swap3A_920 = arith.constant 2 : i32
        %swap3A_921 = arith.index_cast %swap3A_920 : i32 to index
        %swap3A_922 = arith.index_cast %add3A_897 : i32 to index
        %swap3A_923 = arith.constant 0 : index
        %swap3A_924 = tpu.vector_load %arg8[%swap3A_921, %swap3A_922, %swap3A_923] {strides = array<i32>} : memref<3x200x128xf32, #tpu.memory_space<vmem>>, vector<1x1x16xf32>,
        %swap3A_925 = vector.shape_cast %swap3A_924 : vector<1x1x16xf32> to vector<16xf32>
        %swap3A_926 = vector.shape_cast %add3A_919 : vector<16xf32> to vector<1x1x16xf32>
        tpu.vector_store %arg8[%swap3A_921, %swap3A_922, %swap3A_923], %swap3A_926 {strides = array<i32>} : memref<3x200x128xf32, #tpu.memory_space<vmem>>, vector<1x1x16xf32>,
        %get3A_927 = arith.constant 2 : i32
        %get3A_928 = arith.index_cast %get3A_927 : i32 to index
        %get3A_929 = arith.index_cast %add3A_897 : i32 to index
        %get3A_930 = arith.constant 16 : index
        %get3A_931 = tpu.vector_load %arg8[%get3A_928, %get3A_929, %get3A_930] {strides = array<i32>} : memref<3x200x128xf32, #tpu.memory_space<vmem>>, vector<1x1x16xf32>,
        %get3A_932 = vector.shape_cast %get3A_931 : vector<1x1x16xf32> to vector<16xf32>
        %mul3A_933 = arith.constant 11.3137083 : f32
        %mul3A_934 = vector.broadcast %mul3A_933 : f32 to vector<16xf32>
        %mul3A_935 = arith.mulf %get3A_932, %mul3A_934 : vector<16xf32>
        %add3A_936 = arith.addf %mul3A_935, %bitcast_convert_type3A_909 : vector<16xf32>
        %swap3A_937 = arith.constant 2 : i32
        %swap3A_938 = arith.index_cast %swap3A_937 : i32 to index
        %swap3A_939 = arith.index_cast %add3A_897 : i32 to index
        %swap3A_940 = arith.constant 16 : index
        %swap3A_941 = tpu.vector_load %arg8[%swap3A_938, %swap3A_939, %swap3A_940] {strides = array<i32>} : memref<3x200x128xf32, #tpu.memory_space<vmem>>, vector<1x1x16xf32>,
        %swap3A_942 = vector.shape_cast %swap3A_941 : vector<1x1x16xf32> to vector<16xf32>
        %swap3A_943 = vector.shape_cast %add3A_936 : vector<16xf32> to vector<1x1x16xf32>
        tpu.vector_store %arg8[%swap3A_938, %swap3A_939, %swap3A_940], %swap3A_943 {strides = array<i32>} : memref<3x200x128xf32, #tpu.memory_space<vmem>>, vector<1x1x16xf32>,
        %get3A_944 = arith.index_cast %add3A_897 : i32 to index
        %get3A_945 = arith.constant 16 : index
        %get3A_946 = tpu.vector_load %arg7[%get3A_944, %get3A_945] {strides = array<i32>} : memref<200x64xi32, #tpu.memory_space<vmem>>, vector<1x16xi32>,
        %get3A_947 = vector.shape_cast %get3A_946 : vector<1x16xi32> to vector<16xi32>
        %shift_left3A_948 = arith.constant 16 : i32
        %shift_left3A_949 = vector.broadcast %shift_left3A_948 : i32 to vector<16xi32>
        %shift_left3A_950 = arith.shli %get3A_947, %shift_left3A_949 : vector<16xi32>
        %bitcast_convert_type3A_951 = tpu.bitcast %shift_left3A_950 : vector<16xi32> -> vector<16xf32>
        %and3A_952 = arith.constant -65536 : i32
        %and3A_953 = vector.broadcast %and3A_952 : i32 to vector<16xi32>
        %and3A_954 = arith.andi %get3A_947, %and3A_953 : vector<16xi32>
        %bitcast_convert_type3A_955 = tpu.bitcast %and3A_954 : vector<16xi32> -> vector<16xf32>
        %get3A_956 = arith.constant 2 : i32
        %get3A_957 = arith.index_cast %get3A_956 : i32 to index
        %get3A_958 = arith.index_cast %add3A_897 : i32 to index
        %get3A_959 = arith.constant 32 : index
        %get3A_960 = tpu.vector_load %arg8[%get3A_957, %get3A_958, %get3A_959] {strides = array<i32>} : memref<3x200x128xf32, #tpu.memory_space<vmem>>, vector<1x1x16xf32>,
        %get3A_961 = vector.shape_cast %get3A_960 : vector<1x1x16xf32> to vector<16xf32>
        %mul3A_962 = arith.constant 11.3137083 : f32
        %mul3A_963 = vector.broadcast %mul3A_962 : f32 to vector<16xf32>
        %mul3A_964 = arith.mulf %get3A_961, %mul3A_963 : vector<16xf32>
        %add3A_965 = arith.addf %mul3A_964, %bitcast_convert_type3A_951 : vector<16xf32>
        %swap3A_966 = arith.constant 2 : i32
        %swap3A_967 = arith.index_cast %swap3A_966 : i32 to index
        %swap3A_968 = arith.index_cast %add3A_897 : i32 to index
        %swap3A_969 = arith.constant 32 : index
        %swap3A_970 = tpu.vector_load %arg8[%swap3A_967, %swap3A_968, %swap3A_969] {strides = array<i32>} : memref<3x200x128xf32, #tpu.memory_space<vmem>>, vector<1x1x16xf32>,
        %swap3A_971 = vector.shape_cast %swap3A_970 : vector<1x1x16xf32> to vector<16xf32>
        %swap3A_972 = vector.shape_cast %add3A_965 : vector<16xf32> to vector<1x1x16xf32>
        tpu.vector_store %arg8[%swap3A_967, %swap3A_968, %swap3A_969], %swap3A_972 {strides = array<i32>} : memref<3x200x128xf32, #tpu.memory_space<vmem>>, vector<1x1x16xf32>,
        %get3A_973 = arith.constant 2 : i32
        %get3A_974 = arith.index_cast %get3A_973 : i32 to index
        %get3A_975 = arith.index_cast %add3A_897 : i32 to index
        %get3A_976 = arith.constant 48 : index
        %get3A_977 = tpu.vector_load %arg8[%get3A_974, %get3A_975, %get3A_976] {strides = array<i32>} : memref<3x200x128xf32, #tpu.memory_space<vmem>>, vector<1x1x16xf32>,
        %get3A_978 = vector.shape_cast %get3A_977 : vector<1x1x16xf32> to vector<16xf32>
        %mul3A_979 = arith.constant 11.3137083 : f32
        %mul3A_980 = vector.broadcast %mul3A_979 : f32 to vector<16xf32>
        %mul3A_981 = arith.mulf %get3A_978, %mul3A_980 : vector<16xf32>
        %add3A_982 = arith.addf %mul3A_981, %bitcast_convert_type3A_955 : vector<16xf32>
        %swap3A_983 = arith.constant 2 : i32
        %swap3A_984 = arith.index_cast %swap3A_983 : i32 to index
        %swap3A_985 = arith.index_cast %add3A_897 : i32 to index
        %swap3A_986 = arith.constant 48 : index
        %swap3A_987 = tpu.vector_load %arg8[%swap3A_984, %swap3A_985, %swap3A_986] {strides = array<i32>} : memref<3x200x128xf32, #tpu.memory_space<vmem>>, vector<1x1x16xf32>,
        %swap3A_988 = vector.shape_cast %swap3A_987 : vector<1x1x16xf32> to vector<16xf32>
        %swap3A_989 = vector.shape_cast %add3A_982 : vector<16xf32> to vector<1x1x16xf32>
        tpu.vector_store %arg8[%swap3A_984, %swap3A_985, %swap3A_986], %swap3A_989 {strides = array<i32>} : memref<3x200x128xf32, #tpu.memory_space<vmem>>, vector<1x1x16xf32>,
        %get3A_990 = arith.index_cast %add3A_897 : i32 to index
        %get3A_991 = arith.constant 32 : index
        %get3A_992 = tpu.vector_load %arg7[%get3A_990, %get3A_991] {strides = array<i32>} : memref<200x64xi32, #tpu.memory_space<vmem>>, vector<1x16xi32>,
        %get3A_993 = vector.shape_cast %get3A_992 : vector<1x16xi32> to vector<16xi32>
        %shift_left3A_994 = arith.constant 16 : i32
        %shift_left3A_995 = vector.broadcast %shift_left3A_994 : i32 to vector<16xi32>
        %shift_left3A_996 = arith.shli %get3A_993, %shift_left3A_995 : vector<16xi32>
        %bitcast_convert_type3A_997 = tpu.bitcast %shift_left3A_996 : vector<16xi32> -> vector<16xf32>
        %and3A_998 = arith.constant -65536 : i32
        %and3A_999 = vector.broadcast %and3A_998 : i32 to vector<16xi32>
        %and3A_1000 = arith.andi %get3A_993, %and3A_999 : vector<16xi32>
        %bitcast_convert_type3A_1001 = tpu.bitcast %and3A_1000 : vector<16xi32> -> vector<16xf32>
        %get3A_1002 = arith.constant 2 : i32
        %get3A_1003 = arith.index_cast %get3A_1002 : i32 to index
        %get3A_1004 = arith.index_cast %add3A_897 : i32 to index
        %get3A_1005 = arith.constant 64 : index
        %get3A_1006 = tpu.vector_load %arg8[%get3A_1003, %get3A_1004, %get3A_1005] {strides = array<i32>} : memref<3x200x128xf32, #tpu.memory_space<vmem>>, vector<1x1x16xf32>,
        %get3A_1007 = vector.shape_cast %get3A_1006 : vector<1x1x16xf32> to vector<16xf32>
        %mul3A_1008 = arith.constant 11.3137083 : f32
        %mul3A_1009 = vector.broadcast %mul3A_1008 : f32 to vector<16xf32>
        %mul3A_1010 = arith.mulf %get3A_1007, %mul3A_1009 : vector<16xf32>
        %add3A_1011 = arith.addf %mul3A_1010, %bitcast_convert_type3A_997 : vector<16xf32>
        %swap3A_1012 = arith.constant 2 : i32
        %swap3A_1013 = arith.index_cast %swap3A_1012 : i32 to index
        %swap3A_1014 = arith.index_cast %add3A_897 : i32 to index
        %swap3A_1015 = arith.constant 64 : index
        %swap3A_1016 = tpu.vector_load %arg8[%swap3A_1013, %swap3A_1014, %swap3A_1015] {strides = array<i32>} : memref<3x200x128xf32, #tpu.memory_space<vmem>>, vector<1x1x16xf32>,
        %swap3A_1017 = vector.shape_cast %swap3A_1016 : vector<1x1x16xf32> to vector<16xf32>
        %swap3A_1018 = vector.shape_cast %add3A_1011 : vector<16xf32> to vector<1x1x16xf32>
        tpu.vector_store %arg8[%swap3A_1013, %swap3A_1014, %swap3A_1015], %swap3A_1018 {strides = array<i32>} : memref<3x200x128xf32, #tpu.memory_space<vmem>>, vector<1x1x16xf32>,
        %get3A_1019 = arith.constant 2 : i32
        %get3A_1020 = arith.index_cast %get3A_1019 : i32 to index
        %get3A_1021 = arith.index_cast %add3A_897 : i32 to index
        %get3A_1022 = arith.constant 80 : index
        %get3A_1023 = tpu.vector_load %arg8[%get3A_1020, %get3A_1021, %get3A_1022] {strides = array<i32>} : memref<3x200x128xf32, #tpu.memory_space<vmem>>, vector<1x1x16xf32>,
        %get3A_1024 = vector.shape_cast %get3A_1023 : vector<1x1x16xf32> to vector<16xf32>
        %mul3A_1025 = arith.constant 11.3137083 : f32
        %mul3A_1026 = vector.broadcast %mul3A_1025 : f32 to vector<16xf32>
        %mul3A_1027 = arith.mulf %get3A_1024, %mul3A_1026 : vector<16xf32>
        %add3A_1028 = arith.addf %mul3A_1027, %bitcast_convert_type3A_1001 : vector<16xf32>
        %swap3A_1029 = arith.constant 2 : i32
        %swap3A_1030 = arith.index_cast %swap3A_1029 : i32 to index
        %swap3A_1031 = arith.index_cast %add3A_897 : i32 to index
        %swap3A_1032 = arith.constant 80 : index
        %swap3A_1033 = tpu.vector_load %arg8[%swap3A_1030, %swap3A_1031, %swap3A_1032] {strides = array<i32>} : memref<3x200x128xf32, #tpu.memory_space<vmem>>, vector<1x1x16xf32>,
        %swap3A_1034 = vector.shape_cast %swap3A_1033 : vector<1x1x16xf32> to vector<16xf32>
        %swap3A_1035 = vector.shape_cast %add3A_1028 : vector<16xf32> to vector<1x1x16xf32>
        tpu.vector_store %arg8[%swap3A_1030, %swap3A_1031, %swap3A_1032], %swap3A_1035 {strides = array<i32>} : memref<3x200x128xf32, #tpu.memory_space<vmem>>, vector<1x1x16xf32>,
        %get3A_1036 = arith.index_cast %add3A_897 : i32 to index
        %get3A_1037 = arith.constant 48 : index
        %get3A_1038 = tpu.vector_load %arg7[%get3A_1036, %get3A_1037] {strides = array<i32>} : memref<200x64xi32, #tpu.memory_space<vmem>>, vector<1x16xi32>,
        %get3A_1039 = vector.shape_cast %get3A_1038 : vector<1x16xi32> to vector<16xi32>
        %shift_left3A_1040 = arith.constant 16 : i32
        %shift_left3A_1041 = vector.broadcast %shift_left3A_1040 : i32 to vector<16xi32>
        %shift_left3A_1042 = arith.shli %get3A_1039, %shift_left3A_1041 : vector<16xi32>
        %bitcast_convert_type3A_1043 = tpu.bitcast %shift_left3A_1042 : vector<16xi32> -> vector<16xf32>
        %and3A_1044 = arith.constant -65536 : i32
        %and3A_1045 = vector.broadcast %and3A_1044 : i32 to vector<16xi32>
        %and3A_1046 = arith.andi %get3A_1039, %and3A_1045 : vector<16xi32>
        %bitcast_convert_type3A_1047 = tpu.bitcast %and3A_1046 : vector<16xi32> -> vector<16xf32>
        %get3A_1048 = arith.constant 2 : i32
        %get3A_1049 = arith.index_cast %get3A_1048 : i32 to index
        %get3A_1050 = arith.index_cast %add3A_897 : i32 to index
        %get3A_1051 = arith.constant 96 : index
        %get3A_1052 = tpu.vector_load %arg8[%get3A_1049, %get3A_1050, %get3A_1051] {strides = array<i32>} : memref<3x200x128xf32, #tpu.memory_space<vmem>>, vector<1x1x16xf32>,
        %get3A_1053 = vector.shape_cast %get3A_1052 : vector<1x1x16xf32> to vector<16xf32>
        %mul3A_1054 = arith.constant 11.3137083 : f32
        %mul3A_1055 = vector.broadcast %mul3A_1054 : f32 to vector<16xf32>
        %mul3A_1056 = arith.mulf %get3A_1053, %mul3A_1055 : vector<16xf32>
        %add3A_1057 = arith.addf %mul3A_1056, %bitcast_convert_type3A_1043 : vector<16xf32>
        %swap3A_1058 = arith.constant 2 : i32
        %swap3A_1059 = arith.index_cast %swap3A_1058 : i32 to index
        %swap3A_1060 = arith.index_cast %add3A_897 : i32 to index
        %swap3A_1061 = arith.constant 96 : index
        %swap3A_1062 = tpu.vector_load %arg8[%swap3A_1059, %swap3A_1060, %swap3A_1061] {strides = array<i32>} : memref<3x200x128xf32, #tpu.memory_space<vmem>>, vector<1x1x16xf32>,
        %swap3A_1063 = vector.shape_cast %swap3A_1062 : vector<1x1x16xf32> to vector<16xf32>
        %swap3A_1064 = vector.shape_cast %add3A_1057 : vector<16xf32> to vector<1x1x16xf32>
        tpu.vector_store %arg8[%swap3A_1059, %swap3A_1060, %swap3A_1061], %swap3A_1064 {strides = array<i32>} : memref<3x200x128xf32, #tpu.memory_space<vmem>>, vector<1x1x16xf32>,
        %get3A_1065 = arith.constant 2 : i32
        %get3A_1066 = arith.index_cast %get3A_1065 : i32 to index
        %get3A_1067 = arith.index_cast %add3A_897 : i32 to index
        %get3A_1068 = arith.constant 112 : index
        %get3A_1069 = tpu.vector_load %arg8[%get3A_1066, %get3A_1067, %get3A_1068] {strides = array<i32>} : memref<3x200x128xf32, #tpu.memory_space<vmem>>, vector<1x1x16xf32>,
        %get3A_1070 = vector.shape_cast %get3A_1069 : vector<1x1x16xf32> to vector<16xf32>
        %mul3A_1071 = arith.constant 11.3137083 : f32
        %mul3A_1072 = vector.broadcast %mul3A_1071 : f32 to vector<16xf32>
        %mul3A_1073 = arith.mulf %get3A_1070, %mul3A_1072 : vector<16xf32>
        %add3A_1074 = arith.addf %mul3A_1073, %bitcast_convert_type3A_1047 : vector<16xf32>
        %swap3A_1075 = arith.constant 2 : i32
        %swap3A_1076 = arith.index_cast %swap3A_1075 : i32 to index
        %swap3A_1077 = arith.index_cast %add3A_897 : i32 to index
        %swap3A_1078 = arith.constant 112 : index
        %swap3A_1079 = tpu.vector_load %arg8[%swap3A_1076, %swap3A_1077, %swap3A_1078] {strides = array<i32>} : memref<3x200x128xf32, #tpu.memory_space<vmem>>, vector<1x1x16xf32>,
        %swap3A_1080 = vector.shape_cast %swap3A_1079 : vector<1x1x16xf32> to vector<16xf32>
        %swap3A_1081 = vector.shape_cast %add3A_1074 : vector<16xf32> to vector<1x1x16xf32>
        tpu.vector_store %arg8[%swap3A_1076, %swap3A_1077, %swap3A_1078], %swap3A_1081 {strides = array<i32>} : memref<3x200x128xf32, #tpu.memory_space<vmem>>, vector<1x1x16xf32>,
      }
      %scan3A_643 = arith.constant 100 : i32
      %dma_wait3A_644 = arith.constant 1 : i32
      %dma_wait3A_645 = arith.constant 0 : i32
      %dma_wait3A_646 = arith.constant 0 : i32
      %dma_wait3A_647 = arith.constant 0 : i32
      %dma_wait3A_648 = tpu.memref_slice %arg8[%dma_wait3A_644, %dma_wait3A_646, %dma_wait3A_647] : memref<3x200x128xf32, #tpu.memory_space<vmem>> -> memref<1x200x128xf32, #tpu.memory_space<vmem>>
      %dma_wait3A_649 = tpu.memref_squeeze %dma_wait3A_648 : memref<1x200x128xf32, #tpu.memory_space<vmem>> -> memref<200x128xf32, #tpu.memory_space<vmem>>
      %dma_wait3A_650 = arith.constant 0 : i32
      %dma_wait3A_651 = arith.constant 0 : i32
      %dma_wait3A_652 = tpu.memref_slice %arg5[%dma_wait3A_645, %dma_wait3A_650, %dma_wait3A_651] : memref<1024x200x128xf32, #tpu.memory_space<hbm>> -> memref<1x200x128xf32, #tpu.memory_space<hbm>>
      %dma_wait3A_653 = tpu.memref_squeeze %dma_wait3A_652 : memref<1x200x128xf32, #tpu.memory_space<hbm>> -> memref<200x128xf32, #tpu.memory_space<hbm>>
      %dma_wait3A_654 = arith.constant 0 : i32
      %dma_wait3A_655 = arith.constant 0 : i32
      %dma_wait3A_656 = tpu.memref_slice %arg5[%dma_wait3A_645, %dma_wait3A_654, %dma_wait3A_655] : memref<1024x200x128xf32, #tpu.memory_space<hbm>> -> memref<1x200x128xf32, #tpu.memory_space<hbm>>
      %dma_wait3A_657 = tpu.memref_squeeze %dma_wait3A_656 : memref<1x200x128xf32, #tpu.memory_space<hbm>> -> memref<200x128xf32, #tpu.memory_space<hbm>>
      %dma_wait3A_658 = arith.constant 0 : i32
      %dma_wait3A_659 = arith.constant 0 : i32
      %dma_wait3A_660 = tpu.memref_slice %arg8[%dma_wait3A_644, %dma_wait3A_658, %dma_wait3A_659] : memref<3x200x128xf32, #tpu.memory_space<vmem>> -> memref<1x200x128xf32, #tpu.memory_space<vmem>>
      %dma_wait3A_661 = tpu.memref_squeeze %dma_wait3A_660 : memref<1x200x128xf32, #tpu.memory_space<vmem>> -> memref<200x128xf32, #tpu.memory_space<vmem>>
      tpu.wait_dma2 semaphore(%arg13 : memref<!tpu.dma_semaphore, #tpu.memory_space<semaphore_mem>>) src(%dma_wait3A_661 : memref<200x128xf32, #tpu.memory_space<vmem>>) dst(%dma_wait3A_657 : memref<200x128xf32, #tpu.memory_space<hbm>>)
      %add3A_662 = arith.constant 2 : i32
      %add3A_663 = arith.addi %add3A_619, %add3A_662 : i32
      %mul3A_664 = arith.constant 2 : i32
      %mul3A_665 = arith.muli %mul3A_664, %add3A_663 : i32
      %dma_start3A_666 = arith.constant 1 : i32
      %dma_start3A_667 = arith.constant 0 : i32
      %dma_start3A_668 = arith.constant 0 : i32
      %dma_start3A_669 = tpu.memref_slice %arg8[%dma_start3A_666, %dma_start3A_667, %dma_start3A_668] : memref<3x200x128xf32, #tpu.memory_space<vmem>> -> memref<1x100x128xf32, #tpu.memory_space<vmem>>
      %dma_start3A_670 = tpu.memref_squeeze %dma_start3A_669 : memref<1x100x128xf32, #tpu.memory_space<vmem>> -> memref<100x128xf32, #tpu.memory_space<vmem>>
      %dma_start3A_671 = arith.constant 0 : i32
      %dma_start3A_672 = tpu.memref_slice %arg6[%mul3A_665, %dma_start3A_671] : memref<64x100xi32, #tpu.memory_space<vmem>> -> memref<1x100xi32, #tpu.memory_space<vmem>>
      %dma_start3A_673 = tpu.memref_squeeze %dma_start3A_672 : memref<1x100xi32, #tpu.memory_space<vmem>> -> memref<100xi32, #tpu.memory_space<vmem>>
      %dma_start3A_674 = arith.constant 0 : i32
      %dma_start3A_675 = arith.constant 0 : i32
      %dma_start3A_676 = tpu.memref_slice %arg3[%dma_start3A_674, %dma_start3A_675] : memref<100000x128xf32, #tpu.memory_space<hbm>> -> memref<100000x128xf32, #tpu.memory_space<hbm>>
      tpu.enqueue_indirect_dma source(%dma_start3A_676 : memref<100000x128xf32, #tpu.memory_space<hbm>>) target(%dma_start3A_670 : memref<100x128xf32, #tpu.memory_space<vmem>>) offsets(%dma_start3A_673 : memref<100xi32, #tpu.memory_space<vmem>>) semaphore(%arg10 : memref<!tpu.dma_semaphore, #tpu.memory_space<semaphore_mem>>)
      %mul3A_677 = arith.constant 2 : i32
      %mul3A_678 = arith.muli %mul3A_677, %add3A_663 : i32
      %add3A_679 = arith.constant 1 : i32
      %add3A_680 = arith.addi %mul3A_678, %add3A_679 : i32
      %dma_start3A_681 = arith.constant 1 : i32
      %dma_start3A_682 = arith.constant 100 : i32
      %dma_start3A_683 = arith.constant 0 : i32
      %dma_start3A_684 = tpu.memref_slice %arg8[%dma_start3A_681, %dma_start3A_682, %dma_start3A_683] : memref<3x200x128xf32, #tpu.memory_space<vmem>> -> memref<1x100x128xf32, #tpu.memory_space<vmem>>
      %dma_start3A_685 = tpu.memref_squeeze %dma_start3A_684 : memref<1x100x128xf32, #tpu.memory_space<vmem>> -> memref<100x128xf32, #tpu.memory_space<vmem>>
      %dma_start3A_686 = arith.constant 0 : i32
      %dma_start3A_687 = tpu.memref_slice %arg6[%add3A_680, %dma_start3A_686] : memref<64x100xi32, #tpu.memory_space<vmem>> -> memref<1x100xi32, #tpu.memory_space<vmem>>
      %dma_start3A_688 = tpu.memref_squeeze %dma_start3A_687 : memref<1x100xi32, #tpu.memory_space<vmem>> -> memref<100xi32, #tpu.memory_space<vmem>>
      %dma_start3A_689 = arith.constant 0 : i32
      %dma_start3A_690 = arith.constant 0 : i32
      %dma_start3A_691 = tpu.memref_slice %arg3[%dma_start3A_689, %dma_start3A_690] : memref<100000x128xf32, #tpu.memory_space<hbm>> -> memref<100000x128xf32, #tpu.memory_space<hbm>>
      tpu.enqueue_indirect_dma source(%dma_start3A_691 : memref<100000x128xf32, #tpu.memory_space<hbm>>) target(%dma_start3A_685 : memref<100x128xf32, #tpu.memory_space<vmem>>) offsets(%dma_start3A_688 : memref<100xi32, #tpu.memory_space<vmem>>) semaphore(%arg10 : memref<!tpu.dma_semaphore, #tpu.memory_space<semaphore_mem>>)
      %add3A_692 = arith.addi %mul3A_2, %add3A_619 : i32
      %dma_start3A_693 = arith.constant 2 : i32
      %dma_start3A_694 = arith.constant 0 : i32
      %dma_start3A_695 = arith.constant 0 : i32
      %dma_start3A_696 = tpu.memref_slice %arg8[%dma_start3A_693, %dma_start3A_694, %dma_start3A_695] : memref<3x200x128xf32, #tpu.memory_space<vmem>> -> memref<1x200x128xf32, #tpu.memory_space<vmem>>
      %dma_start3A_697 = tpu.memref_squeeze %dma_start3A_696 : memref<1x200x128xf32, #tpu.memory_space<vmem>> -> memref<200x128xf32, #tpu.memory_space<vmem>>
      %dma_start3A_698 = arith.constant 0 : i32
      %dma_start3A_699 = arith.constant 0 : i32
      %dma_start3A_700 = tpu.memref_slice %arg5[%add3A_692, %dma_start3A_698, %dma_start3A_699] : memref<1024x200x128xf32, #tpu.memory_space<hbm>> -> memref<1x200x128xf32, #tpu.memory_space<hbm>>
      %dma_start3A_701 = tpu.memref_squeeze %dma_start3A_700 : memref<1x200x128xf32, #tpu.memory_space<hbm>> -> memref<200x128xf32, #tpu.memory_space<hbm>>
      %dma_start3A_702 = arith.constant 0 : i32
      %dma_start3A_703 = arith.constant 0 : i32
      %dma_start3A_704 = tpu.memref_slice %arg5[%add3A_692, %dma_start3A_702, %dma_start3A_703] : memref<1024x200x128xf32, #tpu.memory_space<hbm>> -> memref<1x200x128xf32, #tpu.memory_space<hbm>>
      %dma_start3A_705 = tpu.memref_squeeze %dma_start3A_704 : memref<1x200x128xf32, #tpu.memory_space<hbm>> -> memref<200x128xf32, #tpu.memory_space<hbm>>
      %dma_start3A_706 = arith.constant 0 : i32
      %dma_start3A_707 = arith.constant 0 : i32
      %dma_start3A_708 = tpu.memref_slice %arg8[%dma_start3A_693, %dma_start3A_706, %dma_start3A_707] : memref<3x200x128xf32, #tpu.memory_space<vmem>> -> memref<1x200x128xf32, #tpu.memory_space<vmem>>
      %dma_start3A_709 = tpu.memref_squeeze %dma_start3A_708 : memref<1x200x128xf32, #tpu.memory_space<vmem>> -> memref<200x128xf32, #tpu.memory_space<vmem>>
      tpu.enqueue_dma source(%dma_start3A_709 : memref<200x128xf32, #tpu.memory_space<vmem>>) target(%dma_start3A_705 : memref<200x128xf32, #tpu.memory_space<hbm>>) target_semaphore(%arg14 : memref<!tpu.dma_semaphore, #tpu.memory_space<semaphore_mem>>)
    }
    %scan3A_290 = arith.constant 9 : i32
    %dma_wait3A_291 = arith.constant 0 : i32
    %dma_wait3A_292 = arith.constant 0 : i32
    %dma_wait3A_293 = arith.constant 0 : i32
    %dma_wait3A_294 = arith.constant 0 : i32
    %dma_wait3A_295 = tpu.memref_slice %arg8[%dma_wait3A_292, %dma_wait3A_293, %dma_wait3A_294] : memref<3x200x128xf32, #tpu.memory_space<vmem>> -> memref<1x200x128xf32, #tpu.memory_space<vmem>>
    %dma_wait3A_296 = tpu.memref_squeeze %dma_wait3A_295 : memref<1x200x128xf32, #tpu.memory_space<vmem>> -> memref<200x128xf32, #tpu.memory_space<vmem>>
    %dma_wait3A_297 = arith.constant 0 : i32
    %dma_wait3A_298 = arith.constant 0 : i32
    %dma_wait3A_299 = tpu.memref_slice %arg5[%dma_wait3A_291, %dma_wait3A_297, %dma_wait3A_298] : memref<1024x200x128xf32, #tpu.memory_space<hbm>> -> memref<1x200x128xf32, #tpu.memory_space<hbm>>
    %dma_wait3A_300 = tpu.memref_squeeze %dma_wait3A_299 : memref<1x200x128xf32, #tpu.memory_space<hbm>> -> memref<200x128xf32, #tpu.memory_space<hbm>>
    %dma_wait3A_301 = arith.constant 0 : i32
    %dma_wait3A_302 = arith.constant 0 : i32
    %dma_wait3A_303 = tpu.memref_slice %arg8[%dma_wait3A_292, %dma_wait3A_301, %dma_wait3A_302] : memref<3x200x128xf32, #tpu.memory_space<vmem>> -> memref<1x200x128xf32, #tpu.memory_space<vmem>>
    %dma_wait3A_304 = tpu.memref_squeeze %dma_wait3A_303 : memref<1x200x128xf32, #tpu.memory_space<vmem>> -> memref<200x128xf32, #tpu.memory_space<vmem>>
    %dma_wait3A_305 = arith.constant 0 : i32
    %dma_wait3A_306 = arith.constant 0 : i32
    %dma_wait3A_307 = tpu.memref_slice %arg5[%dma_wait3A_291, %dma_wait3A_305, %dma_wait3A_306] : memref<1024x200x128xf32, #tpu.memory_space<hbm>> -> memref<1x200x128xf32, #tpu.memory_space<hbm>>
    %dma_wait3A_308 = tpu.memref_squeeze %dma_wait3A_307 : memref<1x200x128xf32, #tpu.memory_space<hbm>> -> memref<200x128xf32, #tpu.memory_space<hbm>>
    tpu.wait_dma2 semaphore(%arg9 : memref<!tpu.dma_semaphore, #tpu.memory_space<semaphore_mem>>) src(%dma_wait3A_308 : memref<200x128xf32, #tpu.memory_space<hbm>>) dst(%dma_wait3A_304 : memref<200x128xf32, #tpu.memory_space<vmem>>)
    %scan3A_309 = arith.constant 0 : i32
    %scan3A_310 = arith.constant 0 : i32
    %scan3A_311 = arith.constant 100 : i32
    %scan3A_312 = arith.addi %scan3A_310, %scan3A_311 : i32
    %scan3A_313 = arith.constant 1 : i32
    scf.for %scan3A_431 = %scan3A_310 to %scan3A_312 step %scan3A_313  : i32 {
      %mul3A_432 = arith.constant 2 : i32
      %mul3A_433 = arith.muli %mul3A_432, %scan3A_431 : i32
      %add3A_434 = arith.constant 0 : i32
      %add3A_435 = arith.addi %mul3A_433, %add3A_434 : i32
      %get3A = arith.index_cast %add3A_435 : i32 to index
      %get3A_436 = arith.constant 0 : index
      %get3A_437 = tpu.vector_load %arg7[%get3A, %get3A_436] {strides = array<i32>} : memref<200x64xi32, #tpu.memory_space<vmem>>, vector<1x16xi32>,
      %get3A_438 = vector.shape_cast %get3A_437 : vector<1x16xi32> to vector<16xi32>
      %shift_left3A = arith.constant 16 : i32
      %shift_left3A_439 = vector.broadcast %shift_left3A : i32 to vector<16xi32>
      %shift_left3A_440 = arith.shli %get3A_438, %shift_left3A_439 : vector<16xi32>
      %bitcast_convert_type3A = tpu.bitcast %shift_left3A_440 : vector<16xi32> -> vector<16xf32>
      %and3A = arith.constant -65536 : i32
      %and3A_441 = vector.broadcast %and3A : i32 to vector<16xi32>
      %and3A_442 = arith.andi %get3A_438, %and3A_441 : vector<16xi32>
      %bitcast_convert_type3A_443 = tpu.bitcast %and3A_442 : vector<16xi32> -> vector<16xf32>
      %get3A_444 = arith.constant 0 : i32
      %get3A_445 = arith.index_cast %get3A_444 : i32 to index
      %get3A_446 = arith.index_cast %add3A_435 : i32 to index
      %get3A_447 = arith.constant 0 : index
      %get3A_448 = tpu.vector_load %arg8[%get3A_445, %get3A_446, %get3A_447] {strides = array<i32>} : memref<3x200x128xf32, #tpu.memory_space<vmem>>, vector<1x1x16xf32>,
      %get3A_449 = vector.shape_cast %get3A_448 : vector<1x1x16xf32> to vector<16xf32>
      %mul3A_450 = arith.constant 11.3137083 : f32
      %mul3A_451 = vector.broadcast %mul3A_450 : f32 to vector<16xf32>
      %mul3A_452 = arith.mulf %get3A_449, %mul3A_451 : vector<16xf32>
      %add3A_453 = arith.addf %mul3A_452, %bitcast_convert_type3A : vector<16xf32>
      %swap3A = arith.constant 0 : i32
      %swap3A_454 = arith.index_cast %swap3A : i32 to index
      %swap3A_455 = arith.index_cast %add3A_435 : i32 to index
      %swap3A_456 = arith.constant 0 : index
      %swap3A_457 = tpu.vector_load %arg8[%swap3A_454, %swap3A_455, %swap3A_456] {strides = array<i32>} : memref<3x200x128xf32, #tpu.memory_space<vmem>>, vector<1x1x16xf32>,
      %swap3A_458 = vector.shape_cast %swap3A_457 : vector<1x1x16xf32> to vector<16xf32>
      %swap3A_459 = vector.shape_cast %add3A_453 : vector<16xf32> to vector<1x1x16xf32>
      tpu.vector_store %arg8[%swap3A_454, %swap3A_455, %swap3A_456], %swap3A_459 {strides = array<i32>} : memref<3x200x128xf32, #tpu.memory_space<vmem>>, vector<1x1x16xf32>,
      %get3A_460 = arith.constant 0 : i32
      %get3A_461 = arith.index_cast %get3A_460 : i32 to index
      %get3A_462 = arith.index_cast %add3A_435 : i32 to index
      %get3A_463 = arith.constant 16 : index
      %get3A_464 = tpu.vector_load %arg8[%get3A_461, %get3A_462, %get3A_463] {strides = array<i32>} : memref<3x200x128xf32, #tpu.memory_space<vmem>>, vector<1x1x16xf32>,
      %get3A_465 = vector.shape_cast %get3A_464 : vector<1x1x16xf32> to vector<16xf32>
      %mul3A_466 = arith.constant 11.3137083 : f32
      %mul3A_467 = vector.broadcast %mul3A_466 : f32 to vector<16xf32>
      %mul3A_468 = arith.mulf %get3A_465, %mul3A_467 : vector<16xf32>
      %add3A_469 = arith.addf %mul3A_468, %bitcast_convert_type3A_443 : vector<16xf32>
      %swap3A_470 = arith.constant 0 : i32
      %swap3A_471 = arith.index_cast %swap3A_470 : i32 to index
      %swap3A_472 = arith.index_cast %add3A_435 : i32 to index
      %swap3A_473 = arith.constant 16 : index
      %swap3A_474 = tpu.vector_load %arg8[%swap3A_471, %swap3A_472, %swap3A_473] {strides = array<i32>} : memref<3x200x128xf32, #tpu.memory_space<vmem>>, vector<1x1x16xf32>,
      %swap3A_475 = vector.shape_cast %swap3A_474 : vector<1x1x16xf32> to vector<16xf32>
      %swap3A_476 = vector.shape_cast %add3A_469 : vector<16xf32> to vector<1x1x16xf32>
      tpu.vector_store %arg8[%swap3A_471, %swap3A_472, %swap3A_473], %swap3A_476 {strides = array<i32>} : memref<3x200x128xf32, #tpu.memory_space<vmem>>, vector<1x1x16xf32>,
      %get3A_477 = arith.index_cast %add3A_435 : i32 to index
      %get3A_478 = arith.constant 16 : index
      %get3A_479 = tpu.vector_load %arg7[%get3A_477, %get3A_478] {strides = array<i32>} : memref<200x64xi32, #tpu.memory_space<vmem>>, vector<1x16xi32>,
      %get3A_480 = vector.shape_cast %get3A_479 : vector<1x16xi32> to vector<16xi32>
      %shift_left3A_481 = arith.constant 16 : i32
      %shift_left3A_482 = vector.broadcast %shift_left3A_481 : i32 to vector<16xi32>
      %shift_left3A_483 = arith.shli %get3A_480, %shift_left3A_482 : vector<16xi32>
      %bitcast_convert_type3A_484 = tpu.bitcast %shift_left3A_483 : vector<16xi32> -> vector<16xf32>
      %and3A_485 = arith.constant -65536 : i32
      %and3A_486 = vector.broadcast %and3A_485 : i32 to vector<16xi32>
      %and3A_487 = arith.andi %get3A_480, %and3A_486 : vector<16xi32>
      %bitcast_convert_type3A_488 = tpu.bitcast %and3A_487 : vector<16xi32> -> vector<16xf32>
      %get3A_489 = arith.constant 0 : i32
      %get3A_490 = arith.index_cast %get3A_489 : i32 to index
      %get3A_491 = arith.index_cast %add3A_435 : i32 to index
      %get3A_492 = arith.constant 32 : index
      %get3A_493 = tpu.vector_load %arg8[%get3A_490, %get3A_491, %get3A_492] {strides = array<i32>} : memref<3x200x128xf32, #tpu.memory_space<vmem>>, vector<1x1x16xf32>,
      %get3A_494 = vector.shape_cast %get3A_493 : vector<1x1x16xf32> to vector<16xf32>
      %mul3A_495 = arith.constant 11.3137083 : f32
      %mul3A_496 = vector.broadcast %mul3A_495 : f32 to vector<16xf32>
      %mul3A_497 = arith.mulf %get3A_494, %mul3A_496 : vector<16xf32>
      %add3A_498 = arith.addf %mul3A_497, %bitcast_convert_type3A_484 : vector<16xf32>
      %swap3A_499 = arith.constant 0 : i32
      %swap3A_500 = arith.index_cast %swap3A_499 : i32 to index
      %swap3A_501 = arith.index_cast %add3A_435 : i32 to index
      %swap3A_502 = arith.constant 32 : index
      %swap3A_503 = tpu.vector_load %arg8[%swap3A_500, %swap3A_501, %swap3A_502] {strides = array<i32>} : memref<3x200x128xf32, #tpu.memory_space<vmem>>, vector<1x1x16xf32>,
      %swap3A_504 = vector.shape_cast %swap3A_503 : vector<1x1x16xf32> to vector<16xf32>
      %swap3A_505 = vector.shape_cast %add3A_498 : vector<16xf32> to vector<1x1x16xf32>
      tpu.vector_store %arg8[%swap3A_500, %swap3A_501, %swap3A_502], %swap3A_505 {strides = array<i32>} : memref<3x200x128xf32, #tpu.memory_space<vmem>>, vector<1x1x16xf32>,
      %get3A_506 = arith.constant 0 : i32
      %get3A_507 = arith.index_cast %get3A_506 : i32 to index
      %get3A_508 = arith.index_cast %add3A_435 : i32 to index
      %get3A_509 = arith.constant 48 : index
      %get3A_510 = tpu.vector_load %arg8[%get3A_507, %get3A_508, %get3A_509] {strides = array<i32>} : memref<3x200x128xf32, #tpu.memory_space<vmem>>, vector<1x1x16xf32>,
      %get3A_511 = vector.shape_cast %get3A_510 : vector<1x1x16xf32> to vector<16xf32>
      %mul3A_512 = arith.constant 11.3137083 : f32
      %mul3A_513 = vector.broadcast %mul3A_512 : f32 to vector<16xf32>
      %mul3A_514 = arith.mulf %get3A_511, %mul3A_513 : vector<16xf32>
      %add3A_515 = arith.addf %mul3A_514, %bitcast_convert_type3A_488 : vector<16xf32>
      %swap3A_516 = arith.constant 0 : i32
      %swap3A_517 = arith.index_cast %swap3A_516 : i32 to index
      %swap3A_518 = arith.index_cast %add3A_435 : i32 to index
      %swap3A_519 = arith.constant 48 : index
      %swap3A_520 = tpu.vector_load %arg8[%swap3A_517, %swap3A_518, %swap3A_519] {strides = array<i32>} : memref<3x200x128xf32, #tpu.memory_space<vmem>>, vector<1x1x16xf32>,
      %swap3A_521 = vector.shape_cast %swap3A_520 : vector<1x1x16xf32> to vector<16xf32>
      %swap3A_522 = vector.shape_cast %add3A_515 : vector<16xf32> to vector<1x1x16xf32>
      tpu.vector_store %arg8[%swap3A_517, %swap3A_518, %swap3A_519], %swap3A_522 {strides = array<i32>} : memref<3x200x128xf32, #tpu.memory_space<vmem>>, vector<1x1x16xf32>,
      %get3A_523 = arith.index_cast %add3A_435 : i32 to index
      %get3A_524 = arith.constant 32 : index
      %get3A_525 = tpu.vector_load %arg7[%get3A_523, %get3A_524] {strides = array<i32>} : memref<200x64xi32, #tpu.memory_space<vmem>>, vector<1x16xi32>,
      %get3A_526 = vector.shape_cast %get3A_525 : vector<1x16xi32> to vector<16xi32>
      %shift_left3A_527 = arith.constant 16 : i32
      %shift_left3A_528 = vector.broadcast %shift_left3A_527 : i32 to vector<16xi32>
      %shift_left3A_529 = arith.shli %get3A_526, %shift_left3A_528 : vector<16xi32>
      %bitcast_convert_type3A_530 = tpu.bitcast %shift_left3A_529 : vector<16xi32> -> vector<16xf32>
      %and3A_531 = arith.constant -65536 : i32
      %and3A_532 = vector.broadcast %and3A_531 : i32 to vector<16xi32>
      %and3A_533 = arith.andi %get3A_526, %and3A_532 : vector<16xi32>
      %bitcast_convert_type3A_534 = tpu.bitcast %and3A_533 : vector<16xi32> -> vector<16xf32>
      %get3A_535 = arith.constant 0 : i32
      %get3A_536 = arith.index_cast %get3A_535 : i32 to index
      %get3A_537 = arith.index_cast %add3A_435 : i32 to index
      %get3A_538 = arith.constant 64 : index
      %get3A_539 = tpu.vector_load %arg8[%get3A_536, %get3A_537, %get3A_538] {strides = array<i32>} : memref<3x200x128xf32, #tpu.memory_space<vmem>>, vector<1x1x16xf32>,
      %get3A_540 = vector.shape_cast %get3A_539 : vector<1x1x16xf32> to vector<16xf32>
      %mul3A_541 = arith.constant 11.3137083 : f32
      %mul3A_542 = vector.broadcast %mul3A_541 : f32 to vector<16xf32>
      %mul3A_543 = arith.mulf %get3A_540, %mul3A_542 : vector<16xf32>
      %add3A_544 = arith.addf %mul3A_543, %bitcast_convert_type3A_530 : vector<16xf32>
      %swap3A_545 = arith.constant 0 : i32
      %swap3A_546 = arith.index_cast %swap3A_545 : i32 to index
      %swap3A_547 = arith.index_cast %add3A_435 : i32 to index
      %swap3A_548 = arith.constant 64 : index
      %swap3A_549 = tpu.vector_load %arg8[%swap3A_546, %swap3A_547, %swap3A_548] {strides = array<i32>} : memref<3x200x128xf32, #tpu.memory_space<vmem>>, vector<1x1x16xf32>,
      %swap3A_550 = vector.shape_cast %swap3A_549 : vector<1x1x16xf32> to vector<16xf32>
      %swap3A_551 = vector.shape_cast %add3A_544 : vector<16xf32> to vector<1x1x16xf32>
      tpu.vector_store %arg8[%swap3A_546, %swap3A_547, %swap3A_548], %swap3A_551 {strides = array<i32>} : memref<3x200x128xf32, #tpu.memory_space<vmem>>, vector<1x1x16xf32>,
      %get3A_552 = arith.constant 0 : i32
      %get3A_553 = arith.index_cast %get3A_552 : i32 to index
      %get3A_554 = arith.index_cast %add3A_435 : i32 to index
      %get3A_555 = arith.constant 80 : index
      %get3A_556 = tpu.vector_load %arg8[%get3A_553, %get3A_554, %get3A_555] {strides = array<i32>} : memref<3x200x128xf32, #tpu.memory_space<vmem>>, vector<1x1x16xf32>,
      %get3A_557 = vector.shape_cast %get3A_556 : vector<1x1x16xf32> to vector<16xf32>
      %mul3A_558 = arith.constant 11.3137083 : f32
      %mul3A_559 = vector.broadcast %mul3A_558 : f32 to vector<16xf32>
      %mul3A_560 = arith.mulf %get3A_557, %mul3A_559 : vector<16xf32>
      %add3A_561 = arith.addf %mul3A_560, %bitcast_convert_type3A_534 : vector<16xf32>
      %swap3A_562 = arith.constant 0 : i32
      %swap3A_563 = arith.index_cast %swap3A_562 : i32 to index
      %swap3A_564 = arith.index_cast %add3A_435 : i32 to index
      %swap3A_565 = arith.constant 80 : index
      %swap3A_566 = tpu.vector_load %arg8[%swap3A_563, %swap3A_564, %swap3A_565] {strides = array<i32>} : memref<3x200x128xf32, #tpu.memory_space<vmem>>, vector<1x1x16xf32>,
      %swap3A_567 = vector.shape_cast %swap3A_566 : vector<1x1x16xf32> to vector<16xf32>
      %swap3A_568 = vector.shape_cast %add3A_561 : vector<16xf32> to vector<1x1x16xf32>
      tpu.vector_store %arg8[%swap3A_563, %swap3A_564, %swap3A_565], %swap3A_568 {strides = array<i32>} : memref<3x200x128xf32, #tpu.memory_space<vmem>>, vector<1x1x16xf32>,
      %get3A_569 = arith.index_cast %add3A_435 : i32 to index
      %get3A_570 = arith.constant 48 : index
      %get3A_571 = tpu.vector_load %arg7[%get3A_569, %get3A_570] {strides = array<i32>} : memref<200x64xi32, #tpu.memory_space<vmem>>, vector<1x16xi32>,
      %get3A_572 = vector.shape_cast %get3A_571 : vector<1x16xi32> to vector<16xi32>
      %shift_left3A_573 = arith.constant 16 : i32
      %shift_left3A_574 = vector.broadcast %shift_left3A_573 : i32 to vector<16xi32>
      %shift_left3A_575 = arith.shli %get3A_572, %shift_left3A_574 : vector<16xi32>
      %bitcast_convert_type3A_576 = tpu.bitcast %shift_left3A_575 : vector<16xi32> -> vector<16xf32>
      %and3A_577 = arith.constant -65536 : i32
      %and3A_578 = vector.broadcast %and3A_577 : i32 to vector<16xi32>
      %and3A_579 = arith.andi %get3A_572, %and3A_578 : vector<16xi32>
      %bitcast_convert_type3A_580 = tpu.bitcast %and3A_579 : vector<16xi32> -> vector<16xf32>
      %get3A_581 = arith.constant 0 : i32
      %get3A_582 = arith.index_cast %get3A_581 : i32 to index
      %get3A_583 = arith.index_cast %add3A_435 : i32 to index
      %get3A_584 = arith.constant 96 : index
      %get3A_585 = tpu.vector_load %arg8[%get3A_582, %get3A_583, %get3A_584] {strides = array<i32>} : memref<3x200x128xf32, #tpu.memory_space<vmem>>, vector<1x1x16xf32>,
      %get3A_586 = vector.shape_cast %get3A_585 : vector<1x1x16xf32> to vector<16xf32>
      %mul3A_587 = arith.constant 11.3137083 : f32
      %mul3A_588 = vector.broadcast %mul3A_587 : f32 to vector<16xf32>
      %mul3A_589 = arith.mulf %get3A_586, %mul3A_588 : vector<16xf32>
      %add3A_590 = arith.addf %mul3A_589, %bitcast_convert_type3A_576 : vector<16xf32>
      %swap3A_591 = arith.constant 0 : i32
      %swap3A_592 = arith.index_cast %swap3A_591 : i32 to index
      %swap3A_593 = arith.index_cast %add3A_435 : i32 to index
      %swap3A_594 = arith.constant 96 : index
      %swap3A_595 = tpu.vector_load %arg8[%swap3A_592, %swap3A_593, %swap3A_594] {strides = array<i32>} : memref<3x200x128xf32, #tpu.memory_space<vmem>>, vector<1x1x16xf32>,
      %swap3A_596 = vector.shape_cast %swap3A_595 : vector<1x1x16xf32> to vector<16xf32>
      %swap3A_597 = vector.shape_cast %add3A_590 : vector<16xf32> to vector<1x1x16xf32>
      tpu.vector_store %arg8[%swap3A_592, %swap3A_593, %swap3A_594], %swap3A_597 {strides = array<i32>} : memref<3x200x128xf32, #tpu.memory_space<vmem>>, vector<1x1x16xf32>,
      %get3A_598 = arith.constant 0 : i32
      %get3A_599 = arith.index_cast %get3A_598 : i32 to index
      %get3A_600 = arith.index_cast %add3A_435 : i32 to index
      %get3A_601 = arith.constant 112 : index
      %get3A_602 = tpu.vector_load %arg8[%get3A_599, %get3A_600, %get3A_601] {strides = array<i32>} : memref<3x200x128xf32, #tpu.memory_space<vmem>>, vector<1x1x16xf32>,
      %get3A_603 = vector.shape_cast %get3A_602 : vector<1x1x16xf32> to vector<16xf32>
      %mul3A_604 = arith.constant 11.3137083 : f32
      %mul3A_605 = vector.broadcast %mul3A_604 : f32 to vector<16xf32>
      %mul3A_606 = arith.mulf %get3A_603, %mul3A_605 : vector<16xf32>
      %add3A_607 = arith.addf %mul3A_606, %bitcast_convert_type3A_580 : vector<16xf32>
      %swap3A_608 = arith.constant 0 : i32
      %swap3A_609 = arith.index_cast %swap3A_608 : i32 to index
      %swap3A_610 = arith.index_cast %add3A_435 : i32 to index
      %swap3A_611 = arith.constant 112 : index
      %swap3A_612 = tpu.vector_load %arg8[%swap3A_609, %swap3A_610, %swap3A_611] {strides = array<i32>} : memref<3x200x128xf32, #tpu.memory_space<vmem>>, vector<1x1x16xf32>,
      %swap3A_613 = vector.shape_cast %swap3A_612 : vector<1x1x16xf32> to vector<16xf32>
      %swap3A_614 = vector.shape_cast %add3A_607 : vector<16xf32> to vector<1x1x16xf32>
      tpu.vector_store %arg8[%swap3A_609, %swap3A_610, %swap3A_611], %swap3A_614 {strides = array<i32>} : memref<3x200x128xf32, #tpu.memory_space<vmem>>, vector<1x1x16xf32>,
      %mul3A_615 = arith.constant 2 : i32
      %mul3A_616 = arith.muli %mul3A_615, %scan3A_431 : i32
      %add3A_617 = arith.constant 1 : i32
      %add3A_618 = arith.addi %mul3A_616, %add3A_617 : i32
      %get3A_619 = arith.index_cast %add3A_618 : i32 to index
      %get3A_620 = arith.constant 0 : index
      %get3A_621 = tpu.vector_load %arg7[%get3A_619, %get3A_620] {strides = array<i32>} : memref<200x64xi32, #tpu.memory_space<vmem>>, vector<1x16xi32>,
      %get3A_622 = vector.shape_cast %get3A_621 : vector<1x16xi32> to vector<16xi32>
      %shift_left3A_623 = arith.constant 16 : i32
      %shift_left3A_624 = vector.broadcast %shift_left3A_623 : i32 to vector<16xi32>
      %shift_left3A_625 = arith.shli %get3A_622, %shift_left3A_624 : vector<16xi32>
      %bitcast_convert_type3A_626 = tpu.bitcast %shift_left3A_625 : vector<16xi32> -> vector<16xf32>
      %and3A_627 = arith.constant -65536 : i32
      %and3A_628 = vector.broadcast %and3A_627 : i32 to vector<16xi32>
      %and3A_629 = arith.andi %get3A_622, %and3A_628 : vector<16xi32>
      %bitcast_convert_type3A_630 = tpu.bitcast %and3A_629 : vector<16xi32> -> vector<16xf32>
      %get3A_631 = arith.constant 0 : i32
      %get3A_632 = arith.index_cast %get3A_631 : i32 to index
      %get3A_633 = arith.index_cast %add3A_618 : i32 to index
      %get3A_634 = arith.constant 0 : index
      %get3A_635 = tpu.vector_load %arg8[%get3A_632, %get3A_633, %get3A_634] {strides = array<i32>} : memref<3x200x128xf32, #tpu.memory_space<vmem>>, vector<1x1x16xf32>,
      %get3A_636 = vector.shape_cast %get3A_635 : vector<1x1x16xf32> to vector<16xf32>
      %mul3A_637 = arith.constant 11.3137083 : f32
      %mul3A_638 = vector.broadcast %mul3A_637 : f32 to vector<16xf32>
      %mul3A_639 = arith.mulf %get3A_636, %mul3A_638 : vector<16xf32>
      %add3A_640 = arith.addf %mul3A_639, %bitcast_convert_type3A_626 : vector<16xf32>
      %swap3A_641 = arith.constant 0 : i32
      %swap3A_642 = arith.index_cast %swap3A_641 : i32 to index
      %swap3A_643 = arith.index_cast %add3A_618 : i32 to index
      %swap3A_644 = arith.constant 0 : index
      %swap3A_645 = tpu.vector_load %arg8[%swap3A_642, %swap3A_643, %swap3A_644] {strides = array<i32>} : memref<3x200x128xf32, #tpu.memory_space<vmem>>, vector<1x1x16xf32>,
      %swap3A_646 = vector.shape_cast %swap3A_645 : vector<1x1x16xf32> to vector<16xf32>
      %swap3A_647 = vector.shape_cast %add3A_640 : vector<16xf32> to vector<1x1x16xf32>
      tpu.vector_store %arg8[%swap3A_642, %swap3A_643, %swap3A_644], %swap3A_647 {strides = array<i32>} : memref<3x200x128xf32, #tpu.memory_space<vmem>>, vector<1x1x16xf32>,
      %get3A_648 = arith.constant 0 : i32
      %get3A_649 = arith.index_cast %get3A_648 : i32 to index
      %get3A_650 = arith.index_cast %add3A_618 : i32 to index
      %get3A_651 = arith.constant 16 : index
      %get3A_652 = tpu.vector_load %arg8[%get3A_649, %get3A_650, %get3A_651] {strides = array<i32>} : memref<3x200x128xf32, #tpu.memory_space<vmem>>, vector<1x1x16xf32>,
      %get3A_653 = vector.shape_cast %get3A_652 : vector<1x1x16xf32> to vector<16xf32>
      %mul3A_654 = arith.constant 11.3137083 : f32
      %mul3A_655 = vector.broadcast %mul3A_654 : f32 to vector<16xf32>
      %mul3A_656 = arith.mulf %get3A_653, %mul3A_655 : vector<16xf32>
      %add3A_657 = arith.addf %mul3A_656, %bitcast_convert_type3A_630 : vector<16xf32>
      %swap3A_658 = arith.constant 0 : i32
      %swap3A_659 = arith.index_cast %swap3A_658 : i32 to index
      %swap3A_660 = arith.index_cast %add3A_618 : i32 to index
      %swap3A_661 = arith.constant 16 : index
      %swap3A_662 = tpu.vector_load %arg8[%swap3A_659, %swap3A_660, %swap3A_661] {strides = array<i32>} : memref<3x200x128xf32, #tpu.memory_space<vmem>>, vector<1x1x16xf32>,
      %swap3A_663 = vector.shape_cast %swap3A_662 : vector<1x1x16xf32> to vector<16xf32>
      %swap3A_664 = vector.shape_cast %add3A_657 : vector<16xf32> to vector<1x1x16xf32>
      tpu.vector_store %arg8[%swap3A_659, %swap3A_660, %swap3A_661], %swap3A_664 {strides = array<i32>} : memref<3x200x128xf32, #tpu.memory_space<vmem>>, vector<1x1x16xf32>,
      %get3A_665 = arith.index_cast %add3A_618 : i32 to index
      %get3A_666 = arith.constant 16 : index
      %get3A_667 = tpu.vector_load %arg7[%get3A_665, %get3A_666] {strides = array<i32>} : memref<200x64xi32, #tpu.memory_space<vmem>>, vector<1x16xi32>,
      %get3A_668 = vector.shape_cast %get3A_667 : vector<1x16xi32> to vector<16xi32>
      %shift_left3A_669 = arith.constant 16 : i32
      %shift_left3A_670 = vector.broadcast %shift_left3A_669 : i32 to vector<16xi32>
      %shift_left3A_671 = arith.shli %get3A_668, %shift_left3A_670 : vector<16xi32>
      %bitcast_convert_type3A_672 = tpu.bitcast %shift_left3A_671 : vector<16xi32> -> vector<16xf32>
      %and3A_673 = arith.constant -65536 : i32
      %and3A_674 = vector.broadcast %and3A_673 : i32 to vector<16xi32>
      %and3A_675 = arith.andi %get3A_668, %and3A_674 : vector<16xi32>
      %bitcast_convert_type3A_676 = tpu.bitcast %and3A_675 : vector<16xi32> -> vector<16xf32>
      %get3A_677 = arith.constant 0 : i32
      %get3A_678 = arith.index_cast %get3A_677 : i32 to index
      %get3A_679 = arith.index_cast %add3A_618 : i32 to index
      %get3A_680 = arith.constant 32 : index
      %get3A_681 = tpu.vector_load %arg8[%get3A_678, %get3A_679, %get3A_680] {strides = array<i32>} : memref<3x200x128xf32, #tpu.memory_space<vmem>>, vector<1x1x16xf32>,
      %get3A_682 = vector.shape_cast %get3A_681 : vector<1x1x16xf32> to vector<16xf32>
      %mul3A_683 = arith.constant 11.3137083 : f32
      %mul3A_684 = vector.broadcast %mul3A_683 : f32 to vector<16xf32>
      %mul3A_685 = arith.mulf %get3A_682, %mul3A_684 : vector<16xf32>
      %add3A_686 = arith.addf %mul3A_685, %bitcast_convert_type3A_672 : vector<16xf32>
      %swap3A_687 = arith.constant 0 : i32
      %swap3A_688 = arith.index_cast %swap3A_687 : i32 to index
      %swap3A_689 = arith.index_cast %add3A_618 : i32 to index
      %swap3A_690 = arith.constant 32 : index
      %swap3A_691 = tpu.vector_load %arg8[%swap3A_688, %swap3A_689, %swap3A_690] {strides = array<i32>} : memref<3x200x128xf32, #tpu.memory_space<vmem>>, vector<1x1x16xf32>,
      %swap3A_692 = vector.shape_cast %swap3A_691 : vector<1x1x16xf32> to vector<16xf32>
      %swap3A_693 = vector.shape_cast %add3A_686 : vector<16xf32> to vector<1x1x16xf32>
      tpu.vector_store %arg8[%swap3A_688, %swap3A_689, %swap3A_690], %swap3A_693 {strides = array<i32>} : memref<3x200x128xf32, #tpu.memory_space<vmem>>, vector<1x1x16xf32>,
      %get3A_694 = arith.constant 0 : i32
      %get3A_695 = arith.index_cast %get3A_694 : i32 to index
      %get3A_696 = arith.index_cast %add3A_618 : i32 to index
      %get3A_697 = arith.constant 48 : index
      %get3A_698 = tpu.vector_load %arg8[%get3A_695, %get3A_696, %get3A_697] {strides = array<i32>} : memref<3x200x128xf32, #tpu.memory_space<vmem>>, vector<1x1x16xf32>,
      %get3A_699 = vector.shape_cast %get3A_698 : vector<1x1x16xf32> to vector<16xf32>
      %mul3A_700 = arith.constant 11.3137083 : f32
      %mul3A_701 = vector.broadcast %mul3A_700 : f32 to vector<16xf32>
      %mul3A_702 = arith.mulf %get3A_699, %mul3A_701 : vector<16xf32>
      %add3A_703 = arith.addf %mul3A_702, %bitcast_convert_type3A_676 : vector<16xf32>
      %swap3A_704 = arith.constant 0 : i32
      %swap3A_705 = arith.index_cast %swap3A_704 : i32 to index
      %swap3A_706 = arith.index_cast %add3A_618 : i32 to index
      %swap3A_707 = arith.constant 48 : index
      %swap3A_708 = tpu.vector_load %arg8[%swap3A_705, %swap3A_706, %swap3A_707] {strides = array<i32>} : memref<3x200x128xf32, #tpu.memory_space<vmem>>, vector<1x1x16xf32>,
      %swap3A_709 = vector.shape_cast %swap3A_708 : vector<1x1x16xf32> to vector<16xf32>
      %swap3A_710 = vector.shape_cast %add3A_703 : vector<16xf32> to vector<1x1x16xf32>
      tpu.vector_store %arg8[%swap3A_705, %swap3A_706, %swap3A_707], %swap3A_710 {strides = array<i32>} : memref<3x200x128xf32, #tpu.memory_space<vmem>>, vector<1x1x16xf32>,
      %get3A_711 = arith.index_cast %add3A_618 : i32 to index
      %get3A_712 = arith.constant 32 : index
      %get3A_713 = tpu.vector_load %arg7[%get3A_711, %get3A_712] {strides = array<i32>} : memref<200x64xi32, #tpu.memory_space<vmem>>, vector<1x16xi32>,
      %get3A_714 = vector.shape_cast %get3A_713 : vector<1x16xi32> to vector<16xi32>
      %shift_left3A_715 = arith.constant 16 : i32
      %shift_left3A_716 = vector.broadcast %shift_left3A_715 : i32 to vector<16xi32>
      %shift_left3A_717 = arith.shli %get3A_714, %shift_left3A_716 : vector<16xi32>
      %bitcast_convert_type3A_718 = tpu.bitcast %shift_left3A_717 : vector<16xi32> -> vector<16xf32>
      %and3A_719 = arith.constant -65536 : i32
      %and3A_720 = vector.broadcast %and3A_719 : i32 to vector<16xi32>
      %and3A_721 = arith.andi %get3A_714, %and3A_720 : vector<16xi32>
      %bitcast_convert_type3A_722 = tpu.bitcast %and3A_721 : vector<16xi32> -> vector<16xf32>
      %get3A_723 = arith.constant 0 : i32
      %get3A_724 = arith.index_cast %get3A_723 : i32 to index
      %get3A_725 = arith.index_cast %add3A_618 : i32 to index
      %get3A_726 = arith.constant 64 : index
      %get3A_727 = tpu.vector_load %arg8[%get3A_724, %get3A_725, %get3A_726] {strides = array<i32>} : memref<3x200x128xf32, #tpu.memory_space<vmem>>, vector<1x1x16xf32>,
      %get3A_728 = vector.shape_cast %get3A_727 : vector<1x1x16xf32> to vector<16xf32>
      %mul3A_729 = arith.constant 11.3137083 : f32
      %mul3A_730 = vector.broadcast %mul3A_729 : f32 to vector<16xf32>
      %mul3A_731 = arith.mulf %get3A_728, %mul3A_730 : vector<16xf32>
      %add3A_732 = arith.addf %mul3A_731, %bitcast_convert_type3A_718 : vector<16xf32>
      %swap3A_733 = arith.constant 0 : i32
      %swap3A_734 = arith.index_cast %swap3A_733 : i32 to index
      %swap3A_735 = arith.index_cast %add3A_618 : i32 to index
      %swap3A_736 = arith.constant 64 : index
      %swap3A_737 = tpu.vector_load %arg8[%swap3A_734, %swap3A_735, %swap3A_736] {strides = array<i32>} : memref<3x200x128xf32, #tpu.memory_space<vmem>>, vector<1x1x16xf32>,
      %swap3A_738 = vector.shape_cast %swap3A_737 : vector<1x1x16xf32> to vector<16xf32>
      %swap3A_739 = vector.shape_cast %add3A_732 : vector<16xf32> to vector<1x1x16xf32>
      tpu.vector_store %arg8[%swap3A_734, %swap3A_735, %swap3A_736], %swap3A_739 {strides = array<i32>} : memref<3x200x128xf32, #tpu.memory_space<vmem>>, vector<1x1x16xf32>,
      %get3A_740 = arith.constant 0 : i32
      %get3A_741 = arith.index_cast %get3A_740 : i32 to index
      %get3A_742 = arith.index_cast %add3A_618 : i32 to index
      %get3A_743 = arith.constant 80 : index
      %get3A_744 = tpu.vector_load %arg8[%get3A_741, %get3A_742, %get3A_743] {strides = array<i32>} : memref<3x200x128xf32, #tpu.memory_space<vmem>>, vector<1x1x16xf32>,
      %get3A_745 = vector.shape_cast %get3A_744 : vector<1x1x16xf32> to vector<16xf32>
      %mul3A_746 = arith.constant 11.3137083 : f32
      %mul3A_747 = vector.broadcast %mul3A_746 : f32 to vector<16xf32>
      %mul3A_748 = arith.mulf %get3A_745, %mul3A_747 : vector<16xf32>
      %add3A_749 = arith.addf %mul3A_748, %bitcast_convert_type3A_722 : vector<16xf32>
      %swap3A_750 = arith.constant 0 : i32
      %swap3A_751 = arith.index_cast %swap3A_750 : i32 to index
      %swap3A_752 = arith.index_cast %add3A_618 : i32 to index
      %swap3A_753 = arith.constant 80 : index
      %swap3A_754 = tpu.vector_load %arg8[%swap3A_751, %swap3A_752, %swap3A_753] {strides = array<i32>} : memref<3x200x128xf32, #tpu.memory_space<vmem>>, vector<1x1x16xf32>,
      %swap3A_755 = vector.shape_cast %swap3A_754 : vector<1x1x16xf32> to vector<16xf32>
      %swap3A_756 = vector.shape_cast %add3A_749 : vector<16xf32> to vector<1x1x16xf32>
      tpu.vector_store %arg8[%swap3A_751, %swap3A_752, %swap3A_753], %swap3A_756 {strides = array<i32>} : memref<3x200x128xf32, #tpu.memory_space<vmem>>, vector<1x1x16xf32>,
      %get3A_757 = arith.index_cast %add3A_618 : i32 to index
      %get3A_758 = arith.constant 48 : index
      %get3A_759 = tpu.vector_load %arg7[%get3A_757, %get3A_758] {strides = array<i32>} : memref<200x64xi32, #tpu.memory_space<vmem>>, vector<1x16xi32>,
      %get3A_760 = vector.shape_cast %get3A_759 : vector<1x16xi32> to vector<16xi32>
      %shift_left3A_761 = arith.constant 16 : i32
      %shift_left3A_762 = vector.broadcast %shift_left3A_761 : i32 to vector<16xi32>
      %shift_left3A_763 = arith.shli %get3A_760, %shift_left3A_762 : vector<16xi32>
      %bitcast_convert_type3A_764 = tpu.bitcast %shift_left3A_763 : vector<16xi32> -> vector<16xf32>
      %and3A_765 = arith.constant -65536 : i32
      %and3A_766 = vector.broadcast %and3A_765 : i32 to vector<16xi32>
      %and3A_767 = arith.andi %get3A_760, %and3A_766 : vector<16xi32>
      %bitcast_convert_type3A_768 = tpu.bitcast %and3A_767 : vector<16xi32> -> vector<16xf32>
      %get3A_769 = arith.constant 0 : i32
      %get3A_770 = arith.index_cast %get3A_769 : i32 to index
      %get3A_771 = arith.index_cast %add3A_618 : i32 to index
      %get3A_772 = arith.constant 96 : index
      %get3A_773 = tpu.vector_load %arg8[%get3A_770, %get3A_771, %get3A_772] {strides = array<i32>} : memref<3x200x128xf32, #tpu.memory_space<vmem>>, vector<1x1x16xf32>,
      %get3A_774 = vector.shape_cast %get3A_773 : vector<1x1x16xf32> to vector<16xf32>
      %mul3A_775 = arith.constant 11.3137083 : f32
      %mul3A_776 = vector.broadcast %mul3A_775 : f32 to vector<16xf32>
      %mul3A_777 = arith.mulf %get3A_774, %mul3A_776 : vector<16xf32>
      %add3A_778 = arith.addf %mul3A_777, %bitcast_convert_type3A_764 : vector<16xf32>
      %swap3A_779 = arith.constant 0 : i32
      %swap3A_780 = arith.index_cast %swap3A_779 : i32 to index
      %swap3A_781 = arith.index_cast %add3A_618 : i32 to index
      %swap3A_782 = arith.constant 96 : index
      %swap3A_783 = tpu.vector_load %arg8[%swap3A_780, %swap3A_781, %swap3A_782] {strides = array<i32>} : memref<3x200x128xf32, #tpu.memory_space<vmem>>, vector<1x1x16xf32>,
      %swap3A_784 = vector.shape_cast %swap3A_783 : vector<1x1x16xf32> to vector<16xf32>
      %swap3A_785 = vector.shape_cast %add3A_778 : vector<16xf32> to vector<1x1x16xf32>
      tpu.vector_store %arg8[%swap3A_780, %swap3A_781, %swap3A_782], %swap3A_785 {strides = array<i32>} : memref<3x200x128xf32, #tpu.memory_space<vmem>>, vector<1x1x16xf32>,
      %get3A_786 = arith.constant 0 : i32
      %get3A_787 = arith.index_cast %get3A_786 : i32 to index
      %get3A_788 = arith.index_cast %add3A_618 : i32 to index
      %get3A_789 = arith.constant 112 : index
      %get3A_790 = tpu.vector_load %arg8[%get3A_787, %get3A_788, %get3A_789] {strides = array<i32>} : memref<3x200x128xf32, #tpu.memory_space<vmem>>, vector<1x1x16xf32>,
      %get3A_791 = vector.shape_cast %get3A_790 : vector<1x1x16xf32> to vector<16xf32>
      %mul3A_792 = arith.constant 11.3137083 : f32
      %mul3A_793 = vector.broadcast %mul3A_792 : f32 to vector<16xf32>
      %mul3A_794 = arith.mulf %get3A_791, %mul3A_793 : vector<16xf32>
      %add3A_795 = arith.addf %mul3A_794, %bitcast_convert_type3A_768 : vector<16xf32>
      %swap3A_796 = arith.constant 0 : i32
      %swap3A_797 = arith.index_cast %swap3A_796 : i32 to index
      %swap3A_798 = arith.index_cast %add3A_618 : i32 to index
      %swap3A_799 = arith.constant 112 : index
      %swap3A_800 = tpu.vector_load %arg8[%swap3A_797, %swap3A_798, %swap3A_799] {strides = array<i32>} : memref<3x200x128xf32, #tpu.memory_space<vmem>>, vector<1x1x16xf32>,
      %swap3A_801 = vector.shape_cast %swap3A_800 : vector<1x1x16xf32> to vector<16xf32>
      %swap3A_802 = vector.shape_cast %add3A_795 : vector<16xf32> to vector<1x1x16xf32>
      tpu.vector_store %arg8[%swap3A_797, %swap3A_798, %swap3A_799], %swap3A_802 {strides = array<i32>} : memref<3x200x128xf32, #tpu.memory_space<vmem>>, vector<1x1x16xf32>,
    }
    %scan3A_314 = arith.constant 100 : i32
    %dma_wait3A_315 = arith.constant 2 : i32
    %dma_wait3A_316 = arith.constant 0 : i32
    %dma_wait3A_317 = arith.constant 0 : i32
    %dma_wait3A_318 = arith.constant 0 : i32
    %dma_wait3A_319 = tpu.memref_slice %arg8[%dma_wait3A_315, %dma_wait3A_317, %dma_wait3A_318] : memref<3x200x128xf32, #tpu.memory_space<vmem>> -> memref<1x200x128xf32, #tpu.memory_space<vmem>>
    %dma_wait3A_320 = tpu.memref_squeeze %dma_wait3A_319 : memref<1x200x128xf32, #tpu.memory_space<vmem>> -> memref<200x128xf32, #tpu.memory_space<vmem>>
    %dma_wait3A_321 = arith.constant 0 : i32
    %dma_wait3A_322 = arith.constant 0 : i32
    %dma_wait3A_323 = tpu.memref_slice %arg5[%dma_wait3A_316, %dma_wait3A_321, %dma_wait3A_322] : memref<1024x200x128xf32, #tpu.memory_space<hbm>> -> memref<1x200x128xf32, #tpu.memory_space<hbm>>
    %dma_wait3A_324 = tpu.memref_squeeze %dma_wait3A_323 : memref<1x200x128xf32, #tpu.memory_space<hbm>> -> memref<200x128xf32, #tpu.memory_space<hbm>>
    %dma_wait3A_325 = arith.constant 0 : i32
    %dma_wait3A_326 = arith.constant 0 : i32
    %dma_wait3A_327 = tpu.memref_slice %arg5[%dma_wait3A_316, %dma_wait3A_325, %dma_wait3A_326] : memref<1024x200x128xf32, #tpu.memory_space<hbm>> -> memref<1x200x128xf32, #tpu.memory_space<hbm>>
    %dma_wait3A_328 = tpu.memref_squeeze %dma_wait3A_327 : memref<1x200x128xf32, #tpu.memory_space<hbm>> -> memref<200x128xf32, #tpu.memory_space<hbm>>
    %dma_wait3A_329 = arith.constant 0 : i32
    %dma_wait3A_330 = arith.constant 0 : i32
    %dma_wait3A_331 = tpu.memref_slice %arg8[%dma_wait3A_315, %dma_wait3A_329, %dma_wait3A_330] : memref<3x200x128xf32, #tpu.memory_space<vmem>> -> memref<1x200x128xf32, #tpu.memory_space<vmem>>
    %dma_wait3A_332 = tpu.memref_squeeze %dma_wait3A_331 : memref<1x200x128xf32, #tpu.memory_space<vmem>> -> memref<200x128xf32, #tpu.memory_space<vmem>>
    tpu.wait_dma2 semaphore(%arg14 : memref<!tpu.dma_semaphore, #tpu.memory_space<semaphore_mem>>) src(%dma_wait3A_332 : memref<200x128xf32, #tpu.memory_space<vmem>>) dst(%dma_wait3A_328 : memref<200x128xf32, #tpu.memory_space<hbm>>)
    %add3A_333 = arith.constant 30 : i32
    %add3A_334 = arith.addi %mul3A_2, %add3A_333 : i32
    %dma_start3A_335 = arith.constant 0 : i32
    %dma_start3A_336 = arith.constant 0 : i32
    %dma_start3A_337 = arith.constant 0 : i32
    %dma_start3A_338 = tpu.memref_slice %arg8[%dma_start3A_335, %dma_start3A_336, %dma_start3A_337] : memref<3x200x128xf32, #tpu.memory_space<vmem>> -> memref<1x200x128xf32, #tpu.memory_space<vmem>>
    %dma_start3A_339 = tpu.memref_squeeze %dma_start3A_338 : memref<1x200x128xf32, #tpu.memory_space<vmem>> -> memref<200x128xf32, #tpu.memory_space<vmem>>
    %dma_start3A_340 = arith.constant 0 : i32
    %dma_start3A_341 = arith.constant 0 : i32
    %dma_start3A_342 = tpu.memref_slice %arg5[%add3A_334, %dma_start3A_340, %dma_start3A_341] : memref<1024x200x128xf32, #tpu.memory_space<hbm>> -> memref<1x200x128xf32, #tpu.memory_space<hbm>>
    %dma_start3A_343 = tpu.memref_squeeze %dma_start3A_342 : memref<1x200x128xf32, #tpu.memory_space<hbm>> -> memref<200x128xf32, #tpu.memory_space<hbm>>
    %dma_start3A_344 = arith.constant 0 : i32
    %dma_start3A_345 = arith.constant 0 : i32
    %dma_start3A_346 = tpu.memref_slice %arg5[%add3A_334, %dma_start3A_344, %dma_start3A_345] : memref<1024x200x128xf32, #tpu.memory_space<hbm>> -> memref<1x200x128xf32, #tpu.memory_space<hbm>>
    %dma_start3A_347 = tpu.memref_squeeze %dma_start3A_346 : memref<1x200x128xf32, #tpu.memory_space<hbm>> -> memref<200x128xf32, #tpu.memory_space<hbm>>
    %dma_start3A_348 = arith.constant 0 : i32
    %dma_start3A_349 = arith.constant 0 : i32
    %dma_start3A_350 = tpu.memref_slice %arg8[%dma_start3A_335, %dma_start3A_348, %dma_start3A_349] : memref<3x200x128xf32, #tpu.memory_space<vmem>> -> memref<1x200x128xf32, #tpu.memory_space<vmem>>
    %dma_start3A_351 = tpu.memref_squeeze %dma_start3A_350 : memref<1x200x128xf32, #tpu.memory_space<vmem>> -> memref<200x128xf32, #tpu.memory_space<vmem>>
    tpu.enqueue_dma source(%dma_start3A_351 : memref<200x128xf32, #tpu.memory_space<vmem>>) target(%dma_start3A_347 : memref<200x128xf32, #tpu.memory_space<hbm>>) target_semaphore(%arg12 : memref<!tpu.dma_semaphore, #tpu.memory_space<semaphore_mem>>)
    %dma_wait3A_352 = arith.constant 0 : i32
    %dma_wait3A_353 = arith.constant 1 : i32
    %dma_wait3A_354 = arith.constant 0 : i32
    %dma_wait3A_355 = arith.constant 0 : i32
    %dma_wait3A_356 = tpu.memref_slice %arg8[%dma_wait3A_353, %dma_wait3A_354, %dma_wait3A_355] : memref<3x200x128xf32, #tpu.memory_space<vmem>> -> memref<1x200x128xf32, #tpu.memory_space<vmem>>
    %dma_wait3A_357 = tpu.memref_squeeze %dma_wait3A_356 : memref<1x200x128xf32, #tpu.memory_space<vmem>> -> memref<200x128xf32, #tpu.memory_space<vmem>>
    %dma_wait3A_358 = arith.constant 0 : i32
    %dma_wait3A_359 = arith.constant 0 : i32
    %dma_wait3A_360 = tpu.memref_slice %arg5[%dma_wait3A_352, %dma_wait3A_358, %dma_wait3A_359] : memref<1024x200x128xf32, #tpu.memory_space<hbm>> -> memref<1x200x128xf32, #tpu.memory_space<hbm>>
    %dma_wait3A_361 = tpu.memref_squeeze %dma_wait3A_360 : memref<1x200x128xf32, #tpu.memory_space<hbm>> -> memref<200x128xf32, #tpu.memory_space<hbm>>
    %dma_wait3A_362 = arith.constant 0 : i32
    %dma_wait3A_363 = arith.constant 0 : i32
    %dma_wait3A_364 = tpu.memref_slice %arg8[%dma_wait3A_353, %dma_wait3A_362, %dma_wait3A_363] : memref<3x200x128xf32, #tpu.memory_space<vmem>> -> memref<1x200x128xf32, #tpu.memory_space<vmem>>
    %dma_wait3A_365 = tpu.memref_squeeze %dma_wait3A_364 : memref<1x200x128xf32, #tpu.memory_space<vmem>> -> memref<200x128xf32, #tpu.memory_space<vmem>>
    %dma_wait3A_366 = arith.constant 0 : i32
    %dma_wait3A_367 = arith.constant 0 : i32
    %dma_wait3A_368 = tpu.memref_slice %arg5[%dma_wait3A_352, %dma_wait3A_366, %dma_wait3A_367] : memref<1024x200x128xf32, #tpu.memory_space<hbm>> -> memref<1x200x128xf32, #tpu.memory_space<hbm>>
    %dma_wait3A_369 = tpu.memref_squeeze %dma_wait3A_368 : memref<1x200x128xf32, #tpu.memory_space<hbm>> -> memref<200x128xf32, #tpu.memory_space<hbm>>
    tpu.wait_dma2 semaphore(%arg10 : memref<!tpu.dma_semaphore, #tpu.memory_space<semaphore_mem>>) src(%dma_wait3A_369 : memref<200x128xf32, #tpu.memory_space<hbm>>) dst(%dma_wait3A_365 : memref<200x128xf32, #tpu.memory_space<vmem>>)
    %scan3A_370 = arith.constant 0 : i32
    %scan3A_371 = arith.constant 0 : i32
    %scan3A_372 = arith.constant 100 : i32
    %scan3A_373 = arith.addi %scan3A_371, %scan3A_372 : i32
    %scan3A_374 = arith.constant 1 : i32
    scf.for %scan3A_431 = %scan3A_371 to %scan3A_373 step %scan3A_374  : i32 {
      %mul3A_432 = arith.constant 2 : i32
      %mul3A_433 = arith.muli %mul3A_432, %scan3A_431 : i32
      %add3A_434 = arith.constant 0 : i32
      %add3A_435 = arith.addi %mul3A_433, %add3A_434 : i32
      %get3A = arith.index_cast %add3A_435 : i32 to index
      %get3A_436 = arith.constant 0 : index
      %get3A_437 = tpu.vector_load %arg7[%get3A, %get3A_436] {strides = array<i32>} : memref<200x64xi32, #tpu.memory_space<vmem>>, vector<1x16xi32>,
      %get3A_438 = vector.shape_cast %get3A_437 : vector<1x16xi32> to vector<16xi32>
      %shift_left3A = arith.constant 16 : i32
      %shift_left3A_439 = vector.broadcast %shift_left3A : i32 to vector<16xi32>
      %shift_left3A_440 = arith.shli %get3A_438, %shift_left3A_439 : vector<16xi32>
      %bitcast_convert_type3A = tpu.bitcast %shift_left3A_440 : vector<16xi32> -> vector<16xf32>
      %and3A = arith.constant -65536 : i32
      %and3A_441 = vector.broadcast %and3A : i32 to vector<16xi32>
      %and3A_442 = arith.andi %get3A_438, %and3A_441 : vector<16xi32>
      %bitcast_convert_type3A_443 = tpu.bitcast %and3A_442 : vector<16xi32> -> vector<16xf32>
      %get3A_444 = arith.constant 1 : i32
      %get3A_445 = arith.index_cast %get3A_444 : i32 to index
      %get3A_446 = arith.index_cast %add3A_435 : i32 to index
      %get3A_447 = arith.constant 0 : index
      %get3A_448 = tpu.vector_load %arg8[%get3A_445, %get3A_446, %get3A_447] {strides = array<i32>} : memref<3x200x128xf32, #tpu.memory_space<vmem>>, vector<1x1x16xf32>,
      %get3A_449 = vector.shape_cast %get3A_448 : vector<1x1x16xf32> to vector<16xf32>
      %mul3A_450 = arith.constant 11.3137083 : f32
      %mul3A_451 = vector.broadcast %mul3A_450 : f32 to vector<16xf32>
      %mul3A_452 = arith.mulf %get3A_449, %mul3A_451 : vector<16xf32>
      %add3A_453 = arith.addf %mul3A_452, %bitcast_convert_type3A : vector<16xf32>
      %swap3A = arith.constant 1 : i32
      %swap3A_454 = arith.index_cast %swap3A : i32 to index
      %swap3A_455 = arith.index_cast %add3A_435 : i32 to index
      %swap3A_456 = arith.constant 0 : index
      %swap3A_457 = tpu.vector_load %arg8[%swap3A_454, %swap3A_455, %swap3A_456] {strides = array<i32>} : memref<3x200x128xf32, #tpu.memory_space<vmem>>, vector<1x1x16xf32>,
      %swap3A_458 = vector.shape_cast %swap3A_457 : vector<1x1x16xf32> to vector<16xf32>
      %swap3A_459 = vector.shape_cast %add3A_453 : vector<16xf32> to vector<1x1x16xf32>
      tpu.vector_store %arg8[%swap3A_454, %swap3A_455, %swap3A_456], %swap3A_459 {strides = array<i32>} : memref<3x200x128xf32, #tpu.memory_space<vmem>>, vector<1x1x16xf32>,
      %get3A_460 = arith.constant 1 : i32
      %get3A_461 = arith.index_cast %get3A_460 : i32 to index
      %get3A_462 = arith.index_cast %add3A_435 : i32 to index
      %get3A_463 = arith.constant 16 : index
      %get3A_464 = tpu.vector_load %arg8[%get3A_461, %get3A_462, %get3A_463] {strides = array<i32>} : memref<3x200x128xf32, #tpu.memory_space<vmem>>, vector<1x1x16xf32>,
      %get3A_465 = vector.shape_cast %get3A_464 : vector<1x1x16xf32> to vector<16xf32>
      %mul3A_466 = arith.constant 11.3137083 : f32
      %mul3A_467 = vector.broadcast %mul3A_466 : f32 to vector<16xf32>
      %mul3A_468 = arith.mulf %get3A_465, %mul3A_467 : vector<16xf32>
      %add3A_469 = arith.addf %mul3A_468, %bitcast_convert_type3A_443 : vector<16xf32>
      %swap3A_470 = arith.constant 1 : i32
      %swap3A_471 = arith.index_cast %swap3A_470 : i32 to index
      %swap3A_472 = arith.index_cast %add3A_435 : i32 to index
      %swap3A_473 = arith.constant 16 : index
      %swap3A_474 = tpu.vector_load %arg8[%swap3A_471, %swap3A_472, %swap3A_473] {strides = array<i32>} : memref<3x200x128xf32, #tpu.memory_space<vmem>>, vector<1x1x16xf32>,
      %swap3A_475 = vector.shape_cast %swap3A_474 : vector<1x1x16xf32> to vector<16xf32>
      %swap3A_476 = vector.shape_cast %add3A_469 : vector<16xf32> to vector<1x1x16xf32>
      tpu.vector_store %arg8[%swap3A_471, %swap3A_472, %swap3A_473], %swap3A_476 {strides = array<i32>} : memref<3x200x128xf32, #tpu.memory_space<vmem>>, vector<1x1x16xf32>,
      %get3A_477 = arith.index_cast %add3A_435 : i32 to index
      %get3A_478 = arith.constant 16 : index
      %get3A_479 = tpu.vector_load %arg7[%get3A_477, %get3A_478] {strides = array<i32>} : memref<200x64xi32, #tpu.memory_space<vmem>>, vector<1x16xi32>,
      %get3A_480 = vector.shape_cast %get3A_479 : vector<1x16xi32> to vector<16xi32>
      %shift_left3A_481 = arith.constant 16 : i32
      %shift_left3A_482 = vector.broadcast %shift_left3A_481 : i32 to vector<16xi32>
      %shift_left3A_483 = arith.shli %get3A_480, %shift_left3A_482 : vector<16xi32>
      %bitcast_convert_type3A_484 = tpu.bitcast %shift_left3A_483 : vector<16xi32> -> vector<16xf32>
      %and3A_485 = arith.constant -65536 : i32
      %and3A_486 = vector.broadcast %and3A_485 : i32 to vector<16xi32>
      %and3A_487 = arith.andi %get3A_480, %and3A_486 : vector<16xi32>
      %bitcast_convert_type3A_488 = tpu.bitcast %and3A_487 : vector<16xi32> -> vector<16xf32>
      %get3A_489 = arith.constant 1 : i32
      %get3A_490 = arith.index_cast %get3A_489 : i32 to index
      %get3A_491 = arith.index_cast %add3A_435 : i32 to index
      %get3A_492 = arith.constant 32 : index
      %get3A_493 = tpu.vector_load %arg8[%get3A_490, %get3A_491, %get3A_492] {strides = array<i32>} : memref<3x200x128xf32, #tpu.memory_space<vmem>>, vector<1x1x16xf32>,
      %get3A_494 = vector.shape_cast %get3A_493 : vector<1x1x16xf32> to vector<16xf32>
      %mul3A_495 = arith.constant 11.3137083 : f32
      %mul3A_496 = vector.broadcast %mul3A_495 : f32 to vector<16xf32>
      %mul3A_497 = arith.mulf %get3A_494, %mul3A_496 : vector<16xf32>
      %add3A_498 = arith.addf %mul3A_497, %bitcast_convert_type3A_484 : vector<16xf32>
      %swap3A_499 = arith.constant 1 : i32
      %swap3A_500 = arith.index_cast %swap3A_499 : i32 to index
      %swap3A_501 = arith.index_cast %add3A_435 : i32 to index
      %swap3A_502 = arith.constant 32 : index
      %swap3A_503 = tpu.vector_load %arg8[%swap3A_500, %swap3A_501, %swap3A_502] {strides = array<i32>} : memref<3x200x128xf32, #tpu.memory_space<vmem>>, vector<1x1x16xf32>,
      %swap3A_504 = vector.shape_cast %swap3A_503 : vector<1x1x16xf32> to vector<16xf32>
      %swap3A_505 = vector.shape_cast %add3A_498 : vector<16xf32> to vector<1x1x16xf32>
      tpu.vector_store %arg8[%swap3A_500, %swap3A_501, %swap3A_502], %swap3A_505 {strides = array<i32>} : memref<3x200x128xf32, #tpu.memory_space<vmem>>, vector<1x1x16xf32>,
      %get3A_506 = arith.constant 1 : i32
      %get3A_507 = arith.index_cast %get3A_506 : i32 to index
      %get3A_508 = arith.index_cast %add3A_435 : i32 to index
      %get3A_509 = arith.constant 48 : index
      %get3A_510 = tpu.vector_load %arg8[%get3A_507, %get3A_508, %get3A_509] {strides = array<i32>} : memref<3x200x128xf32, #tpu.memory_space<vmem>>, vector<1x1x16xf32>,
      %get3A_511 = vector.shape_cast %get3A_510 : vector<1x1x16xf32> to vector<16xf32>
      %mul3A_512 = arith.constant 11.3137083 : f32
      %mul3A_513 = vector.broadcast %mul3A_512 : f32 to vector<16xf32>
      %mul3A_514 = arith.mulf %get3A_511, %mul3A_513 : vector<16xf32>
      %add3A_515 = arith.addf %mul3A_514, %bitcast_convert_type3A_488 : vector<16xf32>
      %swap3A_516 = arith.constant 1 : i32
      %swap3A_517 = arith.index_cast %swap3A_516 : i32 to index
      %swap3A_518 = arith.index_cast %add3A_435 : i32 to index
      %swap3A_519 = arith.constant 48 : index
      %swap3A_520 = tpu.vector_load %arg8[%swap3A_517, %swap3A_518, %swap3A_519] {strides = array<i32>} : memref<3x200x128xf32, #tpu.memory_space<vmem>>, vector<1x1x16xf32>,
      %swap3A_521 = vector.shape_cast %swap3A_520 : vector<1x1x16xf32> to vector<16xf32>
      %swap3A_522 = vector.shape_cast %add3A_515 : vector<16xf32> to vector<1x1x16xf32>
      tpu.vector_store %arg8[%swap3A_517, %swap3A_518, %swap3A_519], %swap3A_522 {strides = array<i32>} : memref<3x200x128xf32, #tpu.memory_space<vmem>>, vector<1x1x16xf32>,
      %get3A_523 = arith.index_cast %add3A_435 : i32 to index
      %get3A_524 = arith.constant 32 : index
      %get3A_525 = tpu.vector_load %arg7[%get3A_523, %get3A_524] {strides = array<i32>} : memref<200x64xi32, #tpu.memory_space<vmem>>, vector<1x16xi32>,
      %get3A_526 = vector.shape_cast %get3A_525 : vector<1x16xi32> to vector<16xi32>
      %shift_left3A_527 = arith.constant 16 : i32
      %shift_left3A_528 = vector.broadcast %shift_left3A_527 : i32 to vector<16xi32>
      %shift_left3A_529 = arith.shli %get3A_526, %shift_left3A_528 : vector<16xi32>
      %bitcast_convert_type3A_530 = tpu.bitcast %shift_left3A_529 : vector<16xi32> -> vector<16xf32>
      %and3A_531 = arith.constant -65536 : i32
      %and3A_532 = vector.broadcast %and3A_531 : i32 to vector<16xi32>
      %and3A_533 = arith.andi %get3A_526, %and3A_532 : vector<16xi32>
      %bitcast_convert_type3A_534 = tpu.bitcast %and3A_533 : vector<16xi32> -> vector<16xf32>
      %get3A_535 = arith.constant 1 : i32
      %get3A_536 = arith.index_cast %get3A_535 : i32 to index
      %get3A_537 = arith.index_cast %add3A_435 : i32 to index
      %get3A_538 = arith.constant 64 : index
      %get3A_539 = tpu.vector_load %arg8[%get3A_536, %get3A_537, %get3A_538] {strides = array<i32>} : memref<3x200x128xf32, #tpu.memory_space<vmem>>, vector<1x1x16xf32>,
      %get3A_540 = vector.shape_cast %get3A_539 : vector<1x1x16xf32> to vector<16xf32>
      %mul3A_541 = arith.constant 11.3137083 : f32
      %mul3A_542 = vector.broadcast %mul3A_541 : f32 to vector<16xf32>
      %mul3A_543 = arith.mulf %get3A_540, %mul3A_542 : vector<16xf32>
      %add3A_544 = arith.addf %mul3A_543, %bitcast_convert_type3A_530 : vector<16xf32>
      %swap3A_545 = arith.constant 1 : i32
      %swap3A_546 = arith.index_cast %swap3A_545 : i32 to index
      %swap3A_547 = arith.index_cast %add3A_435 : i32 to index
      %swap3A_548 = arith.constant 64 : index
      %swap3A_549 = tpu.vector_load %arg8[%swap3A_546, %swap3A_547, %swap3A_548] {strides = array<i32>} : memref<3x200x128xf32, #tpu.memory_space<vmem>>, vector<1x1x16xf32>,
      %swap3A_550 = vector.shape_cast %swap3A_549 : vector<1x1x16xf32> to vector<16xf32>
      %swap3A_551 = vector.shape_cast %add3A_544 : vector<16xf32> to vector<1x1x16xf32>
      tpu.vector_store %arg8[%swap3A_546, %swap3A_547, %swap3A_548], %swap3A_551 {strides = array<i32>} : memref<3x200x128xf32, #tpu.memory_space<vmem>>, vector<1x1x16xf32>,
      %get3A_552 = arith.constant 1 : i32
      %get3A_553 = arith.index_cast %get3A_552 : i32 to index
      %get3A_554 = arith.index_cast %add3A_435 : i32 to index
      %get3A_555 = arith.constant 80 : index
      %get3A_556 = tpu.vector_load %arg8[%get3A_553, %get3A_554, %get3A_555] {strides = array<i32>} : memref<3x200x128xf32, #tpu.memory_space<vmem>>, vector<1x1x16xf32>,
      %get3A_557 = vector.shape_cast %get3A_556 : vector<1x1x16xf32> to vector<16xf32>
      %mul3A_558 = arith.constant 11.3137083 : f32
      %mul3A_559 = vector.broadcast %mul3A_558 : f32 to vector<16xf32>
      %mul3A_560 = arith.mulf %get3A_557, %mul3A_559 : vector<16xf32>
      %add3A_561 = arith.addf %mul3A_560, %bitcast_convert_type3A_534 : vector<16xf32>
      %swap3A_562 = arith.constant 1 : i32
      %swap3A_563 = arith.index_cast %swap3A_562 : i32 to index
      %swap3A_564 = arith.index_cast %add3A_435 : i32 to index
      %swap3A_565 = arith.constant 80 : index
      %swap3A_566 = tpu.vector_load %arg8[%swap3A_563, %swap3A_564, %swap3A_565] {strides = array<i32>} : memref<3x200x128xf32, #tpu.memory_space<vmem>>, vector<1x1x16xf32>,
      %swap3A_567 = vector.shape_cast %swap3A_566 : vector<1x1x16xf32> to vector<16xf32>
      %swap3A_568 = vector.shape_cast %add3A_561 : vector<16xf32> to vector<1x1x16xf32>
      tpu.vector_store %arg8[%swap3A_563, %swap3A_564, %swap3A_565], %swap3A_568 {strides = array<i32>} : memref<3x200x128xf32, #tpu.memory_space<vmem>>, vector<1x1x16xf32>,
      %get3A_569 = arith.index_cast %add3A_435 : i32 to index
      %get3A_570 = arith.constant 48 : index
      %get3A_571 = tpu.vector_load %arg7[%get3A_569, %get3A_570] {strides = array<i32>} : memref<200x64xi32, #tpu.memory_space<vmem>>, vector<1x16xi32>,
      %get3A_572 = vector.shape_cast %get3A_571 : vector<1x16xi32> to vector<16xi32>
      %shift_left3A_573 = arith.constant 16 : i32
      %shift_left3A_574 = vector.broadcast %shift_left3A_573 : i32 to vector<16xi32>
      %shift_left3A_575 = arith.shli %get3A_572, %shift_left3A_574 : vector<16xi32>
      %bitcast_convert_type3A_576 = tpu.bitcast %shift_left3A_575 : vector<16xi32> -> vector<16xf32>
      %and3A_577 = arith.constant -65536 : i32
      %and3A_578 = vector.broadcast %and3A_577 : i32 to vector<16xi32>
      %and3A_579 = arith.andi %get3A_572, %and3A_578 : vector<16xi32>
      %bitcast_convert_type3A_580 = tpu.bitcast %and3A_579 : vector<16xi32> -> vector<16xf32>
      %get3A_581 = arith.constant 1 : i32
      %get3A_582 = arith.index_cast %get3A_581 : i32 to index
      %get3A_583 = arith.index_cast %add3A_435 : i32 to index
      %get3A_584 = arith.constant 96 : index
      %get3A_585 = tpu.vector_load %arg8[%get3A_582, %get3A_583, %get3A_584] {strides = array<i32>} : memref<3x200x128xf32, #tpu.memory_space<vmem>>, vector<1x1x16xf32>,
      %get3A_586 = vector.shape_cast %get3A_585 : vector<1x1x16xf32> to vector<16xf32>
      %mul3A_587 = arith.constant 11.3137083 : f32
      %mul3A_588 = vector.broadcast %mul3A_587 : f32 to vector<16xf32>
      %mul3A_589 = arith.mulf %get3A_586, %mul3A_588 : vector<16xf32>
      %add3A_590 = arith.addf %mul3A_589, %bitcast_convert_type3A_576 : vector<16xf32>
      %swap3A_591 = arith.constant 1 : i32
      %swap3A_592 = arith.index_cast %swap3A_591 : i32 to index
      %swap3A_593 = arith.index_cast %add3A_435 : i32 to index
      %swap3A_594 = arith.constant 96 : index
      %swap3A_595 = tpu.vector_load %arg8[%swap3A_592, %swap3A_593, %swap3A_594] {strides = array<i32>} : memref<3x200x128xf32, #tpu.memory_space<vmem>>, vector<1x1x16xf32>,
      %swap3A_596 = vector.shape_cast %swap3A_595 : vector<1x1x16xf32> to vector<16xf32>
      %swap3A_597 = vector.shape_cast %add3A_590 : vector<16xf32> to vector<1x1x16xf32>
      tpu.vector_store %arg8[%swap3A_592, %swap3A_593, %swap3A_594], %swap3A_597 {strides = array<i32>} : memref<3x200x128xf32, #tpu.memory_space<vmem>>, vector<1x1x16xf32>,
      %get3A_598 = arith.constant 1 : i32
      %get3A_599 = arith.index_cast %get3A_598 : i32 to index
      %get3A_600 = arith.index_cast %add3A_435 : i32 to index
      %get3A_601 = arith.constant 112 : index
      %get3A_602 = tpu.vector_load %arg8[%get3A_599, %get3A_600, %get3A_601] {strides = array<i32>} : memref<3x200x128xf32, #tpu.memory_space<vmem>>, vector<1x1x16xf32>,
      %get3A_603 = vector.shape_cast %get3A_602 : vector<1x1x16xf32> to vector<16xf32>
      %mul3A_604 = arith.constant 11.3137083 : f32
      %mul3A_605 = vector.broadcast %mul3A_604 : f32 to vector<16xf32>
      %mul3A_606 = arith.mulf %get3A_603, %mul3A_605 : vector<16xf32>
      %add3A_607 = arith.addf %mul3A_606, %bitcast_convert_type3A_580 : vector<16xf32>
      %swap3A_608 = arith.constant 1 : i32
      %swap3A_609 = arith.index_cast %swap3A_608 : i32 to index
      %swap3A_610 = arith.index_cast %add3A_435 : i32 to index
      %swap3A_611 = arith.constant 112 : index
      %swap3A_612 = tpu.vector_load %arg8[%swap3A_609, %swap3A_610, %swap3A_611] {strides = array<i32>} : memref<3x200x128xf32, #tpu.memory_space<vmem>>, vector<1x1x16xf32>,
      %swap3A_613 = vector.shape_cast %swap3A_612 : vector<1x1x16xf32> to vector<16xf32>
      %swap3A_614 = vector.shape_cast %add3A_607 : vector<16xf32> to vector<1x1x16xf32>
      tpu.vector_store %arg8[%swap3A_609, %swap3A_610, %swap3A_611], %swap3A_614 {strides = array<i32>} : memref<3x200x128xf32, #tpu.memory_space<vmem>>, vector<1x1x16xf32>,
      %mul3A_615 = arith.constant 2 : i32
      %mul3A_616 = arith.muli %mul3A_615, %scan3A_431 : i32
      %add3A_617 = arith.constant 1 : i32
      %add3A_618 = arith.addi %mul3A_616, %add3A_617 : i32
      %get3A_619 = arith.index_cast %add3A_618 : i32 to index
      %get3A_620 = arith.constant 0 : index
      %get3A_621 = tpu.vector_load %arg7[%get3A_619, %get3A_620] {strides = array<i32>} : memref<200x64xi32, #tpu.memory_space<vmem>>, vector<1x16xi32>,
      %get3A_622 = vector.shape_cast %get3A_621 : vector<1x16xi32> to vector<16xi32>
      %shift_left3A_623 = arith.constant 16 : i32
      %shift_left3A_624 = vector.broadcast %shift_left3A_623 : i32 to vector<16xi32>
      %shift_left3A_625 = arith.shli %get3A_622, %shift_left3A_624 : vector<16xi32>
      %bitcast_convert_type3A_626 = tpu.bitcast %shift_left3A_625 : vector<16xi32> -> vector<16xf32>
      %and3A_627 = arith.constant -65536 : i32
      %and3A_628 = vector.broadcast %and3A_627 : i32 to vector<16xi32>
      %and3A_629 = arith.andi %get3A_622, %and3A_628 : vector<16xi32>
      %bitcast_convert_type3A_630 = tpu.bitcast %and3A_629 : vector<16xi32> -> vector<16xf32>
      %get3A_631 = arith.constant 1 : i32
      %get3A_632 = arith.index_cast %get3A_631 : i32 to index
      %get3A_633 = arith.index_cast %add3A_618 : i32 to index
      %get3A_634 = arith.constant 0 : index
      %get3A_635 = tpu.vector_load %arg8[%get3A_632, %get3A_633, %get3A_634] {strides = array<i32>} : memref<3x200x128xf32, #tpu.memory_space<vmem>>, vector<1x1x16xf32>,
      %get3A_636 = vector.shape_cast %get3A_635 : vector<1x1x16xf32> to vector<16xf32>
      %mul3A_637 = arith.constant 11.3137083 : f32
      %mul3A_638 = vector.broadcast %mul3A_637 : f32 to vector<16xf32>
      %mul3A_639 = arith.mulf %get3A_636, %mul3A_638 : vector<16xf32>
      %add3A_640 = arith.addf %mul3A_639, %bitcast_convert_type3A_626 : vector<16xf32>
      %swap3A_641 = arith.constant 1 : i32
      %swap3A_642 = arith.index_cast %swap3A_641 : i32 to index
      %swap3A_643 = arith.index_cast %add3A_618 : i32 to index
      %swap3A_644 = arith.constant 0 : index
      %swap3A_645 = tpu.vector_load %arg8[%swap3A_642, %swap3A_643, %swap3A_644] {strides = array<i32>} : memref<3x200x128xf32, #tpu.memory_space<vmem>>, vector<1x1x16xf32>,
      %swap3A_646 = vector.shape_cast %swap3A_645 : vector<1x1x16xf32> to vector<16xf32>
      %swap3A_647 = vector.shape_cast %add3A_640 : vector<16xf32> to vector<1x1x16xf32>
      tpu.vector_store %arg8[%swap3A_642, %swap3A_643, %swap3A_644], %swap3A_647 {strides = array<i32>} : memref<3x200x128xf32, #tpu.memory_space<vmem>>, vector<1x1x16xf32>,
      %get3A_648 = arith.constant 1 : i32
      %get3A_649 = arith.index_cast %get3A_648 : i32 to index
      %get3A_650 = arith.index_cast %add3A_618 : i32 to index
      %get3A_651 = arith.constant 16 : index
      %get3A_652 = tpu.vector_load %arg8[%get3A_649, %get3A_650, %get3A_651] {strides = array<i32>} : memref<3x200x128xf32, #tpu.memory_space<vmem>>, vector<1x1x16xf32>,
      %get3A_653 = vector.shape_cast %get3A_652 : vector<1x1x16xf32> to vector<16xf32>
      %mul3A_654 = arith.constant 11.3137083 : f32
      %mul3A_655 = vector.broadcast %mul3A_654 : f32 to vector<16xf32>
      %mul3A_656 = arith.mulf %get3A_653, %mul3A_655 : vector<16xf32>
      %add3A_657 = arith.addf %mul3A_656, %bitcast_convert_type3A_630 : vector<16xf32>
      %swap3A_658 = arith.constant 1 : i32
      %swap3A_659 = arith.index_cast %swap3A_658 : i32 to index
      %swap3A_660 = arith.index_cast %add3A_618 : i32 to index
      %swap3A_661 = arith.constant 16 : index
      %swap3A_662 = tpu.vector_load %arg8[%swap3A_659, %swap3A_660, %swap3A_661] {strides = array<i32>} : memref<3x200x128xf32, #tpu.memory_space<vmem>>, vector<1x1x16xf32>,
      %swap3A_663 = vector.shape_cast %swap3A_662 : vector<1x1x16xf32> to vector<16xf32>
      %swap3A_664 = vector.shape_cast %add3A_657 : vector<16xf32> to vector<1x1x16xf32>
      tpu.vector_store %arg8[%swap3A_659, %swap3A_660, %swap3A_661], %swap3A_664 {strides = array<i32>} : memref<3x200x128xf32, #tpu.memory_space<vmem>>, vector<1x1x16xf32>,
      %get3A_665 = arith.index_cast %add3A_618 : i32 to index
      %get3A_666 = arith.constant 16 : index
      %get3A_667 = tpu.vector_load %arg7[%get3A_665, %get3A_666] {strides = array<i32>} : memref<200x64xi32, #tpu.memory_space<vmem>>, vector<1x16xi32>,
      %get3A_668 = vector.shape_cast %get3A_667 : vector<1x16xi32> to vector<16xi32>
      %shift_left3A_669 = arith.constant 16 : i32
      %shift_left3A_670 = vector.broadcast %shift_left3A_669 : i32 to vector<16xi32>
      %shift_left3A_671 = arith.shli %get3A_668, %shift_left3A_670 : vector<16xi32>
      %bitcast_convert_type3A_672 = tpu.bitcast %shift_left3A_671 : vector<16xi32> -> vector<16xf32>
      %and3A_673 = arith.constant -65536 : i32
      %and3A_674 = vector.broadcast %and3A_673 : i32 to vector<16xi32>
      %and3A_675 = arith.andi %get3A_668, %and3A_674 : vector<16xi32>
      %bitcast_convert_type3A_676 = tpu.bitcast %and3A_675 : vector<16xi32> -> vector<16xf32>
      %get3A_677 = arith.constant 1 : i32
      %get3A_678 = arith.index_cast %get3A_677 : i32 to index
      %get3A_679 = arith.index_cast %add3A_618 : i32 to index
      %get3A_680 = arith.constant 32 : index
      %get3A_681 = tpu.vector_load %arg8[%get3A_678, %get3A_679, %get3A_680] {strides = array<i32>} : memref<3x200x128xf32, #tpu.memory_space<vmem>>, vector<1x1x16xf32>,
      %get3A_682 = vector.shape_cast %get3A_681 : vector<1x1x16xf32> to vector<16xf32>
      %mul3A_683 = arith.constant 11.3137083 : f32
      %mul3A_684 = vector.broadcast %mul3A_683 : f32 to vector<16xf32>
      %mul3A_685 = arith.mulf %get3A_682, %mul3A_684 : vector<16xf32>
      %add3A_686 = arith.addf %mul3A_685, %bitcast_convert_type3A_672 : vector<16xf32>
      %swap3A_687 = arith.constant 1 : i32
      %swap3A_688 = arith.index_cast %swap3A_687 : i32 to index
      %swap3A_689 = arith.index_cast %add3A_618 : i32 to index
      %swap3A_690 = arith.constant 32 : index
      %swap3A_691 = tpu.vector_load %arg8[%swap3A_688, %swap3A_689, %swap3A_690] {strides = array<i32>} : memref<3x200x128xf32, #tpu.memory_space<vmem>>, vector<1x1x16xf32>,
      %swap3A_692 = vector.shape_cast %swap3A_691 : vector<1x1x16xf32> to vector<16xf32>
      %swap3A_693 = vector.shape_cast %add3A_686 : vector<16xf32> to vector<1x1x16xf32>
      tpu.vector_store %arg8[%swap3A_688, %swap3A_689, %swap3A_690], %swap3A_693 {strides = array<i32>} : memref<3x200x128xf32, #tpu.memory_space<vmem>>, vector<1x1x16xf32>,
      %get3A_694 = arith.constant 1 : i32
      %get3A_695 = arith.index_cast %get3A_694 : i32 to index
      %get3A_696 = arith.index_cast %add3A_618 : i32 to index
      %get3A_697 = arith.constant 48 : index
      %get3A_698 = tpu.vector_load %arg8[%get3A_695, %get3A_696, %get3A_697] {strides = array<i32>} : memref<3x200x128xf32, #tpu.memory_space<vmem>>, vector<1x1x16xf32>,
      %get3A_699 = vector.shape_cast %get3A_698 : vector<1x1x16xf32> to vector<16xf32>
      %mul3A_700 = arith.constant 11.3137083 : f32
      %mul3A_701 = vector.broadcast %mul3A_700 : f32 to vector<16xf32>
      %mul3A_702 = arith.mulf %get3A_699, %mul3A_701 : vector<16xf32>
      %add3A_703 = arith.addf %mul3A_702, %bitcast_convert_type3A_676 : vector<16xf32>
      %swap3A_704 = arith.constant 1 : i32
      %swap3A_705 = arith.index_cast %swap3A_704 : i32 to index
      %swap3A_706 = arith.index_cast %add3A_618 : i32 to index
      %swap3A_707 = arith.constant 48 : index
      %swap3A_708 = tpu.vector_load %arg8[%swap3A_705, %swap3A_706, %swap3A_707] {strides = array<i32>} : memref<3x200x128xf32, #tpu.memory_space<vmem>>, vector<1x1x16xf32>,
      %swap3A_709 = vector.shape_cast %swap3A_708 : vector<1x1x16xf32> to vector<16xf32>
      %swap3A_710 = vector.shape_cast %add3A_703 : vector<16xf32> to vector<1x1x16xf32>
      tpu.vector_store %arg8[%swap3A_705, %swap3A_706, %swap3A_707], %swap3A_710 {strides = array<i32>} : memref<3x200x128xf32, #tpu.memory_space<vmem>>, vector<1x1x16xf32>,
      %get3A_711 = arith.index_cast %add3A_618 : i32 to index
      %get3A_712 = arith.constant 32 : index
      %get3A_713 = tpu.vector_load %arg7[%get3A_711, %get3A_712] {strides = array<i32>} : memref<200x64xi32, #tpu.memory_space<vmem>>, vector<1x16xi32>,
      %get3A_714 = vector.shape_cast %get3A_713 : vector<1x16xi32> to vector<16xi32>
      %shift_left3A_715 = arith.constant 16 : i32
      %shift_left3A_716 = vector.broadcast %shift_left3A_715 : i32 to vector<16xi32>
      %shift_left3A_717 = arith.shli %get3A_714, %shift_left3A_716 : vector<16xi32>
      %bitcast_convert_type3A_718 = tpu.bitcast %shift_left3A_717 : vector<16xi32> -> vector<16xf32>
      %and3A_719 = arith.constant -65536 : i32
      %and3A_720 = vector.broadcast %and3A_719 : i32 to vector<16xi32>
      %and3A_721 = arith.andi %get3A_714, %and3A_720 : vector<16xi32>
      %bitcast_convert_type3A_722 = tpu.bitcast %and3A_721 : vector<16xi32> -> vector<16xf32>
      %get3A_723 = arith.constant 1 : i32
      %get3A_724 = arith.index_cast %get3A_723 : i32 to index
      %get3A_725 = arith.index_cast %add3A_618 : i32 to index
      %get3A_726 = arith.constant 64 : index
      %get3A_727 = tpu.vector_load %arg8[%get3A_724, %get3A_725, %get3A_726] {strides = array<i32>} : memref<3x200x128xf32, #tpu.memory_space<vmem>>, vector<1x1x16xf32>,
      %get3A_728 = vector.shape_cast %get3A_727 : vector<1x1x16xf32> to vector<16xf32>
      %mul3A_729 = arith.constant 11.3137083 : f32
      %mul3A_730 = vector.broadcast %mul3A_729 : f32 to vector<16xf32>
      %mul3A_731 = arith.mulf %get3A_728, %mul3A_730 : vector<16xf32>
      %add3A_732 = arith.addf %mul3A_731, %bitcast_convert_type3A_718 : vector<16xf32>
      %swap3A_733 = arith.constant 1 : i32
      %swap3A_734 = arith.index_cast %swap3A_733 : i32 to index
      %swap3A_735 = arith.index_cast %add3A_618 : i32 to index
      %swap3A_736 = arith.constant 64 : index
      %swap3A_737 = tpu.vector_load %arg8[%swap3A_734, %swap3A_735, %swap3A_736] {strides = array<i32>} : memref<3x200x128xf32, #tpu.memory_space<vmem>>, vector<1x1x16xf32>,
      %swap3A_738 = vector.shape_cast %swap3A_737 : vector<1x1x16xf32> to vector<16xf32>
      %swap3A_739 = vector.shape_cast %add3A_732 : vector<16xf32> to vector<1x1x16xf32>
      tpu.vector_store %arg8[%swap3A_734, %swap3A_735, %swap3A_736], %swap3A_739 {strides = array<i32>} : memref<3x200x128xf32, #tpu.memory_space<vmem>>, vector<1x1x16xf32>,
      %get3A_740 = arith.constant 1 : i32
      %get3A_741 = arith.index_cast %get3A_740 : i32 to index
      %get3A_742 = arith.index_cast %add3A_618 : i32 to index
      %get3A_743 = arith.constant 80 : index
      %get3A_744 = tpu.vector_load %arg8[%get3A_741, %get3A_742, %get3A_743] {strides = array<i32>} : memref<3x200x128xf32, #tpu.memory_space<vmem>>, vector<1x1x16xf32>,
      %get3A_745 = vector.shape_cast %get3A_744 : vector<1x1x16xf32> to vector<16xf32>
      %mul3A_746 = arith.constant 11.3137083 : f32
      %mul3A_747 = vector.broadcast %mul3A_746 : f32 to vector<16xf32>
      %mul3A_748 = arith.mulf %get3A_745, %mul3A_747 : vector<16xf32>
      %add3A_749 = arith.addf %mul3A_748, %bitcast_convert_type3A_722 : vector<16xf32>
      %swap3A_750 = arith.constant 1 : i32
      %swap3A_751 = arith.index_cast %swap3A_750 : i32 to index
      %swap3A_752 = arith.index_cast %add3A_618 : i32 to index
      %swap3A_753 = arith.constant 80 : index
      %swap3A_754 = tpu.vector_load %arg8[%swap3A_751, %swap3A_752, %swap3A_753] {strides = array<i32>} : memref<3x200x128xf32, #tpu.memory_space<vmem>>, vector<1x1x16xf32>,
      %swap3A_755 = vector.shape_cast %swap3A_754 : vector<1x1x16xf32> to vector<16xf32>
      %swap3A_756 = vector.shape_cast %add3A_749 : vector<16xf32> to vector<1x1x16xf32>
      tpu.vector_store %arg8[%swap3A_751, %swap3A_752, %swap3A_753], %swap3A_756 {strides = array<i32>} : memref<3x200x128xf32, #tpu.memory_space<vmem>>, vector<1x1x16xf32>,
      %get3A_757 = arith.index_cast %add3A_618 : i32 to index
      %get3A_758 = arith.constant 48 : index
      %get3A_759 = tpu.vector_load %arg7[%get3A_757, %get3A_758] {strides = array<i32>} : memref<200x64xi32, #tpu.memory_space<vmem>>, vector<1x16xi32>,
      %get3A_760 = vector.shape_cast %get3A_759 : vector<1x16xi32> to vector<16xi32>
      %shift_left3A_761 = arith.constant 16 : i32
      %shift_left3A_762 = vector.broadcast %shift_left3A_761 : i32 to vector<16xi32>
      %shift_left3A_763 = arith.shli %get3A_760, %shift_left3A_762 : vector<16xi32>
      %bitcast_convert_type3A_764 = tpu.bitcast %shift_left3A_763 : vector<16xi32> -> vector<16xf32>
      %and3A_765 = arith.constant -65536 : i32
      %and3A_766 = vector.broadcast %and3A_765 : i32 to vector<16xi32>
      %and3A_767 = arith.andi %get3A_760, %and3A_766 : vector<16xi32>
      %bitcast_convert_type3A_768 = tpu.bitcast %and3A_767 : vector<16xi32> -> vector<16xf32>
      %get3A_769 = arith.constant 1 : i32
      %get3A_770 = arith.index_cast %get3A_769 : i32 to index
      %get3A_771 = arith.index_cast %add3A_618 : i32 to index
      %get3A_772 = arith.constant 96 : index
      %get3A_773 = tpu.vector_load %arg8[%get3A_770, %get3A_771, %get3A_772] {strides = array<i32>} : memref<3x200x128xf32, #tpu.memory_space<vmem>>, vector<1x1x16xf32>,
      %get3A_774 = vector.shape_cast %get3A_773 : vector<1x1x16xf32> to vector<16xf32>
      %mul3A_775 = arith.constant 11.3137083 : f32
      %mul3A_776 = vector.broadcast %mul3A_775 : f32 to vector<16xf32>
      %mul3A_777 = arith.mulf %get3A_774, %mul3A_776 : vector<16xf32>
      %add3A_778 = arith.addf %mul3A_777, %bitcast_convert_type3A_764 : vector<16xf32>
      %swap3A_779 = arith.constant 1 : i32
      %swap3A_780 = arith.index_cast %swap3A_779 : i32 to index
      %swap3A_781 = arith.index_cast %add3A_618 : i32 to index
      %swap3A_782 = arith.constant 96 : index
      %swap3A_783 = tpu.vector_load %arg8[%swap3A_780, %swap3A_781, %swap3A_782] {strides = array<i32>} : memref<3x200x128xf32, #tpu.memory_space<vmem>>, vector<1x1x16xf32>,
      %swap3A_784 = vector.shape_cast %swap3A_783 : vector<1x1x16xf32> to vector<16xf32>
      %swap3A_785 = vector.shape_cast %add3A_778 : vector<16xf32> to vector<1x1x16xf32>
      tpu.vector_store %arg8[%swap3A_780, %swap3A_781, %swap3A_782], %swap3A_785 {strides = array<i32>} : memref<3x200x128xf32, #tpu.memory_space<vmem>>, vector<1x1x16xf32>,
      %get3A_786 = arith.constant 1 : i32
      %get3A_787 = arith.index_cast %get3A_786 : i32 to index
      %get3A_788 = arith.index_cast %add3A_618 : i32 to index
      %get3A_789 = arith.constant 112 : index
      %get3A_790 = tpu.vector_load %arg8[%get3A_787, %get3A_788, %get3A_789] {strides = array<i32>} : memref<3x200x128xf32, #tpu.memory_space<vmem>>, vector<1x1x16xf32>,
      %get3A_791 = vector.shape_cast %get3A_790 : vector<1x1x16xf32> to vector<16xf32>
      %mul3A_792 = arith.constant 11.3137083 : f32
      %mul3A_793 = vector.broadcast %mul3A_792 : f32 to vector<16xf32>
      %mul3A_794 = arith.mulf %get3A_791, %mul3A_793 : vector<16xf32>
      %add3A_795 = arith.addf %mul3A_794, %bitcast_convert_type3A_768 : vector<16xf32>
      %swap3A_796 = arith.constant 1 : i32
      %swap3A_797 = arith.index_cast %swap3A_796 : i32 to index
      %swap3A_798 = arith.index_cast %add3A_618 : i32 to index
      %swap3A_799 = arith.constant 112 : index
      %swap3A_800 = tpu.vector_load %arg8[%swap3A_797, %swap3A_798, %swap3A_799] {strides = array<i32>} : memref<3x200x128xf32, #tpu.memory_space<vmem>>, vector<1x1x16xf32>,
      %swap3A_801 = vector.shape_cast %swap3A_800 : vector<1x1x16xf32> to vector<16xf32>
      %swap3A_802 = vector.shape_cast %add3A_795 : vector<16xf32> to vector<1x1x16xf32>
      tpu.vector_store %arg8[%swap3A_797, %swap3A_798, %swap3A_799], %swap3A_802 {strides = array<i32>} : memref<3x200x128xf32, #tpu.memory_space<vmem>>, vector<1x1x16xf32>,
    }
    %scan3A_375 = arith.constant 100 : i32
    %dma_wait3A_376 = arith.constant 0 : i32
    %dma_wait3A_377 = arith.constant 0 : i32
    %dma_wait3A_378 = arith.constant 0 : i32
    %dma_wait3A_379 = arith.constant 0 : i32
    %dma_wait3A_380 = tpu.memref_slice %arg8[%dma_wait3A_376, %dma_wait3A_378, %dma_wait3A_379] : memref<3x200x128xf32, #tpu.memory_space<vmem>> -> memref<1x200x128xf32, #tpu.memory_space<vmem>>
    %dma_wait3A_381 = tpu.memref_squeeze %dma_wait3A_380 : memref<1x200x128xf32, #tpu.memory_space<vmem>> -> memref<200x128xf32, #tpu.memory_space<vmem>>
    %dma_wait3A_382 = arith.constant 0 : i32
    %dma_wait3A_383 = arith.constant 0 : i32
    %dma_wait3A_384 = tpu.memref_slice %arg5[%dma_wait3A_377, %dma_wait3A_382, %dma_wait3A_383] : memref<1024x200x128xf32, #tpu.memory_space<hbm>> -> memref<1x200x128xf32, #tpu.memory_space<hbm>>
    %dma_wait3A_385 = tpu.memref_squeeze %dma_wait3A_384 : memref<1x200x128xf32, #tpu.memory_space<hbm>> -> memref<200x128xf32, #tpu.memory_space<hbm>>
    %dma_wait3A_386 = arith.constant 0 : i32
    %dma_wait3A_387 = arith.constant 0 : i32
    %dma_wait3A_388 = tpu.memref_slice %arg5[%dma_wait3A_377, %dma_wait3A_386, %dma_wait3A_387] : memref<1024x200x128xf32, #tpu.memory_space<hbm>> -> memref<1x200x128xf32, #tpu.memory_space<hbm>>
    %dma_wait3A_389 = tpu.memref_squeeze %dma_wait3A_388 : memref<1x200x128xf32, #tpu.memory_space<hbm>> -> memref<200x128xf32, #tpu.memory_space<hbm>>
    %dma_wait3A_390 = arith.constant 0 : i32
    %dma_wait3A_391 = arith.constant 0 : i32
    %dma_wait3A_392 = tpu.memref_slice %arg8[%dma_wait3A_376, %dma_wait3A_390, %dma_wait3A_391] : memref<3x200x128xf32, #tpu.memory_space<vmem>> -> memref<1x200x128xf32, #tpu.memory_space<vmem>>
    %dma_wait3A_393 = tpu.memref_squeeze %dma_wait3A_392 : memref<1x200x128xf32, #tpu.memory_space<vmem>> -> memref<200x128xf32, #tpu.memory_space<vmem>>
    tpu.wait_dma2 semaphore(%arg12 : memref<!tpu.dma_semaphore, #tpu.memory_space<semaphore_mem>>) src(%dma_wait3A_393 : memref<200x128xf32, #tpu.memory_space<vmem>>) dst(%dma_wait3A_389 : memref<200x128xf32, #tpu.memory_space<hbm>>)
    %add3A_394 = arith.constant 31 : i32
    %add3A_395 = arith.addi %mul3A_2, %add3A_394 : i32
    %dma_start3A_396 = arith.constant 1 : i32
    %dma_start3A_397 = arith.constant 0 : i32
    %dma_start3A_398 = arith.constant 0 : i32
    %dma_start3A_399 = tpu.memref_slice %arg8[%dma_start3A_396, %dma_start3A_397, %dma_start3A_398] : memref<3x200x128xf32, #tpu.memory_space<vmem>> -> memref<1x200x128xf32, #tpu.memory_space<vmem>>
    %dma_start3A_400 = tpu.memref_squeeze %dma_start3A_399 : memref<1x200x128xf32, #tpu.memory_space<vmem>> -> memref<200x128xf32, #tpu.memory_space<vmem>>
    %dma_start3A_401 = arith.constant 0 : i32
    %dma_start3A_402 = arith.constant 0 : i32
    %dma_start3A_403 = tpu.memref_slice %arg5[%add3A_395, %dma_start3A_401, %dma_start3A_402] : memref<1024x200x128xf32, #tpu.memory_space<hbm>> -> memref<1x200x128xf32, #tpu.memory_space<hbm>>
    %dma_start3A_404 = tpu.memref_squeeze %dma_start3A_403 : memref<1x200x128xf32, #tpu.memory_space<hbm>> -> memref<200x128xf32, #tpu.memory_space<hbm>>
    %dma_start3A_405 = arith.constant 0 : i32
    %dma_start3A_406 = arith.constant 0 : i32
    %dma_start3A_407 = tpu.memref_slice %arg5[%add3A_395, %dma_start3A_405, %dma_start3A_406] : memref<1024x200x128xf32, #tpu.memory_space<hbm>> -> memref<1x200x128xf32, #tpu.memory_space<hbm>>
    %dma_start3A_408 = tpu.memref_squeeze %dma_start3A_407 : memref<1x200x128xf32, #tpu.memory_space<hbm>> -> memref<200x128xf32, #tpu.memory_space<hbm>>
    %dma_start3A_409 = arith.constant 0 : i32
    %dma_start3A_410 = arith.constant 0 : i32
    %dma_start3A_411 = tpu.memref_slice %arg8[%dma_start3A_396, %dma_start3A_409, %dma_start3A_410] : memref<3x200x128xf32, #tpu.memory_space<vmem>> -> memref<1x200x128xf32, #tpu.memory_space<vmem>>
    %dma_start3A_412 = tpu.memref_squeeze %dma_start3A_411 : memref<1x200x128xf32, #tpu.memory_space<vmem>> -> memref<200x128xf32, #tpu.memory_space<vmem>>
    tpu.enqueue_dma source(%dma_start3A_412 : memref<200x128xf32, #tpu.memory_space<vmem>>) target(%dma_start3A_408 : memref<200x128xf32, #tpu.memory_space<hbm>>) target_semaphore(%arg13 : memref<!tpu.dma_semaphore, #tpu.memory_space<semaphore_mem>>)
    %dma_wait3A_413 = arith.constant 1 : i32
    %dma_wait3A_414 = arith.constant 0 : i32
    %dma_wait3A_415 = arith.constant 0 : i32
    %dma_wait3A_416 = arith.constant 0 : i32
    %dma_wait3A_417 = tpu.memref_slice %arg8[%dma_wait3A_413, %dma_wait3A_415, %dma_wait3A_416] : memref<3x200x128xf32, #tpu.memory_space<vmem>> -> memref<1x200x128xf32, #tpu.memory_space<vmem>>
    %dma_wait3A_418 = tpu.memref_squeeze %dma_wait3A_417 : memref<1x200x128xf32, #tpu.memory_space<vmem>> -> memref<200x128xf32, #tpu.memory_space<vmem>>
    %dma_wait3A_419 = arith.constant 0 : i32
    %dma_wait3A_420 = arith.constant 0 : i32
    %dma_wait3A_421 = tpu.memref_slice %arg5[%dma_wait3A_414, %dma_wait3A_419, %dma_wait3A_420] : memref<1024x200x128xf32, #tpu.memory_space<hbm>> -> memref<1x200x128xf32, #tpu.memory_space<hbm>>
    %dma_wait3A_422 = tpu.memref_squeeze %dma_wait3A_421 : memref<1x200x128xf32, #tpu.memory_space<hbm>> -> memref<200x128xf32, #tpu.memory_space<hbm>>
    %dma_wait3A_423 = arith.constant 0 : i32
    %dma_wait3A_424 = arith.constant 0 : i32
    %dma_wait3A_425 = tpu.memref_slice %arg5[%dma_wait3A_414, %dma_wait3A_423, %dma_wait3A_424] : memref<1024x200x128xf32, #tpu.memory_space<hbm>> -> memref<1x200x128xf32, #tpu.memory_space<hbm>>
    %dma_wait3A_426 = tpu.memref_squeeze %dma_wait3A_425 : memref<1x200x128xf32, #tpu.memory_space<hbm>> -> memref<200x128xf32, #tpu.memory_space<hbm>>
    %dma_wait3A_427 = arith.constant 0 : i32
    %dma_wait3A_428 = arith.constant 0 : i32
    %dma_wait3A_429 = tpu.memref_slice %arg8[%dma_wait3A_413, %dma_wait3A_427, %dma_wait3A_428] : memref<3x200x128xf32, #tpu.memory_space<vmem>> -> memref<1x200x128xf32, #tpu.memory_space<vmem>>
    %dma_wait3A_430 = tpu.memref_squeeze %dma_wait3A_429 : memref<1x200x128xf32, #tpu.memory_space<vmem>> -> memref<200x128xf32, #tpu.memory_space<vmem>>
    tpu.wait_dma2 semaphore(%arg13 : memref<!tpu.dma_semaphore, #tpu.memory_space<semaphore_mem>>) src(%dma_wait3A_430 : memref<200x128xf32, #tpu.memory_space<vmem>>) dst(%dma_wait3A_426 : memref<200x128xf32, #tpu.memory_space<hbm>>)
    return
  }
}

</mosaic_0001>

<sc_bundles>
// kernel: kernel.3.cloned.1.call-start
scs
__scs_entry_jumppad:
0x0: {  	(pc) =	sbr.rel $0x88, $3  }
0x1: {  	(tag) =	ssettag $0x0;
	lr =	simm.s32 $0x1  }
0x2: {  	[smem:$0x3F9F] =	sst lr;
	_ =	strace $0xD0000000  }
0x3: {  	_ = 	snop  }
0x4: {  	_ = 	snop  }
0x5: {  	_ = 	snop  }
0x6: {  	_ = 	snop  }
0x7: {  	_ = 	snop  }
__scs_overlays_trampoline_lowered:
0x8: {  	[smem:$0x3FAE] =	sst s0  }
0x9: {  	[smem:$0x3FAF] =	sst s1  }
0xa: {  	[smem:$0x3FB0] =	sst s2  }
0xb: {  	[smem:$0x3FB1] =	sst s3  }
0xc: {  	[smem:$0x3FB2] =	sst s4  }
0xd: {  	[smem:$0x3FB3] =	sst s5  }
0xe: {  	[smem:$0x3FB4] =	sst s6  }
0xf: {  	[smem:$0x3FB5] =	sst s7  }
0x10: {  	[smem:$0x3FB6] =	sst s8  }
0x11: {  	[smem:$0x3FB7] =	sst s9;
	s0 =	simm.s32 @!p0 $0x0  }
0x12: {  	s1 =	sld [smem:$0x3F9D];
	s0 =	simm.s32 @p0 $0x1  }
0x13: {  	[smem:$0x3FB8] =	sst s0;
	s0 =	simm.s32 @!p1 $0x0  }
0x14: {  	s2 =	sld [smem:$0x3F9C];
	s0 =	simm.s32 @p1 $0x1  }
0x15: {  	[smem:$0x3FB9] =	sst s0;
	s0 =	simm.s32 @!p2 $0x0  }
0x16: {  	s3 =	sld [smem:$0x3FDB];
	s0 =	simm.s32 @p2 $0x1  }
0x17: {  	s4 =	simm.s32 $0x1BF5;
	[smem:$0x3FBB] =	sst s0  }
0x18: {  	s0 =	sld [smem:$0x3F9E];
	_ =	swait.ge [sflag:s4], $0x0  }
0x19: {  	s7 =	sld [smem:$0x3F9F]  }
0x1a: {  	s8 =	sadd.s32 $0xFFFFE003, lr  }
0x1b: {  	s9 =	sadd.s32 $0xFFFFFEF7, lr;
	s5 =	simm.s32 $0xFFFFFFFF;
	p2 =	slt.u32 s8, $0xFFFFF086  }
0x1c: {  	p1 =	slt.u32 s9, $0xF7A;
	s5 =	simm.s32 @!p2 $0x0  }
0x1d: {  	s5 =	simm.s32 @p1 $0x1;
	p0 =	seq.s32 s7, s2  }
0x1e: {  	s7 =	smul.u32 @!p0 $0xF7A, s2;
	p2 =	seq.s32 @!p0 s5, $0x0  }
0x1f: {  	s9 =	smul.u32 $0xF7A, s1;
	s8 =	simm.s32 @!p0 $0x1BF5;
	p2 =	por !p2, p0  }
0x20: {  	[sflag:s8] =	ssyncset.s32 @!p0 $0xFFFFF086;
	s6 =	sadd.s32 @!p0 s3, s7;
	s7 =	simm.s32 @!p0 $0x108  }
0x21: {  	s3 =	sadd.s32 s3, s9;
	s6 =	sadd.s32 @!p0 $0x88, s6;
	s7 =	simm.s32 @p2 $0x1082  }
0x22: {  	[simem:s7], [sflag:s8] =	dma.local @!p0 [hbm:s6], $0xF7A  }
0x23: {  	s9 =	sor.u32 $0xD0000000, s2;
	s6 =	simm.s32 $0x108;
	_ =	swait.ge @!p0 [sflag:s8], $0x0  }
0x24: {  	s3 =	sadd.s32 $0x88, s3;
	s6 =	simm.s32 @!p1 $0x1082;
	[sflag:s4] =	ssyncset.s32 $0xFFFFF086  }
0x25: {  	[simem:s6], [sflag:s4] =	dma.local [hbm:s3], $0xF7A  }
0x26: {  	[smem:$0x3F9F] =	sst s1;
	(tag) =	ssettag s2;
	_ =	strace s9  }
0x27: {  	s1 =	sld [smem:$0x3FAF]  }
0x28: {  	s2 =	sld [smem:$0x3FB0]  }
0x29: {  	s4 =	sld [smem:$0x3FB2]  }
0x2a: {  	p0 =	seq.s32 s5, $0x0;
	s5 =	sld [smem:$0x3FB3]  }
0x2b: {  	s6 =	sld [smem:$0x3FB4]  }
0x2c: {  	s7 =	sld [smem:$0x3FB5]  }
0x2d: {  	s3 =	simm.s32 $0x108;
	s8 =	sld [smem:$0x3FB6]  }
0x2e: {  	s3 =	simm.s32 @!p0 $0x1082;
	s9 =	sld [smem:$0x3FB7]  }
0x2f: {  	lr =	sadd.s32 s0, s3;
	s0 =	sld [smem:$0x3FAE]  }
0x30: {  	s3 =	sld [smem:$0x3FB1]  }
0x31: {  	[smem:$0x3FBA] =	sst s10  }
0x32: {  	s10 =	sld [smem:$0x3FB8];
	_ =	sdelay $0x3  }
0x33: {  	p0 =	seq.s32 s10, $0x1;
	s10 =	sld [smem:$0x3FBA];
	_ =	sdelay $0x3  }
0x34: {  	[smem:$0x3FBA] =	sst s10  }
0x35: {  	s10 =	sld [smem:$0x3FB9];
	_ =	sdelay $0x3  }
0x36: {  	p1 =	seq.s32 s10, $0x1;
	s10 =	sld [smem:$0x3FBA];
	_ =	sdelay $0x3  }
0x37: {  	[smem:$0x3FBA] =	sst s10  }
0x38: {  	s10 =	sld [smem:$0x3FBB]  }
0x39: {  	_ = 	snop;
	(pc) =	sbr.ind lr, $3  }
0x3a: {  	_ = 	snop  }
0x3b: {  	_ = 	snop  }
0x3c: {  	p2 =	seq.s32 s10, $0x1;
	s10 =	sld [smem:$0x3FBA]  }
0x3d: {  	_ =	shalt  }
0x3e: {  	_ =	shalt  }
0x3f: {  	_ =	shalt  }
0x40: {  	_ =	shalt  }
0x41: {  	_ =	shalt  }
0x42: {  	_ =	shalt  }
0x43: {  	_ =	shalt  }
0x44: {  	_ =	shalt  }
0x45: {  	_ =	shalt  }
0x46: {  	_ =	shalt  }
0x47: {  	_ =	shalt  }
0x48: {  	_ =	shalt  }
0x49: {  	_ =	shalt  }
0x4a: {  	_ =	shalt  }
0x4b: {  	_ =	shalt  }
0x4c: {  	_ =	shalt  }
0x4d: {  	_ =	shalt  }
0x4e: {  	_ =	shalt  }
0x4f: {  	_ =	shalt  }
0x50: {  	_ =	shalt  }
0x51: {  	_ =	shalt  }
0x52: {  	_ =	shalt  }
0x53: {  	_ =	shalt  }
0x54: {  	_ =	shalt  }
0x55: {  	_ =	shalt  }
0x56: {  	_ =	shalt  }
0x57: {  	_ =	shalt  }
0x58: {  	_ =	shalt  }
0x59: {  	_ =	shalt  }
0x5a: {  	_ =	shalt  }
0x5b: {  	_ =	shalt  }
0x5c: {  	_ =	shalt  }
0x5d: {  	_ =	shalt  }
0x5e: {  	_ =	shalt  }
0x5f: {  	_ =	shalt  }
0x60: {  	_ =	shalt  }
0x61: {  	_ =	shalt  }
0x62: {  	_ =	shalt  }
0x63: {  	_ =	shalt  }
0x64: {  	_ =	shalt  }
0x65: {  	_ =	shalt  }
0x66: {  	_ =	shalt  }
0x67: {  	_ =	shalt  }
0x68: {  	_ =	shalt  }
0x69: {  	_ =	shalt  }
0x6a: {  	_ =	shalt  }
0x6b: {  	_ =	shalt  }
0x6c: {  	_ =	shalt  }
0x6d: {  	_ =	shalt  }
0x6e: {  	_ =	shalt  }
0x6f: {  	_ =	shalt  }
0x70: {  	_ =	shalt  }
0x71: {  	_ =	shalt  }
0x72: {  	_ =	shalt  }
0x73: {  	_ =	shalt  }
0x74: {  	_ =	shalt  }
0x75: {  	_ =	shalt  }
0x76: {  	_ =	shalt  }
0x77: {  	_ =	shalt  }
0x78: {  	_ =	shalt  }
0x79: {  	_ =	shalt  }
0x7a: {  	_ =	shalt  }
0x7b: {  	_ =	shalt  }
0x7c: {  	_ =	shalt  }
0x7d: {  	_ =	shalt  }
0x7e: {  	_ =	shalt  }
0x7f: {  	_ =	shalt  }
0x80: {  	_ =	shalt  }
0x81: {  	_ =	shalt  }
0x82: {  	_ =	shalt  }
0x83: {  	_ =	shalt  }
0x84: {  	_ =	shalt  }
0x85: {  	_ =	shalt  }
0x86: {  	_ =	shalt  }
0x87: {  	_ =	shalt  }
.Lfunc_end0:
.L_simem_size_0:
called_computation_lowered:
.L_overlay_start_0:
0x88: {  	s2 =	sld [smem:$0x3FD9]  }
0x89: {  	s3 =	sld [smem:$0x3FFE];
	_ =	sdelay $0x1  }
0x8a: {  	s1 =	srdreg.scid  }
0x8b: {  	s0 =	sand.u32 $0x1, s1  }
0x8c: {  	s17 =	sshll.u32 s0, $0xA;
	s2 =	sadd.s32 s3, s2  }
0x8d: {  	s2 =	sadd.s32 s2, s17  }
0x8e: {  	[smem:$0x3FC6] =	sst s2  }
0x8f: {  	_ = 	snop  }
0x90: {  	s2 =	sld [smem:$0x3FC8]  }
0x91: {  	s18 =	sld [smem:$0x3FD0];
	(tm) =	ssettm $0x1  }
0x92: {  	s4 =	sld [smem:$0x3FFB];
	_ =	sdelay $0x3  }
0x93: {  	_ =	strace s4  }
0x94: {  	s4 =	sld [smem:$0x3FFC];
	_ =	sdelay $0x3  }
0x95: {  	_ =	strace s4  }
0x96: {  	s4 =	sld [smem:$0x3FFD];
	_ =	sdelay $0x3  }
0x97: {  	_ =	strace s4  }
0x98: {  	_ =	strace $0x8FFFFFFF  }
0x99: {  	s19 =	sld [smem:$0x3FDB];
	_ =	sdelay $0x1  }
0x9a: {  	s5 =	simm.s32 $_scs_section_size  }
0x9b: {  	s6 =	simm.s32 $_size__tile_overlayer_lowered;
	s7 =	simm.s32 $_tile_overlayer_lowered  }
0x9c: {  	s22 =	simm.s32 $0x1BFF;
	s21 =	sshll.u32 s7, $0x1;
	s4 =	sadd.s32 s5, s19  }
0x9d: {  	s8 =	simm.s32 $0x0;
	s20 =	sshll.u32 s6, $0x1;
	s6 =	sadd.s32 s21, s4  }
0x9e: {  	[timem:s8], [sflag:s22] =	dma.local [hbm:s6], s20  }
0x9f: {  	_ =	swait.ge [sflag:s22], s20  }
0xa0: {  	s5 =	ssub.s32 $0x0, s20;
	[sflag:s22] =	ssyncset.done $0x0  }
0xa1: {  	[sflag:s22] =	ssyncadd.s32 s5;
	_ =	sdelay $0x1  }
0xa2: {  	s23 =	simm.s32 $0x1B8B  }
0xa3: {  	_ =	swait.ge [sflag:s23], $0x1  }
0xa4: {  	[sflag:s23] =	ssyncset.done $0x0  }
0xa5: {  	s25 =	simm.s32 $0x1B8E;
	s24 =	sld [smem:$0x3FFE];
	[sflag:s23] =	ssyncadd.s32 $0xFFFFFFFF  }
0xa6: {  	s26 =	simm.s32 $execute0_lowered;
	[smem:$0x3FD2] =	sst s25  }
0xa7: {  	s6 =	sshll.u32 s26, $0x1;
	_ =	strace $0x80000046;
	[dreg:$0x1] =	wrdreg $0xFFFFFFFF  }
0xa8: {  	s28 =	simm.s32 $_size_execute0_lowered;
	s4 =	sadd.s32 s4, s6;
	[dreg:$0x0] =	wrdreg $0x0  }
0xa9: {  	s6 =	sshll.u32 s28, $0x1;
	[dreg:$0x2] =	wrdreg s4  }
0xaa: {  	[dreg:$0x3] =	wrdreg s6  }
0xab: {  	[dreg:$0x4] =	wrdreg $0xC0  }
0xac: {  	_ =	task [dreg:s8], $0x5FFFF  }
0xad: {  	[dreg:$0x1] =	wrdreg $0xFFFFFFFF  }
0xae: {  	[dreg:$0x0] =	wrdreg $0x60  }
0xaf: {  	[dreg:$0x2] =	wrdreg s24  }
0xb0: {  	[dreg:$0x3] =	wrdreg s2  }
0xb1: {  	[dreg:$0x4] =	wrdreg s18  }
0xb2: {  	[dreg:$0x5] =	wrdreg $0x9  }
0xb3: {  	_ =	task.clear_ibuf [dreg:s8], $0x6FFFF;
	_ =	strace $0x90000046  }
0xb4: {  	s29 =	simm.s32 $0x9;
	_ =	strace $0x80000048  }
0xb5: {  	_ =	swait.ge [sflag:s29], $0x1  }
0xb6: {  	[sflag:s29] =	ssyncadd.s32 $0xFFFFFFFF  }
0xb7: {  	_ =	strace $0x90000048  }
0xb8: {  	_ =	sfence  }
0xb9: {  	s30 =	sld [smem:$0x0];
	_ =	sdelay $0x2  }
0xba: {  	s31 =	sshll.u32 s1, $0xD;
	s1 =	sshrl.u32 s1, $0x2  }
0xbb: {  	s3 =	sand.u32 $0x4000, s31;
	s1 =	sadd.s32 s1, s30  }
0xbc: {  	s0 =	sor.u32 s3, s0;
	s1 =	sshll.u32 s1, $0x11  }
0xbd: {  	s0 =	sor.u32 s1, s0  }
0xbe: {  	s0 =	sadd.s32 $0x8F2B, s0  }
0xbf: {  	[sflag:s0] =	ssyncadd.remote.s32 $0x1  }
0xc0: {  	_ =	sfence.sel $0xFFFF  }
0xc1: {  	[dreg:$0x0] =	wrdreg $0xFFFFFFFF;
	(pc) =	sbr.abs _section_cstart, $3  }
0xc2: {  	[dreg:$0x1] =	wrdreg $0xFFFFFFFF  }
0xc3: {  	_ =	task.clear_ibuf [dreg:s8], $0x2FFFF;
	_ =	strace $0x9FFFFFFF  }
0xc4: {  	(tm) =	ssettm $0x7FFFFFFF  }
0xc5: {  	_ =	shalt  }
tec
execute0_lowered:
.L_overlay_start_1:
0x0: {  	(tag) =	ssettag $0x1  }
0x1: {  	s0 =	rddreg [dreg:$0x0]  }
0x2: {  	s2 =	rddreg [dreg:$0x1]  }
0x3: {  	s3 =	rddreg [dreg:$0x2]  }
0x4: {  	s1 =	srdreg.scid;
	s5 =	stileid.u32;
	s4 =	simm.s32 $0x0  }
0x5: {  	s16 =	simm.s32 $0x7;
	s17 =	simm.s32 $0x64;
	s18 =	simm.s32 $0x8400  }
0x6: {  	s20 =	simm.s32 $0xB600;
	s22 =	simm.s32 $0xE800;
	s28 =	simm.s32 $0x14C00  }
0x7: {  	s30 =	simm.s32 $0x17E00;
	s31 =	simm.s32 $0x2;
	s19 =	simm.s32 $0x3  }
0x8: {  	s21 =	simm.s32 $0x5;
	s1 =	sand.u32 $0x1, s1;
	s5 =	sshll.u32 s5, $0x1  }
0x9: {  	s29 =	simm.s32 $0x6;
	[smem:$0x7FF] =	sst s4;
	s5 =	sor.u32 s1, s5  }
0xa: {  	_ =	strace $0x80000047;
	s1 =	ssub.s32 $0x2, s1;
	s7 =	smul.u32 $0x19000, s5  }
0xb: {  	s6 =	sshll.u32 s5, $0xA;
	s8 =	sshrl.u32 s1, $0x1;
	s9 =	smul.u32 $0xC8000, s5  }
0xc: {  	s10 =	sadd.s32 s6, s0;
	s0 =	sadd.s32 $0x8400, s0;
	s23 =	ssub.s32 s1, s8  }
0xd: {  	s6 =	sshll.u32 s5, $0x5;
	[dreg:$0x4] =	wrdreg s0;
	s7 =	sadd.s32 s3, s7  }
0xe: {  	s24 =	sshrl.u32 s9, $0x3;
	s25 =	sadd.s32 $0x400, s10;
	s11 =	sor.u32 $0x1, s6  }
0xf: {  	s14 =	smax.u32 s23, $0x1;
	s0 =	simm.s32 $0x4;
	[dreg:$0x5] =	wrdreg s25  }
0x10: {  	s26 =	sadd.s32 $0xC80, s7;
	s1 =	sadd.s32 s3, s24;
	s24 =	simm.s32 $0x11A00  }
0x11: {  	s25 =	simm.s32 $0x1;
	[dreg:$0x6] =	wrdreg s26;
	s10 =	sadd.s32 $0x1900, s1  }
0x12: {  	s12 =	sadd.s32 $0x17700, s1;
	s13 =	sadd.s32 $0x18380, s1;
	s1 =	simm.s32 $0x0  }
.LBB2_1:
0x13: {  	s5 =	rddreg [dreg:$0x4];
	s8 =	simm.s32 $0x2000  }
0x14: {  	[tilespmem:s8], [sflag:$0x7] =	stream.linear.gather [hbm4b:s5+s4], $0x6400, $0x38;
	[tilespmem:$0x1B000] =	vst v63  }
0x15: {  	_ =	swait.ge [sflag:s16], $0x6400  }
0x16: {  	[sflag:s16] =	ssyncset.done $0x0  }
0x17: {  	s9 =	rddreg [dreg:$0x5];
	[sflag:s16] =	ssyncadd.s32 $0xFFFF9C00  }
0x18: {  	[tilespmem:s4], [sflag:$0x7] =	stream.linear.gather [hbm4b:s9+s4], $0x2000, $0x38;
	[tilespmem:$0x1B000] =	vst v63  }
0x19: {  	_ =	swait.ge [sflag:s16], $0x2000  }
0x1a: {  	[sflag:s16] =	ssyncset.done $0x0  }
0x1b: {  	[sflag:s16] =	ssyncadd.s32 $0xFFFFE000  }
0x1c: {  	[tilespmem:s18], [sflag:$0x1] =	stream.indirect.gather [hbm4b:s2+s17], $0x80, s4, s17, $0xb8;
	[tilespmem:$0x1B000] =	vst v63  }
0x1d: {  	s15 =	simm.s32 $0x80  }
0x1e: {  	[tilespmem:s20], [sflag:$0x1] =	stream.indirect.gather [hbm4b:s2+s17], $0x80, s15, s17, $0xb8;
	[tilespmem:$0x1B000] =	vst v63  }
0x1f: {  	s23 =	simm.s32 $0x100  }
0x20: {  	[tilespmem:s22], [sflag:$0x2] =	stream.indirect.gather [hbm4b:s2+s17], $0x80, s23, s17, $0xb8;
	[tilespmem:$0x1B000] =	vst v63  }
0x21: {  	s26 =	simm.s32 $0x180  }
0x22: {  	[tilespmem:s24], [sflag:$0x2] =	stream.indirect.gather [hbm4b:s2+s17], $0x80, s26, s17, $0xb8;
	[tilespmem:$0x1B000] =	vst v63  }
0x23: {  	_ =	swait.ge [sflag:s25], $0x6400  }
0x24: {  	[sflag:s25] =	ssyncset.done $0x0  }
0x25: {  	s5 =	simm.s32 $0x0;
	[sflag:s25] =	ssyncadd.s32 $0xFFFF9C00  }
0x26: {  	v4 =	vld [tilespmem:s5+$0x2000]  }
0x27: {  	v5 =	vld [tilespmem:s5+$0x2010]  }
0x28: {  	v6 =	vld [tilespmem:s5+$0x2020]  }
0x29: {  	v8 =	vld [tilespmem:s5+$0x2030]  }
0x2a: {  	v3 =	vld [tilespmem:s5+$0x2080]  }
0x2b: {  	v2 =	vld [tilespmem:s5+$0x2090]  }
0x2c: {  	v7 =	vld [tilespmem:s5+$0x8400]  }
0x2d: {  	v9 =	vld [tilespmem:s5+$0x8410]  }
0x2e: {  	v1 =	vld [tilespmem:s5+$0x20A0]  }
0x2f: {  	v10 =	vld [tilespmem:s5+$0x8420]  }
0x30: {  	v11 =	vld [tilespmem:s5+$0x8430]  }
0x31: {  	v0 =	vld [tilespmem:s5+$0x20B0];
	v7 =	vmul.f32 $1.131370830e+01, v7  }
0x32: {  	v12 =	vld [tilespmem:s5+$0x8440];
	v14 =	vshll.u32 v4, $0x10;
	v9 =	vmul.f32 $1.131370830e+01, v9  }
0x33: {  	v13 =	vld [tilespmem:s5+$0x8450];
	v4 =	vand.u32 $0xFFFF0000, v4;
	v7 =	vadd.f32 v14, v7  }
0x34: {  	v15 =	vld [tilespmem:s5+$0x8460];
	v10 =	vmul.f32 $1.131370830e+01, v10;
	v4 =	vadd.f32 v4, v9  }
0x35: {  	v14 =	vld [tilespmem:s5+$0x8470];
	v9 =	vmul.f32 $1.131370830e+01, v11;
	[tilespmem:s5+$0x8400] =	vst v7;
	v7 =	vshll.u32 v5, $0x10  }
0x36: {  	v16 =	vld [tilespmem:s5+$0x8480];
	[tilespmem:s5+$0x8410] =	vst v4;
	v4 =	vand.u32 $0xFFFF0000, v5;
	v7 =	vadd.f32 v7, v10  }
0x37: {  	v17 =	vld [tilespmem:s5+$0x8490];
	v10 =	vmul.f32 $1.131370830e+01, v12;
	v9 =	vadd.f32 v4, v9  }
0x38: {  	v11 =	vmul.f32 $1.131370830e+01, v13;
	v5 =	vld [tilespmem:s5+$0x84A0];
	[tilespmem:s5+$0x8420] =	vst v7;
	v7 =	vshll.u32 v6, $0x10  }
0x39: {  	v4 =	vld [tilespmem:s5+$0x84B0];
	[tilespmem:s5+$0x8430] =	vst v9;
	v9 =	vand.u32 $0xFFFF0000, v6;
	v7 =	vadd.f32 v7, v10;
	v10 =	vmul.f32 $1.131370830e+01, v15  }
0x3a: {  	v6 =	vld [tilespmem:s5+$0x84C0];
	v13 =	vmul.f32 $1.131370830e+01, v14;
	v9 =	vadd.f32 v9, v11;
	v11 =	vshll.u32 v8, $0x10  }
0x3b: {  	v8 =	vand.u32 $0xFFFF0000, v8;
	[tilespmem:s5+$0x8440] =	vst v7;
	v7 =	vld [tilespmem:s5+$0x84D0];
	v12 =	vadd.f32 v11, v10;
	v10 =	vmul.f32 $1.131370830e+01, v16  }
0x3c: {  	s15 =	simm.s32 $0x400;
	[tilespmem:s5+$0x8450] =	vst v9;
	v9 =	vadd.f32 v8, v13;
	v13 =	vshll.u32 v3, $0x10;
	v11 =	vmul.f32 $1.131370830e+01, v17;
	v8 =	vld [tilespmem:s5+$0x84E0]  }
.LBB2_2:
0x3d: {  	s8 =	sshra.s32 s15, $0x2;
	p0 =	sne.s32 s15, $0x18C00;
	[tilespmem:s5+$0x8460] =	vst v12;
	v3 =	vand.u32 $0xFFFF0000, v3;
	v10 =	vadd.f32 v13, v10;
	v5 =	vmul.f32 $1.131370830e+01, v5;
	v12 =	vld [tilespmem:s5+$0x84F0]  }
0x3e: {  	v13 =	vld [tilespmem:s8+$0x2000];
	[tilespmem:s5+$0x8470] =	vst v9;
	v3 =	vadd.f32 v3, v11;
	v9 =	vshll.u32 v2, $0x10;
	v4 =	vmul.f32 $1.131370830e+01, v4  }
0x3f: {  	v2 =	vand.u32 $0xFFFF0000, v2;
	v11 =	vld [tilespmem:s8+$0x2010];
	[tilespmem:s5+$0x8480] =	vst v10;
	v5 =	vadd.f32 v9, v5;
	v6 =	vmul.f32 $1.131370830e+01, v6  }
0x40: {  	v9 =	vld [tilespmem:s8+$0x2020];
	[tilespmem:s5+$0x8490] =	vst v3;
	v2 =	vadd.f32 v2, v4;
	v3 =	vshll.u32 v1, $0x10;
	v4 =	vmul.f32 $1.131370830e+01, v7  }
0x41: {  	v1 =	vand.u32 $0xFFFF0000, v1;
	v7 =	vld [tilespmem:s8+$0x2030];
	[tilespmem:s5+$0x84A0] =	vst v5;
	v5 =	vadd.f32 v3, v6;
	v6 =	vmul.f32 $1.131370830e+01, v8  }
0x42: {  	v3 =	vld [tilespmem:s8+$0x2080];
	[tilespmem:s5+$0x84B0] =	vst v2;
	v4 =	vadd.f32 v1, v4;
	v1 =	vshll.u32 v0, $0x10;
	v8 =	vmul.f32 $1.131370830e+01, v12  }
0x43: {  	v0 =	vand.u32 $0xFFFF0000, v0;
	v2 =	vld [tilespmem:s8+$0x2090];
	[tilespmem:s5+$0x84C0] =	vst v5;
	v5 =	vadd.f32 v1, v6  }
0x44: {  	v1 =	vld [tilespmem:s8+$0x20A0];
	[tilespmem:s5+$0x84D0] =	vst v4;
	v4 =	vadd.f32 v0, v8  }
0x45: {  	v0 =	vld [tilespmem:s8+$0x20B0];
	[tilespmem:s5+$0x84E0] =	vst v5  }
0x46: {  	v5 =	vld [tilespmem:s8+$0x8400];
	[tilespmem:s5+$0x84F0] =	vst v4;
	s5 =	smov.u32 s8  }
0x47: {  	v4 =	vld [tilespmem:s5+$0x8410]  }
0x48: {  	v6 =	vld [tilespmem:s5+$0x8420]  }
0x49: {  	v8 =	vld [tilespmem:s5+$0x8430]  }
0x4a: {  	v10 =	vld [tilespmem:s5+$0x8440]  }
0x4b: {  	v5 =	vmul.f32 $1.131370830e+01, v5;
	v12 =	vld [tilespmem:s5+$0x8450]  }
0x4c: {  	v14 =	vshll.u32 v13, $0x10;
	v4 =	vmul.f32 $1.131370830e+01, v4;
	v15 =	vld [tilespmem:s5+$0x8460]  }
0x4d: {  	v13 =	vand.u32 $0xFFFF0000, v13;
	v5 =	vadd.f32 v14, v5;
	v6 =	vmul.f32 $1.131370830e+01, v6;
	v14 =	vld [tilespmem:s5+$0x8470]  }
0x4e: {  	v4 =	vadd.f32 v13, v4;
	v13 =	vshll.u32 v11, $0x10;
	v8 =	vmul.f32 $1.131370830e+01, v8;
	v16 =	vld [tilespmem:s5+$0x8480]  }
0x4f: {  	[tilespmem:s5+$0x8400] =	vst v5;
	v5 =	vand.u32 $0xFFFF0000, v11;
	v6 =	vadd.f32 v13, v6;
	v10 =	vmul.f32 $1.131370830e+01, v10;
	v11 =	vld [tilespmem:s5+$0x8490]  }
.Ltmp0:
0x50: {  	[tilespmem:s5+$0x8410] =	vst v4;
	v8 =	vadd.f32 v5, v8;
	v4 =	vshll.u32 v9, $0x10;
	v12 =	vmul.f32 $1.131370830e+01, v12;
	v5 =	vld [tilespmem:s5+$0x84A0];
	(pc) =	sbr.rel @p0 .LBB2_2-.Ltmp0, $4  }
0x51: {  	[tilespmem:s5+$0x8420] =	vst v6;
	v6 =	vand.u32 $0xFFFF0000, v9;
	v9 =	vadd.f32 v4, v10;
	v10 =	vmul.f32 $1.131370830e+01, v15;
	v4 =	vld [tilespmem:s5+$0x84B0]  }
0x52: {  	[tilespmem:s5+$0x8430] =	vst v8;
	v8 =	vadd.f32 v6, v12;
	v12 =	vshll.u32 v7, $0x10;
	v13 =	vmul.f32 $1.131370830e+01, v14;
	v6 =	vld [tilespmem:s5+$0x84C0]  }
0x53: {  	[tilespmem:s5+$0x8440] =	vst v9;
	v9 =	vand.u32 $0xFFFF0000, v7;
	v12 =	vadd.f32 v12, v10;
	v10 =	vmul.f32 $1.131370830e+01, v16;
	v7 =	vld [tilespmem:s5+$0x84D0]  }
0x54: {  	s15 =	sadd.s32 $0x400, s15;
	[tilespmem:s5+$0x8450] =	vst v8;
	v9 =	vadd.f32 v9, v13;
	v13 =	vshll.u32 v3, $0x10;
	v11 =	vmul.f32 $1.131370830e+01, v11;
	v8 =	vld [tilespmem:s5+$0x84E0]  }
0x55: {  	[tilespmem:s5+$0x8460] =	vst v12;
	v3 =	vand.u32 $0xFFFF0000, v3;
	v10 =	vadd.f32 v13, v10;
	v5 =	vmul.f32 $1.131370830e+01, v5;
	v12 =	vld [tilespmem:s5+$0x84F0]  }
0x56: {  	[tilespmem:s5+$0x8470] =	vst v9;
	v3 =	vadd.f32 v3, v11;
	v9 =	vshll.u32 v2, $0x10;
	v4 =	vmul.f32 $1.131370830e+01, v4  }
0x57: {  	v2 =	vand.u32 $0xFFFF0000, v2;
	[tilespmem:s5+$0x8480] =	vst v10;
	v5 =	vadd.f32 v9, v5;
	v6 =	vmul.f32 $1.131370830e+01, v6  }
0x58: {  	[tilespmem:s5+$0x8490] =	vst v3;
	v2 =	vadd.f32 v2, v4;
	v3 =	vshll.u32 v1, $0x10;
	v4 =	vmul.f32 $1.131370830e+01, v7  }
0x59: {  	v1 =	vand.u32 $0xFFFF0000, v1;
	[tilespmem:s5+$0x84A0] =	vst v5;
	v3 =	vadd.f32 v3, v6;
	v5 =	vmul.f32 $1.131370830e+01, v8  }
0x5a: {  	[tilespmem:s5+$0x84B0] =	vst v2;
	v1 =	vadd.f32 v1, v4;
	v2 =	vshll.u32 v0, $0x10;
	v4 =	vmul.f32 $1.131370830e+01, v12  }
0x5b: {  	v0 =	vand.u32 $0xFFFF0000, v0;
	[tilespmem:s5+$0x84C0] =	vst v3;
	v2 =	vadd.f32 v2, v5  }
0x5c: {  	[tilespmem:s5+$0x84D0] =	vst v1;
	v0 =	vadd.f32 v0, v4  }
0x5d: {  	[tilespmem:s5+$0x84E0] =	vst v2  }
0x5e: {  	s15 =	simm.s32 $0x200;
	[tilespmem:s5+$0x84F0] =	vst v0  }
0x5f: {  	[tilespmem:s28], [sflag:$0x3] =	stream.indirect.gather [hbm4b:s2+s17], $0x80, s15, s17, $0xb8;
	[tilespmem:$0x1B000] =	vst v63  }
0x60: {  	s23 =	simm.s32 $0x280  }
0x61: {  	[tilespmem:s30], [sflag:$0x3] =	stream.indirect.gather [hbm4b:s2+s17], $0x80, s23, s17, $0xb8;
	[tilespmem:$0x1B000] =	vst v63  }
0x62: {  	s26 =	simm.s32 $0x0  }
0x63: {  	[hbm4b:s7+s26] =	stream.linear.scatter [tilespmem:s18], [sflag:$0x4], $0x6400, $0x38;
	[tilespmem:$0x1B000] =	vst v63  }
0x64: {  	_ =	swait.ge [sflag:s31], $0x6400  }
0x65: {  	[sflag:s31] =	ssyncset.done $0x0  }
0x66: {  	s5 =	simm.s32 $0x0;
	[sflag:s31] =	ssyncadd.s32 $0xFFFF9C00  }
0x67: {  	v4 =	vld [tilespmem:s5+$0x2000]  }
0x68: {  	v5 =	vld [tilespmem:s5+$0x2010]  }
0x69: {  	v6 =	vld [tilespmem:s5+$0x2020]  }
0x6a: {  	v8 =	vld [tilespmem:s5+$0x2030]  }
0x6b: {  	v3 =	vld [tilespmem:s5+$0x2080]  }
0x6c: {  	v2 =	vld [tilespmem:s5+$0x2090]  }
0x6d: {  	v7 =	vld [tilespmem:s5+$0xE800]  }
0x6e: {  	v9 =	vld [tilespmem:s5+$0xE810]  }
0x6f: {  	v1 =	vld [tilespmem:s5+$0x20A0]  }
0x70: {  	v10 =	vld [tilespmem:s5+$0xE820]  }
0x71: {  	v11 =	vld [tilespmem:s5+$0xE830]  }
0x72: {  	v0 =	vld [tilespmem:s5+$0x20B0];
	v7 =	vmul.f32 $1.131370830e+01, v7  }
0x73: {  	v12 =	vld [tilespmem:s5+$0xE840];
	v14 =	vshll.u32 v4, $0x10;
	v9 =	vmul.f32 $1.131370830e+01, v9  }
0x74: {  	v13 =	vld [tilespmem:s5+$0xE850];
	v4 =	vand.u32 $0xFFFF0000, v4;
	v7 =	vadd.f32 v14, v7  }
0x75: {  	v15 =	vld [tilespmem:s5+$0xE860];
	v10 =	vmul.f32 $1.131370830e+01, v10;
	v4 =	vadd.f32 v4, v9  }
0x76: {  	v14 =	vld [tilespmem:s5+$0xE870];
	v9 =	vmul.f32 $1.131370830e+01, v11;
	[tilespmem:s5+$0xE800] =	vst v7;
	v7 =	vshll.u32 v5, $0x10  }
0x77: {  	v16 =	vld [tilespmem:s5+$0xE880];
	[tilespmem:s5+$0xE810] =	vst v4;
	v4 =	vand.u32 $0xFFFF0000, v5;
	v7 =	vadd.f32 v7, v10  }
0x78: {  	v17 =	vld [tilespmem:s5+$0xE890];
	v10 =	vmul.f32 $1.131370830e+01, v12;
	v9 =	vadd.f32 v4, v9  }
0x79: {  	v11 =	vmul.f32 $1.131370830e+01, v13;
	v5 =	vld [tilespmem:s5+$0xE8A0];
	[tilespmem:s5+$0xE820] =	vst v7;
	v7 =	vshll.u32 v6, $0x10  }
0x7a: {  	v4 =	vld [tilespmem:s5+$0xE8B0];
	[tilespmem:s5+$0xE830] =	vst v9;
	v9 =	vand.u32 $0xFFFF0000, v6;
	v7 =	vadd.f32 v7, v10;
	v10 =	vmul.f32 $1.131370830e+01, v15  }
0x7b: {  	v6 =	vld [tilespmem:s5+$0xE8C0];
	v13 =	vmul.f32 $1.131370830e+01, v14;
	v9 =	vadd.f32 v9, v11;
	v11 =	vshll.u32 v8, $0x10  }
0x7c: {  	v8 =	vand.u32 $0xFFFF0000, v8;
	[tilespmem:s5+$0xE840] =	vst v7;
	v7 =	vld [tilespmem:s5+$0xE8D0];
	v12 =	vadd.f32 v11, v10;
	v10 =	vmul.f32 $1.131370830e+01, v16  }
0x7d: {  	s15 =	simm.s32 $0x400;
	[tilespmem:s5+$0xE850] =	vst v9;
	v9 =	vadd.f32 v8, v13;
	v13 =	vshll.u32 v3, $0x10;
	v11 =	vmul.f32 $1.131370830e+01, v17;
	v8 =	vld [tilespmem:s5+$0xE8E0]  }
.LBB2_4:
0x7e: {  	s8 =	sshra.s32 s15, $0x2;
	p0 =	sne.s32 s15, $0x18C00;
	[tilespmem:s5+$0xE860] =	vst v12;
	v3 =	vand.u32 $0xFFFF0000, v3;
	v10 =	vadd.f32 v13, v10;
	v5 =	vmul.f32 $1.131370830e+01, v5;
	v12 =	vld [tilespmem:s5+$0xE8F0]  }
0x7f: {  	v13 =	vld [tilespmem:s8+$0x2000];
	[tilespmem:s5+$0xE870] =	vst v9;
	v3 =	vadd.f32 v3, v11;
	v9 =	vshll.u32 v2, $0x10;
	v4 =	vmul.f32 $1.131370830e+01, v4  }
0x80: {  	v2 =	vand.u32 $0xFFFF0000, v2;
	v11 =	vld [tilespmem:s8+$0x2010];
	[tilespmem:s5+$0xE880] =	vst v10;
	v5 =	vadd.f32 v9, v5;
	v6 =	vmul.f32 $1.131370830e+01, v6  }
0x81: {  	v9 =	vld [tilespmem:s8+$0x2020];
	[tilespmem:s5+$0xE890] =	vst v3;
	v2 =	vadd.f32 v2, v4;
	v3 =	vshll.u32 v1, $0x10;
	v4 =	vmul.f32 $1.131370830e+01, v7  }
0x82: {  	v1 =	vand.u32 $0xFFFF0000, v1;
	v7 =	vld [tilespmem:s8+$0x2030];
	[tilespmem:s5+$0xE8A0] =	vst v5;
	v5 =	vadd.f32 v3, v6;
	v6 =	vmul.f32 $1.131370830e+01, v8  }
0x83: {  	v3 =	vld [tilespmem:s8+$0x2080];
	[tilespmem:s5+$0xE8B0] =	vst v2;
	v4 =	vadd.f32 v1, v4;
	v1 =	vshll.u32 v0, $0x10;
	v8 =	vmul.f32 $1.131370830e+01, v12  }
0x84: {  	v0 =	vand.u32 $0xFFFF0000, v0;
	v2 =	vld [tilespmem:s8+$0x2090];
	[tilespmem:s5+$0xE8C0] =	vst v5;
	v5 =	vadd.f32 v1, v6  }
0x85: {  	v1 =	vld [tilespmem:s8+$0x20A0];
	[tilespmem:s5+$0xE8D0] =	vst v4;
	v4 =	vadd.f32 v0, v8  }
0x86: {  	v0 =	vld [tilespmem:s8+$0x20B0];
	[tilespmem:s5+$0xE8E0] =	vst v5  }
0x87: {  	v5 =	vld [tilespmem:s8+$0xE800];
	[tilespmem:s5+$0xE8F0] =	vst v4;
	s5 =	smov.u32 s8  }
0x88: {  	v4 =	vld [tilespmem:s5+$0xE810]  }
0x89: {  	v6 =	vld [tilespmem:s5+$0xE820]  }
0x8a: {  	v8 =	vld [tilespmem:s5+$0xE830]  }
0x8b: {  	v10 =	vld [tilespmem:s5+$0xE840]  }
0x8c: {  	v5 =	vmul.f32 $1.131370830e+01, v5;
	v12 =	vld [tilespmem:s5+$0xE850]  }
0x8d: {  	v14 =	vshll.u32 v13, $0x10;
	v4 =	vmul.f32 $1.131370830e+01, v4;
	v15 =	vld [tilespmem:s5+$0xE860]  }
0x8e: {  	v13 =	vand.u32 $0xFFFF0000, v13;
	v5 =	vadd.f32 v14, v5;
	v6 =	vmul.f32 $1.131370830e+01, v6;
	v14 =	vld [tilespmem:s5+$0xE870]  }
0x8f: {  	v4 =	vadd.f32 v13, v4;
	v13 =	vshll.u32 v11, $0x10;
	v8 =	vmul.f32 $1.131370830e+01, v8;
	v16 =	vld [tilespmem:s5+$0xE880]  }
0x90: {  	[tilespmem:s5+$0xE800] =	vst v5;
	v5 =	vand.u32 $0xFFFF0000, v11;
	v6 =	vadd.f32 v13, v6;
	v10 =	vmul.f32 $1.131370830e+01, v10;
	v11 =	vld [tilespmem:s5+$0xE890]  }
.Ltmp1:
0x91: {  	[tilespmem:s5+$0xE810] =	vst v4;
	v8 =	vadd.f32 v5, v8;
	v4 =	vshll.u32 v9, $0x10;
	v12 =	vmul.f32 $1.131370830e+01, v12;
	v5 =	vld [tilespmem:s5+$0xE8A0];
	(pc) =	sbr.rel @p0 .LBB2_4-.Ltmp1, $4  }
0x92: {  	[tilespmem:s5+$0xE820] =	vst v6;
	v6 =	vand.u32 $0xFFFF0000, v9;
	v9 =	vadd.f32 v4, v10;
	v10 =	vmul.f32 $1.131370830e+01, v15;
	v4 =	vld [tilespmem:s5+$0xE8B0]  }
0x93: {  	[tilespmem:s5+$0xE830] =	vst v8;
	v8 =	vadd.f32 v6, v12;
	v12 =	vshll.u32 v7, $0x10;
	v13 =	vmul.f32 $1.131370830e+01, v14;
	v6 =	vld [tilespmem:s5+$0xE8C0]  }
0x94: {  	[tilespmem:s5+$0xE840] =	vst v9;
	v9 =	vand.u32 $0xFFFF0000, v7;
	v12 =	vadd.f32 v12, v10;
	v10 =	vmul.f32 $1.131370830e+01, v16;
	v7 =	vld [tilespmem:s5+$0xE8D0]  }
0x95: {  	s15 =	sadd.s32 $0x400, s15;
	[tilespmem:s5+$0xE850] =	vst v8;
	v9 =	vadd.f32 v9, v13;
	v13 =	vshll.u32 v3, $0x10;
	v11 =	vmul.f32 $1.131370830e+01, v11;
	v8 =	vld [tilespmem:s5+$0xE8E0]  }
0x96: {  	[tilespmem:s5+$0xE860] =	vst v12;
	v3 =	vand.u32 $0xFFFF0000, v3;
	v10 =	vadd.f32 v13, v10;
	v5 =	vmul.f32 $1.131370830e+01, v5;
	v12 =	vld [tilespmem:s5+$0xE8F0]  }
0x97: {  	[tilespmem:s5+$0xE870] =	vst v9;
	v3 =	vadd.f32 v3, v11;
	v9 =	vshll.u32 v2, $0x10;
	v4 =	vmul.f32 $1.131370830e+01, v4  }
0x98: {  	v2 =	vand.u32 $0xFFFF0000, v2;
	[tilespmem:s5+$0xE880] =	vst v10;
	v5 =	vadd.f32 v9, v5;
	v6 =	vmul.f32 $1.131370830e+01, v6  }
0x99: {  	[tilespmem:s5+$0xE890] =	vst v3;
	v2 =	vadd.f32 v2, v4;
	v3 =	vshll.u32 v1, $0x10;
	v4 =	vmul.f32 $1.131370830e+01, v7  }
0x9a: {  	v1 =	vand.u32 $0xFFFF0000, v1;
	[tilespmem:s5+$0xE8A0] =	vst v5;
	v3 =	vadd.f32 v3, v6;
	v5 =	vmul.f32 $1.131370830e+01, v8  }
0x9b: {  	[tilespmem:s5+$0xE8B0] =	vst v2;
	v1 =	vadd.f32 v1, v4;
	v2 =	vshll.u32 v0, $0x10;
	v4 =	vmul.f32 $1.131370830e+01, v12  }
0x9c: {  	v0 =	vand.u32 $0xFFFF0000, v0;
	[tilespmem:s5+$0xE8C0] =	vst v3;
	v2 =	vadd.f32 v2, v5  }
0x9d: {  	[tilespmem:s5+$0xE8D0] =	vst v1;
	v0 =	vadd.f32 v0, v4  }
0x9e: {  	[tilespmem:s5+$0xE8E0] =	vst v2  }
0x9f: {  	[tilespmem:s5+$0xE8F0] =	vst v0  }
0xa0: {  	_ =	swait.ge [sflag:s0], $0x6400  }
0xa1: {  	[sflag:s0] =	ssyncset.done $0x0  }
0xa2: {  	s15 =	simm.s32 $0x300;
	[sflag:s0] =	ssyncadd.s32 $0xFFFF9C00  }
0xa3: {  	[tilespmem:s18], [sflag:$0x1] =	stream.indirect.gather [hbm4b:s2+s17], $0x80, s15, s17, $0xb8;
	[tilespmem:$0x1B000] =	vst v63  }
0xa4: {  	s23 =	simm.s32 $0x380  }
0xa5: {  	[tilespmem:s20], [sflag:$0x1] =	stream.indirect.gather [hbm4b:s2+s17], $0x80, s23, s17, $0xb8;
	[tilespmem:$0x1B000] =	vst v63  }
0xa6: {  	s26 =	simm.s32 $0x0;
	s8 =	rddreg [dreg:$0x6]  }
0xa7: {  	[hbm4b:s8+s26] =	stream.linear.scatter [tilespmem:s22], [sflag:$0x5], $0x6400, $0x38;
	[tilespmem:$0x1B000] =	vst v63  }
0xa8: {  	_ =	swait.ge [sflag:s19], $0x6400  }
0xa9: {  	[sflag:s19] =	ssyncset.done $0x0  }
0xaa: {  	s5 =	simm.s32 $0x0;
	[sflag:s19] =	ssyncadd.s32 $0xFFFF9C00  }
0xab: {  	v4 =	vld [tilespmem:s5+$0x2000]  }
0xac: {  	v5 =	vld [tilespmem:s5+$0x2010]  }
0xad: {  	v6 =	vld [tilespmem:s5+$0x2020]  }
0xae: {  	v8 =	vld [tilespmem:s5+$0x2030]  }
0xaf: {  	v3 =	vld [tilespmem:s5+$0x2080]  }
0xb0: {  	v2 =	vld [tilespmem:s5+$0x2090]  }
0xb1: {  	v7 =	vld [tilespmem:s5+$0x14C00]  }
0xb2: {  	v9 =	vld [tilespmem:s5+$0x14C10]  }
0xb3: {  	v1 =	vld [tilespmem:s5+$0x20A0]  }
0xb4: {  	v10 =	vld [tilespmem:s5+$0x14C20]  }
0xb5: {  	v11 =	vld [tilespmem:s5+$0x14C30]  }
0xb6: {  	v0 =	vld [tilespmem:s5+$0x20B0];
	v7 =	vmul.f32 $1.131370830e+01, v7  }
0xb7: {  	v12 =	vld [tilespmem:s5+$0x14C40];
	v14 =	vshll.u32 v4, $0x10;
	v9 =	vmul.f32 $1.131370830e+01, v9  }
0xb8: {  	v13 =	vld [tilespmem:s5+$0x14C50];
	v4 =	vand.u32 $0xFFFF0000, v4;
	v7 =	vadd.f32 v14, v7  }
0xb9: {  	v15 =	vld [tilespmem:s5+$0x14C60];
	v10 =	vmul.f32 $1.131370830e+01, v10;
	v4 =	vadd.f32 v4, v9  }
0xba: {  	v14 =	vld [tilespmem:s5+$0x14C70];
	v9 =	vmul.f32 $1.131370830e+01, v11;
	[tilespmem:s5+$0x14C00] =	vst v7;
	v7 =	vshll.u32 v5, $0x10  }
0xbb: {  	v16 =	vld [tilespmem:s5+$0x14C80];
	[tilespmem:s5+$0x14C10] =	vst v4;
	v4 =	vand.u32 $0xFFFF0000, v5;
	v7 =	vadd.f32 v7, v10  }
0xbc: {  	v17 =	vld [tilespmem:s5+$0x14C90];
	v10 =	vmul.f32 $1.131370830e+01, v12;
	v9 =	vadd.f32 v4, v9  }
0xbd: {  	v11 =	vmul.f32 $1.131370830e+01, v13;
	v5 =	vld [tilespmem:s5+$0x14CA0];
	[tilespmem:s5+$0x14C20] =	vst v7;
	v7 =	vshll.u32 v6, $0x10  }
0xbe: {  	v4 =	vld [tilespmem:s5+$0x14CB0];
	[tilespmem:s5+$0x14C30] =	vst v9;
	v9 =	vand.u32 $0xFFFF0000, v6;
	v7 =	vadd.f32 v7, v10;
	v10 =	vmul.f32 $1.131370830e+01, v15  }
0xbf: {  	v6 =	vld [tilespmem:s5+$0x14CC0];
	v13 =	vmul.f32 $1.131370830e+01, v14;
	v9 =	vadd.f32 v9, v11;
	v11 =	vshll.u32 v8, $0x10  }
0xc0: {  	v8 =	vand.u32 $0xFFFF0000, v8;
	[tilespmem:s5+$0x14C40] =	vst v7;
	v7 =	vld [tilespmem:s5+$0x14CD0];
	v12 =	vadd.f32 v11, v10;
	v10 =	vmul.f32 $1.131370830e+01, v16  }
0xc1: {  	s15 =	simm.s32 $0x400;
	[tilespmem:s5+$0x14C50] =	vst v9;
	v9 =	vadd.f32 v8, v13;
	v13 =	vshll.u32 v3, $0x10;
	v11 =	vmul.f32 $1.131370830e+01, v17;
	v8 =	vld [tilespmem:s5+$0x14CE0]  }
.LBB2_6:
0xc2: {  	s8 =	sshra.s32 s15, $0x2;
	p0 =	sne.s32 s15, $0x18C00;
	[tilespmem:s5+$0x14C60] =	vst v12;
	v3 =	vand.u32 $0xFFFF0000, v3;
	v10 =	vadd.f32 v13, v10;
	v5 =	vmul.f32 $1.131370830e+01, v5;
	v12 =	vld [tilespmem:s5+$0x14CF0]  }
0xc3: {  	v13 =	vld [tilespmem:s8+$0x2000];
	[tilespmem:s5+$0x14C70] =	vst v9;
	v3 =	vadd.f32 v3, v11;
	v9 =	vshll.u32 v2, $0x10;
	v4 =	vmul.f32 $1.131370830e+01, v4  }
0xc4: {  	v2 =	vand.u32 $0xFFFF0000, v2;
	v11 =	vld [tilespmem:s8+$0x2010];
	[tilespmem:s5+$0x14C80] =	vst v10;
	v5 =	vadd.f32 v9, v5;
	v6 =	vmul.f32 $1.131370830e+01, v6  }
0xc5: {  	v9 =	vld [tilespmem:s8+$0x2020];
	[tilespmem:s5+$0x14C90] =	vst v3;
	v2 =	vadd.f32 v2, v4;
	v3 =	vshll.u32 v1, $0x10;
	v4 =	vmul.f32 $1.131370830e+01, v7  }
0xc6: {  	v1 =	vand.u32 $0xFFFF0000, v1;
	v7 =	vld [tilespmem:s8+$0x2030];
	[tilespmem:s5+$0x14CA0] =	vst v5;
	v5 =	vadd.f32 v3, v6;
	v6 =	vmul.f32 $1.131370830e+01, v8  }
0xc7: {  	v3 =	vld [tilespmem:s8+$0x2080];
	[tilespmem:s5+$0x14CB0] =	vst v2;
	v4 =	vadd.f32 v1, v4;
	v1 =	vshll.u32 v0, $0x10;
	v8 =	vmul.f32 $1.131370830e+01, v12  }
0xc8: {  	v0 =	vand.u32 $0xFFFF0000, v0;
	v2 =	vld [tilespmem:s8+$0x2090];
	[tilespmem:s5+$0x14CC0] =	vst v5;
	v5 =	vadd.f32 v1, v6  }
0xc9: {  	v1 =	vld [tilespmem:s8+$0x20A0];
	[tilespmem:s5+$0x14CD0] =	vst v4;
	v4 =	vadd.f32 v0, v8  }
0xca: {  	v0 =	vld [tilespmem:s8+$0x20B0];
	[tilespmem:s5+$0x14CE0] =	vst v5  }
0xcb: {  	v5 =	vld [tilespmem:s8+$0x14C00];
	[tilespmem:s5+$0x14CF0] =	vst v4;
	s5 =	smov.u32 s8  }
0xcc: {  	v4 =	vld [tilespmem:s5+$0x14C10]  }
0xcd: {  	v6 =	vld [tilespmem:s5+$0x14C20]  }
0xce: {  	v8 =	vld [tilespmem:s5+$0x14C30]  }
0xcf: {  	v10 =	vld [tilespmem:s5+$0x14C40]  }
0xd0: {  	v5 =	vmul.f32 $1.131370830e+01, v5;
	v12 =	vld [tilespmem:s5+$0x14C50]  }
0xd1: {  	v14 =	vshll.u32 v13, $0x10;
	v4 =	vmul.f32 $1.131370830e+01, v4;
	v15 =	vld [tilespmem:s5+$0x14C60]  }
0xd2: {  	v13 =	vand.u32 $0xFFFF0000, v13;
	v5 =	vadd.f32 v14, v5;
	v6 =	vmul.f32 $1.131370830e+01, v6;
	v14 =	vld [tilespmem:s5+$0x14C70]  }
0xd3: {  	v4 =	vadd.f32 v13, v4;
	v13 =	vshll.u32 v11, $0x10;
	v8 =	vmul.f32 $1.131370830e+01, v8;
	v16 =	vld [tilespmem:s5+$0x14C80]  }
0xd4: {  	[tilespmem:s5+$0x14C00] =	vst v5;
	v5 =	vand.u32 $0xFFFF0000, v11;
	v6 =	vadd.f32 v13, v6;
	v10 =	vmul.f32 $1.131370830e+01, v10;
	v11 =	vld [tilespmem:s5+$0x14C90]  }
.Ltmp2:
0xd5: {  	[tilespmem:s5+$0x14C10] =	vst v4;
	v8 =	vadd.f32 v5, v8;
	v4 =	vshll.u32 v9, $0x10;
	v12 =	vmul.f32 $1.131370830e+01, v12;
	v5 =	vld [tilespmem:s5+$0x14CA0];
	(pc) =	sbr.rel @p0 .LBB2_6-.Ltmp2, $4  }
0xd6: {  	[tilespmem:s5+$0x14C20] =	vst v6;
	v6 =	vand.u32 $0xFFFF0000, v9;
	v9 =	vadd.f32 v4, v10;
	v10 =	vmul.f32 $1.131370830e+01, v15;
	v4 =	vld [tilespmem:s5+$0x14CB0]  }
0xd7: {  	[tilespmem:s5+$0x14C30] =	vst v8;
	v8 =	vadd.f32 v6, v12;
	v12 =	vshll.u32 v7, $0x10;
	v13 =	vmul.f32 $1.131370830e+01, v14;
	v6 =	vld [tilespmem:s5+$0x14CC0]  }
0xd8: {  	[tilespmem:s5+$0x14C40] =	vst v9;
	v9 =	vand.u32 $0xFFFF0000, v7;
	v12 =	vadd.f32 v12, v10;
	v10 =	vmul.f32 $1.131370830e+01, v16;
	v7 =	vld [tilespmem:s5+$0x14CD0]  }
0xd9: {  	s15 =	sadd.s32 $0x400, s15;
	[tilespmem:s5+$0x14C50] =	vst v8;
	v9 =	vadd.f32 v9, v13;
	v13 =	vshll.u32 v3, $0x10;
	v11 =	vmul.f32 $1.131370830e+01, v11;
	v8 =	vld [tilespmem:s5+$0x14CE0]  }
0xda: {  	[tilespmem:s5+$0x14C60] =	vst v12;
	v3 =	vand.u32 $0xFFFF0000, v3;
	v10 =	vadd.f32 v13, v10;
	v5 =	vmul.f32 $1.131370830e+01, v5;
	v54 =	vld [tilespmem:s5+$0x14CF0]  }
0xdb: {  	v55 =	vshll.u32 v2, $0x10;
	[tilespmem:s5+$0x14C70] =	vst v9;
	v3 =	vadd.f32 v3, v11;
	v4 =	vmul.f32 $1.131370830e+01, v4  }
0xdc: {  	v56 =	vand.u32 $0xFFFF0000, v2;
	[tilespmem:s5+$0x14C80] =	vst v10;
	v5 =	vadd.f32 v55, v5;
	v6 =	vmul.f32 $1.131370830e+01, v6  }
0xdd: {  	v57 =	vshll.u32 v1, $0x10;
	[tilespmem:s5+$0x14C90] =	vst v3;
	v2 =	vadd.f32 v56, v4;
	v58 =	vmul.f32 $1.131370830e+01, v7  }
0xde: {  	v59 =	vand.u32 $0xFFFF0000, v1;
	[tilespmem:s5+$0x14CA0] =	vst v5;
	v3 =	vadd.f32 v57, v6;
	v60 =	vmul.f32 $1.131370830e+01, v8  }
0xdf: {  	v61 =	vshll.u32 v0, $0x10;
	[tilespmem:s5+$0x14CB0] =	vst v2;
	v1 =	vadd.f32 v59, v58;
	v62 =	vmul.f32 $1.131370830e+01, v54  }
0xe0: {  	v63 =	vand.u32 $0xFFFF0000, v0;
	[tilespmem:s5+$0x14CC0] =	vst v3;
	v2 =	vadd.f32 v61, v60  }
0xe1: {  	[tilespmem:s5+$0x14CD0] =	vst v1;
	v0 =	vadd.f32 v63, v62  }
0xe2: {  	[tilespmem:s5+$0x14CE0] =	vst v2  }
0xe3: {  	[tilespmem:s5+$0x14CF0] =	vst v0  }
0xe4: {  	_ =	swait.ge [sflag:s21], $0x6400  }
0xe5: {  	[sflag:s21] =	ssyncset.done $0x0  }
0xe6: {  	s23 =	simm.s32 $0x400;
	[sflag:s21] =	ssyncadd.s32 $0xFFFF9C00  }
0xe7: {  	[tilespmem:s22], [sflag:$0x2] =	stream.indirect.gather [hbm4b:s2+s17], $0x80, s23, s17, $0xb8;
	[tilespmem:$0x1B000] =	vst v63  }
0xe8: {  	s26 =	simm.s32 $0x480  }
0xe9: {  	[tilespmem:s24], [sflag:$0x2] =	stream.indirect.gather [hbm4b:s2+s17], $0x80, s26, s17, $0xb8;
	[tilespmem:$0x1B000] =	vst v63  }
0xea: {  	s15 =	simm.s32 $0x1  }
0xeb: {  	[hbm4b:s10+s4] =	stream.linear.scatter [tilespmem:s28], [sflag:$0x6], $0x6400, $0x38;
	[tilespmem:$0x1B000] =	vst v63  }
.LBB2_8:
0xec: {  	_ =	swait.ge [sflag:s25], $0x6400  }
0xed: {  	[sflag:s25] =	ssyncset.done $0x0  }
0xee: {  	s5 =	simm.s32 $0x0;
	[sflag:s25] =	ssyncadd.s32 $0xFFFF9C00  }
0xef: {  	v4 =	vld [tilespmem:s5+$0x2000]  }
0xf0: {  	v5 =	vld [tilespmem:s5+$0x2010]  }
0xf1: {  	v6 =	vld [tilespmem:s5+$0x2020]  }
0xf2: {  	v8 =	vld [tilespmem:s5+$0x2030]  }
0xf3: {  	v3 =	vld [tilespmem:s5+$0x2080]  }
0xf4: {  	v2 =	vld [tilespmem:s5+$0x2090]  }
0xf5: {  	v7 =	vld [tilespmem:s5+$0x8400]  }
0xf6: {  	v9 =	vld [tilespmem:s5+$0x8410]  }
0xf7: {  	v1 =	vld [tilespmem:s5+$0x20A0]  }
0xf8: {  	v10 =	vld [tilespmem:s5+$0x8420]  }
0xf9: {  	v11 =	vld [tilespmem:s5+$0x8430]  }
0xfa: {  	v0 =	vld [tilespmem:s5+$0x20B0];
	v7 =	vmul.f32 $1.131370830e+01, v7  }
0xfb: {  	v12 =	vld [tilespmem:s5+$0x8440];
	v14 =	vshll.u32 v4, $0x10;
	v9 =	vmul.f32 $1.131370830e+01, v9  }
0xfc: {  	v13 =	vld [tilespmem:s5+$0x8450];
	v4 =	vand.u32 $0xFFFF0000, v4;
	v7 =	vadd.f32 v14, v7  }
0xfd: {  	v15 =	vld [tilespmem:s5+$0x8460];
	v10 =	vmul.f32 $1.131370830e+01, v10;
	v4 =	vadd.f32 v4, v9  }
0xfe: {  	v14 =	vld [tilespmem:s5+$0x8470];
	v9 =	vmul.f32 $1.131370830e+01, v11;
	[tilespmem:s5+$0x8400] =	vst v7;
	v7 =	vshll.u32 v5, $0x10  }
0xff: {  	v16 =	vld [tilespmem:s5+$0x8480];
	[tilespmem:s5+$0x8410] =	vst v4;
	v4 =	vand.u32 $0xFFFF0000, v5;
	v7 =	vadd.f32 v7, v10  }
0x100: {  	v17 =	vld [tilespmem:s5+$0x8490];
	v10 =	vmul.f32 $1.131370830e+01, v12;
	v9 =	vadd.f32 v4, v9  }
0x101: {  	v11 =	vmul.f32 $1.131370830e+01, v13;
	v5 =	vld [tilespmem:s5+$0x84A0];
	[tilespmem:s5+$0x8420] =	vst v7;
	v7 =	vshll.u32 v6, $0x10  }
0x102: {  	v4 =	vld [tilespmem:s5+$0x84B0];
	[tilespmem:s5+$0x8430] =	vst v9;
	v9 =	vand.u32 $0xFFFF0000, v6;
	v7 =	vadd.f32 v7, v10;
	v10 =	vmul.f32 $1.131370830e+01, v15  }
0x103: {  	v6 =	vld [tilespmem:s5+$0x84C0];
	v13 =	vmul.f32 $1.131370830e+01, v14;
	v9 =	vadd.f32 v9, v11;
	v11 =	vshll.u32 v8, $0x10  }
0x104: {  	v8 =	vand.u32 $0xFFFF0000, v8;
	[tilespmem:s5+$0x8440] =	vst v7;
	v7 =	vld [tilespmem:s5+$0x84D0];
	v12 =	vadd.f32 v11, v10;
	v10 =	vmul.f32 $1.131370830e+01, v16  }
0x105: {  	s23 =	simm.s32 $0x400;
	[tilespmem:s5+$0x8450] =	vst v9;
	v9 =	vadd.f32 v8, v13;
	v13 =	vshll.u32 v3, $0x10;
	v11 =	vmul.f32 $1.131370830e+01, v17;
	v8 =	vld [tilespmem:s5+$0x84E0]  }
.LBB2_9:
0x106: {  	s8 =	sshra.s32 s23, $0x2;
	p0 =	sne.s32 s23, $0x18C00;
	[tilespmem:s5+$0x8460] =	vst v12;
	v3 =	vand.u32 $0xFFFF0000, v3;
	v10 =	vadd.f32 v13, v10;
	v5 =	vmul.f32 $1.131370830e+01, v5;
	v12 =	vld [tilespmem:s5+$0x84F0]  }
0x107: {  	v13 =	vld [tilespmem:s8+$0x2000];
	[tilespmem:s5+$0x8470] =	vst v9;
	v3 =	vadd.f32 v3, v11;
	v9 =	vshll.u32 v2, $0x10;
	v4 =	vmul.f32 $1.131370830e+01, v4  }
0x108: {  	v2 =	vand.u32 $0xFFFF0000, v2;
	v11 =	vld [tilespmem:s8+$0x2010];
	[tilespmem:s5+$0x8480] =	vst v10;
	v5 =	vadd.f32 v9, v5;
	v6 =	vmul.f32 $1.131370830e+01, v6  }
0x109: {  	v9 =	vld [tilespmem:s8+$0x2020];
	[tilespmem:s5+$0x8490] =	vst v3;
	v2 =	vadd.f32 v2, v4;
	v3 =	vshll.u32 v1, $0x10;
	v4 =	vmul.f32 $1.131370830e+01, v7  }
0x10a: {  	v1 =	vand.u32 $0xFFFF0000, v1;
	v7 =	vld [tilespmem:s8+$0x2030];
	[tilespmem:s5+$0x84A0] =	vst v5;
	v5 =	vadd.f32 v3, v6;
	v6 =	vmul.f32 $1.131370830e+01, v8  }
0x10b: {  	v3 =	vld [tilespmem:s8+$0x2080];
	[tilespmem:s5+$0x84B0] =	vst v2;
	v4 =	vadd.f32 v1, v4;
	v1 =	vshll.u32 v0, $0x10;
	v8 =	vmul.f32 $1.131370830e+01, v12  }
0x10c: {  	v0 =	vand.u32 $0xFFFF0000, v0;
	v2 =	vld [tilespmem:s8+$0x2090];
	[tilespmem:s5+$0x84C0] =	vst v5;
	v5 =	vadd.f32 v1, v6  }
0x10d: {  	v1 =	vld [tilespmem:s8+$0x20A0];
	[tilespmem:s5+$0x84D0] =	vst v4;
	v4 =	vadd.f32 v0, v8  }
0x10e: {  	v0 =	vld [tilespmem:s8+$0x20B0];
	[tilespmem:s5+$0x84E0] =	vst v5  }
0x10f: {  	v5 =	vld [tilespmem:s8+$0x8400];
	[tilespmem:s5+$0x84F0] =	vst v4;
	s5 =	smov.u32 s8  }
0x110: {  	v4 =	vld [tilespmem:s5+$0x8410]  }
0x111: {  	v6 =	vld [tilespmem:s5+$0x8420]  }
0x112: {  	v8 =	vld [tilespmem:s5+$0x8430]  }
0x113: {  	v10 =	vld [tilespmem:s5+$0x8440]  }
0x114: {  	v5 =	vmul.f32 $1.131370830e+01, v5;
	v12 =	vld [tilespmem:s5+$0x8450]  }
0x115: {  	v14 =	vshll.u32 v13, $0x10;
	v4 =	vmul.f32 $1.131370830e+01, v4;
	v15 =	vld [tilespmem:s5+$0x8460]  }
0x116: {  	v13 =	vand.u32 $0xFFFF0000, v13;
	v5 =	vadd.f32 v14, v5;
	v6 =	vmul.f32 $1.131370830e+01, v6;
	v14 =	vld [tilespmem:s5+$0x8470]  }
0x117: {  	v4 =	vadd.f32 v13, v4;
	v13 =	vshll.u32 v11, $0x10;
	v8 =	vmul.f32 $1.131370830e+01, v8;
	v16 =	vld [tilespmem:s5+$0x8480]  }
0x118: {  	[tilespmem:s5+$0x8400] =	vst v5;
	v5 =	vand.u32 $0xFFFF0000, v11;
	v6 =	vadd.f32 v13, v6;
	v10 =	vmul.f32 $1.131370830e+01, v10;
	v11 =	vld [tilespmem:s5+$0x8490]  }
.Ltmp3:
0x119: {  	[tilespmem:s5+$0x8410] =	vst v4;
	v8 =	vadd.f32 v5, v8;
	v4 =	vshll.u32 v9, $0x10;
	v12 =	vmul.f32 $1.131370830e+01, v12;
	v5 =	vld [tilespmem:s5+$0x84A0];
	(pc) =	sbr.rel @p0 .LBB2_9-.Ltmp3, $4  }
0x11a: {  	[tilespmem:s5+$0x8420] =	vst v6;
	v6 =	vand.u32 $0xFFFF0000, v9;
	v9 =	vadd.f32 v4, v10;
	v10 =	vmul.f32 $1.131370830e+01, v15;
	v4 =	vld [tilespmem:s5+$0x84B0]  }
0x11b: {  	[tilespmem:s5+$0x8430] =	vst v8;
	v8 =	vadd.f32 v6, v12;
	v12 =	vshll.u32 v7, $0x10;
	v13 =	vmul.f32 $1.131370830e+01, v14;
	v6 =	vld [tilespmem:s5+$0x84C0]  }
0x11c: {  	[tilespmem:s5+$0x8440] =	vst v9;
	v9 =	vand.u32 $0xFFFF0000, v7;
	v12 =	vadd.f32 v12, v10;
	v10 =	vmul.f32 $1.131370830e+01, v16;
	v7 =	vld [tilespmem:s5+$0x84D0]  }
0x11d: {  	s23 =	sadd.s32 $0x400, s23;
	[tilespmem:s5+$0x8450] =	vst v8;
	v9 =	vadd.f32 v9, v13;
	v13 =	vshll.u32 v3, $0x10;
	v11 =	vmul.f32 $1.131370830e+01, v11;
	v8 =	vld [tilespmem:s5+$0x84E0]  }
0x11e: {  	[tilespmem:s5+$0x8460] =	vst v12;
	v3 =	vand.u32 $0xFFFF0000, v3;
	v10 =	vadd.f32 v13, v10;
	v5 =	vmul.f32 $1.131370830e+01, v5;
	v12 =	vld [tilespmem:s5+$0x84F0]  }
0x11f: {  	[tilespmem:s5+$0x8470] =	vst v9;
	v3 =	vadd.f32 v3, v11;
	v9 =	vshll.u32 v2, $0x10;
	v4 =	vmul.f32 $1.131370830e+01, v4  }
0x120: {  	v2 =	vand.u32 $0xFFFF0000, v2;
	[tilespmem:s5+$0x8480] =	vst v10;
	v5 =	vadd.f32 v9, v5;
	v6 =	vmul.f32 $1.131370830e+01, v6  }
0x121: {  	[tilespmem:s5+$0x8490] =	vst v3;
	v2 =	vadd.f32 v2, v4;
	v3 =	vshll.u32 v1, $0x10;
	v4 =	vmul.f32 $1.131370830e+01, v7  }
0x122: {  	v1 =	vand.u32 $0xFFFF0000, v1;
	[tilespmem:s5+$0x84A0] =	vst v5;
	v3 =	vadd.f32 v3, v6;
	v5 =	vmul.f32 $1.131370830e+01, v8  }
0x123: {  	[tilespmem:s5+$0x84B0] =	vst v2;
	v1 =	vadd.f32 v1, v4;
	v2 =	vshll.u32 v0, $0x10;
	v4 =	vmul.f32 $1.131370830e+01, v12  }
0x124: {  	v0 =	vand.u32 $0xFFFF0000, v0;
	[tilespmem:s5+$0x84C0] =	vst v3;
	v2 =	vadd.f32 v2, v5  }
0x125: {  	[tilespmem:s5+$0x84D0] =	vst v1;
	v0 =	vadd.f32 v0, v4  }
0x126: {  	s26 =	smul.u32 $0x3, s15;
	[tilespmem:s5+$0x84E0] =	vst v2  }
0x127: {  	[tilespmem:s5+$0x84F0] =	vst v0  }
0x128: {  	s23 =	sadd.s32 $0x2, s26;
	_ =	swait.ge [sflag:s29], $0x6400  }
0x129: {  	s9 =	sshll.u32 s23, $0x8;
	[sflag:s29] =	ssyncset.done $0x0  }
0x12a: {  	s8 =	sadd.s32 s6, s26;
	s5 =	sand.u32 $0x3FFFFF00, s9;
	[sflag:s29] =	ssyncadd.s32 $0xFFFF9C00  }
0x12b: {  	[tilespmem:s28], [sflag:$0x3] =	stream.indirect.gather [hbm4b:s2+s17], $0x80, s5, s17, $0xb8;
	[tilespmem:$0x1B000] =	vst v63  }
0x12c: {  	s8 =	smul.u32 $0xC80, s8;
	s5 =	sor.u32 $0x80, s5  }
0x12d: {  	[tilespmem:s30], [sflag:$0x3] =	stream.indirect.gather [hbm4b:s2+s17], $0x80, s5, s17, $0xb8;
	[tilespmem:$0x1B000] =	vst v63  }
0x12e: {  	s8 =	sadd.s32 s3, s8;
	s9 =	simm.s32 $0x0  }
0x12f: {  	[hbm4b:s8+s9] =	stream.linear.scatter [tilespmem:s18], [sflag:$0x4], $0x6400, $0x38;
	[tilespmem:$0x1B000] =	vst v63  }
0x130: {  	_ =	swait.ge [sflag:s31], $0x6400  }
0x131: {  	[sflag:s31] =	ssyncset.done $0x0  }
0x132: {  	s5 =	simm.s32 $0x0;
	[sflag:s31] =	ssyncadd.s32 $0xFFFF9C00  }
0x133: {  	v4 =	vld [tilespmem:s5+$0x2000]  }
0x134: {  	v5 =	vld [tilespmem:s5+$0x2010]  }
0x135: {  	v6 =	vld [tilespmem:s5+$0x2020]  }
0x136: {  	v8 =	vld [tilespmem:s5+$0x2030]  }
0x137: {  	v3 =	vld [tilespmem:s5+$0x2080]  }
0x138: {  	v2 =	vld [tilespmem:s5+$0x2090]  }
0x139: {  	v7 =	vld [tilespmem:s5+$0xE800]  }
0x13a: {  	v9 =	vld [tilespmem:s5+$0xE810]  }
0x13b: {  	v1 =	vld [tilespmem:s5+$0x20A0]  }
0x13c: {  	v10 =	vld [tilespmem:s5+$0xE820]  }
0x13d: {  	v11 =	vld [tilespmem:s5+$0xE830]  }
0x13e: {  	v0 =	vld [tilespmem:s5+$0x20B0];
	v7 =	vmul.f32 $1.131370830e+01, v7  }
0x13f: {  	v12 =	vld [tilespmem:s5+$0xE840];
	v14 =	vshll.u32 v4, $0x10;
	v9 =	vmul.f32 $1.131370830e+01, v9  }
0x140: {  	v13 =	vld [tilespmem:s5+$0xE850];
	v4 =	vand.u32 $0xFFFF0000, v4;
	v7 =	vadd.f32 v14, v7  }
0x141: {  	v15 =	vld [tilespmem:s5+$0xE860];
	v10 =	vmul.f32 $1.131370830e+01, v10;
	v4 =	vadd.f32 v4, v9  }
0x142: {  	v14 =	vld [tilespmem:s5+$0xE870];
	v9 =	vmul.f32 $1.131370830e+01, v11;
	[tilespmem:s5+$0xE800] =	vst v7;
	v7 =	vshll.u32 v5, $0x10  }
0x143: {  	v16 =	vld [tilespmem:s5+$0xE880];
	[tilespmem:s5+$0xE810] =	vst v4;
	v4 =	vand.u32 $0xFFFF0000, v5;
	v7 =	vadd.f32 v7, v10  }
0x144: {  	v17 =	vld [tilespmem:s5+$0xE890];
	v10 =	vmul.f32 $1.131370830e+01, v12;
	v9 =	vadd.f32 v4, v9  }
0x145: {  	v11 =	vmul.f32 $1.131370830e+01, v13;
	v5 =	vld [tilespmem:s5+$0xE8A0];
	[tilespmem:s5+$0xE820] =	vst v7;
	v7 =	vshll.u32 v6, $0x10  }
0x146: {  	v4 =	vld [tilespmem:s5+$0xE8B0];
	[tilespmem:s5+$0xE830] =	vst v9;
	v9 =	vand.u32 $0xFFFF0000, v6;
	v7 =	vadd.f32 v7, v10;
	v10 =	vmul.f32 $1.131370830e+01, v15  }
0x147: {  	v6 =	vld [tilespmem:s5+$0xE8C0];
	v13 =	vmul.f32 $1.131370830e+01, v14;
	v9 =	vadd.f32 v9, v11;
	v11 =	vshll.u32 v8, $0x10  }
0x148: {  	v8 =	vand.u32 $0xFFFF0000, v8;
	[tilespmem:s5+$0xE840] =	vst v7;
	v7 =	vld [tilespmem:s5+$0xE8D0];
	v12 =	vadd.f32 v11, v10;
	v10 =	vmul.f32 $1.131370830e+01, v16  }
0x149: {  	s8 =	simm.s32 $0x400;
	[tilespmem:s5+$0xE850] =	vst v9;
	v9 =	vadd.f32 v8, v13;
	v13 =	vshll.u32 v3, $0x10;
	v11 =	vmul.f32 $1.131370830e+01, v17;
	v8 =	vld [tilespmem:s5+$0xE8E0]  }
.LBB2_11:
0x14a: {  	s9 =	sshra.s32 s8, $0x2;
	p0 =	sne.s32 s8, $0x18C00;
	[tilespmem:s5+$0xE860] =	vst v12;
	v3 =	vand.u32 $0xFFFF0000, v3;
	v10 =	vadd.f32 v13, v10;
	v5 =	vmul.f32 $1.131370830e+01, v5;
	v12 =	vld [tilespmem:s5+$0xE8F0]  }
0x14b: {  	v13 =	vld [tilespmem:s9+$0x2000];
	[tilespmem:s5+$0xE870] =	vst v9;
	v3 =	vadd.f32 v3, v11;
	v9 =	vshll.u32 v2, $0x10;
	v4 =	vmul.f32 $1.131370830e+01, v4  }
0x14c: {  	v2 =	vand.u32 $0xFFFF0000, v2;
	v11 =	vld [tilespmem:s9+$0x2010];
	[tilespmem:s5+$0xE880] =	vst v10;
	v5 =	vadd.f32 v9, v5;
	v6 =	vmul.f32 $1.131370830e+01, v6  }
0x14d: {  	v9 =	vld [tilespmem:s9+$0x2020];
	[tilespmem:s5+$0xE890] =	vst v3;
	v2 =	vadd.f32 v2, v4;
	v3 =	vshll.u32 v1, $0x10;
	v4 =	vmul.f32 $1.131370830e+01, v7  }
0x14e: {  	v1 =	vand.u32 $0xFFFF0000, v1;
	v7 =	vld [tilespmem:s9+$0x2030];
	[tilespmem:s5+$0xE8A0] =	vst v5;
	v5 =	vadd.f32 v3, v6;
	v6 =	vmul.f32 $1.131370830e+01, v8  }
0x14f: {  	v3 =	vld [tilespmem:s9+$0x2080];
	[tilespmem:s5+$0xE8B0] =	vst v2;
	v4 =	vadd.f32 v1, v4;
	v1 =	vshll.u32 v0, $0x10;
	v8 =	vmul.f32 $1.131370830e+01, v12  }
0x150: {  	v0 =	vand.u32 $0xFFFF0000, v0;
	v2 =	vld [tilespmem:s9+$0x2090];
	[tilespmem:s5+$0xE8C0] =	vst v5;
	v5 =	vadd.f32 v1, v6  }
0x151: {  	v1 =	vld [tilespmem:s9+$0x20A0];
	[tilespmem:s5+$0xE8D0] =	vst v4;
	v4 =	vadd.f32 v0, v8  }
0x152: {  	v0 =	vld [tilespmem:s9+$0x20B0];
	[tilespmem:s5+$0xE8E0] =	vst v5  }
0x153: {  	v5 =	vld [tilespmem:s9+$0xE800];
	[tilespmem:s5+$0xE8F0] =	vst v4;
	s5 =	smov.u32 s9  }
0x154: {  	v4 =	vld [tilespmem:s5+$0xE810]  }
0x155: {  	v6 =	vld [tilespmem:s5+$0xE820]  }
0x156: {  	v8 =	vld [tilespmem:s5+$0xE830]  }
0x157: {  	v10 =	vld [tilespmem:s5+$0xE840]  }
0x158: {  	v5 =	vmul.f32 $1.131370830e+01, v5;
	v12 =	vld [tilespmem:s5+$0xE850]  }
0x159: {  	v14 =	vshll.u32 v13, $0x10;
	v4 =	vmul.f32 $1.131370830e+01, v4;
	v15 =	vld [tilespmem:s5+$0xE860]  }
0x15a: {  	v13 =	vand.u32 $0xFFFF0000, v13;
	v5 =	vadd.f32 v14, v5;
	v6 =	vmul.f32 $1.131370830e+01, v6;
	v14 =	vld [tilespmem:s5+$0xE870]  }
0x15b: {  	v4 =	vadd.f32 v13, v4;
	v13 =	vshll.u32 v11, $0x10;
	v8 =	vmul.f32 $1.131370830e+01, v8;
	v16 =	vld [tilespmem:s5+$0xE880]  }
0x15c: {  	[tilespmem:s5+$0xE800] =	vst v5;
	v5 =	vand.u32 $0xFFFF0000, v11;
	v6 =	vadd.f32 v13, v6;
	v10 =	vmul.f32 $1.131370830e+01, v10;
	v11 =	vld [tilespmem:s5+$0xE890]  }
.Ltmp4:
0x15d: {  	[tilespmem:s5+$0xE810] =	vst v4;
	v8 =	vadd.f32 v5, v8;
	v4 =	vshll.u32 v9, $0x10;
	v12 =	vmul.f32 $1.131370830e+01, v12;
	v5 =	vld [tilespmem:s5+$0xE8A0];
	(pc) =	sbr.rel @p0 .LBB2_11-.Ltmp4, $4  }
0x15e: {  	[tilespmem:s5+$0xE820] =	vst v6;
	v6 =	vand.u32 $0xFFFF0000, v9;
	v9 =	vadd.f32 v4, v10;
	v10 =	vmul.f32 $1.131370830e+01, v15;
	v4 =	vld [tilespmem:s5+$0xE8B0]  }
0x15f: {  	[tilespmem:s5+$0xE830] =	vst v8;
	v8 =	vadd.f32 v6, v12;
	v12 =	vshll.u32 v7, $0x10;
	v13 =	vmul.f32 $1.131370830e+01, v14;
	v6 =	vld [tilespmem:s5+$0xE8C0]  }
0x160: {  	[tilespmem:s5+$0xE840] =	vst v9;
	v9 =	vand.u32 $0xFFFF0000, v7;
	v12 =	vadd.f32 v12, v10;
	v10 =	vmul.f32 $1.131370830e+01, v16;
	v7 =	vld [tilespmem:s5+$0xE8D0]  }
0x161: {  	s8 =	sadd.s32 $0x400, s8;
	[tilespmem:s5+$0xE850] =	vst v8;
	v9 =	vadd.f32 v9, v13;
	v13 =	vshll.u32 v3, $0x10;
	v11 =	vmul.f32 $1.131370830e+01, v11;
	v8 =	vld [tilespmem:s5+$0xE8E0]  }
0x162: {  	[tilespmem:s5+$0xE860] =	vst v12;
	v3 =	vand.u32 $0xFFFF0000, v3;
	v10 =	vadd.f32 v13, v10;
	v5 =	vmul.f32 $1.131370830e+01, v5;
	v12 =	vld [tilespmem:s5+$0xE8F0]  }
0x163: {  	[tilespmem:s5+$0xE870] =	vst v9;
	v3 =	vadd.f32 v3, v11;
	v9 =	vshll.u32 v2, $0x10;
	v4 =	vmul.f32 $1.131370830e+01, v4  }
0x164: {  	v2 =	vand.u32 $0xFFFF0000, v2;
	[tilespmem:s5+$0xE880] =	vst v10;
	v5 =	vadd.f32 v9, v5;
	v6 =	vmul.f32 $1.131370830e+01, v6  }
0x165: {  	[tilespmem:s5+$0xE890] =	vst v3;
	v2 =	vadd.f32 v2, v4;
	v3 =	vshll.u32 v1, $0x10;
	v4 =	vmul.f32 $1.131370830e+01, v7  }
0x166: {  	v1 =	vand.u32 $0xFFFF0000, v1;
	[tilespmem:s5+$0xE8A0] =	vst v5;
	v3 =	vadd.f32 v3, v6;
	v5 =	vmul.f32 $1.131370830e+01, v8  }
0x167: {  	[tilespmem:s5+$0xE8B0] =	vst v2;
	v1 =	vadd.f32 v1, v4;
	v2 =	vshll.u32 v0, $0x10;
	v4 =	vmul.f32 $1.131370830e+01, v12  }
0x168: {  	v0 =	vand.u32 $0xFFFF0000, v0;
	[tilespmem:s5+$0xE8C0] =	vst v3;
	v2 =	vadd.f32 v2, v5  }
0x169: {  	[tilespmem:s5+$0xE8D0] =	vst v1;
	v0 =	vadd.f32 v0, v4  }
0x16a: {  	[tilespmem:s5+$0xE8E0] =	vst v2  }
0x16b: {  	s9 =	smul.u32 $0xC00, s15;
	[tilespmem:s5+$0xE8F0] =	vst v0  }
0x16c: {  	_ =	swait.ge [sflag:s0], $0x6400  }
0x16d: {  	s5 =	sshra.s32 s9, $0x2;
	[sflag:s0] =	ssyncset.done $0x0  }
0x16e: {  	s26 =	sadd.s32 s26, s11;
	s8 =	sadd.s32 $0x300, s5;
	[sflag:s0] =	ssyncadd.s32 $0xFFFF9C00  }
0x16f: {  	[tilespmem:s18], [sflag:$0x1] =	stream.indirect.gather [hbm4b:s2+s17], $0x80, s8, s17, $0xb8;
	[tilespmem:$0x1B000] =	vst v63  }
0x170: {  	s9 =	sadd.s32 $0x380, s5;
	s8 =	smul.u32 $0xC80, s26  }
0x171: {  	[tilespmem:s20], [sflag:$0x1] =	stream.indirect.gather [hbm4b:s2+s17], $0x80, s9, s17, $0xb8;
	[tilespmem:$0x1B000] =	vst v63  }
0x172: {  	s26 =	simm.s32 $0x0;
	s8 =	sadd.s32 s3, s8  }
0x173: {  	[hbm4b:s8+s26] =	stream.linear.scatter [tilespmem:s22], [sflag:$0x5], $0x6400, $0x38;
	[tilespmem:$0x1B000] =	vst v63  }
0x174: {  	_ =	swait.ge [sflag:s19], $0x6400  }
0x175: {  	[sflag:s19] =	ssyncset.done $0x0  }
0x176: {  	s26 =	simm.s32 $0x0;
	[sflag:s19] =	ssyncadd.s32 $0xFFFF9C00  }
0x177: {  	v4 =	vld [tilespmem:s26+$0x2000]  }
0x178: {  	v5 =	vld [tilespmem:s26+$0x2010]  }
0x179: {  	v6 =	vld [tilespmem:s26+$0x2020]  }
0x17a: {  	v8 =	vld [tilespmem:s26+$0x2030]  }
0x17b: {  	v3 =	vld [tilespmem:s26+$0x2080]  }
0x17c: {  	v2 =	vld [tilespmem:s26+$0x2090]  }
0x17d: {  	v7 =	vld [tilespmem:s26+$0x14C00]  }
0x17e: {  	v9 =	vld [tilespmem:s26+$0x14C10]  }
0x17f: {  	v1 =	vld [tilespmem:s26+$0x20A0]  }
0x180: {  	v10 =	vld [tilespmem:s26+$0x14C20]  }
0x181: {  	v11 =	vld [tilespmem:s26+$0x14C30]  }
0x182: {  	v0 =	vld [tilespmem:s26+$0x20B0];
	v7 =	vmul.f32 $1.131370830e+01, v7  }
0x183: {  	v12 =	vld [tilespmem:s26+$0x14C40];
	v14 =	vshll.u32 v4, $0x10;
	v9 =	vmul.f32 $1.131370830e+01, v9  }
0x184: {  	v13 =	vld [tilespmem:s26+$0x14C50];
	v4 =	vand.u32 $0xFFFF0000, v4;
	v7 =	vadd.f32 v14, v7  }
0x185: {  	v15 =	vld [tilespmem:s26+$0x14C60];
	v10 =	vmul.f32 $1.131370830e+01, v10;
	v4 =	vadd.f32 v4, v9  }
0x186: {  	v14 =	vld [tilespmem:s26+$0x14C70];
	v9 =	vmul.f32 $1.131370830e+01, v11;
	[tilespmem:s26+$0x14C00] =	vst v7;
	v7 =	vshll.u32 v5, $0x10  }
0x187: {  	v16 =	vld [tilespmem:s26+$0x14C80];
	[tilespmem:s26+$0x14C10] =	vst v4;
	v4 =	vand.u32 $0xFFFF0000, v5;
	v7 =	vadd.f32 v7, v10  }
0x188: {  	v17 =	vld [tilespmem:s26+$0x14C90];
	v10 =	vmul.f32 $1.131370830e+01, v12;
	v9 =	vadd.f32 v4, v9  }
0x189: {  	v11 =	vmul.f32 $1.131370830e+01, v13;
	v5 =	vld [tilespmem:s26+$0x14CA0];
	[tilespmem:s26+$0x14C20] =	vst v7;
	v7 =	vshll.u32 v6, $0x10  }
0x18a: {  	v4 =	vld [tilespmem:s26+$0x14CB0];
	[tilespmem:s26+$0x14C30] =	vst v9;
	v9 =	vand.u32 $0xFFFF0000, v6;
	v7 =	vadd.f32 v7, v10;
	v10 =	vmul.f32 $1.131370830e+01, v15  }
0x18b: {  	v6 =	vld [tilespmem:s26+$0x14CC0];
	v13 =	vmul.f32 $1.131370830e+01, v14;
	v9 =	vadd.f32 v9, v11;
	v11 =	vshll.u32 v8, $0x10  }
0x18c: {  	v8 =	vand.u32 $0xFFFF0000, v8;
	[tilespmem:s26+$0x14C40] =	vst v7;
	v7 =	vld [tilespmem:s26+$0x14CD0];
	v12 =	vadd.f32 v11, v10;
	v10 =	vmul.f32 $1.131370830e+01, v16  }
0x18d: {  	s8 =	simm.s32 $0x400;
	[tilespmem:s26+$0x14C50] =	vst v9;
	v9 =	vadd.f32 v8, v13;
	v13 =	vshll.u32 v3, $0x10;
	v11 =	vmul.f32 $1.131370830e+01, v17;
	v8 =	vld [tilespmem:s26+$0x14CE0]  }
.LBB2_13:
0x18e: {  	s9 =	sshra.s32 s8, $0x2;
	p0 =	sne.s32 s8, $0x18C00;
	[tilespmem:s26+$0x14C60] =	vst v12;
	v3 =	vand.u32 $0xFFFF0000, v3;
	v10 =	vadd.f32 v13, v10;
	v5 =	vmul.f32 $1.131370830e+01, v5;
	v12 =	vld [tilespmem:s26+$0x14CF0]  }
0x18f: {  	v13 =	vld [tilespmem:s9+$0x2000];
	[tilespmem:s26+$0x14C70] =	vst v9;
	v3 =	vadd.f32 v3, v11;
	v9 =	vshll.u32 v2, $0x10;
	v4 =	vmul.f32 $1.131370830e+01, v4  }
0x190: {  	v2 =	vand.u32 $0xFFFF0000, v2;
	v11 =	vld [tilespmem:s9+$0x2010];
	[tilespmem:s26+$0x14C80] =	vst v10;
	v5 =	vadd.f32 v9, v5;
	v6 =	vmul.f32 $1.131370830e+01, v6  }
0x191: {  	v9 =	vld [tilespmem:s9+$0x2020];
	[tilespmem:s26+$0x14C90] =	vst v3;
	v2 =	vadd.f32 v2, v4;
	v3 =	vshll.u32 v1, $0x10;
	v4 =	vmul.f32 $1.131370830e+01, v7  }
0x192: {  	v1 =	vand.u32 $0xFFFF0000, v1;
	v7 =	vld [tilespmem:s9+$0x2030];
	[tilespmem:s26+$0x14CA0] =	vst v5;
	v5 =	vadd.f32 v3, v6;
	v6 =	vmul.f32 $1.131370830e+01, v8  }
0x193: {  	v3 =	vld [tilespmem:s9+$0x2080];
	[tilespmem:s26+$0x14CB0] =	vst v2;
	v4 =	vadd.f32 v1, v4;
	v1 =	vshll.u32 v0, $0x10;
	v8 =	vmul.f32 $1.131370830e+01, v12  }
0x194: {  	v0 =	vand.u32 $0xFFFF0000, v0;
	v2 =	vld [tilespmem:s9+$0x2090];
	[tilespmem:s26+$0x14CC0] =	vst v5;
	v5 =	vadd.f32 v1, v6  }
0x195: {  	v1 =	vld [tilespmem:s9+$0x20A0];
	[tilespmem:s26+$0x14CD0] =	vst v4;
	v4 =	vadd.f32 v0, v8  }
0x196: {  	v0 =	vld [tilespmem:s9+$0x20B0];
	[tilespmem:s26+$0x14CE0] =	vst v5  }
0x197: {  	v5 =	vld [tilespmem:s9+$0x14C00];
	[tilespmem:s26+$0x14CF0] =	vst v4;
	s26 =	smov.u32 s9  }
0x198: {  	v4 =	vld [tilespmem:s26+$0x14C10]  }
0x199: {  	v6 =	vld [tilespmem:s26+$0x14C20]  }
0x19a: {  	v8 =	vld [tilespmem:s26+$0x14C30]  }
0x19b: {  	v10 =	vld [tilespmem:s26+$0x14C40]  }
0x19c: {  	v5 =	vmul.f32 $1.131370830e+01, v5;
	v12 =	vld [tilespmem:s26+$0x14C50]  }
0x19d: {  	v14 =	vshll.u32 v13, $0x10;
	v4 =	vmul.f32 $1.131370830e+01, v4;
	v15 =	vld [tilespmem:s26+$0x14C60]  }
0x19e: {  	v13 =	vand.u32 $0xFFFF0000, v13;
	v5 =	vadd.f32 v14, v5;
	v6 =	vmul.f32 $1.131370830e+01, v6;
	v14 =	vld [tilespmem:s26+$0x14C70]  }
0x19f: {  	v4 =	vadd.f32 v13, v4;
	v13 =	vshll.u32 v11, $0x10;
	v8 =	vmul.f32 $1.131370830e+01, v8;
	v16 =	vld [tilespmem:s26+$0x14C80]  }
0x1a0: {  	[tilespmem:s26+$0x14C00] =	vst v5;
	v5 =	vand.u32 $0xFFFF0000, v11;
	v6 =	vadd.f32 v13, v6;
	v10 =	vmul.f32 $1.131370830e+01, v10;
	v11 =	vld [tilespmem:s26+$0x14C90]  }
.Ltmp5:
0x1a1: {  	[tilespmem:s26+$0x14C10] =	vst v4;
	v8 =	vadd.f32 v5, v8;
	v4 =	vshll.u32 v9, $0x10;
	v12 =	vmul.f32 $1.131370830e+01, v12;
	v5 =	vld [tilespmem:s26+$0x14CA0];
	(pc) =	sbr.rel @p0 .LBB2_13-.Ltmp5, $4  }
0x1a2: {  	[tilespmem:s26+$0x14C20] =	vst v6;
	v6 =	vand.u32 $0xFFFF0000, v9;
	v9 =	vadd.f32 v4, v10;
	v10 =	vmul.f32 $1.131370830e+01, v15;
	v4 =	vld [tilespmem:s26+$0x14CB0]  }
0x1a3: {  	[tilespmem:s26+$0x14C30] =	vst v8;
	v8 =	vadd.f32 v6, v12;
	v12 =	vshll.u32 v7, $0x10;
	v13 =	vmul.f32 $1.131370830e+01, v14;
	v6 =	vld [tilespmem:s26+$0x14CC0]  }
0x1a4: {  	[tilespmem:s26+$0x14C40] =	vst v9;
	v9 =	vand.u32 $0xFFFF0000, v7;
	v12 =	vadd.f32 v12, v10;
	v10 =	vmul.f32 $1.131370830e+01, v16;
	v7 =	vld [tilespmem:s26+$0x14CD0]  }
0x1a5: {  	s8 =	sadd.s32 $0x400, s8;
	[tilespmem:s26+$0x14C50] =	vst v8;
	v9 =	vadd.f32 v9, v13;
	v13 =	vshll.u32 v3, $0x10;
	v11 =	vmul.f32 $1.131370830e+01, v11;
	v8 =	vld [tilespmem:s26+$0x14CE0]  }
0x1a6: {  	[tilespmem:s26+$0x14C60] =	vst v12;
	v3 =	vand.u32 $0xFFFF0000, v3;
	v10 =	vadd.f32 v13, v10;
	v5 =	vmul.f32 $1.131370830e+01, v5;
	v54 =	vld [tilespmem:s26+$0x14CF0]  }
0x1a7: {  	v55 =	vshll.u32 v2, $0x10;
	[tilespmem:s26+$0x14C70] =	vst v9;
	v3 =	vadd.f32 v3, v11;
	v4 =	vmul.f32 $1.131370830e+01, v4  }
0x1a8: {  	v56 =	vand.u32 $0xFFFF0000, v2;
	[tilespmem:s26+$0x14C80] =	vst v10;
	v5 =	vadd.f32 v55, v5;
	v6 =	vmul.f32 $1.131370830e+01, v6  }
0x1a9: {  	v57 =	vshll.u32 v1, $0x10;
	[tilespmem:s26+$0x14C90] =	vst v3;
	v2 =	vadd.f32 v56, v4;
	v58 =	vmul.f32 $1.131370830e+01, v7  }
0x1aa: {  	v59 =	vand.u32 $0xFFFF0000, v1;
	[tilespmem:s26+$0x14CA0] =	vst v5;
	v3 =	vadd.f32 v57, v6;
	v60 =	vmul.f32 $1.131370830e+01, v8  }
0x1ab: {  	v61 =	vshll.u32 v0, $0x10;
	[tilespmem:s26+$0x14CB0] =	vst v2;
	v1 =	vadd.f32 v59, v58;
	v62 =	vmul.f32 $1.131370830e+01, v54  }
0x1ac: {  	v63 =	vand.u32 $0xFFFF0000, v0;
	[tilespmem:s26+$0x14CC0] =	vst v3;
	v2 =	vadd.f32 v61, v60  }
0x1ad: {  	[tilespmem:s26+$0x14CD0] =	vst v1;
	v0 =	vadd.f32 v63, v62  }
0x1ae: {  	[tilespmem:s26+$0x14CE0] =	vst v2  }
0x1af: {  	[tilespmem:s26+$0x14CF0] =	vst v0  }
0x1b0: {  	_ =	swait.ge [sflag:s21], $0x6400  }
0x1b1: {  	s15 =	sadd.s32 $0x1, s15;
	[sflag:s21] =	ssyncset.done $0x0  }
0x1b2: {  	s8 =	sadd.s32 $0x400, s5;
	p0 =	sne.s32 s15, $0xA;
	[sflag:s21] =	ssyncadd.s32 $0xFFFF9C00  }
0x1b3: {  	[tilespmem:s22], [sflag:$0x2] =	stream.indirect.gather [hbm4b:s2+s17], $0x80, s8, s17, $0xb8;
	[tilespmem:$0x1B000] =	vst v63  }
.Ltmp6:
0x1b4: {  	s9 =	sadd.s32 s6, s23;
	(pc) =	sbr.rel @p0 .LBB2_8-.Ltmp6, $4  }
0x1b5: {  	s23 =	sadd.s32 $0x480, s5;
	s8 =	smul.u32 $0xC80, s9  }
0x1b6: {  	[tilespmem:s24], [sflag:$0x2] =	stream.indirect.gather [hbm4b:s2+s17], $0x80, s23, s17, $0xb8;
	[tilespmem:$0x1B000] =	vst v63  }
0x1b7: {  	s26 =	sadd.s32 s3, s8  }
0x1b8: {  	[hbm4b:s26+s4] =	stream.linear.scatter [tilespmem:s28], [sflag:$0x6], $0x6400, $0x38;
	[tilespmem:$0x1B000] =	vst v63  }
0x1b9: {  	_ =	swait.ge [sflag:s25], $0x6400  }
0x1ba: {  	[sflag:s25] =	ssyncset.done $0x0  }
0x1bb: {  	s5 =	simm.s32 $0x0;
	[sflag:s25] =	ssyncadd.s32 $0xFFFF9C00  }
0x1bc: {  	v4 =	vld [tilespmem:s5+$0x2000]  }
0x1bd: {  	v5 =	vld [tilespmem:s5+$0x2010]  }
0x1be: {  	v6 =	vld [tilespmem:s5+$0x2020]  }
0x1bf: {  	v8 =	vld [tilespmem:s5+$0x2030]  }
0x1c0: {  	v3 =	vld [tilespmem:s5+$0x2080]  }
0x1c1: {  	v2 =	vld [tilespmem:s5+$0x2090]  }
0x1c2: {  	v7 =	vld [tilespmem:s5+$0x8400]  }
0x1c3: {  	v9 =	vld [tilespmem:s5+$0x8410]  }
0x1c4: {  	v1 =	vld [tilespmem:s5+$0x20A0]  }
0x1c5: {  	v10 =	vld [tilespmem:s5+$0x8420]  }
0x1c6: {  	v11 =	vld [tilespmem:s5+$0x8430]  }
0x1c7: {  	v0 =	vld [tilespmem:s5+$0x20B0];
	v7 =	vmul.f32 $1.131370830e+01, v7  }
0x1c8: {  	v12 =	vld [tilespmem:s5+$0x8440];
	v14 =	vshll.u32 v4, $0x10;
	v9 =	vmul.f32 $1.131370830e+01, v9  }
0x1c9: {  	v13 =	vld [tilespmem:s5+$0x8450];
	v4 =	vand.u32 $0xFFFF0000, v4;
	v7 =	vadd.f32 v14, v7  }
0x1ca: {  	v15 =	vld [tilespmem:s5+$0x8460];
	v10 =	vmul.f32 $1.131370830e+01, v10;
	v4 =	vadd.f32 v4, v9  }
0x1cb: {  	v14 =	vld [tilespmem:s5+$0x8470];
	v9 =	vmul.f32 $1.131370830e+01, v11;
	[tilespmem:s5+$0x8400] =	vst v7;
	v7 =	vshll.u32 v5, $0x10  }
0x1cc: {  	v16 =	vld [tilespmem:s5+$0x8480];
	[tilespmem:s5+$0x8410] =	vst v4;
	v4 =	vand.u32 $0xFFFF0000, v5;
	v7 =	vadd.f32 v7, v10  }
0x1cd: {  	v17 =	vld [tilespmem:s5+$0x8490];
	v10 =	vmul.f32 $1.131370830e+01, v12;
	v9 =	vadd.f32 v4, v9  }
0x1ce: {  	v11 =	vmul.f32 $1.131370830e+01, v13;
	v5 =	vld [tilespmem:s5+$0x84A0];
	[tilespmem:s5+$0x8420] =	vst v7;
	v7 =	vshll.u32 v6, $0x10  }
0x1cf: {  	v4 =	vld [tilespmem:s5+$0x84B0];
	[tilespmem:s5+$0x8430] =	vst v9;
	v9 =	vand.u32 $0xFFFF0000, v6;
	v7 =	vadd.f32 v7, v10;
	v10 =	vmul.f32 $1.131370830e+01, v15  }
0x1d0: {  	v6 =	vld [tilespmem:s5+$0x84C0];
	v13 =	vmul.f32 $1.131370830e+01, v14;
	v9 =	vadd.f32 v9, v11;
	v11 =	vshll.u32 v8, $0x10  }
0x1d1: {  	v8 =	vand.u32 $0xFFFF0000, v8;
	[tilespmem:s5+$0x8440] =	vst v7;
	v7 =	vld [tilespmem:s5+$0x84D0];
	v12 =	vadd.f32 v11, v10;
	v10 =	vmul.f32 $1.131370830e+01, v16  }
0x1d2: {  	s8 =	simm.s32 $0x400;
	[tilespmem:s5+$0x8450] =	vst v9;
	v9 =	vadd.f32 v8, v13;
	v13 =	vshll.u32 v3, $0x10;
	v11 =	vmul.f32 $1.131370830e+01, v17;
	v8 =	vld [tilespmem:s5+$0x84E0]  }
.LBB2_16:
0x1d3: {  	s9 =	sshra.s32 s8, $0x2;
	p0 =	sne.s32 s8, $0x18C00;
	[tilespmem:s5+$0x8460] =	vst v12;
	v3 =	vand.u32 $0xFFFF0000, v3;
	v10 =	vadd.f32 v13, v10;
	v5 =	vmul.f32 $1.131370830e+01, v5;
	v12 =	vld [tilespmem:s5+$0x84F0]  }
0x1d4: {  	v13 =	vld [tilespmem:s9+$0x2000];
	[tilespmem:s5+$0x8470] =	vst v9;
	v3 =	vadd.f32 v3, v11;
	v9 =	vshll.u32 v2, $0x10;
	v4 =	vmul.f32 $1.131370830e+01, v4  }
0x1d5: {  	v2 =	vand.u32 $0xFFFF0000, v2;
	v11 =	vld [tilespmem:s9+$0x2010];
	[tilespmem:s5+$0x8480] =	vst v10;
	v5 =	vadd.f32 v9, v5;
	v6 =	vmul.f32 $1.131370830e+01, v6  }
0x1d6: {  	v9 =	vld [tilespmem:s9+$0x2020];
	[tilespmem:s5+$0x8490] =	vst v3;
	v2 =	vadd.f32 v2, v4;
	v3 =	vshll.u32 v1, $0x10;
	v4 =	vmul.f32 $1.131370830e+01, v7  }
0x1d7: {  	v1 =	vand.u32 $0xFFFF0000, v1;
	v7 =	vld [tilespmem:s9+$0x2030];
	[tilespmem:s5+$0x84A0] =	vst v5;
	v5 =	vadd.f32 v3, v6;
	v6 =	vmul.f32 $1.131370830e+01, v8  }
0x1d8: {  	v3 =	vld [tilespmem:s9+$0x2080];
	[tilespmem:s5+$0x84B0] =	vst v2;
	v4 =	vadd.f32 v1, v4;
	v1 =	vshll.u32 v0, $0x10;
	v8 =	vmul.f32 $1.131370830e+01, v12  }
0x1d9: {  	v0 =	vand.u32 $0xFFFF0000, v0;
	v2 =	vld [tilespmem:s9+$0x2090];
	[tilespmem:s5+$0x84C0] =	vst v5;
	v5 =	vadd.f32 v1, v6  }
0x1da: {  	v1 =	vld [tilespmem:s9+$0x20A0];
	[tilespmem:s5+$0x84D0] =	vst v4;
	v4 =	vadd.f32 v0, v8  }
0x1db: {  	v0 =	vld [tilespmem:s9+$0x20B0];
	[tilespmem:s5+$0x84E0] =	vst v5  }
0x1dc: {  	v5 =	vld [tilespmem:s9+$0x8400];
	[tilespmem:s5+$0x84F0] =	vst v4;
	s5 =	smov.u32 s9  }
0x1dd: {  	v4 =	vld [tilespmem:s5+$0x8410]  }
0x1de: {  	v6 =	vld [tilespmem:s5+$0x8420]  }
0x1df: {  	v8 =	vld [tilespmem:s5+$0x8430]  }
0x1e0: {  	v10 =	vld [tilespmem:s5+$0x8440]  }
0x1e1: {  	v5 =	vmul.f32 $1.131370830e+01, v5;
	v12 =	vld [tilespmem:s5+$0x8450]  }
0x1e2: {  	v14 =	vshll.u32 v13, $0x10;
	v4 =	vmul.f32 $1.131370830e+01, v4;
	v15 =	vld [tilespmem:s5+$0x8460]  }
0x1e3: {  	v13 =	vand.u32 $0xFFFF0000, v13;
	v5 =	vadd.f32 v14, v5;
	v6 =	vmul.f32 $1.131370830e+01, v6;
	v14 =	vld [tilespmem:s5+$0x8470]  }
0x1e4: {  	v4 =	vadd.f32 v13, v4;
	v13 =	vshll.u32 v11, $0x10;
	v8 =	vmul.f32 $1.131370830e+01, v8;
	v16 =	vld [tilespmem:s5+$0x8480]  }
0x1e5: {  	[tilespmem:s5+$0x8400] =	vst v5;
	v5 =	vand.u32 $0xFFFF0000, v11;
	v6 =	vadd.f32 v13, v6;
	v10 =	vmul.f32 $1.131370830e+01, v10;
	v11 =	vld [tilespmem:s5+$0x8490]  }
.Ltmp7:
0x1e6: {  	[tilespmem:s5+$0x8410] =	vst v4;
	v8 =	vadd.f32 v5, v8;
	v4 =	vshll.u32 v9, $0x10;
	v12 =	vmul.f32 $1.131370830e+01, v12;
	v5 =	vld [tilespmem:s5+$0x84A0];
	(pc) =	sbr.rel @p0 .LBB2_16-.Ltmp7, $4  }
0x1e7: {  	[tilespmem:s5+$0x8420] =	vst v6;
	v6 =	vand.u32 $0xFFFF0000, v9;
	v9 =	vadd.f32 v4, v10;
	v10 =	vmul.f32 $1.131370830e+01, v15;
	v4 =	vld [tilespmem:s5+$0x84B0]  }
0x1e8: {  	[tilespmem:s5+$0x8430] =	vst v8;
	v8 =	vadd.f32 v6, v12;
	v12 =	vshll.u32 v7, $0x10;
	v13 =	vmul.f32 $1.131370830e+01, v14;
	v6 =	vld [tilespmem:s5+$0x84C0]  }
0x1e9: {  	[tilespmem:s5+$0x8440] =	vst v9;
	v9 =	vand.u32 $0xFFFF0000, v7;
	v12 =	vadd.f32 v12, v10;
	v10 =	vmul.f32 $1.131370830e+01, v16;
	v7 =	vld [tilespmem:s5+$0x84D0]  }
0x1ea: {  	s8 =	sadd.s32 $0x400, s8;
	[tilespmem:s5+$0x8450] =	vst v8;
	v9 =	vadd.f32 v9, v13;
	v13 =	vshll.u32 v3, $0x10;
	v11 =	vmul.f32 $1.131370830e+01, v11;
	v8 =	vld [tilespmem:s5+$0x84E0]  }
0x1eb: {  	[tilespmem:s5+$0x8460] =	vst v12;
	v3 =	vand.u32 $0xFFFF0000, v3;
	v10 =	vadd.f32 v13, v10;
	v5 =	vmul.f32 $1.131370830e+01, v5;
	v12 =	vld [tilespmem:s5+$0x84F0]  }
0x1ec: {  	[tilespmem:s5+$0x8470] =	vst v9;
	v3 =	vadd.f32 v3, v11;
	v9 =	vshll.u32 v2, $0x10;
	v4 =	vmul.f32 $1.131370830e+01, v4  }
0x1ed: {  	v2 =	vand.u32 $0xFFFF0000, v2;
	[tilespmem:s5+$0x8480] =	vst v10;
	v5 =	vadd.f32 v9, v5;
	v6 =	vmul.f32 $1.131370830e+01, v6  }
0x1ee: {  	[tilespmem:s5+$0x8490] =	vst v3;
	v2 =	vadd.f32 v2, v4;
	v3 =	vshll.u32 v1, $0x10;
	v4 =	vmul.f32 $1.131370830e+01, v7  }
0x1ef: {  	v1 =	vand.u32 $0xFFFF0000, v1;
	[tilespmem:s5+$0x84A0] =	vst v5;
	v3 =	vadd.f32 v3, v6;
	v5 =	vmul.f32 $1.131370830e+01, v8  }
0x1f0: {  	[tilespmem:s5+$0x84B0] =	vst v2;
	v1 =	vadd.f32 v1, v4;
	v2 =	vshll.u32 v0, $0x10;
	v4 =	vmul.f32 $1.131370830e+01, v12  }
0x1f1: {  	v0 =	vand.u32 $0xFFFF0000, v0;
	[tilespmem:s5+$0x84C0] =	vst v3;
	v2 =	vadd.f32 v2, v5  }
0x1f2: {  	[tilespmem:s5+$0x84D0] =	vst v1;
	v0 =	vadd.f32 v0, v4  }
0x1f3: {  	[tilespmem:s5+$0x84E0] =	vst v2  }
0x1f4: {  	[tilespmem:s5+$0x84F0] =	vst v0  }
0x1f5: {  	_ =	swait.ge [sflag:s29], $0x6400  }
0x1f6: {  	[sflag:s29] =	ssyncset.done $0x0  }
0x1f7: {  	s26 =	simm.s32 $0x0;
	[sflag:s29] =	ssyncadd.s32 $0xFFFF9C00  }
0x1f8: {  	[hbm4b:s12+s26] =	stream.linear.scatter [tilespmem:s18], [sflag:$0x4], $0x6400, $0x38;
	[tilespmem:$0x1B000] =	vst v63  }
0x1f9: {  	_ =	swait.ge [sflag:s31], $0x6400  }
0x1fa: {  	[sflag:s31] =	ssyncset.done $0x0  }
0x1fb: {  	s5 =	simm.s32 $0x0;
	[sflag:s31] =	ssyncadd.s32 $0xFFFF9C00  }
0x1fc: {  	v4 =	vld [tilespmem:s5+$0x2000]  }
0x1fd: {  	v5 =	vld [tilespmem:s5+$0x2010]  }
0x1fe: {  	v6 =	vld [tilespmem:s5+$0x2020]  }
0x1ff: {  	v8 =	vld [tilespmem:s5+$0x2030]  }
0x200: {  	v3 =	vld [tilespmem:s5+$0x2080]  }
0x201: {  	v2 =	vld [tilespmem:s5+$0x2090]  }
0x202: {  	v7 =	vld [tilespmem:s5+$0xE800]  }
0x203: {  	v9 =	vld [tilespmem:s5+$0xE810]  }
0x204: {  	v1 =	vld [tilespmem:s5+$0x20A0]  }
0x205: {  	v10 =	vld [tilespmem:s5+$0xE820]  }
0x206: {  	v11 =	vld [tilespmem:s5+$0xE830]  }
0x207: {  	v0 =	vld [tilespmem:s5+$0x20B0];
	v7 =	vmul.f32 $1.131370830e+01, v7  }
0x208: {  	v12 =	vld [tilespmem:s5+$0xE840];
	v14 =	vshll.u32 v4, $0x10;
	v9 =	vmul.f32 $1.131370830e+01, v9  }
0x209: {  	v13 =	vld [tilespmem:s5+$0xE850];
	v4 =	vand.u32 $0xFFFF0000, v4;
	v7 =	vadd.f32 v14, v7  }
0x20a: {  	v15 =	vld [tilespmem:s5+$0xE860];
	v10 =	vmul.f32 $1.131370830e+01, v10;
	v4 =	vadd.f32 v4, v9  }
0x20b: {  	v14 =	vld [tilespmem:s5+$0xE870];
	v9 =	vmul.f32 $1.131370830e+01, v11;
	[tilespmem:s5+$0xE800] =	vst v7;
	v7 =	vshll.u32 v5, $0x10  }
0x20c: {  	v16 =	vld [tilespmem:s5+$0xE880];
	[tilespmem:s5+$0xE810] =	vst v4;
	v4 =	vand.u32 $0xFFFF0000, v5;
	v7 =	vadd.f32 v7, v10  }
0x20d: {  	v17 =	vld [tilespmem:s5+$0xE890];
	v10 =	vmul.f32 $1.131370830e+01, v12;
	v9 =	vadd.f32 v4, v9  }
0x20e: {  	v11 =	vmul.f32 $1.131370830e+01, v13;
	v5 =	vld [tilespmem:s5+$0xE8A0];
	[tilespmem:s5+$0xE820] =	vst v7;
	v7 =	vshll.u32 v6, $0x10  }
0x20f: {  	v4 =	vld [tilespmem:s5+$0xE8B0];
	[tilespmem:s5+$0xE830] =	vst v9;
	v9 =	vand.u32 $0xFFFF0000, v6;
	v7 =	vadd.f32 v7, v10;
	v10 =	vmul.f32 $1.131370830e+01, v15  }
0x210: {  	v6 =	vld [tilespmem:s5+$0xE8C0];
	v13 =	vmul.f32 $1.131370830e+01, v14;
	v9 =	vadd.f32 v9, v11;
	v11 =	vshll.u32 v8, $0x10  }
0x211: {  	v8 =	vand.u32 $0xFFFF0000, v8;
	[tilespmem:s5+$0xE840] =	vst v7;
	v7 =	vld [tilespmem:s5+$0xE8D0];
	v12 =	vadd.f32 v11, v10;
	v10 =	vmul.f32 $1.131370830e+01, v16  }
0x212: {  	s8 =	simm.s32 $0x400;
	[tilespmem:s5+$0xE850] =	vst v9;
	v9 =	vadd.f32 v8, v13;
	v13 =	vshll.u32 v3, $0x10;
	v11 =	vmul.f32 $1.131370830e+01, v17;
	v8 =	vld [tilespmem:s5+$0xE8E0]  }
.LBB2_18:
0x213: {  	s9 =	sshra.s32 s8, $0x2;
	p0 =	sne.s32 s8, $0x18C00;
	[tilespmem:s5+$0xE860] =	vst v12;
	v3 =	vand.u32 $0xFFFF0000, v3;
	v10 =	vadd.f32 v13, v10;
	v5 =	vmul.f32 $1.131370830e+01, v5;
	v12 =	vld [tilespmem:s5+$0xE8F0]  }
0x214: {  	v13 =	vld [tilespmem:s9+$0x2000];
	[tilespmem:s5+$0xE870] =	vst v9;
	v3 =	vadd.f32 v3, v11;
	v9 =	vshll.u32 v2, $0x10;
	v4 =	vmul.f32 $1.131370830e+01, v4  }
0x215: {  	v2 =	vand.u32 $0xFFFF0000, v2;
	v11 =	vld [tilespmem:s9+$0x2010];
	[tilespmem:s5+$0xE880] =	vst v10;
	v5 =	vadd.f32 v9, v5;
	v6 =	vmul.f32 $1.131370830e+01, v6  }
0x216: {  	v9 =	vld [tilespmem:s9+$0x2020];
	[tilespmem:s5+$0xE890] =	vst v3;
	v2 =	vadd.f32 v2, v4;
	v3 =	vshll.u32 v1, $0x10;
	v4 =	vmul.f32 $1.131370830e+01, v7  }
0x217: {  	v1 =	vand.u32 $0xFFFF0000, v1;
	v7 =	vld [tilespmem:s9+$0x2030];
	[tilespmem:s5+$0xE8A0] =	vst v5;
	v5 =	vadd.f32 v3, v6;
	v6 =	vmul.f32 $1.131370830e+01, v8  }
0x218: {  	v3 =	vld [tilespmem:s9+$0x2080];
	[tilespmem:s5+$0xE8B0] =	vst v2;
	v4 =	vadd.f32 v1, v4;
	v1 =	vshll.u32 v0, $0x10;
	v8 =	vmul.f32 $1.131370830e+01, v12  }
0x219: {  	v0 =	vand.u32 $0xFFFF0000, v0;
	v2 =	vld [tilespmem:s9+$0x2090];
	[tilespmem:s5+$0xE8C0] =	vst v5;
	v5 =	vadd.f32 v1, v6  }
0x21a: {  	v1 =	vld [tilespmem:s9+$0x20A0];
	[tilespmem:s5+$0xE8D0] =	vst v4;
	v4 =	vadd.f32 v0, v8  }
0x21b: {  	v0 =	vld [tilespmem:s9+$0x20B0];
	[tilespmem:s5+$0xE8E0] =	vst v5  }
0x21c: {  	v5 =	vld [tilespmem:s9+$0xE800];
	[tilespmem:s5+$0xE8F0] =	vst v4;
	s5 =	smov.u32 s9  }
0x21d: {  	v4 =	vld [tilespmem:s5+$0xE810]  }
0x21e: {  	v6 =	vld [tilespmem:s5+$0xE820]  }
0x21f: {  	v8 =	vld [tilespmem:s5+$0xE830]  }
0x220: {  	v10 =	vld [tilespmem:s5+$0xE840]  }
0x221: {  	v5 =	vmul.f32 $1.131370830e+01, v5;
	v12 =	vld [tilespmem:s5+$0xE850]  }
0x222: {  	v14 =	vshll.u32 v13, $0x10;
	v4 =	vmul.f32 $1.131370830e+01, v4;
	v15 =	vld [tilespmem:s5+$0xE860]  }
0x223: {  	v13 =	vand.u32 $0xFFFF0000, v13;
	v5 =	vadd.f32 v14, v5;
	v6 =	vmul.f32 $1.131370830e+01, v6;
	v14 =	vld [tilespmem:s5+$0xE870]  }
0x224: {  	v4 =	vadd.f32 v13, v4;
	v13 =	vshll.u32 v11, $0x10;
	v8 =	vmul.f32 $1.131370830e+01, v8;
	v16 =	vld [tilespmem:s5+$0xE880]  }
0x225: {  	[tilespmem:s5+$0xE800] =	vst v5;
	v5 =	vand.u32 $0xFFFF0000, v11;
	v6 =	vadd.f32 v13, v6;
	v10 =	vmul.f32 $1.131370830e+01, v10;
	v11 =	vld [tilespmem:s5+$0xE890]  }
.Ltmp8:
0x226: {  	[tilespmem:s5+$0xE810] =	vst v4;
	v8 =	vadd.f32 v5, v8;
	v4 =	vshll.u32 v9, $0x10;
	v12 =	vmul.f32 $1.131370830e+01, v12;
	v5 =	vld [tilespmem:s5+$0xE8A0];
	(pc) =	sbr.rel @p0 .LBB2_18-.Ltmp8, $4  }
0x227: {  	[tilespmem:s5+$0xE820] =	vst v6;
	v6 =	vand.u32 $0xFFFF0000, v9;
	v9 =	vadd.f32 v4, v10;
	v10 =	vmul.f32 $1.131370830e+01, v15;
	v4 =	vld [tilespmem:s5+$0xE8B0]  }
0x228: {  	[tilespmem:s5+$0xE830] =	vst v8;
	v8 =	vadd.f32 v6, v12;
	v12 =	vshll.u32 v7, $0x10;
	v13 =	vmul.f32 $1.131370830e+01, v14;
	v6 =	vld [tilespmem:s5+$0xE8C0]  }
0x229: {  	[tilespmem:s5+$0xE840] =	vst v9;
	v9 =	vand.u32 $0xFFFF0000, v7;
	v12 =	vadd.f32 v12, v10;
	v10 =	vmul.f32 $1.131370830e+01, v16;
	v7 =	vld [tilespmem:s5+$0xE8D0]  }
0x22a: {  	s8 =	sadd.s32 $0x400, s8;
	[tilespmem:s5+$0xE850] =	vst v8;
	v9 =	vadd.f32 v9, v13;
	v13 =	vshll.u32 v3, $0x10;
	v11 =	vmul.f32 $1.131370830e+01, v11;
	v8 =	vld [tilespmem:s5+$0xE8E0]  }
0x22b: {  	[tilespmem:s5+$0xE860] =	vst v12;
	v3 =	vand.u32 $0xFFFF0000, v3;
	v10 =	vadd.f32 v13, v10;
	v5 =	vmul.f32 $1.131370830e+01, v5;
	v54 =	vld [tilespmem:s5+$0xE8F0]  }
0x22c: {  	v55 =	vshll.u32 v2, $0x10;
	[tilespmem:s5+$0xE870] =	vst v9;
	v3 =	vadd.f32 v3, v11;
	v4 =	vmul.f32 $1.131370830e+01, v4  }
0x22d: {  	v56 =	vand.u32 $0xFFFF0000, v2;
	[tilespmem:s5+$0xE880] =	vst v10;
	v5 =	vadd.f32 v55, v5;
	v6 =	vmul.f32 $1.131370830e+01, v6  }
0x22e: {  	v57 =	vshll.u32 v1, $0x10;
	[tilespmem:s5+$0xE890] =	vst v3;
	v2 =	vadd.f32 v56, v4;
	v58 =	vmul.f32 $1.131370830e+01, v7  }
0x22f: {  	v59 =	vand.u32 $0xFFFF0000, v1;
	[tilespmem:s5+$0xE8A0] =	vst v5;
	v3 =	vadd.f32 v57, v6;
	v60 =	vmul.f32 $1.131370830e+01, v8  }
0x230: {  	v61 =	vshll.u32 v0, $0x10;
	[tilespmem:s5+$0xE8B0] =	vst v2;
	v1 =	vadd.f32 v59, v58;
	v62 =	vmul.f32 $1.131370830e+01, v54  }
0x231: {  	v63 =	vand.u32 $0xFFFF0000, v0;
	[tilespmem:s5+$0xE8C0] =	vst v3;
	v2 =	vadd.f32 v61, v60  }
0x232: {  	[tilespmem:s5+$0xE8D0] =	vst v1;
	v0 =	vadd.f32 v63, v62  }
0x233: {  	[tilespmem:s5+$0xE8E0] =	vst v2  }
0x234: {  	[tilespmem:s5+$0xE8F0] =	vst v0  }
0x235: {  	s1 =	sadd.s32 $0x1, s1;
	_ =	swait.ge [sflag:s0], $0x6400  }
0x236: {  	p0 =	sne.s32 s1, s14;
	[sflag:s0] =	ssyncset.done $0x0  }
.Ltmp9:
0x237: {  	[sflag:s0] =	ssyncadd.s32 $0xFFFF9C00;
	(pc) =	sbr.rel @p0 .LBB2_1-.Ltmp9, $4  }
0x238: {  	[hbm4b:s13+s4] =	stream.linear.scatter [tilespmem:s22], [sflag:$0x5], $0x6400, $0x38;
	[tilespmem:$0x1B000] =	vst v63  }
0x239: {  	_ =	swait.ge [sflag:s21], $0x6400  }
0x23a: {  	[sflag:s21] =	ssyncset.done $0x0  }
0x23b: {  	[sflag:s21] =	ssyncadd.s32 $0xFFFF9C00  }
0x23c: {  	_ =	sfence.sel $0x180000  }
0x23d: {  	[bflag:$0x0] =	sbarrier.arrive $0xFFFF  }
0x23e: {  	_ =	strace $0x90000047  }
0x23f: {  	s0 =	stileid.u32;
	[bflag:$0x2] =	sbarrier.arrive $0xFFFF  }
0x240: {  	p0 =	sne.s32 s0, $0x0;
	s0 =	rddreg [dreg:$0x3]  }
0x241: {  	s0 =	sadd.s32 @!p0 $0x100000, s0  }
0x242: {  	[sflag:s0] =	ssyncadd.tile.s32 @!p0 $0x1;
	_ =	shalt  }
.Lfunc_end2:
_tile_overlayer_lowered:
.L_overlay_start_2:
0x243: {  	(tag) =	ssettag $0x2  }
0x244: {  	s0 =	rddreg [dreg:$0x0];
	s2 =	stileid.u32  }
0x245: {  	s1 =	rddreg [dreg:$0x1];
	p0 =	sne.s32 s2, $0x0  }
0x246: {  	s3 =	rddreg [dreg:$0x2];
	[bflag:$0x3] =	sbarrier.arrive $0xFFFF;
	s2 =	simm.s32 @!p0 $0x1C07  }
0x247: {  	[timem:s3], [sflag:s2] =	dma.local @!p0 [hbm:s0], s1  }
0x248: {  	s0 =	simm.s32 @!p0 $0x7  }
0x249: {  	_ =	swait.ge @!p0 [sflag:s0], s1  }
0x24a: {  	s1 =	ssub.s32 @!p0 $0x0, s1;
	[sflag:s0] =	ssyncset.done @!p0 $0x0  }
0x24b: {  	[sflag:s0] =	ssyncadd.s32 @!p0 s1  }
0x24c: {  	[bflag:$0x3] =	sbarrier.arrive $0xFFFF  }
0x24d: {  	_ =	shalt  }

</sc_bundles>
